<compile_context>
chip_gen: v7x
topology: tpu7x:2x2x1
jax: 0.10.2.dev20260603
libtpu: 0.0.44.dev20260713+nightly
codegen_flags: <defaults>
</compile_context>

<pallas_src>
import functools

import jax
import jax.numpy as jnp
from jax import lax
from jax.experimental import pallas as pl
from jax.experimental.pallas import tpu as pltpu
from jax.experimental.pallas import tpu_sc as plsc

D = 768
H = 768
E = 16
T = 4096

BLK = 768
NPAD = 27 * 768
NB = NPAD // BLK
RB = 512
NBH = NB // 2
NC = 2
NS = 16
NW = NC * NS
CHUNK = T // NW
CCH = 64
LANES = 16
GW = 128


def _gating_kernel(x_ref, wg_ref, slot0_ref, slot1_ref, gt0_ref, gt1_ref,
                   meta_ref, loss_ref):
    x = x_ref[...]
    logits = jnp.dot(x, wg_ref[...], preferred_element_type=jnp.float32)

    lane = jax.lax.broadcasted_iota(jnp.int32, (T, E), 1)
    big = jnp.int32(E)
    m1 = jnp.max(logits, axis=1, keepdims=True)
    a1 = jnp.min(jnp.where(logits == m1, lane, big), axis=1, keepdims=True)
    masked = jnp.where(lane == a1, -jnp.inf, logits)
    m2 = jnp.max(masked, axis=1, keepdims=True)
    a2 = jnp.min(jnp.where(masked == m2, lane, big), axis=1, keepdims=True)

    e2 = jnp.exp(m2 - m1)
    denom = 1.0 + e2
    g1 = 1.0 / denom
    g2 = e2 / denom

    oh1 = (lane == a1).astype(jnp.float32)
    oh2 = (lane == a2).astype(jnp.float32)

    r_i = jax.lax.broadcasted_iota(jnp.int32, (RB, RB), 0)
    c_i = jax.lax.broadcasted_iota(jnp.int32, (RB, RB), 1)
    tri = (c_i < r_i).astype(jnp.float32)
    run1 = jnp.zeros((1, E), jnp.float32)
    run2 = jnp.zeros((1, E), jnp.float32)
    s1_blocks = []
    s2_blocks = []
    for b in range(T // RB):
        rows = slice(b * RB, (b + 1) * RB)
        o1 = oh1[rows]
        o2 = oh2[rows]
        s1_blocks.append(
            jnp.dot(tri, o1, preferred_element_type=jnp.float32) + run1)
        s2_blocks.append(
            jnp.dot(tri, o2, preferred_element_type=jnp.float32) + run2)
        run1 = run1 + jnp.sum(o1, axis=0, keepdims=True)
        run2 = run2 + jnp.sum(o2, axis=0, keepdims=True)
    S1 = jnp.concatenate(s1_blocks, axis=0)
    S2 = jnp.concatenate(s2_blocks, axis=0)

    counts1 = run1
    counts = run1 + run2

    counts_i = counts.astype(jnp.int32)
    padded = ((counts_i + (BLK - 1)) // BLK) * BLK
    pf = padded.astype(jnp.float32)
    er = jax.lax.broadcasted_iota(jnp.int32, (E, E), 0)
    ec = jax.lax.broadcasted_iota(jnp.int32, (E, E), 1)
    tri16 = (er < ec).astype(jnp.float32)
    astart = jnp.dot(pf, tri16, preferred_element_type=jnp.float32)
    aend = astart + pf

    slot0 = jnp.sum(jnp.where(lane == a1, S1 + astart, 0.0),
                    axis=1, keepdims=True).astype(jnp.int32)
    slot1 = jnp.sum(jnp.where(lane == a2, S2 + counts1 + astart, 0.0),
                    axis=1, keepdims=True).astype(jnp.int32)
    slot0_ref[...] = slot0
    slot1_ref[...] = slot1
    gt0_ref[...] = g1 + jnp.zeros((T, GW), jnp.float32)
    gt1_ref[...] = g2 + jnp.zeros((T, GW), jnp.float32)

    nvf = aend[0:1, E - 1:E] * (1.0 / BLK)
    half0 = jnp.floor((nvf + 1.0) * 0.5)
    srow = jax.lax.broadcasted_iota(jnp.int32, (2 * NBH, 1), 0)
    score = (srow >= NBH).astype(jnp.float32)
    sif = (srow - (srow >= NBH) * NBH).astype(jnp.float32)
    start_c = score * half0
    len_c = half0 * (1.0 - score) + (nvf - half0) * score
    bidf = jnp.where(sif < len_c, start_c + sif, jnp.float32(NB - 1))
    bid = bidf.astype(jnp.int32)
    rowv = jnp.broadcast_to(bidf * BLK, (2 * NBH, E))
    aend_b = jnp.broadcast_to(aend, (2 * NBH, E))
    wexp = jnp.sum((aend_b <= rowv).astype(jnp.int32), axis=1, keepdims=True)
    wexp = jnp.minimum(wexp, E - 1)
    meta_ref[...] = jnp.concatenate([bid, wexp], axis=0)

    gates = jnp.where(lane == a1, g1, 0.0) + jnp.where(lane == a2, g2, 0.0)
    importance = jnp.sum(gates, axis=0, keepdims=True)
    load = jnp.sum((gates > 0.0).astype(jnp.float32), axis=0, keepdims=True)

    def cv_sq(v):
        mean = jnp.sum(v) / E
        var = jnp.sum((v - mean) ** 2) / (E - 1)
        return var / (mean * mean + 1e-10)

    loss_ref[0, 0] = (cv_sq(importance) + cv_sq(load)) * 1e-2


def _dispatch_body(x_hbm, gt0_hbm, gt1_hbm, s0_hbm, s1_hbm, xs_hbm, gs_hbm,
                   xv, gv0, s0v, s1v, sem0, sem1, sem2, sem3):
    c = lax.axis_index("c")
    s = lax.axis_index("s")
    wid = s * NC + c
    base = wid * CHUNK
    ld0 = pltpu.async_copy(s0_hbm.at[pl.ds(base, CHUNK)], s0v, sem0)
    ld1 = pltpu.async_copy(s1_hbm.at[pl.ds(base, CHUNK)], s1v, sem1)
    ldx = pltpu.async_copy(x_hbm.at[pl.ds(base, CHUNK)], xv, sem2)
    ldg0 = pltpu.async_copy(gt0_hbm.at[pl.ds(base, CHUNK)], gv0, sem3)
    ld0.wait()
    ld1.wait()
    ldx.wait()
    st0 = pltpu.async_copy(xv, xs_hbm.at[s0v], sem0)
    st1 = pltpu.async_copy(xv, xs_hbm.at[s1v], sem1)
    ldg0.wait()
    pltpu.sync_copy(gv0, gs_hbm.at[s0v])
    pltpu.sync_copy(gt1_hbm.at[pl.ds(base, CHUNK)], gv0)
    pltpu.sync_copy(gv0, gs_hbm.at[s1v])
    st0.wait()
    st1.wait()


def _ffn_grouped_kernel(m_ref, xs_ref, gs_ref, w1_ref, w2_ref, w3_ref,
                        out_ref):
    s = pl.program_id(0) * NBH + pl.program_id(1)

    @pl.when(m_ref[s] < NB - 1)
    def _():
        xb = xs_ref[...]
        h1 = jnp.dot(xb, w1_ref[0], preferred_element_type=jnp.float32)
        h3 = jnp.dot(xb, w3_ref[0], preferred_element_type=jnp.float32)
        h = jax.nn.silu(h1 * h3)
        out = jnp.dot(h, w2_ref[0], preferred_element_type=jnp.float32)
        g = gs_ref[...][:, 0:1]
        out_ref[...] = out * g


def _combine_body(s0_hbm, s1_hbm, os_hbm, y_hbm, s0v, s1v, t0, t1,
                  sem0, sem1):
    c = lax.axis_index("c")
    s = lax.axis_index("s")
    wid = s * NC + c
    for it in range(CHUNK // CCH):
        base = wid * CHUNK + it * CCH
        cpi0 = pltpu.async_copy(s0_hbm.at[pl.ds(base, CCH)], s0v, sem0)
        cpi1 = pltpu.async_copy(s1_hbm.at[pl.ds(base, CCH)], s1v, sem1)
        cpi0.wait()
        cpi1.wait()
        cp0 = pltpu.async_copy(os_hbm.at[s0v], t0, sem0)
        cp1 = pltpu.async_copy(os_hbm.at[s1v], t1, sem1)
        cp0.wait()
        cp1.wait()

        @pl.loop(0, CCH)
        def _(r):
            for ch in range(D // LANES):
                sl = pl.ds(ch * LANES, LANES)
                t0[r, sl] = t0[r, sl] + t1[r, sl]

        pltpu.sync_copy(t0, y_hbm.at[pl.ds(base, CCH)])


@jax.jit
def kernel(x, w_gate, w_noise, W1, b1, W2, b2, W3, b3):
    del w_noise, b1, b2, b3

    slot0, slot1, gt0, gt1, meta, loss = pl.pallas_call(
        _gating_kernel,
        out_shape=(
            jax.ShapeDtypeStruct((T, 1), jnp.int32),
            jax.ShapeDtypeStruct((T, 1), jnp.int32),
            jax.ShapeDtypeStruct((T, GW), jnp.float32),
            jax.ShapeDtypeStruct((T, GW), jnp.float32),
            jax.ShapeDtypeStruct((4 * NBH, 1), jnp.int32),
            jax.ShapeDtypeStruct((1, 1), jnp.float32),
        ),
        in_specs=[
            pl.BlockSpec((T, D), lambda: (0, 0)),
            pl.BlockSpec((D, E), lambda: (0, 0)),
        ],
        out_specs=(
            pl.BlockSpec((T, 1), lambda: (0, 0)),
            pl.BlockSpec((T, 1), lambda: (0, 0)),
            pl.BlockSpec((T, GW), lambda: (0, 0)),
            pl.BlockSpec((T, GW), lambda: (0, 0)),
            pl.BlockSpec((4 * NBH, 1), lambda: (0, 0)),
            pl.BlockSpec((1, 1), lambda: (0, 0), memory_space=pltpu.SMEM),
        ),
    )(x, w_gate)

    slot0 = slot0.reshape(T)
    slot1 = slot1.reshape(T)
    meta = meta.reshape(4 * NBH)

    mesh = plsc.VectorSubcoreMesh(core_axis_name="c", subcore_axis_name="s")

    dispatch = pl.kernel(
        _dispatch_body,
        out_type=(
            jax.ShapeDtypeStruct((NPAD, D), jnp.float32),
            jax.ShapeDtypeStruct((NPAD, GW), jnp.float32),
        ),
        mesh=mesh,
        scratch_types=[
            pltpu.VMEM((CHUNK, D), jnp.float32),
            pltpu.VMEM((CHUNK, GW), jnp.float32),
            pltpu.VMEM((CHUNK,), jnp.int32),
            pltpu.VMEM((CHUNK,), jnp.int32),
            pltpu.SemaphoreType.DMA,
            pltpu.SemaphoreType.DMA,
            pltpu.SemaphoreType.DMA,
            pltpu.SemaphoreType.DMA,
        ],
    )
    xs, gs = dispatch(x, gt0, gt1, slot0, slot1)

    out_sorted = pl.pallas_call(
        _ffn_grouped_kernel,
        grid_spec=pltpu.PrefetchScalarGridSpec(
            num_scalar_prefetch=1,
            grid=(2, NBH),
            in_specs=[
                pl.BlockSpec((BLK, D), lambda c, i, m: (m[c * NBH + i], 0)),
                pl.BlockSpec((BLK, GW), lambda c, i, m: (m[c * NBH + i], 0)),
                pl.BlockSpec(
                    (1, D, H),
                    lambda c, i, m: (m[2 * NBH + c * NBH + i], 0, 0)),
                pl.BlockSpec(
                    (1, H, D),
                    lambda c, i, m: (m[2 * NBH + c * NBH + i], 0, 0)),
                pl.BlockSpec(
                    (1, D, H),
                    lambda c, i, m: (m[2 * NBH + c * NBH + i], 0, 0)),
            ],
            out_specs=pl.BlockSpec(
                (BLK, D), lambda c, i, m: (m[c * NBH + i], 0)),
        ),
        out_shape=jax.ShapeDtypeStruct((NPAD, D), jnp.float32),
        compiler_params=pltpu.CompilerParams(
            dimension_semantics=("parallel", "arbitrary")),
    )(meta, xs, gs, W1, W2, W3)

    combine = pl.kernel(
        _combine_body,
        out_type=jax.ShapeDtypeStruct((T, D), jnp.float32),
        mesh=mesh,
        scratch_types=[
            pltpu.VMEM((CCH,), jnp.int32),
            pltpu.VMEM((CCH,), jnp.int32),
            pltpu.VMEM((CCH, D), jnp.float32),
            pltpu.VMEM((CCH, D), jnp.float32),
            pltpu.SemaphoreType.DMA,
            pltpu.SemaphoreType.DMA,
        ],
    )
    y = combine(slot0, slot1, out_sorted)

    return y, loss[0, 0]


_STAGE_TRUNC = None

# --- scband reference (transcript-rebuilt; emitter-appended) ---
"""Pipeline reference for scband-mo-e-9079560863781 (READ-ONLY COPY).

The authoritative reference and input builder live on the scoring server;
editing this copy changes nothing except your own understanding.
"""

import jax, jax.numpy as jnp
import numpy as np

D = 768
H = 768
E = 16
K = 2
T = 4096


def setup_inputs(seed: int = 0) -> dict:
    key = jax.random.key(seed)
    ks = jax.random.split(key, 8)
    x = jax.random.normal(ks[0], (T, D), dtype=jnp.float32)
    w_gate = jax.random.normal(ks[1], (D, E), dtype=jnp.float32) * 0.02
    w_noise = jnp.zeros((D, E), dtype=jnp.float32)
    W1 = jax.random.normal(ks[2], (E, D, H), dtype=jnp.float32) * 0.02
    b1 = jnp.zeros((E, H), dtype=jnp.float32)
    W2 = jax.random.normal(ks[3], (E, H, D), dtype=jnp.float32) * 0.02
    b2 = jnp.zeros((E, D), dtype=jnp.float32)
    W3 = jax.random.normal(ks[4], (E, D, H), dtype=jnp.float32) * 0.02
    b3 = jnp.zeros((E, H), dtype=jnp.float32)
    return {"x": x, "w_gate": w_gate, "w_noise": w_noise,
            "W1": W1, "b1": b1, "W2": W2, "b2": b2, "W3": W3, "b3": b3}


def _cv_squared(v):
    # torch .var() is unbiased (ddof=1)
    return jnp.var(v, ddof=1) / (jnp.mean(v) ** 2 + 1e-10)


def reference(x, w_gate, w_noise, W1, b1, W2, b2, W3, b3):
    # Eval-mode noisy_top_k_gating: logits = clean_logits (no noise added)
    logits = x @ w_gate  # [T, E]
    top_logits, top_indices = jax.lax.top_k(logits, min(K + 1, E))
    top_k_logits = top_logits[:, :K]
    top_k_indices = top_indices[:, :K]
    top_k_gates = jax.nn.softmax(top_k_logits, axis=1)
    rows = jnp.arange(x.shape[0])
    gates = jnp.zeros_like(logits).at[rows[:, None], top_k_indices].set(top_k_gates)
    # load (eval path): number of examples with gate > 0 per expert
    load = (gates > 0).sum(0).astype(jnp.float32)
    importance = gates.sum(0)
    loss = (_cv_squared(importance) + _cv_squared(load)) * 1e-2
    # SparseDispatcher: dispatch tokens to experts, run FFN, weighted combine
    y = jnp.zeros_like(x)
    for e in range(gates.shape[1]):
        # FFN: linear2(silu(linear1(x) * linear3(x)))
        h = jax.nn.silu((x @ W1[e] + b1[e]) * (x @ W3[e] + b3[e]))
        out = h @ W2[e] + b2[e]
        y = y + out * gates[:, e][:, None]
    return y, loss

if __name__ == "__main__":
    import jax
    _d = setup_inputs()
    print(jax.jit(kernel)(*tuple(_d.values())))

</pallas_src>

<mosaic_0001>
#map = affine_map<(d0, d1) -> (0)>
#map1 = affine_map<(d0, d1) -> (0, 0)>
module attributes {stable_mosaic.version = 14 : i64} {
  func.func @_combine_body(%arg0: i32, %arg1: i32, %arg2: memref<4096xi32, #tpu.memory_space<hbm>>, %arg3: memref<4096xi32, #tpu.memory_space<hbm>>, %arg4: memref<20736x768xf32, #tpu.memory_space<hbm>>, %arg5: memref<4096x768xf32, #tpu.memory_space<hbm>>, %arg6: memref<64xi32, #tpu.memory_space<vmem>>, %arg7: memref<64xi32, #tpu.memory_space<vmem>>, %arg8: memref<64x768xf32, #tpu.memory_space<vmem>>, %arg9: memref<64x768xf32, #tpu.memory_space<vmem>>, %arg10: memref<!tpu.dma_semaphore, #tpu.memory_space<semaphore_mem>>, %arg11: memref<!tpu.dma_semaphore, #tpu.memory_space<semaphore_mem>>) attributes {dimension_semantics = [#tpu.dimension_semantics<core_parallel>, #tpu.dimension_semantics<subcore_parallel>], iteration_bounds = array<i64: 2, 16>, scalar_prefetch = 0 : i64, scratch_operands = 6 : i64, tpu.core_type = #tpu.core_type<sc_vector_subcore>, window_params = [{transform_indices = #map}, {transform_indices = #map}, {transform_indices = #map1}, {transform_indices = #map1}]} {
    %mul3A = arith.constant 2 : i32
    %mul3A_0 = arith.muli %arg1, %mul3A : i32
    %add3A = arith.addi %mul3A_0, %arg0 : i32
    %mul3A_1 = arith.constant 128 : i32
    %mul3A_2 = arith.muli %add3A, %mul3A_1 : i32
    %add3A_3 = arith.constant 0 : i32
    %add3A_4 = arith.addi %mul3A_2, %add3A_3 : i32
    %dma_start3A = tpu.memref_slice %arg2[%add3A_4] : memref<4096xi32, #tpu.memory_space<hbm>> -> memref<64xi32, #tpu.memory_space<hbm>>
    %dma_start3A_5 = tpu.memref_slice %arg2[%add3A_4] : memref<4096xi32, #tpu.memory_space<hbm>> -> memref<64xi32, #tpu.memory_space<hbm>>
    tpu.enqueue_dma source(%dma_start3A_5 : memref<64xi32, #tpu.memory_space<hbm>>) target(%arg6 : memref<64xi32, #tpu.memory_space<vmem>>) target_semaphore(%arg10 : memref<!tpu.dma_semaphore, #tpu.memory_space<semaphore_mem>>)
    %dma_start3A_6 = tpu.memref_slice %arg3[%add3A_4] : memref<4096xi32, #tpu.memory_space<hbm>> -> memref<64xi32, #tpu.memory_space<hbm>>
    %dma_start3A_7 = tpu.memref_slice %arg3[%add3A_4] : memref<4096xi32, #tpu.memory_space<hbm>> -> memref<64xi32, #tpu.memory_space<hbm>>
    tpu.enqueue_dma source(%dma_start3A_7 : memref<64xi32, #tpu.memory_space<hbm>>) target(%arg7 : memref<64xi32, #tpu.memory_space<vmem>>) target_semaphore(%arg11 : memref<!tpu.dma_semaphore, #tpu.memory_space<semaphore_mem>>)
    %dma_wait3A = tpu.memref_slice %arg2[%add3A_4] : memref<4096xi32, #tpu.memory_space<hbm>> -> memref<64xi32, #tpu.memory_space<hbm>>
    %dma_wait3A_8 = tpu.memref_slice %arg2[%add3A_4] : memref<4096xi32, #tpu.memory_space<hbm>> -> memref<64xi32, #tpu.memory_space<hbm>>
    tpu.wait_dma2 semaphore(%arg10 : memref<!tpu.dma_semaphore, #tpu.memory_space<semaphore_mem>>) src(%dma_wait3A_8 : memref<64xi32, #tpu.memory_space<hbm>>) dst(%arg6 : memref<64xi32, #tpu.memory_space<vmem>>)
    %dma_wait3A_9 = tpu.memref_slice %arg3[%add3A_4] : memref<4096xi32, #tpu.memory_space<hbm>> -> memref<64xi32, #tpu.memory_space<hbm>>
    %dma_wait3A_10 = tpu.memref_slice %arg3[%add3A_4] : memref<4096xi32, #tpu.memory_space<hbm>> -> memref<64xi32, #tpu.memory_space<hbm>>
    tpu.wait_dma2 semaphore(%arg11 : memref<!tpu.dma_semaphore, #tpu.memory_space<semaphore_mem>>) src(%dma_wait3A_10 : memref<64xi32, #tpu.memory_space<hbm>>) dst(%arg7 : memref<64xi32, #tpu.memory_space<vmem>>)
    %dma_start3A_11 = arith.constant 0 : i32
    %dma_start3A_12 = arith.constant 0 : i32
    %dma_start3A_13 = tpu.memref_slice %arg4[%dma_start3A_11, %dma_start3A_12] : memref<20736x768xf32, #tpu.memory_space<hbm>> -> memref<20736x768xf32, #tpu.memory_space<hbm>>
    tpu.enqueue_indirect_dma source(%dma_start3A_13 : memref<20736x768xf32, #tpu.memory_space<hbm>>) target(%arg8 : memref<64x768xf32, #tpu.memory_space<vmem>>) offsets(%arg6 : memref<64xi32, #tpu.memory_space<vmem>>) semaphore(%arg10 : memref<!tpu.dma_semaphore, #tpu.memory_space<semaphore_mem>>)
    %dma_start3A_14 = arith.constant 0 : i32
    %dma_start3A_15 = arith.constant 0 : i32
    %dma_start3A_16 = tpu.memref_slice %arg4[%dma_start3A_14, %dma_start3A_15] : memref<20736x768xf32, #tpu.memory_space<hbm>> -> memref<20736x768xf32, #tpu.memory_space<hbm>>
    tpu.enqueue_indirect_dma source(%dma_start3A_16 : memref<20736x768xf32, #tpu.memory_space<hbm>>) target(%arg9 : memref<64x768xf32, #tpu.memory_space<vmem>>) offsets(%arg7 : memref<64xi32, #tpu.memory_space<vmem>>) semaphore(%arg11 : memref<!tpu.dma_semaphore, #tpu.memory_space<semaphore_mem>>)
    %dma_wait3A_17 = arith.constant 0 : i32
    %dma_wait3A_18 = arith.constant 0 : i32
    %dma_wait3A_19 = tpu.memref_slice %arg4[%dma_wait3A_17, %dma_wait3A_18] : memref<20736x768xf32, #tpu.memory_space<hbm>> -> memref<20736x768xf32, #tpu.memory_space<hbm>>
    tpu.wait_indirect_dma semaphore(%arg10 : memref<!tpu.dma_semaphore, #tpu.memory_space<semaphore_mem>>) src(%dma_wait3A_19 : memref<20736x768xf32, #tpu.memory_space<hbm>>) dst(%arg8 : memref<64x768xf32, #tpu.memory_space<vmem>>)
    %dma_wait3A_20 = arith.constant 0 : i32
    %dma_wait3A_21 = arith.constant 0 : i32
    %dma_wait3A_22 = tpu.memref_slice %arg4[%dma_wait3A_20, %dma_wait3A_21] : memref<20736x768xf32, #tpu.memory_space<hbm>> -> memref<20736x768xf32, #tpu.memory_space<hbm>>
    tpu.wait_indirect_dma semaphore(%arg11 : memref<!tpu.dma_semaphore, #tpu.memory_space<semaphore_mem>>) src(%dma_wait3A_22 : memref<20736x768xf32, #tpu.memory_space<hbm>>) dst(%arg9 : memref<64x768xf32, #tpu.memory_space<vmem>>)
    %scan3A = arith.constant 0 : i32
    %scan3A_23 = arith.constant 64 : i32
    %scan3A_24 = arith.addi %scan3A, %scan3A_23 : i32
    %scan3A_25 = arith.constant 1 : i32
    scf.for %scan3A_56 = %scan3A to %scan3A_24 step %scan3A_25  : i32 {
      %mul3A_57 = arith.constant 1 : i32
      %mul3A_58 = arith.muli %scan3A_56, %mul3A_57 : i32
      %add3A_59 = arith.constant 0 : i32
      %add3A_60 = arith.addi %add3A_59, %mul3A_58 : i32
      %get3A = arith.index_cast %add3A_60 : i32 to index
      %get3A_61 = arith.constant 0 : index
      %get3A_62 = tpu.vector_load %arg8[%get3A, %get3A_61] {strides = array<i32>} : memref<64x768xf32, #tpu.memory_space<vmem>>, vector<1x16xf32>,
      %get3A_63 = vector.shape_cast %get3A_62 : vector<1x16xf32> to vector<16xf32>
      %get3A_64 = arith.index_cast %add3A_60 : i32 to index
      %get3A_65 = arith.constant 0 : index
      %get3A_66 = tpu.vector_load %arg9[%get3A_64, %get3A_65] {strides = array<i32>} : memref<64x768xf32, #tpu.memory_space<vmem>>, vector<1x16xf32>,
      %get3A_67 = vector.shape_cast %get3A_66 : vector<1x16xf32> to vector<16xf32>
      %add3A_68 = arith.addf %get3A_63, %get3A_67 : vector<16xf32>
      %swap3A = arith.index_cast %add3A_60 : i32 to index
      %swap3A_69 = arith.constant 0 : index
      %swap3A_70 = tpu.vector_load %arg8[%swap3A, %swap3A_69] {strides = array<i32>} : memref<64x768xf32, #tpu.memory_space<vmem>>, vector<1x16xf32>,
      %swap3A_71 = vector.shape_cast %swap3A_70 : vector<1x16xf32> to vector<16xf32>
      %swap3A_72 = vector.shape_cast %add3A_68 : vector<16xf32> to vector<1x16xf32>
      tpu.vector_store %arg8[%swap3A, %swap3A_69], %swap3A_72 {strides = array<i32>} : memref<64x768xf32, #tpu.memory_space<vmem>>, vector<1x16xf32>,
      %get3A_73 = arith.index_cast %add3A_60 : i32 to index
      %get3A_74 = arith.constant 16 : index
      %get3A_75 = tpu.vector_load %arg8[%get3A_73, %get3A_74] {strides = array<i32>} : memref<64x768xf32, #tpu.memory_space<vmem>>, vector<1x16xf32>,
      %get3A_76 = vector.shape_cast %get3A_75 : vector<1x16xf32> to vector<16xf32>
      %get3A_77 = arith.index_cast %add3A_60 : i32 to index
      %get3A_78 = arith.constant 16 : index
      %get3A_79 = tpu.vector_load %arg9[%get3A_77, %get3A_78] {strides = array<i32>} : memref<64x768xf32, #tpu.memory_space<vmem>>, vector<1x16xf32>,
      %get3A_80 = vector.shape_cast %get3A_79 : vector<1x16xf32> to vector<16xf32>
      %add3A_81 = arith.addf %get3A_76, %get3A_80 : vector<16xf32>
      %swap3A_82 = arith.index_cast %add3A_60 : i32 to index
      %swap3A_83 = arith.constant 16 : index
      %swap3A_84 = tpu.vector_load %arg8[%swap3A_82, %swap3A_83] {strides = array<i32>} : memref<64x768xf32, #tpu.memory_space<vmem>>, vector<1x16xf32>,
      %swap3A_85 = vector.shape_cast %swap3A_84 : vector<1x16xf32> to vector<16xf32>
      %swap3A_86 = vector.shape_cast %add3A_81 : vector<16xf32> to vector<1x16xf32>
      tpu.vector_store %arg8[%swap3A_82, %swap3A_83], %swap3A_86 {strides = array<i32>} : memref<64x768xf32, #tpu.memory_space<vmem>>, vector<1x16xf32>,
      %get3A_87 = arith.index_cast %add3A_60 : i32 to index
      %get3A_88 = arith.constant 32 : index
      %get3A_89 = tpu.vector_load %arg8[%get3A_87, %get3A_88] {strides = array<i32>} : memref<64x768xf32, #tpu.memory_space<vmem>>, vector<1x16xf32>,
      %get3A_90 = vector.shape_cast %get3A_89 : vector<1x16xf32> to vector<16xf32>
      %get3A_91 = arith.index_cast %add3A_60 : i32 to index
      %get3A_92 = arith.constant 32 : index
      %get3A_93 = tpu.vector_load %arg9[%get3A_91, %get3A_92] {strides = array<i32>} : memref<64x768xf32, #tpu.memory_space<vmem>>, vector<1x16xf32>,
      %get3A_94 = vector.shape_cast %get3A_93 : vector<1x16xf32> to vector<16xf32>
      %add3A_95 = arith.addf %get3A_90, %get3A_94 : vector<16xf32>
      %swap3A_96 = arith.index_cast %add3A_60 : i32 to index
      %swap3A_97 = arith.constant 32 : index
      %swap3A_98 = tpu.vector_load %arg8[%swap3A_96, %swap3A_97] {strides = array<i32>} : memref<64x768xf32, #tpu.memory_space<vmem>>, vector<1x16xf32>,
      %swap3A_99 = vector.shape_cast %swap3A_98 : vector<1x16xf32> to vector<16xf32>
      %swap3A_100 = vector.shape_cast %add3A_95 : vector<16xf32> to vector<1x16xf32>
      tpu.vector_store %arg8[%swap3A_96, %swap3A_97], %swap3A_100 {strides = array<i32>} : memref<64x768xf32, #tpu.memory_space<vmem>>, vector<1x16xf32>,
      %get3A_101 = arith.index_cast %add3A_60 : i32 to index
      %get3A_102 = arith.constant 48 : index
      %get3A_103 = tpu.vector_load %arg8[%get3A_101, %get3A_102] {strides = array<i32>} : memref<64x768xf32, #tpu.memory_space<vmem>>, vector<1x16xf32>,
      %get3A_104 = vector.shape_cast %get3A_103 : vector<1x16xf32> to vector<16xf32>
      %get3A_105 = arith.index_cast %add3A_60 : i32 to index
      %get3A_106 = arith.constant 48 : index
      %get3A_107 = tpu.vector_load %arg9[%get3A_105, %get3A_106] {strides = array<i32>} : memref<64x768xf32, #tpu.memory_space<vmem>>, vector<1x16xf32>,
      %get3A_108 = vector.shape_cast %get3A_107 : vector<1x16xf32> to vector<16xf32>
      %add3A_109 = arith.addf %get3A_104, %get3A_108 : vector<16xf32>
      %swap3A_110 = arith.index_cast %add3A_60 : i32 to index
      %swap3A_111 = arith.constant 48 : index
      %swap3A_112 = tpu.vector_load %arg8[%swap3A_110, %swap3A_111] {strides = array<i32>} : memref<64x768xf32, #tpu.memory_space<vmem>>, vector<1x16xf32>,
      %swap3A_113 = vector.shape_cast %swap3A_112 : vector<1x16xf32> to vector<16xf32>
      %swap3A_114 = vector.shape_cast %add3A_109 : vector<16xf32> to vector<1x16xf32>
      tpu.vector_store %arg8[%swap3A_110, %swap3A_111], %swap3A_114 {strides = array<i32>} : memref<64x768xf32, #tpu.memory_space<vmem>>, vector<1x16xf32>,
      %get3A_115 = arith.index_cast %add3A_60 : i32 to index
      %get3A_116 = arith.constant 64 : index
      %get3A_117 = tpu.vector_load %arg8[%get3A_115, %get3A_116] {strides = array<i32>} : memref<64x768xf32, #tpu.memory_space<vmem>>, vector<1x16xf32>,
      %get3A_118 = vector.shape_cast %get3A_117 : vector<1x16xf32> to vector<16xf32>
      %get3A_119 = arith.index_cast %add3A_60 : i32 to index
      %get3A_120 = arith.constant 64 : index
      %get3A_121 = tpu.vector_load %arg9[%get3A_119, %get3A_120] {strides = array<i32>} : memref<64x768xf32, #tpu.memory_space<vmem>>, vector<1x16xf32>,
      %get3A_122 = vector.shape_cast %get3A_121 : vector<1x16xf32> to vector<16xf32>
      %add3A_123 = arith.addf %get3A_118, %get3A_122 : vector<16xf32>
      %swap3A_124 = arith.index_cast %add3A_60 : i32 to index
      %swap3A_125 = arith.constant 64 : index
      %swap3A_126 = tpu.vector_load %arg8[%swap3A_124, %swap3A_125] {strides = array<i32>} : memref<64x768xf32, #tpu.memory_space<vmem>>, vector<1x16xf32>,
      %swap3A_127 = vector.shape_cast %swap3A_126 : vector<1x16xf32> to vector<16xf32>
      %swap3A_128 = vector.shape_cast %add3A_123 : vector<16xf32> to vector<1x16xf32>
      tpu.vector_store %arg8[%swap3A_124, %swap3A_125], %swap3A_128 {strides = array<i32>} : memref<64x768xf32, #tpu.memory_space<vmem>>, vector<1x16xf32>,
      %get3A_129 = arith.index_cast %add3A_60 : i32 to index
      %get3A_130 = arith.constant 80 : index
      %get3A_131 = tpu.vector_load %arg8[%get3A_129, %get3A_130] {strides = array<i32>} : memref<64x768xf32, #tpu.memory_space<vmem>>, vector<1x16xf32>,
      %get3A_132 = vector.shape_cast %get3A_131 : vector<1x16xf32> to vector<16xf32>
      %get3A_133 = arith.index_cast %add3A_60 : i32 to index
      %get3A_134 = arith.constant 80 : index
      %get3A_135 = tpu.vector_load %arg9[%get3A_133, %get3A_134] {strides = array<i32>} : memref<64x768xf32, #tpu.memory_space<vmem>>, vector<1x16xf32>,
      %get3A_136 = vector.shape_cast %get3A_135 : vector<1x16xf32> to vector<16xf32>
      %add3A_137 = arith.addf %get3A_132, %get3A_136 : vector<16xf32>
      %swap3A_138 = arith.index_cast %add3A_60 : i32 to index
      %swap3A_139 = arith.constant 80 : index
      %swap3A_140 = tpu.vector_load %arg8[%swap3A_138, %swap3A_139] {strides = array<i32>} : memref<64x768xf32, #tpu.memory_space<vmem>>, vector<1x16xf32>,
      %swap3A_141 = vector.shape_cast %swap3A_140 : vector<1x16xf32> to vector<16xf32>
      %swap3A_142 = vector.shape_cast %add3A_137 : vector<16xf32> to vector<1x16xf32>
      tpu.vector_store %arg8[%swap3A_138, %swap3A_139], %swap3A_142 {strides = array<i32>} : memref<64x768xf32, #tpu.memory_space<vmem>>, vector<1x16xf32>,
      %get3A_143 = arith.index_cast %add3A_60 : i32 to index
      %get3A_144 = arith.constant 96 : index
      %get3A_145 = tpu.vector_load %arg8[%get3A_143, %get3A_144] {strides = array<i32>} : memref<64x768xf32, #tpu.memory_space<vmem>>, vector<1x16xf32>,
      %get3A_146 = vector.shape_cast %get3A_145 : vector<1x16xf32> to vector<16xf32>
      %get3A_147 = arith.index_cast %add3A_60 : i32 to index
      %get3A_148 = arith.constant 96 : index
      %get3A_149 = tpu.vector_load %arg9[%get3A_147, %get3A_148] {strides = array<i32>} : memref<64x768xf32, #tpu.memory_space<vmem>>, vector<1x16xf32>,
      %get3A_150 = vector.shape_cast %get3A_149 : vector<1x16xf32> to vector<16xf32>
      %add3A_151 = arith.addf %get3A_146, %get3A_150 : vector<16xf32>
      %swap3A_152 = arith.index_cast %add3A_60 : i32 to index
      %swap3A_153 = arith.constant 96 : index
      %swap3A_154 = tpu.vector_load %arg8[%swap3A_152, %swap3A_153] {strides = array<i32>} : memref<64x768xf32, #tpu.memory_space<vmem>>, vector<1x16xf32>,
      %swap3A_155 = vector.shape_cast %swap3A_154 : vector<1x16xf32> to vector<16xf32>
      %swap3A_156 = vector.shape_cast %add3A_151 : vector<16xf32> to vector<1x16xf32>
      tpu.vector_store %arg8[%swap3A_152, %swap3A_153], %swap3A_156 {strides = array<i32>} : memref<64x768xf32, #tpu.memory_space<vmem>>, vector<1x16xf32>,
      %get3A_157 = arith.index_cast %add3A_60 : i32 to index
      %get3A_158 = arith.constant 112 : index
      %get3A_159 = tpu.vector_load %arg8[%get3A_157, %get3A_158] {strides = array<i32>} : memref<64x768xf32, #tpu.memory_space<vmem>>, vector<1x16xf32>,
      %get3A_160 = vector.shape_cast %get3A_159 : vector<1x16xf32> to vector<16xf32>
      %get3A_161 = arith.index_cast %add3A_60 : i32 to index
      %get3A_162 = arith.constant 112 : index
      %get3A_163 = tpu.vector_load %arg9[%get3A_161, %get3A_162] {strides = array<i32>} : memref<64x768xf32, #tpu.memory_space<vmem>>, vector<1x16xf32>,
      %get3A_164 = vector.shape_cast %get3A_163 : vector<1x16xf32> to vector<16xf32>
      %add3A_165 = arith.addf %get3A_160, %get3A_164 : vector<16xf32>
      %swap3A_166 = arith.index_cast %add3A_60 : i32 to index
      %swap3A_167 = arith.constant 112 : index
      %swap3A_168 = tpu.vector_load %arg8[%swap3A_166, %swap3A_167] {strides = array<i32>} : memref<64x768xf32, #tpu.memory_space<vmem>>, vector<1x16xf32>,
      %swap3A_169 = vector.shape_cast %swap3A_168 : vector<1x16xf32> to vector<16xf32>
      %swap3A_170 = vector.shape_cast %add3A_165 : vector<16xf32> to vector<1x16xf32>
      tpu.vector_store %arg8[%swap3A_166, %swap3A_167], %swap3A_170 {strides = array<i32>} : memref<64x768xf32, #tpu.memory_space<vmem>>, vector<1x16xf32>,
      %get3A_171 = arith.index_cast %add3A_60 : i32 to index
      %get3A_172 = arith.constant 128 : index
      %get3A_173 = tpu.vector_load %arg8[%get3A_171, %get3A_172] {strides = array<i32>} : memref<64x768xf32, #tpu.memory_space<vmem>>, vector<1x16xf32>,
      %get3A_174 = vector.shape_cast %get3A_173 : vector<1x16xf32> to vector<16xf32>
      %get3A_175 = arith.index_cast %add3A_60 : i32 to index
      %get3A_176 = arith.constant 128 : index
      %get3A_177 = tpu.vector_load %arg9[%get3A_175, %get3A_176] {strides = array<i32>} : memref<64x768xf32, #tpu.memory_space<vmem>>, vector<1x16xf32>,
      %get3A_178 = vector.shape_cast %get3A_177 : vector<1x16xf32> to vector<16xf32>
      %add3A_179 = arith.addf %get3A_174, %get3A_178 : vector<16xf32>
      %swap3A_180 = arith.index_cast %add3A_60 : i32 to index
      %swap3A_181 = arith.constant 128 : index
      %swap3A_182 = tpu.vector_load %arg8[%swap3A_180, %swap3A_181] {strides = array<i32>} : memref<64x768xf32, #tpu.memory_space<vmem>>, vector<1x16xf32>,
      %swap3A_183 = vector.shape_cast %swap3A_182 : vector<1x16xf32> to vector<16xf32>
      %swap3A_184 = vector.shape_cast %add3A_179 : vector<16xf32> to vector<1x16xf32>
      tpu.vector_store %arg8[%swap3A_180, %swap3A_181], %swap3A_184 {strides = array<i32>} : memref<64x768xf32, #tpu.memory_space<vmem>>, vector<1x16xf32>,
      %get3A_185 = arith.index_cast %add3A_60 : i32 to index
      %get3A_186 = arith.constant 144 : index
      %get3A_187 = tpu.vector_load %arg8[%get3A_185, %get3A_186] {strides = array<i32>} : memref<64x768xf32, #tpu.memory_space<vmem>>, vector<1x16xf32>,
      %get3A_188 = vector.shape_cast %get3A_187 : vector<1x16xf32> to vector<16xf32>
      %get3A_189 = arith.index_cast %add3A_60 : i32 to index
      %get3A_190 = arith.constant 144 : index
      %get3A_191 = tpu.vector_load %arg9[%get3A_189, %get3A_190] {strides = array<i32>} : memref<64x768xf32, #tpu.memory_space<vmem>>, vector<1x16xf32>,
      %get3A_192 = vector.shape_cast %get3A_191 : vector<1x16xf32> to vector<16xf32>
      %add3A_193 = arith.addf %get3A_188, %get3A_192 : vector<16xf32>
      %swap3A_194 = arith.index_cast %add3A_60 : i32 to index
      %swap3A_195 = arith.constant 144 : index
      %swap3A_196 = tpu.vector_load %arg8[%swap3A_194, %swap3A_195] {strides = array<i32>} : memref<64x768xf32, #tpu.memory_space<vmem>>, vector<1x16xf32>,
      %swap3A_197 = vector.shape_cast %swap3A_196 : vector<1x16xf32> to vector<16xf32>
      %swap3A_198 = vector.shape_cast %add3A_193 : vector<16xf32> to vector<1x16xf32>
      tpu.vector_store %arg8[%swap3A_194, %swap3A_195], %swap3A_198 {strides = array<i32>} : memref<64x768xf32, #tpu.memory_space<vmem>>, vector<1x16xf32>,
      %get3A_199 = arith.index_cast %add3A_60 : i32 to index
      %get3A_200 = arith.constant 160 : index
      %get3A_201 = tpu.vector_load %arg8[%get3A_199, %get3A_200] {strides = array<i32>} : memref<64x768xf32, #tpu.memory_space<vmem>>, vector<1x16xf32>,
      %get3A_202 = vector.shape_cast %get3A_201 : vector<1x16xf32> to vector<16xf32>
      %get3A_203 = arith.index_cast %add3A_60 : i32 to index
      %get3A_204 = arith.constant 160 : index
      %get3A_205 = tpu.vector_load %arg9[%get3A_203, %get3A_204] {strides = array<i32>} : memref<64x768xf32, #tpu.memory_space<vmem>>, vector<1x16xf32>,
      %get3A_206 = vector.shape_cast %get3A_205 : vector<1x16xf32> to vector<16xf32>
      %add3A_207 = arith.addf %get3A_202, %get3A_206 : vector<16xf32>
      %swap3A_208 = arith.index_cast %add3A_60 : i32 to index
      %swap3A_209 = arith.constant 160 : index
      %swap3A_210 = tpu.vector_load %arg8[%swap3A_208, %swap3A_209] {strides = array<i32>} : memref<64x768xf32, #tpu.memory_space<vmem>>, vector<1x16xf32>,
      %swap3A_211 = vector.shape_cast %swap3A_210 : vector<1x16xf32> to vector<16xf32>
      %swap3A_212 = vector.shape_cast %add3A_207 : vector<16xf32> to vector<1x16xf32>
      tpu.vector_store %arg8[%swap3A_208, %swap3A_209], %swap3A_212 {strides = array<i32>} : memref<64x768xf32, #tpu.memory_space<vmem>>, vector<1x16xf32>,
      %get3A_213 = arith.index_cast %add3A_60 : i32 to index
      %get3A_214 = arith.constant 176 : index
      %get3A_215 = tpu.vector_load %arg8[%get3A_213, %get3A_214] {strides = array<i32>} : memref<64x768xf32, #tpu.memory_space<vmem>>, vector<1x16xf32>,
      %get3A_216 = vector.shape_cast %get3A_215 : vector<1x16xf32> to vector<16xf32>
      %get3A_217 = arith.index_cast %add3A_60 : i32 to index
      %get3A_218 = arith.constant 176 : index
      %get3A_219 = tpu.vector_load %arg9[%get3A_217, %get3A_218] {strides = array<i32>} : memref<64x768xf32, #tpu.memory_space<vmem>>, vector<1x16xf32>,
      %get3A_220 = vector.shape_cast %get3A_219 : vector<1x16xf32> to vector<16xf32>
      %add3A_221 = arith.addf %get3A_216, %get3A_220 : vector<16xf32>
      %swap3A_222 = arith.index_cast %add3A_60 : i32 to index
      %swap3A_223 = arith.constant 176 : index
      %swap3A_224 = tpu.vector_load %arg8[%swap3A_222, %swap3A_223] {strides = array<i32>} : memref<64x768xf32, #tpu.memory_space<vmem>>, vector<1x16xf32>,
      %swap3A_225 = vector.shape_cast %swap3A_224 : vector<1x16xf32> to vector<16xf32>
      %swap3A_226 = vector.shape_cast %add3A_221 : vector<16xf32> to vector<1x16xf32>
      tpu.vector_store %arg8[%swap3A_222, %swap3A_223], %swap3A_226 {strides = array<i32>} : memref<64x768xf32, #tpu.memory_space<vmem>>, vector<1x16xf32>,
      %get3A_227 = arith.index_cast %add3A_60 : i32 to index
      %get3A_228 = arith.constant 192 : index
      %get3A_229 = tpu.vector_load %arg8[%get3A_227, %get3A_228] {strides = array<i32>} : memref<64x768xf32, #tpu.memory_space<vmem>>, vector<1x16xf32>,
      %get3A_230 = vector.shape_cast %get3A_229 : vector<1x16xf32> to vector<16xf32>
      %get3A_231 = arith.index_cast %add3A_60 : i32 to index
      %get3A_232 = arith.constant 192 : index
      %get3A_233 = tpu.vector_load %arg9[%get3A_231, %get3A_232] {strides = array<i32>} : memref<64x768xf32, #tpu.memory_space<vmem>>, vector<1x16xf32>,
      %get3A_234 = vector.shape_cast %get3A_233 : vector<1x16xf32> to vector<16xf32>
      %add3A_235 = arith.addf %get3A_230, %get3A_234 : vector<16xf32>
      %swap3A_236 = arith.index_cast %add3A_60 : i32 to index
      %swap3A_237 = arith.constant 192 : index
      %swap3A_238 = tpu.vector_load %arg8[%swap3A_236, %swap3A_237] {strides = array<i32>} : memref<64x768xf32, #tpu.memory_space<vmem>>, vector<1x16xf32>,
      %swap3A_239 = vector.shape_cast %swap3A_238 : vector<1x16xf32> to vector<16xf32>
      %swap3A_240 = vector.shape_cast %add3A_235 : vector<16xf32> to vector<1x16xf32>
      tpu.vector_store %arg8[%swap3A_236, %swap3A_237], %swap3A_240 {strides = array<i32>} : memref<64x768xf32, #tpu.memory_space<vmem>>, vector<1x16xf32>,
      %get3A_241 = arith.index_cast %add3A_60 : i32 to index
      %get3A_242 = arith.constant 208 : index
      %get3A_243 = tpu.vector_load %arg8[%get3A_241, %get3A_242] {strides = array<i32>} : memref<64x768xf32, #tpu.memory_space<vmem>>, vector<1x16xf32>,
      %get3A_244 = vector.shape_cast %get3A_243 : vector<1x16xf32> to vector<16xf32>
      %get3A_245 = arith.index_cast %add3A_60 : i32 to index
      %get3A_246 = arith.constant 208 : index
      %get3A_247 = tpu.vector_load %arg9[%get3A_245, %get3A_246] {strides = array<i32>} : memref<64x768xf32, #tpu.memory_space<vmem>>, vector<1x16xf32>,
      %get3A_248 = vector.shape_cast %get3A_247 : vector<1x16xf32> to vector<16xf32>
      %add3A_249 = arith.addf %get3A_244, %get3A_248 : vector<16xf32>
      %swap3A_250 = arith.index_cast %add3A_60 : i32 to index
      %swap3A_251 = arith.constant 208 : index
      %swap3A_252 = tpu.vector_load %arg8[%swap3A_250, %swap3A_251] {strides = array<i32>} : memref<64x768xf32, #tpu.memory_space<vmem>>, vector<1x16xf32>,
      %swap3A_253 = vector.shape_cast %swap3A_252 : vector<1x16xf32> to vector<16xf32>
      %swap3A_254 = vector.shape_cast %add3A_249 : vector<16xf32> to vector<1x16xf32>
      tpu.vector_store %arg8[%swap3A_250, %swap3A_251], %swap3A_254 {strides = array<i32>} : memref<64x768xf32, #tpu.memory_space<vmem>>, vector<1x16xf32>,
      %get3A_255 = arith.index_cast %add3A_60 : i32 to index
      %get3A_256 = arith.constant 224 : index
      %get3A_257 = tpu.vector_load %arg8[%get3A_255, %get3A_256] {strides = array<i32>} : memref<64x768xf32, #tpu.memory_space<vmem>>, vector<1x16xf32>,
      %get3A_258 = vector.shape_cast %get3A_257 : vector<1x16xf32> to vector<16xf32>
      %get3A_259 = arith.index_cast %add3A_60 : i32 to index
      %get3A_260 = arith.constant 224 : index
      %get3A_261 = tpu.vector_load %arg9[%get3A_259, %get3A_260] {strides = array<i32>} : memref<64x768xf32, #tpu.memory_space<vmem>>, vector<1x16xf32>,
      %get3A_262 = vector.shape_cast %get3A_261 : vector<1x16xf32> to vector<16xf32>
      %add3A_263 = arith.addf %get3A_258, %get3A_262 : vector<16xf32>
      %swap3A_264 = arith.index_cast %add3A_60 : i32 to index
      %swap3A_265 = arith.constant 224 : index
      %swap3A_266 = tpu.vector_load %arg8[%swap3A_264, %swap3A_265] {strides = array<i32>} : memref<64x768xf32, #tpu.memory_space<vmem>>, vector<1x16xf32>,
      %swap3A_267 = vector.shape_cast %swap3A_266 : vector<1x16xf32> to vector<16xf32>
      %swap3A_268 = vector.shape_cast %add3A_263 : vector<16xf32> to vector<1x16xf32>
      tpu.vector_store %arg8[%swap3A_264, %swap3A_265], %swap3A_268 {strides = array<i32>} : memref<64x768xf32, #tpu.memory_space<vmem>>, vector<1x16xf32>,
      %get3A_269 = arith.index_cast %add3A_60 : i32 to index
      %get3A_270 = arith.constant 240 : index
      %get3A_271 = tpu.vector_load %arg8[%get3A_269, %get3A_270] {strides = array<i32>} : memref<64x768xf32, #tpu.memory_space<vmem>>, vector<1x16xf32>,
      %get3A_272 = vector.shape_cast %get3A_271 : vector<1x16xf32> to vector<16xf32>
      %get3A_273 = arith.index_cast %add3A_60 : i32 to index
      %get3A_274 = arith.constant 240 : index
      %get3A_275 = tpu.vector_load %arg9[%get3A_273, %get3A_274] {strides = array<i32>} : memref<64x768xf32, #tpu.memory_space<vmem>>, vector<1x16xf32>,
      %get3A_276 = vector.shape_cast %get3A_275 : vector<1x16xf32> to vector<16xf32>
      %add3A_277 = arith.addf %get3A_272, %get3A_276 : vector<16xf32>
      %swap3A_278 = arith.index_cast %add3A_60 : i32 to index
      %swap3A_279 = arith.constant 240 : index
      %swap3A_280 = tpu.vector_load %arg8[%swap3A_278, %swap3A_279] {strides = array<i32>} : memref<64x768xf32, #tpu.memory_space<vmem>>, vector<1x16xf32>,
      %swap3A_281 = vector.shape_cast %swap3A_280 : vector<1x16xf32> to vector<16xf32>
      %swap3A_282 = vector.shape_cast %add3A_277 : vector<16xf32> to vector<1x16xf32>
      tpu.vector_store %arg8[%swap3A_278, %swap3A_279], %swap3A_282 {strides = array<i32>} : memref<64x768xf32, #tpu.memory_space<vmem>>, vector<1x16xf32>,
      %get3A_283 = arith.index_cast %add3A_60 : i32 to index
      %get3A_284 = arith.constant 256 : index
      %get3A_285 = tpu.vector_load %arg8[%get3A_283, %get3A_284] {strides = array<i32>} : memref<64x768xf32, #tpu.memory_space<vmem>>, vector<1x16xf32>,
      %get3A_286 = vector.shape_cast %get3A_285 : vector<1x16xf32> to vector<16xf32>
      %get3A_287 = arith.index_cast %add3A_60 : i32 to index
      %get3A_288 = arith.constant 256 : index
      %get3A_289 = tpu.vector_load %arg9[%get3A_287, %get3A_288] {strides = array<i32>} : memref<64x768xf32, #tpu.memory_space<vmem>>, vector<1x16xf32>,
      %get3A_290 = vector.shape_cast %get3A_289 : vector<1x16xf32> to vector<16xf32>
      %add3A_291 = arith.addf %get3A_286, %get3A_290 : vector<16xf32>
      %swap3A_292 = arith.index_cast %add3A_60 : i32 to index
      %swap3A_293 = arith.constant 256 : index
      %swap3A_294 = tpu.vector_load %arg8[%swap3A_292, %swap3A_293] {strides = array<i32>} : memref<64x768xf32, #tpu.memory_space<vmem>>, vector<1x16xf32>,
      %swap3A_295 = vector.shape_cast %swap3A_294 : vector<1x16xf32> to vector<16xf32>
      %swap3A_296 = vector.shape_cast %add3A_291 : vector<16xf32> to vector<1x16xf32>
      tpu.vector_store %arg8[%swap3A_292, %swap3A_293], %swap3A_296 {strides = array<i32>} : memref<64x768xf32, #tpu.memory_space<vmem>>, vector<1x16xf32>,
      %get3A_297 = arith.index_cast %add3A_60 : i32 to index
      %get3A_298 = arith.constant 272 : index
      %get3A_299 = tpu.vector_load %arg8[%get3A_297, %get3A_298] {strides = array<i32>} : memref<64x768xf32, #tpu.memory_space<vmem>>, vector<1x16xf32>,
      %get3A_300 = vector.shape_cast %get3A_299 : vector<1x16xf32> to vector<16xf32>
      %get3A_301 = arith.index_cast %add3A_60 : i32 to index
      %get3A_302 = arith.constant 272 : index
      %get3A_303 = tpu.vector_load %arg9[%get3A_301, %get3A_302] {strides = array<i32>} : memref<64x768xf32, #tpu.memory_space<vmem>>, vector<1x16xf32>,
      %get3A_304 = vector.shape_cast %get3A_303 : vector<1x16xf32> to vector<16xf32>
      %add3A_305 = arith.addf %get3A_300, %get3A_304 : vector<16xf32>
      %swap3A_306 = arith.index_cast %add3A_60 : i32 to index
      %swap3A_307 = arith.constant 272 : index
      %swap3A_308 = tpu.vector_load %arg8[%swap3A_306, %swap3A_307] {strides = array<i32>} : memref<64x768xf32, #tpu.memory_space<vmem>>, vector<1x16xf32>,
      %swap3A_309 = vector.shape_cast %swap3A_308 : vector<1x16xf32> to vector<16xf32>
      %swap3A_310 = vector.shape_cast %add3A_305 : vector<16xf32> to vector<1x16xf32>
      tpu.vector_store %arg8[%swap3A_306, %swap3A_307], %swap3A_310 {strides = array<i32>} : memref<64x768xf32, #tpu.memory_space<vmem>>, vector<1x16xf32>,
      %get3A_311 = arith.index_cast %add3A_60 : i32 to index
      %get3A_312 = arith.constant 288 : index
      %get3A_313 = tpu.vector_load %arg8[%get3A_311, %get3A_312] {strides = array<i32>} : memref<64x768xf32, #tpu.memory_space<vmem>>, vector<1x16xf32>,
      %get3A_314 = vector.shape_cast %get3A_313 : vector<1x16xf32> to vector<16xf32>
      %get3A_315 = arith.index_cast %add3A_60 : i32 to index
      %get3A_316 = arith.constant 288 : index
      %get3A_317 = tpu.vector_load %arg9[%get3A_315, %get3A_316] {strides = array<i32>} : memref<64x768xf32, #tpu.memory_space<vmem>>, vector<1x16xf32>,
      %get3A_318 = vector.shape_cast %get3A_317 : vector<1x16xf32> to vector<16xf32>
      %add3A_319 = arith.addf %get3A_314, %get3A_318 : vector<16xf32>
      %swap3A_320 = arith.index_cast %add3A_60 : i32 to index
      %swap3A_321 = arith.constant 288 : index
      %swap3A_322 = tpu.vector_load %arg8[%swap3A_320, %swap3A_321] {strides = array<i32>} : memref<64x768xf32, #tpu.memory_space<vmem>>, vector<1x16xf32>,
      %swap3A_323 = vector.shape_cast %swap3A_322 : vector<1x16xf32> to vector<16xf32>
      %swap3A_324 = vector.shape_cast %add3A_319 : vector<16xf32> to vector<1x16xf32>
      tpu.vector_store %arg8[%swap3A_320, %swap3A_321], %swap3A_324 {strides = array<i32>} : memref<64x768xf32, #tpu.memory_space<vmem>>, vector<1x16xf32>,
      %get3A_325 = arith.index_cast %add3A_60 : i32 to index
      %get3A_326 = arith.constant 304 : index
      %get3A_327 = tpu.vector_load %arg8[%get3A_325, %get3A_326] {strides = array<i32>} : memref<64x768xf32, #tpu.memory_space<vmem>>, vector<1x16xf32>,
      %get3A_328 = vector.shape_cast %get3A_327 : vector<1x16xf32> to vector<16xf32>
      %get3A_329 = arith.index_cast %add3A_60 : i32 to index
      %get3A_330 = arith.constant 304 : index
      %get3A_331 = tpu.vector_load %arg9[%get3A_329, %get3A_330] {strides = array<i32>} : memref<64x768xf32, #tpu.memory_space<vmem>>, vector<1x16xf32>,
      %get3A_332 = vector.shape_cast %get3A_331 : vector<1x16xf32> to vector<16xf32>
      %add3A_333 = arith.addf %get3A_328, %get3A_332 : vector<16xf32>
      %swap3A_334 = arith.index_cast %add3A_60 : i32 to index
      %swap3A_335 = arith.constant 304 : index
      %swap3A_336 = tpu.vector_load %arg8[%swap3A_334, %swap3A_335] {strides = array<i32>} : memref<64x768xf32, #tpu.memory_space<vmem>>, vector<1x16xf32>,
      %swap3A_337 = vector.shape_cast %swap3A_336 : vector<1x16xf32> to vector<16xf32>
      %swap3A_338 = vector.shape_cast %add3A_333 : vector<16xf32> to vector<1x16xf32>
      tpu.vector_store %arg8[%swap3A_334, %swap3A_335], %swap3A_338 {strides = array<i32>} : memref<64x768xf32, #tpu.memory_space<vmem>>, vector<1x16xf32>,
      %get3A_339 = arith.index_cast %add3A_60 : i32 to index
      %get3A_340 = arith.constant 320 : index
      %get3A_341 = tpu.vector_load %arg8[%get3A_339, %get3A_340] {strides = array<i32>} : memref<64x768xf32, #tpu.memory_space<vmem>>, vector<1x16xf32>,
      %get3A_342 = vector.shape_cast %get3A_341 : vector<1x16xf32> to vector<16xf32>
      %get3A_343 = arith.index_cast %add3A_60 : i32 to index
      %get3A_344 = arith.constant 320 : index
      %get3A_345 = tpu.vector_load %arg9[%get3A_343, %get3A_344] {strides = array<i32>} : memref<64x768xf32, #tpu.memory_space<vmem>>, vector<1x16xf32>,
      %get3A_346 = vector.shape_cast %get3A_345 : vector<1x16xf32> to vector<16xf32>
      %add3A_347 = arith.addf %get3A_342, %get3A_346 : vector<16xf32>
      %swap3A_348 = arith.index_cast %add3A_60 : i32 to index
      %swap3A_349 = arith.constant 320 : index
      %swap3A_350 = tpu.vector_load %arg8[%swap3A_348, %swap3A_349] {strides = array<i32>} : memref<64x768xf32, #tpu.memory_space<vmem>>, vector<1x16xf32>,
      %swap3A_351 = vector.shape_cast %swap3A_350 : vector<1x16xf32> to vector<16xf32>
      %swap3A_352 = vector.shape_cast %add3A_347 : vector<16xf32> to vector<1x16xf32>
      tpu.vector_store %arg8[%swap3A_348, %swap3A_349], %swap3A_352 {strides = array<i32>} : memref<64x768xf32, #tpu.memory_space<vmem>>, vector<1x16xf32>,
      %get3A_353 = arith.index_cast %add3A_60 : i32 to index
      %get3A_354 = arith.constant 336 : index
      %get3A_355 = tpu.vector_load %arg8[%get3A_353, %get3A_354] {strides = array<i32>} : memref<64x768xf32, #tpu.memory_space<vmem>>, vector<1x16xf32>,
      %get3A_356 = vector.shape_cast %get3A_355 : vector<1x16xf32> to vector<16xf32>
      %get3A_357 = arith.index_cast %add3A_60 : i32 to index
      %get3A_358 = arith.constant 336 : index
      %get3A_359 = tpu.vector_load %arg9[%get3A_357, %get3A_358] {strides = array<i32>} : memref<64x768xf32, #tpu.memory_space<vmem>>, vector<1x16xf32>,
      %get3A_360 = vector.shape_cast %get3A_359 : vector<1x16xf32> to vector<16xf32>
      %add3A_361 = arith.addf %get3A_356, %get3A_360 : vector<16xf32>
      %swap3A_362 = arith.index_cast %add3A_60 : i32 to index
      %swap3A_363 = arith.constant 336 : index
      %swap3A_364 = tpu.vector_load %arg8[%swap3A_362, %swap3A_363] {strides = array<i32>} : memref<64x768xf32, #tpu.memory_space<vmem>>, vector<1x16xf32>,
      %swap3A_365 = vector.shape_cast %swap3A_364 : vector<1x16xf32> to vector<16xf32>
      %swap3A_366 = vector.shape_cast %add3A_361 : vector<16xf32> to vector<1x16xf32>
      tpu.vector_store %arg8[%swap3A_362, %swap3A_363], %swap3A_366 {strides = array<i32>} : memref<64x768xf32, #tpu.memory_space<vmem>>, vector<1x16xf32>,
      %get3A_367 = arith.index_cast %add3A_60 : i32 to index
      %get3A_368 = arith.constant 352 : index
      %get3A_369 = tpu.vector_load %arg8[%get3A_367, %get3A_368] {strides = array<i32>} : memref<64x768xf32, #tpu.memory_space<vmem>>, vector<1x16xf32>,
      %get3A_370 = vector.shape_cast %get3A_369 : vector<1x16xf32> to vector<16xf32>
      %get3A_371 = arith.index_cast %add3A_60 : i32 to index
      %get3A_372 = arith.constant 352 : index
      %get3A_373 = tpu.vector_load %arg9[%get3A_371, %get3A_372] {strides = array<i32>} : memref<64x768xf32, #tpu.memory_space<vmem>>, vector<1x16xf32>,
      %get3A_374 = vector.shape_cast %get3A_373 : vector<1x16xf32> to vector<16xf32>
      %add3A_375 = arith.addf %get3A_370, %get3A_374 : vector<16xf32>
      %swap3A_376 = arith.index_cast %add3A_60 : i32 to index
      %swap3A_377 = arith.constant 352 : index
      %swap3A_378 = tpu.vector_load %arg8[%swap3A_376, %swap3A_377] {strides = array<i32>} : memref<64x768xf32, #tpu.memory_space<vmem>>, vector<1x16xf32>,
      %swap3A_379 = vector.shape_cast %swap3A_378 : vector<1x16xf32> to vector<16xf32>
      %swap3A_380 = vector.shape_cast %add3A_375 : vector<16xf32> to vector<1x16xf32>
      tpu.vector_store %arg8[%swap3A_376, %swap3A_377], %swap3A_380 {strides = array<i32>} : memref<64x768xf32, #tpu.memory_space<vmem>>, vector<1x16xf32>,
      %get3A_381 = arith.index_cast %add3A_60 : i32 to index
      %get3A_382 = arith.constant 368 : index
      %get3A_383 = tpu.vector_load %arg8[%get3A_381, %get3A_382] {strides = array<i32>} : memref<64x768xf32, #tpu.memory_space<vmem>>, vector<1x16xf32>,
      %get3A_384 = vector.shape_cast %get3A_383 : vector<1x16xf32> to vector<16xf32>
      %get3A_385 = arith.index_cast %add3A_60 : i32 to index
      %get3A_386 = arith.constant 368 : index
      %get3A_387 = tpu.vector_load %arg9[%get3A_385, %get3A_386] {strides = array<i32>} : memref<64x768xf32, #tpu.memory_space<vmem>>, vector<1x16xf32>,
      %get3A_388 = vector.shape_cast %get3A_387 : vector<1x16xf32> to vector<16xf32>
      %add3A_389 = arith.addf %get3A_384, %get3A_388 : vector<16xf32>
      %swap3A_390 = arith.index_cast %add3A_60 : i32 to index
      %swap3A_391 = arith.constant 368 : index
      %swap3A_392 = tpu.vector_load %arg8[%swap3A_390, %swap3A_391] {strides = array<i32>} : memref<64x768xf32, #tpu.memory_space<vmem>>, vector<1x16xf32>,
      %swap3A_393 = vector.shape_cast %swap3A_392 : vector<1x16xf32> to vector<16xf32>
      %swap3A_394 = vector.shape_cast %add3A_389 : vector<16xf32> to vector<1x16xf32>
      tpu.vector_store %arg8[%swap3A_390, %swap3A_391], %swap3A_394 {strides = array<i32>} : memref<64x768xf32, #tpu.memory_space<vmem>>, vector<1x16xf32>,
      %get3A_395 = arith.index_cast %add3A_60 : i32 to index
      %get3A_396 = arith.constant 384 : index
      %get3A_397 = tpu.vector_load %arg8[%get3A_395, %get3A_396] {strides = array<i32>} : memref<64x768xf32, #tpu.memory_space<vmem>>, vector<1x16xf32>,
      %get3A_398 = vector.shape_cast %get3A_397 : vector<1x16xf32> to vector<16xf32>
      %get3A_399 = arith.index_cast %add3A_60 : i32 to index
      %get3A_400 = arith.constant 384 : index
      %get3A_401 = tpu.vector_load %arg9[%get3A_399, %get3A_400] {strides = array<i32>} : memref<64x768xf32, #tpu.memory_space<vmem>>, vector<1x16xf32>,
      %get3A_402 = vector.shape_cast %get3A_401 : vector<1x16xf32> to vector<16xf32>
      %add3A_403 = arith.addf %get3A_398, %get3A_402 : vector<16xf32>
      %swap3A_404 = arith.index_cast %add3A_60 : i32 to index
      %swap3A_405 = arith.constant 384 : index
      %swap3A_406 = tpu.vector_load %arg8[%swap3A_404, %swap3A_405] {strides = array<i32>} : memref<64x768xf32, #tpu.memory_space<vmem>>, vector<1x16xf32>,
      %swap3A_407 = vector.shape_cast %swap3A_406 : vector<1x16xf32> to vector<16xf32>
      %swap3A_408 = vector.shape_cast %add3A_403 : vector<16xf32> to vector<1x16xf32>
      tpu.vector_store %arg8[%swap3A_404, %swap3A_405], %swap3A_408 {strides = array<i32>} : memref<64x768xf32, #tpu.memory_space<vmem>>, vector<1x16xf32>,
      %get3A_409 = arith.index_cast %add3A_60 : i32 to index
      %get3A_410 = arith.constant 400 : index
      %get3A_411 = tpu.vector_load %arg8[%get3A_409, %get3A_410] {strides = array<i32>} : memref<64x768xf32, #tpu.memory_space<vmem>>, vector<1x16xf32>,
      %get3A_412 = vector.shape_cast %get3A_411 : vector<1x16xf32> to vector<16xf32>
      %get3A_413 = arith.index_cast %add3A_60 : i32 to index
      %get3A_414 = arith.constant 400 : index
      %get3A_415 = tpu.vector_load %arg9[%get3A_413, %get3A_414] {strides = array<i32>} : memref<64x768xf32, #tpu.memory_space<vmem>>, vector<1x16xf32>,
      %get3A_416 = vector.shape_cast %get3A_415 : vector<1x16xf32> to vector<16xf32>
      %add3A_417 = arith.addf %get3A_412, %get3A_416 : vector<16xf32>
      %swap3A_418 = arith.index_cast %add3A_60 : i32 to index
      %swap3A_419 = arith.constant 400 : index
      %swap3A_420 = tpu.vector_load %arg8[%swap3A_418, %swap3A_419] {strides = array<i32>} : memref<64x768xf32, #tpu.memory_space<vmem>>, vector<1x16xf32>,
      %swap3A_421 = vector.shape_cast %swap3A_420 : vector<1x16xf32> to vector<16xf32>
      %swap3A_422 = vector.shape_cast %add3A_417 : vector<16xf32> to vector<1x16xf32>
      tpu.vector_store %arg8[%swap3A_418, %swap3A_419], %swap3A_422 {strides = array<i32>} : memref<64x768xf32, #tpu.memory_space<vmem>>, vector<1x16xf32>,
      %get3A_423 = arith.index_cast %add3A_60 : i32 to index
      %get3A_424 = arith.constant 416 : index
      %get3A_425 = tpu.vector_load %arg8[%get3A_423, %get3A_424] {strides = array<i32>} : memref<64x768xf32, #tpu.memory_space<vmem>>, vector<1x16xf32>,
      %get3A_426 = vector.shape_cast %get3A_425 : vector<1x16xf32> to vector<16xf32>
      %get3A_427 = arith.index_cast %add3A_60 : i32 to index
      %get3A_428 = arith.constant 416 : index
      %get3A_429 = tpu.vector_load %arg9[%get3A_427, %get3A_428] {strides = array<i32>} : memref<64x768xf32, #tpu.memory_space<vmem>>, vector<1x16xf32>,
      %get3A_430 = vector.shape_cast %get3A_429 : vector<1x16xf32> to vector<16xf32>
      %add3A_431 = arith.addf %get3A_426, %get3A_430 : vector<16xf32>
      %swap3A_432 = arith.index_cast %add3A_60 : i32 to index
      %swap3A_433 = arith.constant 416 : index
      %swap3A_434 = tpu.vector_load %arg8[%swap3A_432, %swap3A_433] {strides = array<i32>} : memref<64x768xf32, #tpu.memory_space<vmem>>, vector<1x16xf32>,
      %swap3A_435 = vector.shape_cast %swap3A_434 : vector<1x16xf32> to vector<16xf32>
      %swap3A_436 = vector.shape_cast %add3A_431 : vector<16xf32> to vector<1x16xf32>
      tpu.vector_store %arg8[%swap3A_432, %swap3A_433], %swap3A_436 {strides = array<i32>} : memref<64x768xf32, #tpu.memory_space<vmem>>, vector<1x16xf32>,
      %get3A_437 = arith.index_cast %add3A_60 : i32 to index
      %get3A_438 = arith.constant 432 : index
      %get3A_439 = tpu.vector_load %arg8[%get3A_437, %get3A_438] {strides = array<i32>} : memref<64x768xf32, #tpu.memory_space<vmem>>, vector<1x16xf32>,
      %get3A_440 = vector.shape_cast %get3A_439 : vector<1x16xf32> to vector<16xf32>
      %get3A_441 = arith.index_cast %add3A_60 : i32 to index
      %get3A_442 = arith.constant 432 : index
      %get3A_443 = tpu.vector_load %arg9[%get3A_441, %get3A_442] {strides = array<i32>} : memref<64x768xf32, #tpu.memory_space<vmem>>, vector<1x16xf32>,
      %get3A_444 = vector.shape_cast %get3A_443 : vector<1x16xf32> to vector<16xf32>
      %add3A_445 = arith.addf %get3A_440, %get3A_444 : vector<16xf32>
      %swap3A_446 = arith.index_cast %add3A_60 : i32 to index
      %swap3A_447 = arith.constant 432 : index
      %swap3A_448 = tpu.vector_load %arg8[%swap3A_446, %swap3A_447] {strides = array<i32>} : memref<64x768xf32, #tpu.memory_space<vmem>>, vector<1x16xf32>,
      %swap3A_449 = vector.shape_cast %swap3A_448 : vector<1x16xf32> to vector<16xf32>
      %swap3A_450 = vector.shape_cast %add3A_445 : vector<16xf32> to vector<1x16xf32>
      tpu.vector_store %arg8[%swap3A_446, %swap3A_447], %swap3A_450 {strides = array<i32>} : memref<64x768xf32, #tpu.memory_space<vmem>>, vector<1x16xf32>,
      %get3A_451 = arith.index_cast %add3A_60 : i32 to index
      %get3A_452 = arith.constant 448 : index
      %get3A_453 = tpu.vector_load %arg8[%get3A_451, %get3A_452] {strides = array<i32>} : memref<64x768xf32, #tpu.memory_space<vmem>>, vector<1x16xf32>,
      %get3A_454 = vector.shape_cast %get3A_453 : vector<1x16xf32> to vector<16xf32>
      %get3A_455 = arith.index_cast %add3A_60 : i32 to index
      %get3A_456 = arith.constant 448 : index
      %get3A_457 = tpu.vector_load %arg9[%get3A_455, %get3A_456] {strides = array<i32>} : memref<64x768xf32, #tpu.memory_space<vmem>>, vector<1x16xf32>,
      %get3A_458 = vector.shape_cast %get3A_457 : vector<1x16xf32> to vector<16xf32>
      %add3A_459 = arith.addf %get3A_454, %get3A_458 : vector<16xf32>
      %swap3A_460 = arith.index_cast %add3A_60 : i32 to index
      %swap3A_461 = arith.constant 448 : index
      %swap3A_462 = tpu.vector_load %arg8[%swap3A_460, %swap3A_461] {strides = array<i32>} : memref<64x768xf32, #tpu.memory_space<vmem>>, vector<1x16xf32>,
      %swap3A_463 = vector.shape_cast %swap3A_462 : vector<1x16xf32> to vector<16xf32>
      %swap3A_464 = vector.shape_cast %add3A_459 : vector<16xf32> to vector<1x16xf32>
      tpu.vector_store %arg8[%swap3A_460, %swap3A_461], %swap3A_464 {strides = array<i32>} : memref<64x768xf32, #tpu.memory_space<vmem>>, vector<1x16xf32>,
      %get3A_465 = arith.index_cast %add3A_60 : i32 to index
      %get3A_466 = arith.constant 464 : index
      %get3A_467 = tpu.vector_load %arg8[%get3A_465, %get3A_466] {strides = array<i32>} : memref<64x768xf32, #tpu.memory_space<vmem>>, vector<1x16xf32>,
      %get3A_468 = vector.shape_cast %get3A_467 : vector<1x16xf32> to vector<16xf32>
      %get3A_469 = arith.index_cast %add3A_60 : i32 to index
      %get3A_470 = arith.constant 464 : index
      %get3A_471 = tpu.vector_load %arg9[%get3A_469, %get3A_470] {strides = array<i32>} : memref<64x768xf32, #tpu.memory_space<vmem>>, vector<1x16xf32>,
      %get3A_472 = vector.shape_cast %get3A_471 : vector<1x16xf32> to vector<16xf32>
      %add3A_473 = arith.addf %get3A_468, %get3A_472 : vector<16xf32>
      %swap3A_474 = arith.index_cast %add3A_60 : i32 to index
      %swap3A_475 = arith.constant 464 : index
      %swap3A_476 = tpu.vector_load %arg8[%swap3A_474, %swap3A_475] {strides = array<i32>} : memref<64x768xf32, #tpu.memory_space<vmem>>, vector<1x16xf32>,
      %swap3A_477 = vector.shape_cast %swap3A_476 : vector<1x16xf32> to vector<16xf32>
      %swap3A_478 = vector.shape_cast %add3A_473 : vector<16xf32> to vector<1x16xf32>
      tpu.vector_store %arg8[%swap3A_474, %swap3A_475], %swap3A_478 {strides = array<i32>} : memref<64x768xf32, #tpu.memory_space<vmem>>, vector<1x16xf32>,
      %get3A_479 = arith.index_cast %add3A_60 : i32 to index
      %get3A_480 = arith.constant 480 : index
      %get3A_481 = tpu.vector_load %arg8[%get3A_479, %get3A_480] {strides = array<i32>} : memref<64x768xf32, #tpu.memory_space<vmem>>, vector<1x16xf32>,
      %get3A_482 = vector.shape_cast %get3A_481 : vector<1x16xf32> to vector<16xf32>
      %get3A_483 = arith.index_cast %add3A_60 : i32 to index
      %get3A_484 = arith.constant 480 : index
      %get3A_485 = tpu.vector_load %arg9[%get3A_483, %get3A_484] {strides = array<i32>} : memref<64x768xf32, #tpu.memory_space<vmem>>, vector<1x16xf32>,
      %get3A_486 = vector.shape_cast %get3A_485 : vector<1x16xf32> to vector<16xf32>
      %add3A_487 = arith.addf %get3A_482, %get3A_486 : vector<16xf32>
      %swap3A_488 = arith.index_cast %add3A_60 : i32 to index
      %swap3A_489 = arith.constant 480 : index
      %swap3A_490 = tpu.vector_load %arg8[%swap3A_488, %swap3A_489] {strides = array<i32>} : memref<64x768xf32, #tpu.memory_space<vmem>>, vector<1x16xf32>,
      %swap3A_491 = vector.shape_cast %swap3A_490 : vector<1x16xf32> to vector<16xf32>
      %swap3A_492 = vector.shape_cast %add3A_487 : vector<16xf32> to vector<1x16xf32>
      tpu.vector_store %arg8[%swap3A_488, %swap3A_489], %swap3A_492 {strides = array<i32>} : memref<64x768xf32, #tpu.memory_space<vmem>>, vector<1x16xf32>,
      %get3A_493 = arith.index_cast %add3A_60 : i32 to index
      %get3A_494 = arith.constant 496 : index
      %get3A_495 = tpu.vector_load %arg8[%get3A_493, %get3A_494] {strides = array<i32>} : memref<64x768xf32, #tpu.memory_space<vmem>>, vector<1x16xf32>,
      %get3A_496 = vector.shape_cast %get3A_495 : vector<1x16xf32> to vector<16xf32>
      %get3A_497 = arith.index_cast %add3A_60 : i32 to index
      %get3A_498 = arith.constant 496 : index
      %get3A_499 = tpu.vector_load %arg9[%get3A_497, %get3A_498] {strides = array<i32>} : memref<64x768xf32, #tpu.memory_space<vmem>>, vector<1x16xf32>,
      %get3A_500 = vector.shape_cast %get3A_499 : vector<1x16xf32> to vector<16xf32>
      %add3A_501 = arith.addf %get3A_496, %get3A_500 : vector<16xf32>
      %swap3A_502 = arith.index_cast %add3A_60 : i32 to index
      %swap3A_503 = arith.constant 496 : index
      %swap3A_504 = tpu.vector_load %arg8[%swap3A_502, %swap3A_503] {strides = array<i32>} : memref<64x768xf32, #tpu.memory_space<vmem>>, vector<1x16xf32>,
      %swap3A_505 = vector.shape_cast %swap3A_504 : vector<1x16xf32> to vector<16xf32>
      %swap3A_506 = vector.shape_cast %add3A_501 : vector<16xf32> to vector<1x16xf32>
      tpu.vector_store %arg8[%swap3A_502, %swap3A_503], %swap3A_506 {strides = array<i32>} : memref<64x768xf32, #tpu.memory_space<vmem>>, vector<1x16xf32>,
      %get3A_507 = arith.index_cast %add3A_60 : i32 to index
      %get3A_508 = arith.constant 512 : index
      %get3A_509 = tpu.vector_load %arg8[%get3A_507, %get3A_508] {strides = array<i32>} : memref<64x768xf32, #tpu.memory_space<vmem>>, vector<1x16xf32>,
      %get3A_510 = vector.shape_cast %get3A_509 : vector<1x16xf32> to vector<16xf32>
      %get3A_511 = arith.index_cast %add3A_60 : i32 to index
      %get3A_512 = arith.constant 512 : index
      %get3A_513 = tpu.vector_load %arg9[%get3A_511, %get3A_512] {strides = array<i32>} : memref<64x768xf32, #tpu.memory_space<vmem>>, vector<1x16xf32>,
      %get3A_514 = vector.shape_cast %get3A_513 : vector<1x16xf32> to vector<16xf32>
      %add3A_515 = arith.addf %get3A_510, %get3A_514 : vector<16xf32>
      %swap3A_516 = arith.index_cast %add3A_60 : i32 to index
      %swap3A_517 = arith.constant 512 : index
      %swap3A_518 = tpu.vector_load %arg8[%swap3A_516, %swap3A_517] {strides = array<i32>} : memref<64x768xf32, #tpu.memory_space<vmem>>, vector<1x16xf32>,
      %swap3A_519 = vector.shape_cast %swap3A_518 : vector<1x16xf32> to vector<16xf32>
      %swap3A_520 = vector.shape_cast %add3A_515 : vector<16xf32> to vector<1x16xf32>
      tpu.vector_store %arg8[%swap3A_516, %swap3A_517], %swap3A_520 {strides = array<i32>} : memref<64x768xf32, #tpu.memory_space<vmem>>, vector<1x16xf32>,
      %get3A_521 = arith.index_cast %add3A_60 : i32 to index
      %get3A_522 = arith.constant 528 : index
      %get3A_523 = tpu.vector_load %arg8[%get3A_521, %get3A_522] {strides = array<i32>} : memref<64x768xf32, #tpu.memory_space<vmem>>, vector<1x16xf32>,
      %get3A_524 = vector.shape_cast %get3A_523 : vector<1x16xf32> to vector<16xf32>
      %get3A_525 = arith.index_cast %add3A_60 : i32 to index
      %get3A_526 = arith.constant 528 : index
      %get3A_527 = tpu.vector_load %arg9[%get3A_525, %get3A_526] {strides = array<i32>} : memref<64x768xf32, #tpu.memory_space<vmem>>, vector<1x16xf32>,
      %get3A_528 = vector.shape_cast %get3A_527 : vector<1x16xf32> to vector<16xf32>
      %add3A_529 = arith.addf %get3A_524, %get3A_528 : vector<16xf32>
      %swap3A_530 = arith.index_cast %add3A_60 : i32 to index
      %swap3A_531 = arith.constant 528 : index
      %swap3A_532 = tpu.vector_load %arg8[%swap3A_530, %swap3A_531] {strides = array<i32>} : memref<64x768xf32, #tpu.memory_space<vmem>>, vector<1x16xf32>,
      %swap3A_533 = vector.shape_cast %swap3A_532 : vector<1x16xf32> to vector<16xf32>
      %swap3A_534 = vector.shape_cast %add3A_529 : vector<16xf32> to vector<1x16xf32>
      tpu.vector_store %arg8[%swap3A_530, %swap3A_531], %swap3A_534 {strides = array<i32>} : memref<64x768xf32, #tpu.memory_space<vmem>>, vector<1x16xf32>,
      %get3A_535 = arith.index_cast %add3A_60 : i32 to index
      %get3A_536 = arith.constant 544 : index
      %get3A_537 = tpu.vector_load %arg8[%get3A_535, %get3A_536] {strides = array<i32>} : memref<64x768xf32, #tpu.memory_space<vmem>>, vector<1x16xf32>,
      %get3A_538 = vector.shape_cast %get3A_537 : vector<1x16xf32> to vector<16xf32>
      %get3A_539 = arith.index_cast %add3A_60 : i32 to index
      %get3A_540 = arith.constant 544 : index
      %get3A_541 = tpu.vector_load %arg9[%get3A_539, %get3A_540] {strides = array<i32>} : memref<64x768xf32, #tpu.memory_space<vmem>>, vector<1x16xf32>,
      %get3A_542 = vector.shape_cast %get3A_541 : vector<1x16xf32> to vector<16xf32>
      %add3A_543 = arith.addf %get3A_538, %get3A_542 : vector<16xf32>
      %swap3A_544 = arith.index_cast %add3A_60 : i32 to index
      %swap3A_545 = arith.constant 544 : index
      %swap3A_546 = tpu.vector_load %arg8[%swap3A_544, %swap3A_545] {strides = array<i32>} : memref<64x768xf32, #tpu.memory_space<vmem>>, vector<1x16xf32>,
      %swap3A_547 = vector.shape_cast %swap3A_546 : vector<1x16xf32> to vector<16xf32>
      %swap3A_548 = vector.shape_cast %add3A_543 : vector<16xf32> to vector<1x16xf32>
      tpu.vector_store %arg8[%swap3A_544, %swap3A_545], %swap3A_548 {strides = array<i32>} : memref<64x768xf32, #tpu.memory_space<vmem>>, vector<1x16xf32>,
      %get3A_549 = arith.index_cast %add3A_60 : i32 to index
      %get3A_550 = arith.constant 560 : index
      %get3A_551 = tpu.vector_load %arg8[%get3A_549, %get3A_550] {strides = array<i32>} : memref<64x768xf32, #tpu.memory_space<vmem>>, vector<1x16xf32>,
      %get3A_552 = vector.shape_cast %get3A_551 : vector<1x16xf32> to vector<16xf32>
      %get3A_553 = arith.index_cast %add3A_60 : i32 to index
      %get3A_554 = arith.constant 560 : index
      %get3A_555 = tpu.vector_load %arg9[%get3A_553, %get3A_554] {strides = array<i32>} : memref<64x768xf32, #tpu.memory_space<vmem>>, vector<1x16xf32>,
      %get3A_556 = vector.shape_cast %get3A_555 : vector<1x16xf32> to vector<16xf32>
      %add3A_557 = arith.addf %get3A_552, %get3A_556 : vector<16xf32>
      %swap3A_558 = arith.index_cast %add3A_60 : i32 to index
      %swap3A_559 = arith.constant 560 : index
      %swap3A_560 = tpu.vector_load %arg8[%swap3A_558, %swap3A_559] {strides = array<i32>} : memref<64x768xf32, #tpu.memory_space<vmem>>, vector<1x16xf32>,
      %swap3A_561 = vector.shape_cast %swap3A_560 : vector<1x16xf32> to vector<16xf32>
      %swap3A_562 = vector.shape_cast %add3A_557 : vector<16xf32> to vector<1x16xf32>
      tpu.vector_store %arg8[%swap3A_558, %swap3A_559], %swap3A_562 {strides = array<i32>} : memref<64x768xf32, #tpu.memory_space<vmem>>, vector<1x16xf32>,
      %get3A_563 = arith.index_cast %add3A_60 : i32 to index
      %get3A_564 = arith.constant 576 : index
      %get3A_565 = tpu.vector_load %arg8[%get3A_563, %get3A_564] {strides = array<i32>} : memref<64x768xf32, #tpu.memory_space<vmem>>, vector<1x16xf32>,
      %get3A_566 = vector.shape_cast %get3A_565 : vector<1x16xf32> to vector<16xf32>
      %get3A_567 = arith.index_cast %add3A_60 : i32 to index
      %get3A_568 = arith.constant 576 : index
      %get3A_569 = tpu.vector_load %arg9[%get3A_567, %get3A_568] {strides = array<i32>} : memref<64x768xf32, #tpu.memory_space<vmem>>, vector<1x16xf32>,
      %get3A_570 = vector.shape_cast %get3A_569 : vector<1x16xf32> to vector<16xf32>
      %add3A_571 = arith.addf %get3A_566, %get3A_570 : vector<16xf32>
      %swap3A_572 = arith.index_cast %add3A_60 : i32 to index
      %swap3A_573 = arith.constant 576 : index
      %swap3A_574 = tpu.vector_load %arg8[%swap3A_572, %swap3A_573] {strides = array<i32>} : memref<64x768xf32, #tpu.memory_space<vmem>>, vector<1x16xf32>,
      %swap3A_575 = vector.shape_cast %swap3A_574 : vector<1x16xf32> to vector<16xf32>
      %swap3A_576 = vector.shape_cast %add3A_571 : vector<16xf32> to vector<1x16xf32>
      tpu.vector_store %arg8[%swap3A_572, %swap3A_573], %swap3A_576 {strides = array<i32>} : memref<64x768xf32, #tpu.memory_space<vmem>>, vector<1x16xf32>,
      %get3A_577 = arith.index_cast %add3A_60 : i32 to index
      %get3A_578 = arith.constant 592 : index
      %get3A_579 = tpu.vector_load %arg8[%get3A_577, %get3A_578] {strides = array<i32>} : memref<64x768xf32, #tpu.memory_space<vmem>>, vector<1x16xf32>,
      %get3A_580 = vector.shape_cast %get3A_579 : vector<1x16xf32> to vector<16xf32>
      %get3A_581 = arith.index_cast %add3A_60 : i32 to index
      %get3A_582 = arith.constant 592 : index
      %get3A_583 = tpu.vector_load %arg9[%get3A_581, %get3A_582] {strides = array<i32>} : memref<64x768xf32, #tpu.memory_space<vmem>>, vector<1x16xf32>,
      %get3A_584 = vector.shape_cast %get3A_583 : vector<1x16xf32> to vector<16xf32>
      %add3A_585 = arith.addf %get3A_580, %get3A_584 : vector<16xf32>
      %swap3A_586 = arith.index_cast %add3A_60 : i32 to index
      %swap3A_587 = arith.constant 592 : index
      %swap3A_588 = tpu.vector_load %arg8[%swap3A_586, %swap3A_587] {strides = array<i32>} : memref<64x768xf32, #tpu.memory_space<vmem>>, vector<1x16xf32>,
      %swap3A_589 = vector.shape_cast %swap3A_588 : vector<1x16xf32> to vector<16xf32>
      %swap3A_590 = vector.shape_cast %add3A_585 : vector<16xf32> to vector<1x16xf32>
      tpu.vector_store %arg8[%swap3A_586, %swap3A_587], %swap3A_590 {strides = array<i32>} : memref<64x768xf32, #tpu.memory_space<vmem>>, vector<1x16xf32>,
      %get3A_591 = arith.index_cast %add3A_60 : i32 to index
      %get3A_592 = arith.constant 608 : index
      %get3A_593 = tpu.vector_load %arg8[%get3A_591, %get3A_592] {strides = array<i32>} : memref<64x768xf32, #tpu.memory_space<vmem>>, vector<1x16xf32>,
      %get3A_594 = vector.shape_cast %get3A_593 : vector<1x16xf32> to vector<16xf32>
      %get3A_595 = arith.index_cast %add3A_60 : i32 to index
      %get3A_596 = arith.constant 608 : index
      %get3A_597 = tpu.vector_load %arg9[%get3A_595, %get3A_596] {strides = array<i32>} : memref<64x768xf32, #tpu.memory_space<vmem>>, vector<1x16xf32>,
      %get3A_598 = vector.shape_cast %get3A_597 : vector<1x16xf32> to vector<16xf32>
      %add3A_599 = arith.addf %get3A_594, %get3A_598 : vector<16xf32>
      %swap3A_600 = arith.index_cast %add3A_60 : i32 to index
      %swap3A_601 = arith.constant 608 : index
      %swap3A_602 = tpu.vector_load %arg8[%swap3A_600, %swap3A_601] {strides = array<i32>} : memref<64x768xf32, #tpu.memory_space<vmem>>, vector<1x16xf32>,
      %swap3A_603 = vector.shape_cast %swap3A_602 : vector<1x16xf32> to vector<16xf32>
      %swap3A_604 = vector.shape_cast %add3A_599 : vector<16xf32> to vector<1x16xf32>
      tpu.vector_store %arg8[%swap3A_600, %swap3A_601], %swap3A_604 {strides = array<i32>} : memref<64x768xf32, #tpu.memory_space<vmem>>, vector<1x16xf32>,
      %get3A_605 = arith.index_cast %add3A_60 : i32 to index
      %get3A_606 = arith.constant 624 : index
      %get3A_607 = tpu.vector_load %arg8[%get3A_605, %get3A_606] {strides = array<i32>} : memref<64x768xf32, #tpu.memory_space<vmem>>, vector<1x16xf32>,
      %get3A_608 = vector.shape_cast %get3A_607 : vector<1x16xf32> to vector<16xf32>
      %get3A_609 = arith.index_cast %add3A_60 : i32 to index
      %get3A_610 = arith.constant 624 : index
      %get3A_611 = tpu.vector_load %arg9[%get3A_609, %get3A_610] {strides = array<i32>} : memref<64x768xf32, #tpu.memory_space<vmem>>, vector<1x16xf32>,
      %get3A_612 = vector.shape_cast %get3A_611 : vector<1x16xf32> to vector<16xf32>
      %add3A_613 = arith.addf %get3A_608, %get3A_612 : vector<16xf32>
      %swap3A_614 = arith.index_cast %add3A_60 : i32 to index
      %swap3A_615 = arith.constant 624 : index
      %swap3A_616 = tpu.vector_load %arg8[%swap3A_614, %swap3A_615] {strides = array<i32>} : memref<64x768xf32, #tpu.memory_space<vmem>>, vector<1x16xf32>,
      %swap3A_617 = vector.shape_cast %swap3A_616 : vector<1x16xf32> to vector<16xf32>
      %swap3A_618 = vector.shape_cast %add3A_613 : vector<16xf32> to vector<1x16xf32>
      tpu.vector_store %arg8[%swap3A_614, %swap3A_615], %swap3A_618 {strides = array<i32>} : memref<64x768xf32, #tpu.memory_space<vmem>>, vector<1x16xf32>,
      %get3A_619 = arith.index_cast %add3A_60 : i32 to index
      %get3A_620 = arith.constant 640 : index
      %get3A_621 = tpu.vector_load %arg8[%get3A_619, %get3A_620] {strides = array<i32>} : memref<64x768xf32, #tpu.memory_space<vmem>>, vector<1x16xf32>,
      %get3A_622 = vector.shape_cast %get3A_621 : vector<1x16xf32> to vector<16xf32>
      %get3A_623 = arith.index_cast %add3A_60 : i32 to index
      %get3A_624 = arith.constant 640 : index
      %get3A_625 = tpu.vector_load %arg9[%get3A_623, %get3A_624] {strides = array<i32>} : memref<64x768xf32, #tpu.memory_space<vmem>>, vector<1x16xf32>,
      %get3A_626 = vector.shape_cast %get3A_625 : vector<1x16xf32> to vector<16xf32>
      %add3A_627 = arith.addf %get3A_622, %get3A_626 : vector<16xf32>
      %swap3A_628 = arith.index_cast %add3A_60 : i32 to index
      %swap3A_629 = arith.constant 640 : index
      %swap3A_630 = tpu.vector_load %arg8[%swap3A_628, %swap3A_629] {strides = array<i32>} : memref<64x768xf32, #tpu.memory_space<vmem>>, vector<1x16xf32>,
      %swap3A_631 = vector.shape_cast %swap3A_630 : vector<1x16xf32> to vector<16xf32>
      %swap3A_632 = vector.shape_cast %add3A_627 : vector<16xf32> to vector<1x16xf32>
      tpu.vector_store %arg8[%swap3A_628, %swap3A_629], %swap3A_632 {strides = array<i32>} : memref<64x768xf32, #tpu.memory_space<vmem>>, vector<1x16xf32>,
      %get3A_633 = arith.index_cast %add3A_60 : i32 to index
      %get3A_634 = arith.constant 656 : index
      %get3A_635 = tpu.vector_load %arg8[%get3A_633, %get3A_634] {strides = array<i32>} : memref<64x768xf32, #tpu.memory_space<vmem>>, vector<1x16xf32>,
      %get3A_636 = vector.shape_cast %get3A_635 : vector<1x16xf32> to vector<16xf32>
      %get3A_637 = arith.index_cast %add3A_60 : i32 to index
      %get3A_638 = arith.constant 656 : index
      %get3A_639 = tpu.vector_load %arg9[%get3A_637, %get3A_638] {strides = array<i32>} : memref<64x768xf32, #tpu.memory_space<vmem>>, vector<1x16xf32>,
      %get3A_640 = vector.shape_cast %get3A_639 : vector<1x16xf32> to vector<16xf32>
      %add3A_641 = arith.addf %get3A_636, %get3A_640 : vector<16xf32>
      %swap3A_642 = arith.index_cast %add3A_60 : i32 to index
      %swap3A_643 = arith.constant 656 : index
      %swap3A_644 = tpu.vector_load %arg8[%swap3A_642, %swap3A_643] {strides = array<i32>} : memref<64x768xf32, #tpu.memory_space<vmem>>, vector<1x16xf32>,
      %swap3A_645 = vector.shape_cast %swap3A_644 : vector<1x16xf32> to vector<16xf32>
      %swap3A_646 = vector.shape_cast %add3A_641 : vector<16xf32> to vector<1x16xf32>
      tpu.vector_store %arg8[%swap3A_642, %swap3A_643], %swap3A_646 {strides = array<i32>} : memref<64x768xf32, #tpu.memory_space<vmem>>, vector<1x16xf32>,
      %get3A_647 = arith.index_cast %add3A_60 : i32 to index
      %get3A_648 = arith.constant 672 : index
      %get3A_649 = tpu.vector_load %arg8[%get3A_647, %get3A_648] {strides = array<i32>} : memref<64x768xf32, #tpu.memory_space<vmem>>, vector<1x16xf32>,
      %get3A_650 = vector.shape_cast %get3A_649 : vector<1x16xf32> to vector<16xf32>
      %get3A_651 = arith.index_cast %add3A_60 : i32 to index
      %get3A_652 = arith.constant 672 : index
      %get3A_653 = tpu.vector_load %arg9[%get3A_651, %get3A_652] {strides = array<i32>} : memref<64x768xf32, #tpu.memory_space<vmem>>, vector<1x16xf32>,
      %get3A_654 = vector.shape_cast %get3A_653 : vector<1x16xf32> to vector<16xf32>
      %add3A_655 = arith.addf %get3A_650, %get3A_654 : vector<16xf32>
      %swap3A_656 = arith.index_cast %add3A_60 : i32 to index
      %swap3A_657 = arith.constant 672 : index
      %swap3A_658 = tpu.vector_load %arg8[%swap3A_656, %swap3A_657] {strides = array<i32>} : memref<64x768xf32, #tpu.memory_space<vmem>>, vector<1x16xf32>,
      %swap3A_659 = vector.shape_cast %swap3A_658 : vector<1x16xf32> to vector<16xf32>
      %swap3A_660 = vector.shape_cast %add3A_655 : vector<16xf32> to vector<1x16xf32>
      tpu.vector_store %arg8[%swap3A_656, %swap3A_657], %swap3A_660 {strides = array<i32>} : memref<64x768xf32, #tpu.memory_space<vmem>>, vector<1x16xf32>,
      %get3A_661 = arith.index_cast %add3A_60 : i32 to index
      %get3A_662 = arith.constant 688 : index
      %get3A_663 = tpu.vector_load %arg8[%get3A_661, %get3A_662] {strides = array<i32>} : memref<64x768xf32, #tpu.memory_space<vmem>>, vector<1x16xf32>,
      %get3A_664 = vector.shape_cast %get3A_663 : vector<1x16xf32> to vector<16xf32>
      %get3A_665 = arith.index_cast %add3A_60 : i32 to index
      %get3A_666 = arith.constant 688 : index
      %get3A_667 = tpu.vector_load %arg9[%get3A_665, %get3A_666] {strides = array<i32>} : memref<64x768xf32, #tpu.memory_space<vmem>>, vector<1x16xf32>,
      %get3A_668 = vector.shape_cast %get3A_667 : vector<1x16xf32> to vector<16xf32>
      %add3A_669 = arith.addf %get3A_664, %get3A_668 : vector<16xf32>
      %swap3A_670 = arith.index_cast %add3A_60 : i32 to index
      %swap3A_671 = arith.constant 688 : index
      %swap3A_672 = tpu.vector_load %arg8[%swap3A_670, %swap3A_671] {strides = array<i32>} : memref<64x768xf32, #tpu.memory_space<vmem>>, vector<1x16xf32>,
      %swap3A_673 = vector.shape_cast %swap3A_672 : vector<1x16xf32> to vector<16xf32>
      %swap3A_674 = vector.shape_cast %add3A_669 : vector<16xf32> to vector<1x16xf32>
      tpu.vector_store %arg8[%swap3A_670, %swap3A_671], %swap3A_674 {strides = array<i32>} : memref<64x768xf32, #tpu.memory_space<vmem>>, vector<1x16xf32>,
      %get3A_675 = arith.index_cast %add3A_60 : i32 to index
      %get3A_676 = arith.constant 704 : index
      %get3A_677 = tpu.vector_load %arg8[%get3A_675, %get3A_676] {strides = array<i32>} : memref<64x768xf32, #tpu.memory_space<vmem>>, vector<1x16xf32>,
      %get3A_678 = vector.shape_cast %get3A_677 : vector<1x16xf32> to vector<16xf32>
      %get3A_679 = arith.index_cast %add3A_60 : i32 to index
      %get3A_680 = arith.constant 704 : index
      %get3A_681 = tpu.vector_load %arg9[%get3A_679, %get3A_680] {strides = array<i32>} : memref<64x768xf32, #tpu.memory_space<vmem>>, vector<1x16xf32>,
      %get3A_682 = vector.shape_cast %get3A_681 : vector<1x16xf32> to vector<16xf32>
      %add3A_683 = arith.addf %get3A_678, %get3A_682 : vector<16xf32>
      %swap3A_684 = arith.index_cast %add3A_60 : i32 to index
      %swap3A_685 = arith.constant 704 : index
      %swap3A_686 = tpu.vector_load %arg8[%swap3A_684, %swap3A_685] {strides = array<i32>} : memref<64x768xf32, #tpu.memory_space<vmem>>, vector<1x16xf32>,
      %swap3A_687 = vector.shape_cast %swap3A_686 : vector<1x16xf32> to vector<16xf32>
      %swap3A_688 = vector.shape_cast %add3A_683 : vector<16xf32> to vector<1x16xf32>
      tpu.vector_store %arg8[%swap3A_684, %swap3A_685], %swap3A_688 {strides = array<i32>} : memref<64x768xf32, #tpu.memory_space<vmem>>, vector<1x16xf32>,
      %get3A_689 = arith.index_cast %add3A_60 : i32 to index
      %get3A_690 = arith.constant 720 : index
      %get3A_691 = tpu.vector_load %arg8[%get3A_689, %get3A_690] {strides = array<i32>} : memref<64x768xf32, #tpu.memory_space<vmem>>, vector<1x16xf32>,
      %get3A_692 = vector.shape_cast %get3A_691 : vector<1x16xf32> to vector<16xf32>
      %get3A_693 = arith.index_cast %add3A_60 : i32 to index
      %get3A_694 = arith.constant 720 : index
      %get3A_695 = tpu.vector_load %arg9[%get3A_693, %get3A_694] {strides = array<i32>} : memref<64x768xf32, #tpu.memory_space<vmem>>, vector<1x16xf32>,
      %get3A_696 = vector.shape_cast %get3A_695 : vector<1x16xf32> to vector<16xf32>
      %add3A_697 = arith.addf %get3A_692, %get3A_696 : vector<16xf32>
      %swap3A_698 = arith.index_cast %add3A_60 : i32 to index
      %swap3A_699 = arith.constant 720 : index
      %swap3A_700 = tpu.vector_load %arg8[%swap3A_698, %swap3A_699] {strides = array<i32>} : memref<64x768xf32, #tpu.memory_space<vmem>>, vector<1x16xf32>,
      %swap3A_701 = vector.shape_cast %swap3A_700 : vector<1x16xf32> to vector<16xf32>
      %swap3A_702 = vector.shape_cast %add3A_697 : vector<16xf32> to vector<1x16xf32>
      tpu.vector_store %arg8[%swap3A_698, %swap3A_699], %swap3A_702 {strides = array<i32>} : memref<64x768xf32, #tpu.memory_space<vmem>>, vector<1x16xf32>,
      %get3A_703 = arith.index_cast %add3A_60 : i32 to index
      %get3A_704 = arith.constant 736 : index
      %get3A_705 = tpu.vector_load %arg8[%get3A_703, %get3A_704] {strides = array<i32>} : memref<64x768xf32, #tpu.memory_space<vmem>>, vector<1x16xf32>,
      %get3A_706 = vector.shape_cast %get3A_705 : vector<1x16xf32> to vector<16xf32>
      %get3A_707 = arith.index_cast %add3A_60 : i32 to index
      %get3A_708 = arith.constant 736 : index
      %get3A_709 = tpu.vector_load %arg9[%get3A_707, %get3A_708] {strides = array<i32>} : memref<64x768xf32, #tpu.memory_space<vmem>>, vector<1x16xf32>,
      %get3A_710 = vector.shape_cast %get3A_709 : vector<1x16xf32> to vector<16xf32>
      %add3A_711 = arith.addf %get3A_706, %get3A_710 : vector<16xf32>
      %swap3A_712 = arith.index_cast %add3A_60 : i32 to index
      %swap3A_713 = arith.constant 736 : index
      %swap3A_714 = tpu.vector_load %arg8[%swap3A_712, %swap3A_713] {strides = array<i32>} : memref<64x768xf32, #tpu.memory_space<vmem>>, vector<1x16xf32>,
      %swap3A_715 = vector.shape_cast %swap3A_714 : vector<1x16xf32> to vector<16xf32>
      %swap3A_716 = vector.shape_cast %add3A_711 : vector<16xf32> to vector<1x16xf32>
      tpu.vector_store %arg8[%swap3A_712, %swap3A_713], %swap3A_716 {strides = array<i32>} : memref<64x768xf32, #tpu.memory_space<vmem>>, vector<1x16xf32>,
      %get3A_717 = arith.index_cast %add3A_60 : i32 to index
      %get3A_718 = arith.constant 752 : index
      %get3A_719 = tpu.vector_load %arg8[%get3A_717, %get3A_718] {strides = array<i32>} : memref<64x768xf32, #tpu.memory_space<vmem>>, vector<1x16xf32>,
      %get3A_720 = vector.shape_cast %get3A_719 : vector<1x16xf32> to vector<16xf32>
      %get3A_721 = arith.index_cast %add3A_60 : i32 to index
      %get3A_722 = arith.constant 752 : index
      %get3A_723 = tpu.vector_load %arg9[%get3A_721, %get3A_722] {strides = array<i32>} : memref<64x768xf32, #tpu.memory_space<vmem>>, vector<1x16xf32>,
      %get3A_724 = vector.shape_cast %get3A_723 : vector<1x16xf32> to vector<16xf32>
      %add3A_725 = arith.addf %get3A_720, %get3A_724 : vector<16xf32>
      %swap3A_726 = arith.index_cast %add3A_60 : i32 to index
      %swap3A_727 = arith.constant 752 : index
      %swap3A_728 = tpu.vector_load %arg8[%swap3A_726, %swap3A_727] {strides = array<i32>} : memref<64x768xf32, #tpu.memory_space<vmem>>, vector<1x16xf32>,
      %swap3A_729 = vector.shape_cast %swap3A_728 : vector<1x16xf32> to vector<16xf32>
      %swap3A_730 = vector.shape_cast %add3A_725 : vector<16xf32> to vector<1x16xf32>
      tpu.vector_store %arg8[%swap3A_726, %swap3A_727], %swap3A_730 {strides = array<i32>} : memref<64x768xf32, #tpu.memory_space<vmem>>, vector<1x16xf32>,
    }
    %scan3A_26 = arith.constant 64 : i32
    "tpu.region"() ({
      %run_scoped3A = tpu.sem_alloc : memref<!tpu.dma_semaphore, #tpu.memory_space<semaphore_mem>>
      %dma_start3A_56 = arith.constant 0 : i32
      %dma_start3A_57 = tpu.memref_slice %arg5[%add3A_4, %dma_start3A_56] : memref<4096x768xf32, #tpu.memory_space<hbm>> -> memref<64x768xf32, #tpu.memory_space<hbm>>
      %dma_start3A_58 = arith.constant 0 : i32
      %dma_start3A_59 = tpu.memref_slice %arg5[%add3A_4, %dma_start3A_58] : memref<4096x768xf32, #tpu.memory_space<hbm>> -> memref<64x768xf32, #tpu.memory_space<hbm>>
      tpu.enqueue_dma source(%arg8 : memref<64x768xf32, #tpu.memory_space<vmem>>) target(%dma_start3A_59 : memref<64x768xf32, #tpu.memory_space<hbm>>) target_semaphore(%run_scoped3A : memref<!tpu.dma_semaphore, #tpu.memory_space<semaphore_mem>>)
      %dma_wait3A_60 = arith.constant 0 : i32
      %dma_wait3A_61 = tpu.memref_slice %arg5[%add3A_4, %dma_wait3A_60] : memref<4096x768xf32, #tpu.memory_space<hbm>> -> memref<64x768xf32, #tpu.memory_space<hbm>>
      %dma_wait3A_62 = arith.constant 0 : i32
      %dma_wait3A_63 = tpu.memref_slice %arg5[%add3A_4, %dma_wait3A_62] : memref<4096x768xf32, #tpu.memory_space<hbm>> -> memref<64x768xf32, #tpu.memory_space<hbm>>
      tpu.wait_dma2 semaphore(%run_scoped3A : memref<!tpu.dma_semaphore, #tpu.memory_space<semaphore_mem>>) src(%arg8 : memref<64x768xf32, #tpu.memory_space<vmem>>) dst(%dma_wait3A_63 : memref<64x768xf32, #tpu.memory_space<hbm>>)
      tpu.yield
    }) : () -> ()
    %mul3A_27 = arith.constant 128 : i32
    %mul3A_28 = arith.muli %add3A, %mul3A_27 : i32
    %add3A_29 = arith.constant 64 : i32
    %add3A_30 = arith.addi %mul3A_28, %add3A_29 : i32
    %dma_start3A_31 = tpu.memref_slice %arg2[%add3A_30] : memref<4096xi32, #tpu.memory_space<hbm>> -> memref<64xi32, #tpu.memory_space<hbm>>
    %dma_start3A_32 = tpu.memref_slice %arg2[%add3A_30] : memref<4096xi32, #tpu.memory_space<hbm>> -> memref<64xi32, #tpu.memory_space<hbm>>
    tpu.enqueue_dma source(%dma_start3A_32 : memref<64xi32, #tpu.memory_space<hbm>>) target(%arg6 : memref<64xi32, #tpu.memory_space<vmem>>) target_semaphore(%arg10 : memref<!tpu.dma_semaphore, #tpu.memory_space<semaphore_mem>>)
    %dma_start3A_33 = tpu.memref_slice %arg3[%add3A_30] : memref<4096xi32, #tpu.memory_space<hbm>> -> memref<64xi32, #tpu.memory_space<hbm>>
    %dma_start3A_34 = tpu.memref_slice %arg3[%add3A_30] : memref<4096xi32, #tpu.memory_space<hbm>> -> memref<64xi32, #tpu.memory_space<hbm>>
    tpu.enqueue_dma source(%dma_start3A_34 : memref<64xi32, #tpu.memory_space<hbm>>) target(%arg7 : memref<64xi32, #tpu.memory_space<vmem>>) target_semaphore(%arg11 : memref<!tpu.dma_semaphore, #tpu.memory_space<semaphore_mem>>)
    %dma_wait3A_35 = tpu.memref_slice %arg2[%add3A_30] : memref<4096xi32, #tpu.memory_space<hbm>> -> memref<64xi32, #tpu.memory_space<hbm>>
    %dma_wait3A_36 = tpu.memref_slice %arg2[%add3A_30] : memref<4096xi32, #tpu.memory_space<hbm>> -> memref<64xi32, #tpu.memory_space<hbm>>
    tpu.wait_dma2 semaphore(%arg10 : memref<!tpu.dma_semaphore, #tpu.memory_space<semaphore_mem>>) src(%dma_wait3A_36 : memref<64xi32, #tpu.memory_space<hbm>>) dst(%arg6 : memref<64xi32, #tpu.memory_space<vmem>>)
    %dma_wait3A_37 = tpu.memref_slice %arg3[%add3A_30] : memref<4096xi32, #tpu.memory_space<hbm>> -> memref<64xi32, #tpu.memory_space<hbm>>
    %dma_wait3A_38 = tpu.memref_slice %arg3[%add3A_30] : memref<4096xi32, #tpu.memory_space<hbm>> -> memref<64xi32, #tpu.memory_space<hbm>>
    tpu.wait_dma2 semaphore(%arg11 : memref<!tpu.dma_semaphore, #tpu.memory_space<semaphore_mem>>) src(%dma_wait3A_38 : memref<64xi32, #tpu.memory_space<hbm>>) dst(%arg7 : memref<64xi32, #tpu.memory_space<vmem>>)
    %dma_start3A_39 = arith.constant 0 : i32
    %dma_start3A_40 = arith.constant 0 : i32
    %dma_start3A_41 = tpu.memref_slice %arg4[%dma_start3A_39, %dma_start3A_40] : memref<20736x768xf32, #tpu.memory_space<hbm>> -> memref<20736x768xf32, #tpu.memory_space<hbm>>
    tpu.enqueue_indirect_dma source(%dma_start3A_41 : memref<20736x768xf32, #tpu.memory_space<hbm>>) target(%arg8 : memref<64x768xf32, #tpu.memory_space<vmem>>) offsets(%arg6 : memref<64xi32, #tpu.memory_space<vmem>>) semaphore(%arg10 : memref<!tpu.dma_semaphore, #tpu.memory_space<semaphore_mem>>)
    %dma_start3A_42 = arith.constant 0 : i32
    %dma_start3A_43 = arith.constant 0 : i32
    %dma_start3A_44 = tpu.memref_slice %arg4[%dma_start3A_42, %dma_start3A_43] : memref<20736x768xf32, #tpu.memory_space<hbm>> -> memref<20736x768xf32, #tpu.memory_space<hbm>>
    tpu.enqueue_indirect_dma source(%dma_start3A_44 : memref<20736x768xf32, #tpu.memory_space<hbm>>) target(%arg9 : memref<64x768xf32, #tpu.memory_space<vmem>>) offsets(%arg7 : memref<64xi32, #tpu.memory_space<vmem>>) semaphore(%arg11 : memref<!tpu.dma_semaphore, #tpu.memory_space<semaphore_mem>>)
    %dma_wait3A_45 = arith.constant 0 : i32
    %dma_wait3A_46 = arith.constant 0 : i32
    %dma_wait3A_47 = tpu.memref_slice %arg4[%dma_wait3A_45, %dma_wait3A_46] : memref<20736x768xf32, #tpu.memory_space<hbm>> -> memref<20736x768xf32, #tpu.memory_space<hbm>>
    tpu.wait_indirect_dma semaphore(%arg10 : memref<!tpu.dma_semaphore, #tpu.memory_space<semaphore_mem>>) src(%dma_wait3A_47 : memref<20736x768xf32, #tpu.memory_space<hbm>>) dst(%arg8 : memref<64x768xf32, #tpu.memory_space<vmem>>)
    %dma_wait3A_48 = arith.constant 0 : i32
    %dma_wait3A_49 = arith.constant 0 : i32
    %dma_wait3A_50 = tpu.memref_slice %arg4[%dma_wait3A_48, %dma_wait3A_49] : memref<20736x768xf32, #tpu.memory_space<hbm>> -> memref<20736x768xf32, #tpu.memory_space<hbm>>
    tpu.wait_indirect_dma semaphore(%arg11 : memref<!tpu.dma_semaphore, #tpu.memory_space<semaphore_mem>>) src(%dma_wait3A_50 : memref<20736x768xf32, #tpu.memory_space<hbm>>) dst(%arg9 : memref<64x768xf32, #tpu.memory_space<vmem>>)
    %scan3A_51 = arith.constant 0 : i32
    %scan3A_52 = arith.constant 64 : i32
    %scan3A_53 = arith.addi %scan3A_51, %scan3A_52 : i32
    %scan3A_54 = arith.constant 1 : i32
    scf.for %scan3A_56 = %scan3A_51 to %scan3A_53 step %scan3A_54  : i32 {
      %mul3A_57 = arith.constant 1 : i32
      %mul3A_58 = arith.muli %scan3A_56, %mul3A_57 : i32
      %add3A_59 = arith.constant 0 : i32
      %add3A_60 = arith.addi %add3A_59, %mul3A_58 : i32
      %get3A = arith.index_cast %add3A_60 : i32 to index
      %get3A_61 = arith.constant 0 : index
      %get3A_62 = tpu.vector_load %arg8[%get3A, %get3A_61] {strides = array<i32>} : memref<64x768xf32, #tpu.memory_space<vmem>>, vector<1x16xf32>,
      %get3A_63 = vector.shape_cast %get3A_62 : vector<1x16xf32> to vector<16xf32>
      %get3A_64 = arith.index_cast %add3A_60 : i32 to index
      %get3A_65 = arith.constant 0 : index
      %get3A_66 = tpu.vector_load %arg9[%get3A_64, %get3A_65] {strides = array<i32>} : memref<64x768xf32, #tpu.memory_space<vmem>>, vector<1x16xf32>,
      %get3A_67 = vector.shape_cast %get3A_66 : vector<1x16xf32> to vector<16xf32>
      %add3A_68 = arith.addf %get3A_63, %get3A_67 : vector<16xf32>
      %swap3A = arith.index_cast %add3A_60 : i32 to index
      %swap3A_69 = arith.constant 0 : index
      %swap3A_70 = tpu.vector_load %arg8[%swap3A, %swap3A_69] {strides = array<i32>} : memref<64x768xf32, #tpu.memory_space<vmem>>, vector<1x16xf32>,
      %swap3A_71 = vector.shape_cast %swap3A_70 : vector<1x16xf32> to vector<16xf32>
      %swap3A_72 = vector.shape_cast %add3A_68 : vector<16xf32> to vector<1x16xf32>
      tpu.vector_store %arg8[%swap3A, %swap3A_69], %swap3A_72 {strides = array<i32>} : memref<64x768xf32, #tpu.memory_space<vmem>>, vector<1x16xf32>,
      %get3A_73 = arith.index_cast %add3A_60 : i32 to index
      %get3A_74 = arith.constant 16 : index
      %get3A_75 = tpu.vector_load %arg8[%get3A_73, %get3A_74] {strides = array<i32>} : memref<64x768xf32, #tpu.memory_space<vmem>>, vector<1x16xf32>,
      %get3A_76 = vector.shape_cast %get3A_75 : vector<1x16xf32> to vector<16xf32>
      %get3A_77 = arith.index_cast %add3A_60 : i32 to index
      %get3A_78 = arith.constant 16 : index
      %get3A_79 = tpu.vector_load %arg9[%get3A_77, %get3A_78] {strides = array<i32>} : memref<64x768xf32, #tpu.memory_space<vmem>>, vector<1x16xf32>,
      %get3A_80 = vector.shape_cast %get3A_79 : vector<1x16xf32> to vector<16xf32>
      %add3A_81 = arith.addf %get3A_76, %get3A_80 : vector<16xf32>
      %swap3A_82 = arith.index_cast %add3A_60 : i32 to index
      %swap3A_83 = arith.constant 16 : index
      %swap3A_84 = tpu.vector_load %arg8[%swap3A_82, %swap3A_83] {strides = array<i32>} : memref<64x768xf32, #tpu.memory_space<vmem>>, vector<1x16xf32>,
      %swap3A_85 = vector.shape_cast %swap3A_84 : vector<1x16xf32> to vector<16xf32>
      %swap3A_86 = vector.shape_cast %add3A_81 : vector<16xf32> to vector<1x16xf32>
      tpu.vector_store %arg8[%swap3A_82, %swap3A_83], %swap3A_86 {strides = array<i32>} : memref<64x768xf32, #tpu.memory_space<vmem>>, vector<1x16xf32>,
      %get3A_87 = arith.index_cast %add3A_60 : i32 to index
      %get3A_88 = arith.constant 32 : index
      %get3A_89 = tpu.vector_load %arg8[%get3A_87, %get3A_88] {strides = array<i32>} : memref<64x768xf32, #tpu.memory_space<vmem>>, vector<1x16xf32>,
      %get3A_90 = vector.shape_cast %get3A_89 : vector<1x16xf32> to vector<16xf32>
      %get3A_91 = arith.index_cast %add3A_60 : i32 to index
      %get3A_92 = arith.constant 32 : index
      %get3A_93 = tpu.vector_load %arg9[%get3A_91, %get3A_92] {strides = array<i32>} : memref<64x768xf32, #tpu.memory_space<vmem>>, vector<1x16xf32>,
      %get3A_94 = vector.shape_cast %get3A_93 : vector<1x16xf32> to vector<16xf32>
      %add3A_95 = arith.addf %get3A_90, %get3A_94 : vector<16xf32>
      %swap3A_96 = arith.index_cast %add3A_60 : i32 to index
      %swap3A_97 = arith.constant 32 : index
      %swap3A_98 = tpu.vector_load %arg8[%swap3A_96, %swap3A_97] {strides = array<i32>} : memref<64x768xf32, #tpu.memory_space<vmem>>, vector<1x16xf32>,
      %swap3A_99 = vector.shape_cast %swap3A_98 : vector<1x16xf32> to vector<16xf32>
      %swap3A_100 = vector.shape_cast %add3A_95 : vector<16xf32> to vector<1x16xf32>
      tpu.vector_store %arg8[%swap3A_96, %swap3A_97], %swap3A_100 {strides = array<i32>} : memref<64x768xf32, #tpu.memory_space<vmem>>, vector<1x16xf32>,
      %get3A_101 = arith.index_cast %add3A_60 : i32 to index
      %get3A_102 = arith.constant 48 : index
      %get3A_103 = tpu.vector_load %arg8[%get3A_101, %get3A_102] {strides = array<i32>} : memref<64x768xf32, #tpu.memory_space<vmem>>, vector<1x16xf32>,
      %get3A_104 = vector.shape_cast %get3A_103 : vector<1x16xf32> to vector<16xf32>
      %get3A_105 = arith.index_cast %add3A_60 : i32 to index
      %get3A_106 = arith.constant 48 : index
      %get3A_107 = tpu.vector_load %arg9[%get3A_105, %get3A_106] {strides = array<i32>} : memref<64x768xf32, #tpu.memory_space<vmem>>, vector<1x16xf32>,
      %get3A_108 = vector.shape_cast %get3A_107 : vector<1x16xf32> to vector<16xf32>
      %add3A_109 = arith.addf %get3A_104, %get3A_108 : vector<16xf32>
      %swap3A_110 = arith.index_cast %add3A_60 : i32 to index
      %swap3A_111 = arith.constant 48 : index
      %swap3A_112 = tpu.vector_load %arg8[%swap3A_110, %swap3A_111] {strides = array<i32>} : memref<64x768xf32, #tpu.memory_space<vmem>>, vector<1x16xf32>,
      %swap3A_113 = vector.shape_cast %swap3A_112 : vector<1x16xf32> to vector<16xf32>
      %swap3A_114 = vector.shape_cast %add3A_109 : vector<16xf32> to vector<1x16xf32>
      tpu.vector_store %arg8[%swap3A_110, %swap3A_111], %swap3A_114 {strides = array<i32>} : memref<64x768xf32, #tpu.memory_space<vmem>>, vector<1x16xf32>,
      %get3A_115 = arith.index_cast %add3A_60 : i32 to index
      %get3A_116 = arith.constant 64 : index
      %get3A_117 = tpu.vector_load %arg8[%get3A_115, %get3A_116] {strides = array<i32>} : memref<64x768xf32, #tpu.memory_space<vmem>>, vector<1x16xf32>,
      %get3A_118 = vector.shape_cast %get3A_117 : vector<1x16xf32> to vector<16xf32>
      %get3A_119 = arith.index_cast %add3A_60 : i32 to index
      %get3A_120 = arith.constant 64 : index
      %get3A_121 = tpu.vector_load %arg9[%get3A_119, %get3A_120] {strides = array<i32>} : memref<64x768xf32, #tpu.memory_space<vmem>>, vector<1x16xf32>,
      %get3A_122 = vector.shape_cast %get3A_121 : vector<1x16xf32> to vector<16xf32>
      %add3A_123 = arith.addf %get3A_118, %get3A_122 : vector<16xf32>
      %swap3A_124 = arith.index_cast %add3A_60 : i32 to index
      %swap3A_125 = arith.constant 64 : index
      %swap3A_126 = tpu.vector_load %arg8[%swap3A_124, %swap3A_125] {strides = array<i32>} : memref<64x768xf32, #tpu.memory_space<vmem>>, vector<1x16xf32>,
      %swap3A_127 = vector.shape_cast %swap3A_126 : vector<1x16xf32> to vector<16xf32>
      %swap3A_128 = vector.shape_cast %add3A_123 : vector<16xf32> to vector<1x16xf32>
      tpu.vector_store %arg8[%swap3A_124, %swap3A_125], %swap3A_128 {strides = array<i32>} : memref<64x768xf32, #tpu.memory_space<vmem>>, vector<1x16xf32>,
      %get3A_129 = arith.index_cast %add3A_60 : i32 to index
      %get3A_130 = arith.constant 80 : index
      %get3A_131 = tpu.vector_load %arg8[%get3A_129, %get3A_130] {strides = array<i32>} : memref<64x768xf32, #tpu.memory_space<vmem>>, vector<1x16xf32>,
      %get3A_132 = vector.shape_cast %get3A_131 : vector<1x16xf32> to vector<16xf32>
      %get3A_133 = arith.index_cast %add3A_60 : i32 to index
      %get3A_134 = arith.constant 80 : index
      %get3A_135 = tpu.vector_load %arg9[%get3A_133, %get3A_134] {strides = array<i32>} : memref<64x768xf32, #tpu.memory_space<vmem>>, vector<1x16xf32>,
      %get3A_136 = vector.shape_cast %get3A_135 : vector<1x16xf32> to vector<16xf32>
      %add3A_137 = arith.addf %get3A_132, %get3A_136 : vector<16xf32>
      %swap3A_138 = arith.index_cast %add3A_60 : i32 to index
      %swap3A_139 = arith.constant 80 : index
      %swap3A_140 = tpu.vector_load %arg8[%swap3A_138, %swap3A_139] {strides = array<i32>} : memref<64x768xf32, #tpu.memory_space<vmem>>, vector<1x16xf32>,
      %swap3A_141 = vector.shape_cast %swap3A_140 : vector<1x16xf32> to vector<16xf32>
      %swap3A_142 = vector.shape_cast %add3A_137 : vector<16xf32> to vector<1x16xf32>
      tpu.vector_store %arg8[%swap3A_138, %swap3A_139], %swap3A_142 {strides = array<i32>} : memref<64x768xf32, #tpu.memory_space<vmem>>, vector<1x16xf32>,
      %get3A_143 = arith.index_cast %add3A_60 : i32 to index
      %get3A_144 = arith.constant 96 : index
      %get3A_145 = tpu.vector_load %arg8[%get3A_143, %get3A_144] {strides = array<i32>} : memref<64x768xf32, #tpu.memory_space<vmem>>, vector<1x16xf32>,
      %get3A_146 = vector.shape_cast %get3A_145 : vector<1x16xf32> to vector<16xf32>
      %get3A_147 = arith.index_cast %add3A_60 : i32 to index
      %get3A_148 = arith.constant 96 : index
      %get3A_149 = tpu.vector_load %arg9[%get3A_147, %get3A_148] {strides = array<i32>} : memref<64x768xf32, #tpu.memory_space<vmem>>, vector<1x16xf32>,
      %get3A_150 = vector.shape_cast %get3A_149 : vector<1x16xf32> to vector<16xf32>
      %add3A_151 = arith.addf %get3A_146, %get3A_150 : vector<16xf32>
      %swap3A_152 = arith.index_cast %add3A_60 : i32 to index
      %swap3A_153 = arith.constant 96 : index
      %swap3A_154 = tpu.vector_load %arg8[%swap3A_152, %swap3A_153] {strides = array<i32>} : memref<64x768xf32, #tpu.memory_space<vmem>>, vector<1x16xf32>,
      %swap3A_155 = vector.shape_cast %swap3A_154 : vector<1x16xf32> to vector<16xf32>
      %swap3A_156 = vector.shape_cast %add3A_151 : vector<16xf32> to vector<1x16xf32>
      tpu.vector_store %arg8[%swap3A_152, %swap3A_153], %swap3A_156 {strides = array<i32>} : memref<64x768xf32, #tpu.memory_space<vmem>>, vector<1x16xf32>,
      %get3A_157 = arith.index_cast %add3A_60 : i32 to index
      %get3A_158 = arith.constant 112 : index
      %get3A_159 = tpu.vector_load %arg8[%get3A_157, %get3A_158] {strides = array<i32>} : memref<64x768xf32, #tpu.memory_space<vmem>>, vector<1x16xf32>,
      %get3A_160 = vector.shape_cast %get3A_159 : vector<1x16xf32> to vector<16xf32>
      %get3A_161 = arith.index_cast %add3A_60 : i32 to index
      %get3A_162 = arith.constant 112 : index
      %get3A_163 = tpu.vector_load %arg9[%get3A_161, %get3A_162] {strides = array<i32>} : memref<64x768xf32, #tpu.memory_space<vmem>>, vector<1x16xf32>,
      %get3A_164 = vector.shape_cast %get3A_163 : vector<1x16xf32> to vector<16xf32>
      %add3A_165 = arith.addf %get3A_160, %get3A_164 : vector<16xf32>
      %swap3A_166 = arith.index_cast %add3A_60 : i32 to index
      %swap3A_167 = arith.constant 112 : index
      %swap3A_168 = tpu.vector_load %arg8[%swap3A_166, %swap3A_167] {strides = array<i32>} : memref<64x768xf32, #tpu.memory_space<vmem>>, vector<1x16xf32>,
      %swap3A_169 = vector.shape_cast %swap3A_168 : vector<1x16xf32> to vector<16xf32>
      %swap3A_170 = vector.shape_cast %add3A_165 : vector<16xf32> to vector<1x16xf32>
      tpu.vector_store %arg8[%swap3A_166, %swap3A_167], %swap3A_170 {strides = array<i32>} : memref<64x768xf32, #tpu.memory_space<vmem>>, vector<1x16xf32>,
      %get3A_171 = arith.index_cast %add3A_60 : i32 to index
      %get3A_172 = arith.constant 128 : index
      %get3A_173 = tpu.vector_load %arg8[%get3A_171, %get3A_172] {strides = array<i32>} : memref<64x768xf32, #tpu.memory_space<vmem>>, vector<1x16xf32>,
      %get3A_174 = vector.shape_cast %get3A_173 : vector<1x16xf32> to vector<16xf32>
      %get3A_175 = arith.index_cast %add3A_60 : i32 to index
      %get3A_176 = arith.constant 128 : index
      %get3A_177 = tpu.vector_load %arg9[%get3A_175, %get3A_176] {strides = array<i32>} : memref<64x768xf32, #tpu.memory_space<vmem>>, vector<1x16xf32>,
      %get3A_178 = vector.shape_cast %get3A_177 : vector<1x16xf32> to vector<16xf32>
      %add3A_179 = arith.addf %get3A_174, %get3A_178 : vector<16xf32>
      %swap3A_180 = arith.index_cast %add3A_60 : i32 to index
      %swap3A_181 = arith.constant 128 : index
      %swap3A_182 = tpu.vector_load %arg8[%swap3A_180, %swap3A_181] {strides = array<i32>} : memref<64x768xf32, #tpu.memory_space<vmem>>, vector<1x16xf32>,
      %swap3A_183 = vector.shape_cast %swap3A_182 : vector<1x16xf32> to vector<16xf32>
      %swap3A_184 = vector.shape_cast %add3A_179 : vector<16xf32> to vector<1x16xf32>
      tpu.vector_store %arg8[%swap3A_180, %swap3A_181], %swap3A_184 {strides = array<i32>} : memref<64x768xf32, #tpu.memory_space<vmem>>, vector<1x16xf32>,
      %get3A_185 = arith.index_cast %add3A_60 : i32 to index
      %get3A_186 = arith.constant 144 : index
      %get3A_187 = tpu.vector_load %arg8[%get3A_185, %get3A_186] {strides = array<i32>} : memref<64x768xf32, #tpu.memory_space<vmem>>, vector<1x16xf32>,
      %get3A_188 = vector.shape_cast %get3A_187 : vector<1x16xf32> to vector<16xf32>
      %get3A_189 = arith.index_cast %add3A_60 : i32 to index
      %get3A_190 = arith.constant 144 : index
      %get3A_191 = tpu.vector_load %arg9[%get3A_189, %get3A_190] {strides = array<i32>} : memref<64x768xf32, #tpu.memory_space<vmem>>, vector<1x16xf32>,
      %get3A_192 = vector.shape_cast %get3A_191 : vector<1x16xf32> to vector<16xf32>
      %add3A_193 = arith.addf %get3A_188, %get3A_192 : vector<16xf32>
      %swap3A_194 = arith.index_cast %add3A_60 : i32 to index
      %swap3A_195 = arith.constant 144 : index
      %swap3A_196 = tpu.vector_load %arg8[%swap3A_194, %swap3A_195] {strides = array<i32>} : memref<64x768xf32, #tpu.memory_space<vmem>>, vector<1x16xf32>,
      %swap3A_197 = vector.shape_cast %swap3A_196 : vector<1x16xf32> to vector<16xf32>
      %swap3A_198 = vector.shape_cast %add3A_193 : vector<16xf32> to vector<1x16xf32>
      tpu.vector_store %arg8[%swap3A_194, %swap3A_195], %swap3A_198 {strides = array<i32>} : memref<64x768xf32, #tpu.memory_space<vmem>>, vector<1x16xf32>,
      %get3A_199 = arith.index_cast %add3A_60 : i32 to index
      %get3A_200 = arith.constant 160 : index
      %get3A_201 = tpu.vector_load %arg8[%get3A_199, %get3A_200] {strides = array<i32>} : memref<64x768xf32, #tpu.memory_space<vmem>>, vector<1x16xf32>,
      %get3A_202 = vector.shape_cast %get3A_201 : vector<1x16xf32> to vector<16xf32>
      %get3A_203 = arith.index_cast %add3A_60 : i32 to index
      %get3A_204 = arith.constant 160 : index
      %get3A_205 = tpu.vector_load %arg9[%get3A_203, %get3A_204] {strides = array<i32>} : memref<64x768xf32, #tpu.memory_space<vmem>>, vector<1x16xf32>,
      %get3A_206 = vector.shape_cast %get3A_205 : vector<1x16xf32> to vector<16xf32>
      %add3A_207 = arith.addf %get3A_202, %get3A_206 : vector<16xf32>
      %swap3A_208 = arith.index_cast %add3A_60 : i32 to index
      %swap3A_209 = arith.constant 160 : index
      %swap3A_210 = tpu.vector_load %arg8[%swap3A_208, %swap3A_209] {strides = array<i32>} : memref<64x768xf32, #tpu.memory_space<vmem>>, vector<1x16xf32>,
      %swap3A_211 = vector.shape_cast %swap3A_210 : vector<1x16xf32> to vector<16xf32>
      %swap3A_212 = vector.shape_cast %add3A_207 : vector<16xf32> to vector<1x16xf32>
      tpu.vector_store %arg8[%swap3A_208, %swap3A_209], %swap3A_212 {strides = array<i32>} : memref<64x768xf32, #tpu.memory_space<vmem>>, vector<1x16xf32>,
      %get3A_213 = arith.index_cast %add3A_60 : i32 to index
      %get3A_214 = arith.constant 176 : index
      %get3A_215 = tpu.vector_load %arg8[%get3A_213, %get3A_214] {strides = array<i32>} : memref<64x768xf32, #tpu.memory_space<vmem>>, vector<1x16xf32>,
      %get3A_216 = vector.shape_cast %get3A_215 : vector<1x16xf32> to vector<16xf32>
      %get3A_217 = arith.index_cast %add3A_60 : i32 to index
      %get3A_218 = arith.constant 176 : index
      %get3A_219 = tpu.vector_load %arg9[%get3A_217, %get3A_218] {strides = array<i32>} : memref<64x768xf32, #tpu.memory_space<vmem>>, vector<1x16xf32>,
      %get3A_220 = vector.shape_cast %get3A_219 : vector<1x16xf32> to vector<16xf32>
      %add3A_221 = arith.addf %get3A_216, %get3A_220 : vector<16xf32>
      %swap3A_222 = arith.index_cast %add3A_60 : i32 to index
      %swap3A_223 = arith.constant 176 : index
      %swap3A_224 = tpu.vector_load %arg8[%swap3A_222, %swap3A_223] {strides = array<i32>} : memref<64x768xf32, #tpu.memory_space<vmem>>, vector<1x16xf32>,
      %swap3A_225 = vector.shape_cast %swap3A_224 : vector<1x16xf32> to vector<16xf32>
      %swap3A_226 = vector.shape_cast %add3A_221 : vector<16xf32> to vector<1x16xf32>
      tpu.vector_store %arg8[%swap3A_222, %swap3A_223], %swap3A_226 {strides = array<i32>} : memref<64x768xf32, #tpu.memory_space<vmem>>, vector<1x16xf32>,
      %get3A_227 = arith.index_cast %add3A_60 : i32 to index
      %get3A_228 = arith.constant 192 : index
      %get3A_229 = tpu.vector_load %arg8[%get3A_227, %get3A_228] {strides = array<i32>} : memref<64x768xf32, #tpu.memory_space<vmem>>, vector<1x16xf32>,
      %get3A_230 = vector.shape_cast %get3A_229 : vector<1x16xf32> to vector<16xf32>
      %get3A_231 = arith.index_cast %add3A_60 : i32 to index
      %get3A_232 = arith.constant 192 : index
      %get3A_233 = tpu.vector_load %arg9[%get3A_231, %get3A_232] {strides = array<i32>} : memref<64x768xf32, #tpu.memory_space<vmem>>, vector<1x16xf32>,
      %get3A_234 = vector.shape_cast %get3A_233 : vector<1x16xf32> to vector<16xf32>
      %add3A_235 = arith.addf %get3A_230, %get3A_234 : vector<16xf32>
      %swap3A_236 = arith.index_cast %add3A_60 : i32 to index
      %swap3A_237 = arith.constant 192 : index
      %swap3A_238 = tpu.vector_load %arg8[%swap3A_236, %swap3A_237] {strides = array<i32>} : memref<64x768xf32, #tpu.memory_space<vmem>>, vector<1x16xf32>,
      %swap3A_239 = vector.shape_cast %swap3A_238 : vector<1x16xf32> to vector<16xf32>
      %swap3A_240 = vector.shape_cast %add3A_235 : vector<16xf32> to vector<1x16xf32>
      tpu.vector_store %arg8[%swap3A_236, %swap3A_237], %swap3A_240 {strides = array<i32>} : memref<64x768xf32, #tpu.memory_space<vmem>>, vector<1x16xf32>,
      %get3A_241 = arith.index_cast %add3A_60 : i32 to index
      %get3A_242 = arith.constant 208 : index
      %get3A_243 = tpu.vector_load %arg8[%get3A_241, %get3A_242] {strides = array<i32>} : memref<64x768xf32, #tpu.memory_space<vmem>>, vector<1x16xf32>,
      %get3A_244 = vector.shape_cast %get3A_243 : vector<1x16xf32> to vector<16xf32>
      %get3A_245 = arith.index_cast %add3A_60 : i32 to index
      %get3A_246 = arith.constant 208 : index
      %get3A_247 = tpu.vector_load %arg9[%get3A_245, %get3A_246] {strides = array<i32>} : memref<64x768xf32, #tpu.memory_space<vmem>>, vector<1x16xf32>,
      %get3A_248 = vector.shape_cast %get3A_247 : vector<1x16xf32> to vector<16xf32>
      %add3A_249 = arith.addf %get3A_244, %get3A_248 : vector<16xf32>
      %swap3A_250 = arith.index_cast %add3A_60 : i32 to index
      %swap3A_251 = arith.constant 208 : index
      %swap3A_252 = tpu.vector_load %arg8[%swap3A_250, %swap3A_251] {strides = array<i32>} : memref<64x768xf32, #tpu.memory_space<vmem>>, vector<1x16xf32>,
      %swap3A_253 = vector.shape_cast %swap3A_252 : vector<1x16xf32> to vector<16xf32>
      %swap3A_254 = vector.shape_cast %add3A_249 : vector<16xf32> to vector<1x16xf32>
      tpu.vector_store %arg8[%swap3A_250, %swap3A_251], %swap3A_254 {strides = array<i32>} : memref<64x768xf32, #tpu.memory_space<vmem>>, vector<1x16xf32>,
      %get3A_255 = arith.index_cast %add3A_60 : i32 to index
      %get3A_256 = arith.constant 224 : index
      %get3A_257 = tpu.vector_load %arg8[%get3A_255, %get3A_256] {strides = array<i32>} : memref<64x768xf32, #tpu.memory_space<vmem>>, vector<1x16xf32>,
      %get3A_258 = vector.shape_cast %get3A_257 : vector<1x16xf32> to vector<16xf32>
      %get3A_259 = arith.index_cast %add3A_60 : i32 to index
      %get3A_260 = arith.constant 224 : index
      %get3A_261 = tpu.vector_load %arg9[%get3A_259, %get3A_260] {strides = array<i32>} : memref<64x768xf32, #tpu.memory_space<vmem>>, vector<1x16xf32>,
      %get3A_262 = vector.shape_cast %get3A_261 : vector<1x16xf32> to vector<16xf32>
      %add3A_263 = arith.addf %get3A_258, %get3A_262 : vector<16xf32>
      %swap3A_264 = arith.index_cast %add3A_60 : i32 to index
      %swap3A_265 = arith.constant 224 : index
      %swap3A_266 = tpu.vector_load %arg8[%swap3A_264, %swap3A_265] {strides = array<i32>} : memref<64x768xf32, #tpu.memory_space<vmem>>, vector<1x16xf32>,
      %swap3A_267 = vector.shape_cast %swap3A_266 : vector<1x16xf32> to vector<16xf32>
      %swap3A_268 = vector.shape_cast %add3A_263 : vector<16xf32> to vector<1x16xf32>
      tpu.vector_store %arg8[%swap3A_264, %swap3A_265], %swap3A_268 {strides = array<i32>} : memref<64x768xf32, #tpu.memory_space<vmem>>, vector<1x16xf32>,
      %get3A_269 = arith.index_cast %add3A_60 : i32 to index
      %get3A_270 = arith.constant 240 : index
      %get3A_271 = tpu.vector_load %arg8[%get3A_269, %get3A_270] {strides = array<i32>} : memref<64x768xf32, #tpu.memory_space<vmem>>, vector<1x16xf32>,
      %get3A_272 = vector.shape_cast %get3A_271 : vector<1x16xf32> to vector<16xf32>
      %get3A_273 = arith.index_cast %add3A_60 : i32 to index
      %get3A_274 = arith.constant 240 : index
      %get3A_275 = tpu.vector_load %arg9[%get3A_273, %get3A_274] {strides = array<i32>} : memref<64x768xf32, #tpu.memory_space<vmem>>, vector<1x16xf32>,
      %get3A_276 = vector.shape_cast %get3A_275 : vector<1x16xf32> to vector<16xf32>
      %add3A_277 = arith.addf %get3A_272, %get3A_276 : vector<16xf32>
      %swap3A_278 = arith.index_cast %add3A_60 : i32 to index
      %swap3A_279 = arith.constant 240 : index
      %swap3A_280 = tpu.vector_load %arg8[%swap3A_278, %swap3A_279] {strides = array<i32>} : memref<64x768xf32, #tpu.memory_space<vmem>>, vector<1x16xf32>,
      %swap3A_281 = vector.shape_cast %swap3A_280 : vector<1x16xf32> to vector<16xf32>
      %swap3A_282 = vector.shape_cast %add3A_277 : vector<16xf32> to vector<1x16xf32>
      tpu.vector_store %arg8[%swap3A_278, %swap3A_279], %swap3A_282 {strides = array<i32>} : memref<64x768xf32, #tpu.memory_space<vmem>>, vector<1x16xf32>,
      %get3A_283 = arith.index_cast %add3A_60 : i32 to index
      %get3A_284 = arith.constant 256 : index
      %get3A_285 = tpu.vector_load %arg8[%get3A_283, %get3A_284] {strides = array<i32>} : memref<64x768xf32, #tpu.memory_space<vmem>>, vector<1x16xf32>,
      %get3A_286 = vector.shape_cast %get3A_285 : vector<1x16xf32> to vector<16xf32>
      %get3A_287 = arith.index_cast %add3A_60 : i32 to index
      %get3A_288 = arith.constant 256 : index
      %get3A_289 = tpu.vector_load %arg9[%get3A_287, %get3A_288] {strides = array<i32>} : memref<64x768xf32, #tpu.memory_space<vmem>>, vector<1x16xf32>,
      %get3A_290 = vector.shape_cast %get3A_289 : vector<1x16xf32> to vector<16xf32>
      %add3A_291 = arith.addf %get3A_286, %get3A_290 : vector<16xf32>
      %swap3A_292 = arith.index_cast %add3A_60 : i32 to index
      %swap3A_293 = arith.constant 256 : index
      %swap3A_294 = tpu.vector_load %arg8[%swap3A_292, %swap3A_293] {strides = array<i32>} : memref<64x768xf32, #tpu.memory_space<vmem>>, vector<1x16xf32>,
      %swap3A_295 = vector.shape_cast %swap3A_294 : vector<1x16xf32> to vector<16xf32>
      %swap3A_296 = vector.shape_cast %add3A_291 : vector<16xf32> to vector<1x16xf32>
      tpu.vector_store %arg8[%swap3A_292, %swap3A_293], %swap3A_296 {strides = array<i32>} : memref<64x768xf32, #tpu.memory_space<vmem>>, vector<1x16xf32>,
      %get3A_297 = arith.index_cast %add3A_60 : i32 to index
      %get3A_298 = arith.constant 272 : index
      %get3A_299 = tpu.vector_load %arg8[%get3A_297, %get3A_298] {strides = array<i32>} : memref<64x768xf32, #tpu.memory_space<vmem>>, vector<1x16xf32>,
      %get3A_300 = vector.shape_cast %get3A_299 : vector<1x16xf32> to vector<16xf32>
      %get3A_301 = arith.index_cast %add3A_60 : i32 to index
      %get3A_302 = arith.constant 272 : index
      %get3A_303 = tpu.vector_load %arg9[%get3A_301, %get3A_302] {strides = array<i32>} : memref<64x768xf32, #tpu.memory_space<vmem>>, vector<1x16xf32>,
      %get3A_304 = vector.shape_cast %get3A_303 : vector<1x16xf32> to vector<16xf32>
      %add3A_305 = arith.addf %get3A_300, %get3A_304 : vector<16xf32>
      %swap3A_306 = arith.index_cast %add3A_60 : i32 to index
      %swap3A_307 = arith.constant 272 : index
      %swap3A_308 = tpu.vector_load %arg8[%swap3A_306, %swap3A_307] {strides = array<i32>} : memref<64x768xf32, #tpu.memory_space<vmem>>, vector<1x16xf32>,
      %swap3A_309 = vector.shape_cast %swap3A_308 : vector<1x16xf32> to vector<16xf32>
      %swap3A_310 = vector.shape_cast %add3A_305 : vector<16xf32> to vector<1x16xf32>
      tpu.vector_store %arg8[%swap3A_306, %swap3A_307], %swap3A_310 {strides = array<i32>} : memref<64x768xf32, #tpu.memory_space<vmem>>, vector<1x16xf32>,
      %get3A_311 = arith.index_cast %add3A_60 : i32 to index
      %get3A_312 = arith.constant 288 : index
      %get3A_313 = tpu.vector_load %arg8[%get3A_311, %get3A_312] {strides = array<i32>} : memref<64x768xf32, #tpu.memory_space<vmem>>, vector<1x16xf32>,
      %get3A_314 = vector.shape_cast %get3A_313 : vector<1x16xf32> to vector<16xf32>
      %get3A_315 = arith.index_cast %add3A_60 : i32 to index
      %get3A_316 = arith.constant 288 : index
      %get3A_317 = tpu.vector_load %arg9[%get3A_315, %get3A_316] {strides = array<i32>} : memref<64x768xf32, #tpu.memory_space<vmem>>, vector<1x16xf32>,
      %get3A_318 = vector.shape_cast %get3A_317 : vector<1x16xf32> to vector<16xf32>
      %add3A_319 = arith.addf %get3A_314, %get3A_318 : vector<16xf32>
      %swap3A_320 = arith.index_cast %add3A_60 : i32 to index
      %swap3A_321 = arith.constant 288 : index
      %swap3A_322 = tpu.vector_load %arg8[%swap3A_320, %swap3A_321] {strides = array<i32>} : memref<64x768xf32, #tpu.memory_space<vmem>>, vector<1x16xf32>,
      %swap3A_323 = vector.shape_cast %swap3A_322 : vector<1x16xf32> to vector<16xf32>
      %swap3A_324 = vector.shape_cast %add3A_319 : vector<16xf32> to vector<1x16xf32>
      tpu.vector_store %arg8[%swap3A_320, %swap3A_321], %swap3A_324 {strides = array<i32>} : memref<64x768xf32, #tpu.memory_space<vmem>>, vector<1x16xf32>,
      %get3A_325 = arith.index_cast %add3A_60 : i32 to index
      %get3A_326 = arith.constant 304 : index
      %get3A_327 = tpu.vector_load %arg8[%get3A_325, %get3A_326] {strides = array<i32>} : memref<64x768xf32, #tpu.memory_space<vmem>>, vector<1x16xf32>,
      %get3A_328 = vector.shape_cast %get3A_327 : vector<1x16xf32> to vector<16xf32>
      %get3A_329 = arith.index_cast %add3A_60 : i32 to index
      %get3A_330 = arith.constant 304 : index
      %get3A_331 = tpu.vector_load %arg9[%get3A_329, %get3A_330] {strides = array<i32>} : memref<64x768xf32, #tpu.memory_space<vmem>>, vector<1x16xf32>,
      %get3A_332 = vector.shape_cast %get3A_331 : vector<1x16xf32> to vector<16xf32>
      %add3A_333 = arith.addf %get3A_328, %get3A_332 : vector<16xf32>
      %swap3A_334 = arith.index_cast %add3A_60 : i32 to index
      %swap3A_335 = arith.constant 304 : index
      %swap3A_336 = tpu.vector_load %arg8[%swap3A_334, %swap3A_335] {strides = array<i32>} : memref<64x768xf32, #tpu.memory_space<vmem>>, vector<1x16xf32>,
      %swap3A_337 = vector.shape_cast %swap3A_336 : vector<1x16xf32> to vector<16xf32>
      %swap3A_338 = vector.shape_cast %add3A_333 : vector<16xf32> to vector<1x16xf32>
      tpu.vector_store %arg8[%swap3A_334, %swap3A_335], %swap3A_338 {strides = array<i32>} : memref<64x768xf32, #tpu.memory_space<vmem>>, vector<1x16xf32>,
      %get3A_339 = arith.index_cast %add3A_60 : i32 to index
      %get3A_340 = arith.constant 320 : index
      %get3A_341 = tpu.vector_load %arg8[%get3A_339, %get3A_340] {strides = array<i32>} : memref<64x768xf32, #tpu.memory_space<vmem>>, vector<1x16xf32>,
      %get3A_342 = vector.shape_cast %get3A_341 : vector<1x16xf32> to vector<16xf32>
      %get3A_343 = arith.index_cast %add3A_60 : i32 to index
      %get3A_344 = arith.constant 320 : index
      %get3A_345 = tpu.vector_load %arg9[%get3A_343, %get3A_344] {strides = array<i32>} : memref<64x768xf32, #tpu.memory_space<vmem>>, vector<1x16xf32>,
      %get3A_346 = vector.shape_cast %get3A_345 : vector<1x16xf32> to vector<16xf32>
      %add3A_347 = arith.addf %get3A_342, %get3A_346 : vector<16xf32>
      %swap3A_348 = arith.index_cast %add3A_60 : i32 to index
      %swap3A_349 = arith.constant 320 : index
      %swap3A_350 = tpu.vector_load %arg8[%swap3A_348, %swap3A_349] {strides = array<i32>} : memref<64x768xf32, #tpu.memory_space<vmem>>, vector<1x16xf32>,
      %swap3A_351 = vector.shape_cast %swap3A_350 : vector<1x16xf32> to vector<16xf32>
      %swap3A_352 = vector.shape_cast %add3A_347 : vector<16xf32> to vector<1x16xf32>
      tpu.vector_store %arg8[%swap3A_348, %swap3A_349], %swap3A_352 {strides = array<i32>} : memref<64x768xf32, #tpu.memory_space<vmem>>, vector<1x16xf32>,
      %get3A_353 = arith.index_cast %add3A_60 : i32 to index
      %get3A_354 = arith.constant 336 : index
      %get3A_355 = tpu.vector_load %arg8[%get3A_353, %get3A_354] {strides = array<i32>} : memref<64x768xf32, #tpu.memory_space<vmem>>, vector<1x16xf32>,
      %get3A_356 = vector.shape_cast %get3A_355 : vector<1x16xf32> to vector<16xf32>
      %get3A_357 = arith.index_cast %add3A_60 : i32 to index
      %get3A_358 = arith.constant 336 : index
      %get3A_359 = tpu.vector_load %arg9[%get3A_357, %get3A_358] {strides = array<i32>} : memref<64x768xf32, #tpu.memory_space<vmem>>, vector<1x16xf32>,
      %get3A_360 = vector.shape_cast %get3A_359 : vector<1x16xf32> to vector<16xf32>
      %add3A_361 = arith.addf %get3A_356, %get3A_360 : vector<16xf32>
      %swap3A_362 = arith.index_cast %add3A_60 : i32 to index
      %swap3A_363 = arith.constant 336 : index
      %swap3A_364 = tpu.vector_load %arg8[%swap3A_362, %swap3A_363] {strides = array<i32>} : memref<64x768xf32, #tpu.memory_space<vmem>>, vector<1x16xf32>,
      %swap3A_365 = vector.shape_cast %swap3A_364 : vector<1x16xf32> to vector<16xf32>
      %swap3A_366 = vector.shape_cast %add3A_361 : vector<16xf32> to vector<1x16xf32>
      tpu.vector_store %arg8[%swap3A_362, %swap3A_363], %swap3A_366 {strides = array<i32>} : memref<64x768xf32, #tpu.memory_space<vmem>>, vector<1x16xf32>,
      %get3A_367 = arith.index_cast %add3A_60 : i32 to index
      %get3A_368 = arith.constant 352 : index
      %get3A_369 = tpu.vector_load %arg8[%get3A_367, %get3A_368] {strides = array<i32>} : memref<64x768xf32, #tpu.memory_space<vmem>>, vector<1x16xf32>,
      %get3A_370 = vector.shape_cast %get3A_369 : vector<1x16xf32> to vector<16xf32>
      %get3A_371 = arith.index_cast %add3A_60 : i32 to index
      %get3A_372 = arith.constant 352 : index
      %get3A_373 = tpu.vector_load %arg9[%get3A_371, %get3A_372] {strides = array<i32>} : memref<64x768xf32, #tpu.memory_space<vmem>>, vector<1x16xf32>,
      %get3A_374 = vector.shape_cast %get3A_373 : vector<1x16xf32> to vector<16xf32>
      %add3A_375 = arith.addf %get3A_370, %get3A_374 : vector<16xf32>
      %swap3A_376 = arith.index_cast %add3A_60 : i32 to index
      %swap3A_377 = arith.constant 352 : index
      %swap3A_378 = tpu.vector_load %arg8[%swap3A_376, %swap3A_377] {strides = array<i32>} : memref<64x768xf32, #tpu.memory_space<vmem>>, vector<1x16xf32>,
      %swap3A_379 = vector.shape_cast %swap3A_378 : vector<1x16xf32> to vector<16xf32>
      %swap3A_380 = vector.shape_cast %add3A_375 : vector<16xf32> to vector<1x16xf32>
      tpu.vector_store %arg8[%swap3A_376, %swap3A_377], %swap3A_380 {strides = array<i32>} : memref<64x768xf32, #tpu.memory_space<vmem>>, vector<1x16xf32>,
      %get3A_381 = arith.index_cast %add3A_60 : i32 to index
      %get3A_382 = arith.constant 368 : index
      %get3A_383 = tpu.vector_load %arg8[%get3A_381, %get3A_382] {strides = array<i32>} : memref<64x768xf32, #tpu.memory_space<vmem>>, vector<1x16xf32>,
      %get3A_384 = vector.shape_cast %get3A_383 : vector<1x16xf32> to vector<16xf32>
      %get3A_385 = arith.index_cast %add3A_60 : i32 to index
      %get3A_386 = arith.constant 368 : index
      %get3A_387 = tpu.vector_load %arg9[%get3A_385, %get3A_386] {strides = array<i32>} : memref<64x768xf32, #tpu.memory_space<vmem>>, vector<1x16xf32>,
      %get3A_388 = vector.shape_cast %get3A_387 : vector<1x16xf32> to vector<16xf32>
      %add3A_389 = arith.addf %get3A_384, %get3A_388 : vector<16xf32>
      %swap3A_390 = arith.index_cast %add3A_60 : i32 to index
      %swap3A_391 = arith.constant 368 : index
      %swap3A_392 = tpu.vector_load %arg8[%swap3A_390, %swap3A_391] {strides = array<i32>} : memref<64x768xf32, #tpu.memory_space<vmem>>, vector<1x16xf32>,
      %swap3A_393 = vector.shape_cast %swap3A_392 : vector<1x16xf32> to vector<16xf32>
      %swap3A_394 = vector.shape_cast %add3A_389 : vector<16xf32> to vector<1x16xf32>
      tpu.vector_store %arg8[%swap3A_390, %swap3A_391], %swap3A_394 {strides = array<i32>} : memref<64x768xf32, #tpu.memory_space<vmem>>, vector<1x16xf32>,
      %get3A_395 = arith.index_cast %add3A_60 : i32 to index
      %get3A_396 = arith.constant 384 : index
      %get3A_397 = tpu.vector_load %arg8[%get3A_395, %get3A_396] {strides = array<i32>} : memref<64x768xf32, #tpu.memory_space<vmem>>, vector<1x16xf32>,
      %get3A_398 = vector.shape_cast %get3A_397 : vector<1x16xf32> to vector<16xf32>
      %get3A_399 = arith.index_cast %add3A_60 : i32 to index
      %get3A_400 = arith.constant 384 : index
      %get3A_401 = tpu.vector_load %arg9[%get3A_399, %get3A_400] {strides = array<i32>} : memref<64x768xf32, #tpu.memory_space<vmem>>, vector<1x16xf32>,
      %get3A_402 = vector.shape_cast %get3A_401 : vector<1x16xf32> to vector<16xf32>
      %add3A_403 = arith.addf %get3A_398, %get3A_402 : vector<16xf32>
      %swap3A_404 = arith.index_cast %add3A_60 : i32 to index
      %swap3A_405 = arith.constant 384 : index
      %swap3A_406 = tpu.vector_load %arg8[%swap3A_404, %swap3A_405] {strides = array<i32>} : memref<64x768xf32, #tpu.memory_space<vmem>>, vector<1x16xf32>,
      %swap3A_407 = vector.shape_cast %swap3A_406 : vector<1x16xf32> to vector<16xf32>
      %swap3A_408 = vector.shape_cast %add3A_403 : vector<16xf32> to vector<1x16xf32>
      tpu.vector_store %arg8[%swap3A_404, %swap3A_405], %swap3A_408 {strides = array<i32>} : memref<64x768xf32, #tpu.memory_space<vmem>>, vector<1x16xf32>,
      %get3A_409 = arith.index_cast %add3A_60 : i32 to index
      %get3A_410 = arith.constant 400 : index
      %get3A_411 = tpu.vector_load %arg8[%get3A_409, %get3A_410] {strides = array<i32>} : memref<64x768xf32, #tpu.memory_space<vmem>>, vector<1x16xf32>,
      %get3A_412 = vector.shape_cast %get3A_411 : vector<1x16xf32> to vector<16xf32>
      %get3A_413 = arith.index_cast %add3A_60 : i32 to index
      %get3A_414 = arith.constant 400 : index
      %get3A_415 = tpu.vector_load %arg9[%get3A_413, %get3A_414] {strides = array<i32>} : memref<64x768xf32, #tpu.memory_space<vmem>>, vector<1x16xf32>,
      %get3A_416 = vector.shape_cast %get3A_415 : vector<1x16xf32> to vector<16xf32>
      %add3A_417 = arith.addf %get3A_412, %get3A_416 : vector<16xf32>
      %swap3A_418 = arith.index_cast %add3A_60 : i32 to index
      %swap3A_419 = arith.constant 400 : index
      %swap3A_420 = tpu.vector_load %arg8[%swap3A_418, %swap3A_419] {strides = array<i32>} : memref<64x768xf32, #tpu.memory_space<vmem>>, vector<1x16xf32>,
      %swap3A_421 = vector.shape_cast %swap3A_420 : vector<1x16xf32> to vector<16xf32>
      %swap3A_422 = vector.shape_cast %add3A_417 : vector<16xf32> to vector<1x16xf32>
      tpu.vector_store %arg8[%swap3A_418, %swap3A_419], %swap3A_422 {strides = array<i32>} : memref<64x768xf32, #tpu.memory_space<vmem>>, vector<1x16xf32>,
      %get3A_423 = arith.index_cast %add3A_60 : i32 to index
      %get3A_424 = arith.constant 416 : index
      %get3A_425 = tpu.vector_load %arg8[%get3A_423, %get3A_424] {strides = array<i32>} : memref<64x768xf32, #tpu.memory_space<vmem>>, vector<1x16xf32>,
      %get3A_426 = vector.shape_cast %get3A_425 : vector<1x16xf32> to vector<16xf32>
      %get3A_427 = arith.index_cast %add3A_60 : i32 to index
      %get3A_428 = arith.constant 416 : index
      %get3A_429 = tpu.vector_load %arg9[%get3A_427, %get3A_428] {strides = array<i32>} : memref<64x768xf32, #tpu.memory_space<vmem>>, vector<1x16xf32>,
      %get3A_430 = vector.shape_cast %get3A_429 : vector<1x16xf32> to vector<16xf32>
      %add3A_431 = arith.addf %get3A_426, %get3A_430 : vector<16xf32>
      %swap3A_432 = arith.index_cast %add3A_60 : i32 to index
      %swap3A_433 = arith.constant 416 : index
      %swap3A_434 = tpu.vector_load %arg8[%swap3A_432, %swap3A_433] {strides = array<i32>} : memref<64x768xf32, #tpu.memory_space<vmem>>, vector<1x16xf32>,
      %swap3A_435 = vector.shape_cast %swap3A_434 : vector<1x16xf32> to vector<16xf32>
      %swap3A_436 = vector.shape_cast %add3A_431 : vector<16xf32> to vector<1x16xf32>
      tpu.vector_store %arg8[%swap3A_432, %swap3A_433], %swap3A_436 {strides = array<i32>} : memref<64x768xf32, #tpu.memory_space<vmem>>, vector<1x16xf32>,
      %get3A_437 = arith.index_cast %add3A_60 : i32 to index
      %get3A_438 = arith.constant 432 : index
      %get3A_439 = tpu.vector_load %arg8[%get3A_437, %get3A_438] {strides = array<i32>} : memref<64x768xf32, #tpu.memory_space<vmem>>, vector<1x16xf32>,
      %get3A_440 = vector.shape_cast %get3A_439 : vector<1x16xf32> to vector<16xf32>
      %get3A_441 = arith.index_cast %add3A_60 : i32 to index
      %get3A_442 = arith.constant 432 : index
      %get3A_443 = tpu.vector_load %arg9[%get3A_441, %get3A_442] {strides = array<i32>} : memref<64x768xf32, #tpu.memory_space<vmem>>, vector<1x16xf32>,
      %get3A_444 = vector.shape_cast %get3A_443 : vector<1x16xf32> to vector<16xf32>
      %add3A_445 = arith.addf %get3A_440, %get3A_444 : vector<16xf32>
      %swap3A_446 = arith.index_cast %add3A_60 : i32 to index
      %swap3A_447 = arith.constant 432 : index
      %swap3A_448 = tpu.vector_load %arg8[%swap3A_446, %swap3A_447] {strides = array<i32>} : memref<64x768xf32, #tpu.memory_space<vmem>>, vector<1x16xf32>,
      %swap3A_449 = vector.shape_cast %swap3A_448 : vector<1x16xf32> to vector<16xf32>
      %swap3A_450 = vector.shape_cast %add3A_445 : vector<16xf32> to vector<1x16xf32>
      tpu.vector_store %arg8[%swap3A_446, %swap3A_447], %swap3A_450 {strides = array<i32>} : memref<64x768xf32, #tpu.memory_space<vmem>>, vector<1x16xf32>,
      %get3A_451 = arith.index_cast %add3A_60 : i32 to index
      %get3A_452 = arith.constant 448 : index
      %get3A_453 = tpu.vector_load %arg8[%get3A_451, %get3A_452] {strides = array<i32>} : memref<64x768xf32, #tpu.memory_space<vmem>>, vector<1x16xf32>,
      %get3A_454 = vector.shape_cast %get3A_453 : vector<1x16xf32> to vector<16xf32>
      %get3A_455 = arith.index_cast %add3A_60 : i32 to index
      %get3A_456 = arith.constant 448 : index
      %get3A_457 = tpu.vector_load %arg9[%get3A_455, %get3A_456] {strides = array<i32>} : memref<64x768xf32, #tpu.memory_space<vmem>>, vector<1x16xf32>,
      %get3A_458 = vector.shape_cast %get3A_457 : vector<1x16xf32> to vector<16xf32>
      %add3A_459 = arith.addf %get3A_454, %get3A_458 : vector<16xf32>
      %swap3A_460 = arith.index_cast %add3A_60 : i32 to index
      %swap3A_461 = arith.constant 448 : index
      %swap3A_462 = tpu.vector_load %arg8[%swap3A_460, %swap3A_461] {strides = array<i32>} : memref<64x768xf32, #tpu.memory_space<vmem>>, vector<1x16xf32>,
      %swap3A_463 = vector.shape_cast %swap3A_462 : vector<1x16xf32> to vector<16xf32>
      %swap3A_464 = vector.shape_cast %add3A_459 : vector<16xf32> to vector<1x16xf32>
      tpu.vector_store %arg8[%swap3A_460, %swap3A_461], %swap3A_464 {strides = array<i32>} : memref<64x768xf32, #tpu.memory_space<vmem>>, vector<1x16xf32>,
      %get3A_465 = arith.index_cast %add3A_60 : i32 to index
      %get3A_466 = arith.constant 464 : index
      %get3A_467 = tpu.vector_load %arg8[%get3A_465, %get3A_466] {strides = array<i32>} : memref<64x768xf32, #tpu.memory_space<vmem>>, vector<1x16xf32>,
      %get3A_468 = vector.shape_cast %get3A_467 : vector<1x16xf32> to vector<16xf32>
      %get3A_469 = arith.index_cast %add3A_60 : i32 to index
      %get3A_470 = arith.constant 464 : index
      %get3A_471 = tpu.vector_load %arg9[%get3A_469, %get3A_470] {strides = array<i32>} : memref<64x768xf32, #tpu.memory_space<vmem>>, vector<1x16xf32>,
      %get3A_472 = vector.shape_cast %get3A_471 : vector<1x16xf32> to vector<16xf32>
      %add3A_473 = arith.addf %get3A_468, %get3A_472 : vector<16xf32>
      %swap3A_474 = arith.index_cast %add3A_60 : i32 to index
      %swap3A_475 = arith.constant 464 : index
      %swap3A_476 = tpu.vector_load %arg8[%swap3A_474, %swap3A_475] {strides = array<i32>} : memref<64x768xf32, #tpu.memory_space<vmem>>, vector<1x16xf32>,
      %swap3A_477 = vector.shape_cast %swap3A_476 : vector<1x16xf32> to vector<16xf32>
      %swap3A_478 = vector.shape_cast %add3A_473 : vector<16xf32> to vector<1x16xf32>
      tpu.vector_store %arg8[%swap3A_474, %swap3A_475], %swap3A_478 {strides = array<i32>} : memref<64x768xf32, #tpu.memory_space<vmem>>, vector<1x16xf32>,
      %get3A_479 = arith.index_cast %add3A_60 : i32 to index
      %get3A_480 = arith.constant 480 : index
      %get3A_481 = tpu.vector_load %arg8[%get3A_479, %get3A_480] {strides = array<i32>} : memref<64x768xf32, #tpu.memory_space<vmem>>, vector<1x16xf32>,
      %get3A_482 = vector.shape_cast %get3A_481 : vector<1x16xf32> to vector<16xf32>
      %get3A_483 = arith.index_cast %add3A_60 : i32 to index
      %get3A_484 = arith.constant 480 : index
      %get3A_485 = tpu.vector_load %arg9[%get3A_483, %get3A_484] {strides = array<i32>} : memref<64x768xf32, #tpu.memory_space<vmem>>, vector<1x16xf32>,
      %get3A_486 = vector.shape_cast %get3A_485 : vector<1x16xf32> to vector<16xf32>
      %add3A_487 = arith.addf %get3A_482, %get3A_486 : vector<16xf32>
      %swap3A_488 = arith.index_cast %add3A_60 : i32 to index
      %swap3A_489 = arith.constant 480 : index
      %swap3A_490 = tpu.vector_load %arg8[%swap3A_488, %swap3A_489] {strides = array<i32>} : memref<64x768xf32, #tpu.memory_space<vmem>>, vector<1x16xf32>,
      %swap3A_491 = vector.shape_cast %swap3A_490 : vector<1x16xf32> to vector<16xf32>
      %swap3A_492 = vector.shape_cast %add3A_487 : vector<16xf32> to vector<1x16xf32>
      tpu.vector_store %arg8[%swap3A_488, %swap3A_489], %swap3A_492 {strides = array<i32>} : memref<64x768xf32, #tpu.memory_space<vmem>>, vector<1x16xf32>,
      %get3A_493 = arith.index_cast %add3A_60 : i32 to index
      %get3A_494 = arith.constant 496 : index
      %get3A_495 = tpu.vector_load %arg8[%get3A_493, %get3A_494] {strides = array<i32>} : memref<64x768xf32, #tpu.memory_space<vmem>>, vector<1x16xf32>,
      %get3A_496 = vector.shape_cast %get3A_495 : vector<1x16xf32> to vector<16xf32>
      %get3A_497 = arith.index_cast %add3A_60 : i32 to index
      %get3A_498 = arith.constant 496 : index
      %get3A_499 = tpu.vector_load %arg9[%get3A_497, %get3A_498] {strides = array<i32>} : memref<64x768xf32, #tpu.memory_space<vmem>>, vector<1x16xf32>,
      %get3A_500 = vector.shape_cast %get3A_499 : vector<1x16xf32> to vector<16xf32>
      %add3A_501 = arith.addf %get3A_496, %get3A_500 : vector<16xf32>
      %swap3A_502 = arith.index_cast %add3A_60 : i32 to index
      %swap3A_503 = arith.constant 496 : index
      %swap3A_504 = tpu.vector_load %arg8[%swap3A_502, %swap3A_503] {strides = array<i32>} : memref<64x768xf32, #tpu.memory_space<vmem>>, vector<1x16xf32>,
      %swap3A_505 = vector.shape_cast %swap3A_504 : vector<1x16xf32> to vector<16xf32>
      %swap3A_506 = vector.shape_cast %add3A_501 : vector<16xf32> to vector<1x16xf32>
      tpu.vector_store %arg8[%swap3A_502, %swap3A_503], %swap3A_506 {strides = array<i32>} : memref<64x768xf32, #tpu.memory_space<vmem>>, vector<1x16xf32>,
      %get3A_507 = arith.index_cast %add3A_60 : i32 to index
      %get3A_508 = arith.constant 512 : index
      %get3A_509 = tpu.vector_load %arg8[%get3A_507, %get3A_508] {strides = array<i32>} : memref<64x768xf32, #tpu.memory_space<vmem>>, vector<1x16xf32>,
      %get3A_510 = vector.shape_cast %get3A_509 : vector<1x16xf32> to vector<16xf32>
      %get3A_511 = arith.index_cast %add3A_60 : i32 to index
      %get3A_512 = arith.constant 512 : index
      %get3A_513 = tpu.vector_load %arg9[%get3A_511, %get3A_512] {strides = array<i32>} : memref<64x768xf32, #tpu.memory_space<vmem>>, vector<1x16xf32>,
      %get3A_514 = vector.shape_cast %get3A_513 : vector<1x16xf32> to vector<16xf32>
      %add3A_515 = arith.addf %get3A_510, %get3A_514 : vector<16xf32>
      %swap3A_516 = arith.index_cast %add3A_60 : i32 to index
      %swap3A_517 = arith.constant 512 : index
      %swap3A_518 = tpu.vector_load %arg8[%swap3A_516, %swap3A_517] {strides = array<i32>} : memref<64x768xf32, #tpu.memory_space<vmem>>, vector<1x16xf32>,
      %swap3A_519 = vector.shape_cast %swap3A_518 : vector<1x16xf32> to vector<16xf32>
      %swap3A_520 = vector.shape_cast %add3A_515 : vector<16xf32> to vector<1x16xf32>
      tpu.vector_store %arg8[%swap3A_516, %swap3A_517], %swap3A_520 {strides = array<i32>} : memref<64x768xf32, #tpu.memory_space<vmem>>, vector<1x16xf32>,
      %get3A_521 = arith.index_cast %add3A_60 : i32 to index
      %get3A_522 = arith.constant 528 : index
      %get3A_523 = tpu.vector_load %arg8[%get3A_521, %get3A_522] {strides = array<i32>} : memref<64x768xf32, #tpu.memory_space<vmem>>, vector<1x16xf32>,
      %get3A_524 = vector.shape_cast %get3A_523 : vector<1x16xf32> to vector<16xf32>
      %get3A_525 = arith.index_cast %add3A_60 : i32 to index
      %get3A_526 = arith.constant 528 : index
      %get3A_527 = tpu.vector_load %arg9[%get3A_525, %get3A_526] {strides = array<i32>} : memref<64x768xf32, #tpu.memory_space<vmem>>, vector<1x16xf32>,
      %get3A_528 = vector.shape_cast %get3A_527 : vector<1x16xf32> to vector<16xf32>
      %add3A_529 = arith.addf %get3A_524, %get3A_528 : vector<16xf32>
      %swap3A_530 = arith.index_cast %add3A_60 : i32 to index
      %swap3A_531 = arith.constant 528 : index
      %swap3A_532 = tpu.vector_load %arg8[%swap3A_530, %swap3A_531] {strides = array<i32>} : memref<64x768xf32, #tpu.memory_space<vmem>>, vector<1x16xf32>,
      %swap3A_533 = vector.shape_cast %swap3A_532 : vector<1x16xf32> to vector<16xf32>
      %swap3A_534 = vector.shape_cast %add3A_529 : vector<16xf32> to vector<1x16xf32>
      tpu.vector_store %arg8[%swap3A_530, %swap3A_531], %swap3A_534 {strides = array<i32>} : memref<64x768xf32, #tpu.memory_space<vmem>>, vector<1x16xf32>,
      %get3A_535 = arith.index_cast %add3A_60 : i32 to index
      %get3A_536 = arith.constant 544 : index
      %get3A_537 = tpu.vector_load %arg8[%get3A_535, %get3A_536] {strides = array<i32>} : memref<64x768xf32, #tpu.memory_space<vmem>>, vector<1x16xf32>,
      %get3A_538 = vector.shape_cast %get3A_537 : vector<1x16xf32> to vector<16xf32>
      %get3A_539 = arith.index_cast %add3A_60 : i32 to index
      %get3A_540 = arith.constant 544 : index
      %get3A_541 = tpu.vector_load %arg9[%get3A_539, %get3A_540] {strides = array<i32>} : memref<64x768xf32, #tpu.memory_space<vmem>>, vector<1x16xf32>,
      %get3A_542 = vector.shape_cast %get3A_541 : vector<1x16xf32> to vector<16xf32>
      %add3A_543 = arith.addf %get3A_538, %get3A_542 : vector<16xf32>
      %swap3A_544 = arith.index_cast %add3A_60 : i32 to index
      %swap3A_545 = arith.constant 544 : index
      %swap3A_546 = tpu.vector_load %arg8[%swap3A_544, %swap3A_545] {strides = array<i32>} : memref<64x768xf32, #tpu.memory_space<vmem>>, vector<1x16xf32>,
      %swap3A_547 = vector.shape_cast %swap3A_546 : vector<1x16xf32> to vector<16xf32>
      %swap3A_548 = vector.shape_cast %add3A_543 : vector<16xf32> to vector<1x16xf32>
      tpu.vector_store %arg8[%swap3A_544, %swap3A_545], %swap3A_548 {strides = array<i32>} : memref<64x768xf32, #tpu.memory_space<vmem>>, vector<1x16xf32>,
      %get3A_549 = arith.index_cast %add3A_60 : i32 to index
      %get3A_550 = arith.constant 560 : index
      %get3A_551 = tpu.vector_load %arg8[%get3A_549, %get3A_550] {strides = array<i32>} : memref<64x768xf32, #tpu.memory_space<vmem>>, vector<1x16xf32>,
      %get3A_552 = vector.shape_cast %get3A_551 : vector<1x16xf32> to vector<16xf32>
      %get3A_553 = arith.index_cast %add3A_60 : i32 to index
      %get3A_554 = arith.constant 560 : index
      %get3A_555 = tpu.vector_load %arg9[%get3A_553, %get3A_554] {strides = array<i32>} : memref<64x768xf32, #tpu.memory_space<vmem>>, vector<1x16xf32>,
      %get3A_556 = vector.shape_cast %get3A_555 : vector<1x16xf32> to vector<16xf32>
      %add3A_557 = arith.addf %get3A_552, %get3A_556 : vector<16xf32>
      %swap3A_558 = arith.index_cast %add3A_60 : i32 to index
      %swap3A_559 = arith.constant 560 : index
      %swap3A_560 = tpu.vector_load %arg8[%swap3A_558, %swap3A_559] {strides = array<i32>} : memref<64x768xf32, #tpu.memory_space<vmem>>, vector<1x16xf32>,
      %swap3A_561 = vector.shape_cast %swap3A_560 : vector<1x16xf32> to vector<16xf32>
      %swap3A_562 = vector.shape_cast %add3A_557 : vector<16xf32> to vector<1x16xf32>
      tpu.vector_store %arg8[%swap3A_558, %swap3A_559], %swap3A_562 {strides = array<i32>} : memref<64x768xf32, #tpu.memory_space<vmem>>, vector<1x16xf32>,
      %get3A_563 = arith.index_cast %add3A_60 : i32 to index
      %get3A_564 = arith.constant 576 : index
      %get3A_565 = tpu.vector_load %arg8[%get3A_563, %get3A_564] {strides = array<i32>} : memref<64x768xf32, #tpu.memory_space<vmem>>, vector<1x16xf32>,
      %get3A_566 = vector.shape_cast %get3A_565 : vector<1x16xf32> to vector<16xf32>
      %get3A_567 = arith.index_cast %add3A_60 : i32 to index
      %get3A_568 = arith.constant 576 : index
      %get3A_569 = tpu.vector_load %arg9[%get3A_567, %get3A_568] {strides = array<i32>} : memref<64x768xf32, #tpu.memory_space<vmem>>, vector<1x16xf32>,
      %get3A_570 = vector.shape_cast %get3A_569 : vector<1x16xf32> to vector<16xf32>
      %add3A_571 = arith.addf %get3A_566, %get3A_570 : vector<16xf32>
      %swap3A_572 = arith.index_cast %add3A_60 : i32 to index
      %swap3A_573 = arith.constant 576 : index
      %swap3A_574 = tpu.vector_load %arg8[%swap3A_572, %swap3A_573] {strides = array<i32>} : memref<64x768xf32, #tpu.memory_space<vmem>>, vector<1x16xf32>,
      %swap3A_575 = vector.shape_cast %swap3A_574 : vector<1x16xf32> to vector<16xf32>
      %swap3A_576 = vector.shape_cast %add3A_571 : vector<16xf32> to vector<1x16xf32>
      tpu.vector_store %arg8[%swap3A_572, %swap3A_573], %swap3A_576 {strides = array<i32>} : memref<64x768xf32, #tpu.memory_space<vmem>>, vector<1x16xf32>,
      %get3A_577 = arith.index_cast %add3A_60 : i32 to index
      %get3A_578 = arith.constant 592 : index
      %get3A_579 = tpu.vector_load %arg8[%get3A_577, %get3A_578] {strides = array<i32>} : memref<64x768xf32, #tpu.memory_space<vmem>>, vector<1x16xf32>,
      %get3A_580 = vector.shape_cast %get3A_579 : vector<1x16xf32> to vector<16xf32>
      %get3A_581 = arith.index_cast %add3A_60 : i32 to index
      %get3A_582 = arith.constant 592 : index
      %get3A_583 = tpu.vector_load %arg9[%get3A_581, %get3A_582] {strides = array<i32>} : memref<64x768xf32, #tpu.memory_space<vmem>>, vector<1x16xf32>,
      %get3A_584 = vector.shape_cast %get3A_583 : vector<1x16xf32> to vector<16xf32>
      %add3A_585 = arith.addf %get3A_580, %get3A_584 : vector<16xf32>
      %swap3A_586 = arith.index_cast %add3A_60 : i32 to index
      %swap3A_587 = arith.constant 592 : index
      %swap3A_588 = tpu.vector_load %arg8[%swap3A_586, %swap3A_587] {strides = array<i32>} : memref<64x768xf32, #tpu.memory_space<vmem>>, vector<1x16xf32>,
      %swap3A_589 = vector.shape_cast %swap3A_588 : vector<1x16xf32> to vector<16xf32>
      %swap3A_590 = vector.shape_cast %add3A_585 : vector<16xf32> to vector<1x16xf32>
      tpu.vector_store %arg8[%swap3A_586, %swap3A_587], %swap3A_590 {strides = array<i32>} : memref<64x768xf32, #tpu.memory_space<vmem>>, vector<1x16xf32>,
      %get3A_591 = arith.index_cast %add3A_60 : i32 to index
      %get3A_592 = arith.constant 608 : index
      %get3A_593 = tpu.vector_load %arg8[%get3A_591, %get3A_592] {strides = array<i32>} : memref<64x768xf32, #tpu.memory_space<vmem>>, vector<1x16xf32>,
      %get3A_594 = vector.shape_cast %get3A_593 : vector<1x16xf32> to vector<16xf32>
      %get3A_595 = arith.index_cast %add3A_60 : i32 to index
      %get3A_596 = arith.constant 608 : index
      %get3A_597 = tpu.vector_load %arg9[%get3A_595, %get3A_596] {strides = array<i32>} : memref<64x768xf32, #tpu.memory_space<vmem>>, vector<1x16xf32>,
      %get3A_598 = vector.shape_cast %get3A_597 : vector<1x16xf32> to vector<16xf32>
      %add3A_599 = arith.addf %get3A_594, %get3A_598 : vector<16xf32>
      %swap3A_600 = arith.index_cast %add3A_60 : i32 to index
      %swap3A_601 = arith.constant 608 : index
      %swap3A_602 = tpu.vector_load %arg8[%swap3A_600, %swap3A_601] {strides = array<i32>} : memref<64x768xf32, #tpu.memory_space<vmem>>, vector<1x16xf32>,
      %swap3A_603 = vector.shape_cast %swap3A_602 : vector<1x16xf32> to vector<16xf32>
      %swap3A_604 = vector.shape_cast %add3A_599 : vector<16xf32> to vector<1x16xf32>
      tpu.vector_store %arg8[%swap3A_600, %swap3A_601], %swap3A_604 {strides = array<i32>} : memref<64x768xf32, #tpu.memory_space<vmem>>, vector<1x16xf32>,
      %get3A_605 = arith.index_cast %add3A_60 : i32 to index
      %get3A_606 = arith.constant 624 : index
      %get3A_607 = tpu.vector_load %arg8[%get3A_605, %get3A_606] {strides = array<i32>} : memref<64x768xf32, #tpu.memory_space<vmem>>, vector<1x16xf32>,
      %get3A_608 = vector.shape_cast %get3A_607 : vector<1x16xf32> to vector<16xf32>
      %get3A_609 = arith.index_cast %add3A_60 : i32 to index
      %get3A_610 = arith.constant 624 : index
      %get3A_611 = tpu.vector_load %arg9[%get3A_609, %get3A_610] {strides = array<i32>} : memref<64x768xf32, #tpu.memory_space<vmem>>, vector<1x16xf32>,
      %get3A_612 = vector.shape_cast %get3A_611 : vector<1x16xf32> to vector<16xf32>
      %add3A_613 = arith.addf %get3A_608, %get3A_612 : vector<16xf32>
      %swap3A_614 = arith.index_cast %add3A_60 : i32 to index
      %swap3A_615 = arith.constant 624 : index
      %swap3A_616 = tpu.vector_load %arg8[%swap3A_614, %swap3A_615] {strides = array<i32>} : memref<64x768xf32, #tpu.memory_space<vmem>>, vector<1x16xf32>,
      %swap3A_617 = vector.shape_cast %swap3A_616 : vector<1x16xf32> to vector<16xf32>
      %swap3A_618 = vector.shape_cast %add3A_613 : vector<16xf32> to vector<1x16xf32>
      tpu.vector_store %arg8[%swap3A_614, %swap3A_615], %swap3A_618 {strides = array<i32>} : memref<64x768xf32, #tpu.memory_space<vmem>>, vector<1x16xf32>,
      %get3A_619 = arith.index_cast %add3A_60 : i32 to index
      %get3A_620 = arith.constant 640 : index
      %get3A_621 = tpu.vector_load %arg8[%get3A_619, %get3A_620] {strides = array<i32>} : memref<64x768xf32, #tpu.memory_space<vmem>>, vector<1x16xf32>,
      %get3A_622 = vector.shape_cast %get3A_621 : vector<1x16xf32> to vector<16xf32>
      %get3A_623 = arith.index_cast %add3A_60 : i32 to index
      %get3A_624 = arith.constant 640 : index
      %get3A_625 = tpu.vector_load %arg9[%get3A_623, %get3A_624] {strides = array<i32>} : memref<64x768xf32, #tpu.memory_space<vmem>>, vector<1x16xf32>,
      %get3A_626 = vector.shape_cast %get3A_625 : vector<1x16xf32> to vector<16xf32>
      %add3A_627 = arith.addf %get3A_622, %get3A_626 : vector<16xf32>
      %swap3A_628 = arith.index_cast %add3A_60 : i32 to index
      %swap3A_629 = arith.constant 640 : index
      %swap3A_630 = tpu.vector_load %arg8[%swap3A_628, %swap3A_629] {strides = array<i32>} : memref<64x768xf32, #tpu.memory_space<vmem>>, vector<1x16xf32>,
      %swap3A_631 = vector.shape_cast %swap3A_630 : vector<1x16xf32> to vector<16xf32>
      %swap3A_632 = vector.shape_cast %add3A_627 : vector<16xf32> to vector<1x16xf32>
      tpu.vector_store %arg8[%swap3A_628, %swap3A_629], %swap3A_632 {strides = array<i32>} : memref<64x768xf32, #tpu.memory_space<vmem>>, vector<1x16xf32>,
      %get3A_633 = arith.index_cast %add3A_60 : i32 to index
      %get3A_634 = arith.constant 656 : index
      %get3A_635 = tpu.vector_load %arg8[%get3A_633, %get3A_634] {strides = array<i32>} : memref<64x768xf32, #tpu.memory_space<vmem>>, vector<1x16xf32>,
      %get3A_636 = vector.shape_cast %get3A_635 : vector<1x16xf32> to vector<16xf32>
      %get3A_637 = arith.index_cast %add3A_60 : i32 to index
      %get3A_638 = arith.constant 656 : index
      %get3A_639 = tpu.vector_load %arg9[%get3A_637, %get3A_638] {strides = array<i32>} : memref<64x768xf32, #tpu.memory_space<vmem>>, vector<1x16xf32>,
      %get3A_640 = vector.shape_cast %get3A_639 : vector<1x16xf32> to vector<16xf32>
      %add3A_641 = arith.addf %get3A_636, %get3A_640 : vector<16xf32>
      %swap3A_642 = arith.index_cast %add3A_60 : i32 to index
      %swap3A_643 = arith.constant 656 : index
      %swap3A_644 = tpu.vector_load %arg8[%swap3A_642, %swap3A_643] {strides = array<i32>} : memref<64x768xf32, #tpu.memory_space<vmem>>, vector<1x16xf32>,
      %swap3A_645 = vector.shape_cast %swap3A_644 : vector<1x16xf32> to vector<16xf32>
      %swap3A_646 = vector.shape_cast %add3A_641 : vector<16xf32> to vector<1x16xf32>
      tpu.vector_store %arg8[%swap3A_642, %swap3A_643], %swap3A_646 {strides = array<i32>} : memref<64x768xf32, #tpu.memory_space<vmem>>, vector<1x16xf32>,
      %get3A_647 = arith.index_cast %add3A_60 : i32 to index
      %get3A_648 = arith.constant 672 : index
      %get3A_649 = tpu.vector_load %arg8[%get3A_647, %get3A_648] {strides = array<i32>} : memref<64x768xf32, #tpu.memory_space<vmem>>, vector<1x16xf32>,
      %get3A_650 = vector.shape_cast %get3A_649 : vector<1x16xf32> to vector<16xf32>
      %get3A_651 = arith.index_cast %add3A_60 : i32 to index
      %get3A_652 = arith.constant 672 : index
      %get3A_653 = tpu.vector_load %arg9[%get3A_651, %get3A_652] {strides = array<i32>} : memref<64x768xf32, #tpu.memory_space<vmem>>, vector<1x16xf32>,
      %get3A_654 = vector.shape_cast %get3A_653 : vector<1x16xf32> to vector<16xf32>
      %add3A_655 = arith.addf %get3A_650, %get3A_654 : vector<16xf32>
      %swap3A_656 = arith.index_cast %add3A_60 : i32 to index
      %swap3A_657 = arith.constant 672 : index
      %swap3A_658 = tpu.vector_load %arg8[%swap3A_656, %swap3A_657] {strides = array<i32>} : memref<64x768xf32, #tpu.memory_space<vmem>>, vector<1x16xf32>,
      %swap3A_659 = vector.shape_cast %swap3A_658 : vector<1x16xf32> to vector<16xf32>
      %swap3A_660 = vector.shape_cast %add3A_655 : vector<16xf32> to vector<1x16xf32>
      tpu.vector_store %arg8[%swap3A_656, %swap3A_657], %swap3A_660 {strides = array<i32>} : memref<64x768xf32, #tpu.memory_space<vmem>>, vector<1x16xf32>,
      %get3A_661 = arith.index_cast %add3A_60 : i32 to index
      %get3A_662 = arith.constant 688 : index
      %get3A_663 = tpu.vector_load %arg8[%get3A_661, %get3A_662] {strides = array<i32>} : memref<64x768xf32, #tpu.memory_space<vmem>>, vector<1x16xf32>,
      %get3A_664 = vector.shape_cast %get3A_663 : vector<1x16xf32> to vector<16xf32>
      %get3A_665 = arith.index_cast %add3A_60 : i32 to index
      %get3A_666 = arith.constant 688 : index
      %get3A_667 = tpu.vector_load %arg9[%get3A_665, %get3A_666] {strides = array<i32>} : memref<64x768xf32, #tpu.memory_space<vmem>>, vector<1x16xf32>,
      %get3A_668 = vector.shape_cast %get3A_667 : vector<1x16xf32> to vector<16xf32>
      %add3A_669 = arith.addf %get3A_664, %get3A_668 : vector<16xf32>
      %swap3A_670 = arith.index_cast %add3A_60 : i32 to index
      %swap3A_671 = arith.constant 688 : index
      %swap3A_672 = tpu.vector_load %arg8[%swap3A_670, %swap3A_671] {strides = array<i32>} : memref<64x768xf32, #tpu.memory_space<vmem>>, vector<1x16xf32>,
      %swap3A_673 = vector.shape_cast %swap3A_672 : vector<1x16xf32> to vector<16xf32>
      %swap3A_674 = vector.shape_cast %add3A_669 : vector<16xf32> to vector<1x16xf32>
      tpu.vector_store %arg8[%swap3A_670, %swap3A_671], %swap3A_674 {strides = array<i32>} : memref<64x768xf32, #tpu.memory_space<vmem>>, vector<1x16xf32>,
      %get3A_675 = arith.index_cast %add3A_60 : i32 to index
      %get3A_676 = arith.constant 704 : index
      %get3A_677 = tpu.vector_load %arg8[%get3A_675, %get3A_676] {strides = array<i32>} : memref<64x768xf32, #tpu.memory_space<vmem>>, vector<1x16xf32>,
      %get3A_678 = vector.shape_cast %get3A_677 : vector<1x16xf32> to vector<16xf32>
      %get3A_679 = arith.index_cast %add3A_60 : i32 to index
      %get3A_680 = arith.constant 704 : index
      %get3A_681 = tpu.vector_load %arg9[%get3A_679, %get3A_680] {strides = array<i32>} : memref<64x768xf32, #tpu.memory_space<vmem>>, vector<1x16xf32>,
      %get3A_682 = vector.shape_cast %get3A_681 : vector<1x16xf32> to vector<16xf32>
      %add3A_683 = arith.addf %get3A_678, %get3A_682 : vector<16xf32>
      %swap3A_684 = arith.index_cast %add3A_60 : i32 to index
      %swap3A_685 = arith.constant 704 : index
      %swap3A_686 = tpu.vector_load %arg8[%swap3A_684, %swap3A_685] {strides = array<i32>} : memref<64x768xf32, #tpu.memory_space<vmem>>, vector<1x16xf32>,
      %swap3A_687 = vector.shape_cast %swap3A_686 : vector<1x16xf32> to vector<16xf32>
      %swap3A_688 = vector.shape_cast %add3A_683 : vector<16xf32> to vector<1x16xf32>
      tpu.vector_store %arg8[%swap3A_684, %swap3A_685], %swap3A_688 {strides = array<i32>} : memref<64x768xf32, #tpu.memory_space<vmem>>, vector<1x16xf32>,
      %get3A_689 = arith.index_cast %add3A_60 : i32 to index
      %get3A_690 = arith.constant 720 : index
      %get3A_691 = tpu.vector_load %arg8[%get3A_689, %get3A_690] {strides = array<i32>} : memref<64x768xf32, #tpu.memory_space<vmem>>, vector<1x16xf32>,
      %get3A_692 = vector.shape_cast %get3A_691 : vector<1x16xf32> to vector<16xf32>
      %get3A_693 = arith.index_cast %add3A_60 : i32 to index
      %get3A_694 = arith.constant 720 : index
      %get3A_695 = tpu.vector_load %arg9[%get3A_693, %get3A_694] {strides = array<i32>} : memref<64x768xf32, #tpu.memory_space<vmem>>, vector<1x16xf32>,
      %get3A_696 = vector.shape_cast %get3A_695 : vector<1x16xf32> to vector<16xf32>
      %add3A_697 = arith.addf %get3A_692, %get3A_696 : vector<16xf32>
      %swap3A_698 = arith.index_cast %add3A_60 : i32 to index
      %swap3A_699 = arith.constant 720 : index
      %swap3A_700 = tpu.vector_load %arg8[%swap3A_698, %swap3A_699] {strides = array<i32>} : memref<64x768xf32, #tpu.memory_space<vmem>>, vector<1x16xf32>,
      %swap3A_701 = vector.shape_cast %swap3A_700 : vector<1x16xf32> to vector<16xf32>
      %swap3A_702 = vector.shape_cast %add3A_697 : vector<16xf32> to vector<1x16xf32>
      tpu.vector_store %arg8[%swap3A_698, %swap3A_699], %swap3A_702 {strides = array<i32>} : memref<64x768xf32, #tpu.memory_space<vmem>>, vector<1x16xf32>,
      %get3A_703 = arith.index_cast %add3A_60 : i32 to index
      %get3A_704 = arith.constant 736 : index
      %get3A_705 = tpu.vector_load %arg8[%get3A_703, %get3A_704] {strides = array<i32>} : memref<64x768xf32, #tpu.memory_space<vmem>>, vector<1x16xf32>,
      %get3A_706 = vector.shape_cast %get3A_705 : vector<1x16xf32> to vector<16xf32>
      %get3A_707 = arith.index_cast %add3A_60 : i32 to index
      %get3A_708 = arith.constant 736 : index
      %get3A_709 = tpu.vector_load %arg9[%get3A_707, %get3A_708] {strides = array<i32>} : memref<64x768xf32, #tpu.memory_space<vmem>>, vector<1x16xf32>,
      %get3A_710 = vector.shape_cast %get3A_709 : vector<1x16xf32> to vector<16xf32>
      %add3A_711 = arith.addf %get3A_706, %get3A_710 : vector<16xf32>
      %swap3A_712 = arith.index_cast %add3A_60 : i32 to index
      %swap3A_713 = arith.constant 736 : index
      %swap3A_714 = tpu.vector_load %arg8[%swap3A_712, %swap3A_713] {strides = array<i32>} : memref<64x768xf32, #tpu.memory_space<vmem>>, vector<1x16xf32>,
      %swap3A_715 = vector.shape_cast %swap3A_714 : vector<1x16xf32> to vector<16xf32>
      %swap3A_716 = vector.shape_cast %add3A_711 : vector<16xf32> to vector<1x16xf32>
      tpu.vector_store %arg8[%swap3A_712, %swap3A_713], %swap3A_716 {strides = array<i32>} : memref<64x768xf32, #tpu.memory_space<vmem>>, vector<1x16xf32>,
      %get3A_717 = arith.index_cast %add3A_60 : i32 to index
      %get3A_718 = arith.constant 752 : index
      %get3A_719 = tpu.vector_load %arg8[%get3A_717, %get3A_718] {strides = array<i32>} : memref<64x768xf32, #tpu.memory_space<vmem>>, vector<1x16xf32>,
      %get3A_720 = vector.shape_cast %get3A_719 : vector<1x16xf32> to vector<16xf32>
      %get3A_721 = arith.index_cast %add3A_60 : i32 to index
      %get3A_722 = arith.constant 752 : index
      %get3A_723 = tpu.vector_load %arg9[%get3A_721, %get3A_722] {strides = array<i32>} : memref<64x768xf32, #tpu.memory_space<vmem>>, vector<1x16xf32>,
      %get3A_724 = vector.shape_cast %get3A_723 : vector<1x16xf32> to vector<16xf32>
      %add3A_725 = arith.addf %get3A_720, %get3A_724 : vector<16xf32>
      %swap3A_726 = arith.index_cast %add3A_60 : i32 to index
      %swap3A_727 = arith.constant 752 : index
      %swap3A_728 = tpu.vector_load %arg8[%swap3A_726, %swap3A_727] {strides = array<i32>} : memref<64x768xf32, #tpu.memory_space<vmem>>, vector<1x16xf32>,
      %swap3A_729 = vector.shape_cast %swap3A_728 : vector<1x16xf32> to vector<16xf32>
      %swap3A_730 = vector.shape_cast %add3A_725 : vector<16xf32> to vector<1x16xf32>
      tpu.vector_store %arg8[%swap3A_726, %swap3A_727], %swap3A_730 {strides = array<i32>} : memref<64x768xf32, #tpu.memory_space<vmem>>, vector<1x16xf32>,
    }
    %scan3A_55 = arith.constant 64 : i32
    "tpu.region"() ({
      %run_scoped3A = tpu.sem_alloc : memref<!tpu.dma_semaphore, #tpu.memory_space<semaphore_mem>>
      %dma_start3A_56 = arith.constant 0 : i32
      %dma_start3A_57 = tpu.memref_slice %arg5[%add3A_30, %dma_start3A_56] : memref<4096x768xf32, #tpu.memory_space<hbm>> -> memref<64x768xf32, #tpu.memory_space<hbm>>
      %dma_start3A_58 = arith.constant 0 : i32
      %dma_start3A_59 = tpu.memref_slice %arg5[%add3A_30, %dma_start3A_58] : memref<4096x768xf32, #tpu.memory_space<hbm>> -> memref<64x768xf32, #tpu.memory_space<hbm>>
      tpu.enqueue_dma source(%arg8 : memref<64x768xf32, #tpu.memory_space<vmem>>) target(%dma_start3A_59 : memref<64x768xf32, #tpu.memory_space<hbm>>) target_semaphore(%run_scoped3A : memref<!tpu.dma_semaphore, #tpu.memory_space<semaphore_mem>>)
      %dma_wait3A_60 = arith.constant 0 : i32
      %dma_wait3A_61 = tpu.memref_slice %arg5[%add3A_30, %dma_wait3A_60] : memref<4096x768xf32, #tpu.memory_space<hbm>> -> memref<64x768xf32, #tpu.memory_space<hbm>>
      %dma_wait3A_62 = arith.constant 0 : i32
      %dma_wait3A_63 = tpu.memref_slice %arg5[%add3A_30, %dma_wait3A_62] : memref<4096x768xf32, #tpu.memory_space<hbm>> -> memref<64x768xf32, #tpu.memory_space<hbm>>
      tpu.wait_dma2 semaphore(%run_scoped3A : memref<!tpu.dma_semaphore, #tpu.memory_space<semaphore_mem>>) src(%arg8 : memref<64x768xf32, #tpu.memory_space<vmem>>) dst(%dma_wait3A_63 : memref<64x768xf32, #tpu.memory_space<hbm>>)
      tpu.yield
    }) : () -> ()
    return
  }
}

#map = affine_map<(d0, d1) -> (0, 0)>
#map1 = affine_map<(d0, d1) -> (0)>
module attributes {stable_mosaic.version = 14 : i64} {
  func.func @_dispatch_body(%arg0: i32, %arg1: i32, %arg2: memref<4096x768xf32, #tpu.memory_space<hbm>>, %arg3: memref<4096x128xf32, #tpu.memory_space<hbm>>, %arg4: memref<4096x128xf32, #tpu.memory_space<hbm>>, %arg5: memref<4096xi32, #tpu.memory_space<hbm>>, %arg6: memref<4096xi32, #tpu.memory_space<hbm>>, %arg7: memref<20736x768xf32, #tpu.memory_space<hbm>>, %arg8: memref<20736x128xf32, #tpu.memory_space<hbm>>, %arg9: memref<128x768xf32, #tpu.memory_space<vmem>>, %arg10: memref<128x128xf32, #tpu.memory_space<vmem>>, %arg11: memref<128xi32, #tpu.memory_space<vmem>>, %arg12: memref<128xi32, #tpu.memory_space<vmem>>, %arg13: memref<!tpu.dma_semaphore, #tpu.memory_space<semaphore_mem>>, %arg14: memref<!tpu.dma_semaphore, #tpu.memory_space<semaphore_mem>>, %arg15: memref<!tpu.dma_semaphore, #tpu.memory_space<semaphore_mem>>, %arg16: memref<!tpu.dma_semaphore, #tpu.memory_space<semaphore_mem>>) attributes {dimension_semantics = [#tpu.dimension_semantics<core_parallel>, #tpu.dimension_semantics<subcore_parallel>], iteration_bounds = array<i64: 2, 16>, scalar_prefetch = 0 : i64, scratch_operands = 8 : i64, tpu.core_type = #tpu.core_type<sc_vector_subcore>, window_params = [{transform_indices = #map}, {transform_indices = #map}, {transform_indices = #map}, {transform_indices = #map1}, {transform_indices = #map1}, {transform_indices = #map}, {transform_indices = #map}]} {
    %mul3A = arith.constant 2 : i32
    %mul3A_0 = arith.muli %arg1, %mul3A : i32
    %add3A = arith.addi %mul3A_0, %arg0 : i32
    %mul3A_1 = arith.constant 128 : i32
    %mul3A_2 = arith.muli %add3A, %mul3A_1 : i32
    %dma_start3A = tpu.memref_slice %arg5[%mul3A_2] : memref<4096xi32, #tpu.memory_space<hbm>> -> memref<128xi32, #tpu.memory_space<hbm>>
    %dma_start3A_3 = tpu.memref_slice %arg5[%mul3A_2] : memref<4096xi32, #tpu.memory_space<hbm>> -> memref<128xi32, #tpu.memory_space<hbm>>
    tpu.enqueue_dma source(%dma_start3A_3 : memref<128xi32, #tpu.memory_space<hbm>>) target(%arg11 : memref<128xi32, #tpu.memory_space<vmem>>) target_semaphore(%arg13 : memref<!tpu.dma_semaphore, #tpu.memory_space<semaphore_mem>>)
    %dma_start3A_4 = tpu.memref_slice %arg6[%mul3A_2] : memref<4096xi32, #tpu.memory_space<hbm>> -> memref<128xi32, #tpu.memory_space<hbm>>
    %dma_start3A_5 = tpu.memref_slice %arg6[%mul3A_2] : memref<4096xi32, #tpu.memory_space<hbm>> -> memref<128xi32, #tpu.memory_space<hbm>>
    tpu.enqueue_dma source(%dma_start3A_5 : memref<128xi32, #tpu.memory_space<hbm>>) target(%arg12 : memref<128xi32, #tpu.memory_space<vmem>>) target_semaphore(%arg14 : memref<!tpu.dma_semaphore, #tpu.memory_space<semaphore_mem>>)
    %dma_start3A_6 = arith.constant 0 : i32
    %dma_start3A_7 = tpu.memref_slice %arg2[%mul3A_2, %dma_start3A_6] : memref<4096x768xf32, #tpu.memory_space<hbm>> -> memref<128x768xf32, #tpu.memory_space<hbm>>
    %dma_start3A_8 = arith.constant 0 : i32
    %dma_start3A_9 = tpu.memref_slice %arg2[%mul3A_2, %dma_start3A_8] : memref<4096x768xf32, #tpu.memory_space<hbm>> -> memref<128x768xf32, #tpu.memory_space<hbm>>
    tpu.enqueue_dma source(%dma_start3A_9 : memref<128x768xf32, #tpu.memory_space<hbm>>) target(%arg9 : memref<128x768xf32, #tpu.memory_space<vmem>>) target_semaphore(%arg15 : memref<!tpu.dma_semaphore, #tpu.memory_space<semaphore_mem>>)
    %dma_start3A_10 = arith.constant 0 : i32
    %dma_start3A_11 = tpu.memref_slice %arg3[%mul3A_2, %dma_start3A_10] : memref<4096x128xf32, #tpu.memory_space<hbm>> -> memref<128x128xf32, #tpu.memory_space<hbm>>
    %dma_start3A_12 = arith.constant 0 : i32
    %dma_start3A_13 = tpu.memref_slice %arg3[%mul3A_2, %dma_start3A_12] : memref<4096x128xf32, #tpu.memory_space<hbm>> -> memref<128x128xf32, #tpu.memory_space<hbm>>
    tpu.enqueue_dma source(%dma_start3A_13 : memref<128x128xf32, #tpu.memory_space<hbm>>) target(%arg10 : memref<128x128xf32, #tpu.memory_space<vmem>>) target_semaphore(%arg16 : memref<!tpu.dma_semaphore, #tpu.memory_space<semaphore_mem>>)
    %dma_wait3A = tpu.memref_slice %arg5[%mul3A_2] : memref<4096xi32, #tpu.memory_space<hbm>> -> memref<128xi32, #tpu.memory_space<hbm>>
    %dma_wait3A_14 = tpu.memref_slice %arg5[%mul3A_2] : memref<4096xi32, #tpu.memory_space<hbm>> -> memref<128xi32, #tpu.memory_space<hbm>>
    tpu.wait_dma2 semaphore(%arg13 : memref<!tpu.dma_semaphore, #tpu.memory_space<semaphore_mem>>) src(%dma_wait3A_14 : memref<128xi32, #tpu.memory_space<hbm>>) dst(%arg11 : memref<128xi32, #tpu.memory_space<vmem>>)
    %dma_wait3A_15 = tpu.memref_slice %arg6[%mul3A_2] : memref<4096xi32, #tpu.memory_space<hbm>> -> memref<128xi32, #tpu.memory_space<hbm>>
    %dma_wait3A_16 = tpu.memref_slice %arg6[%mul3A_2] : memref<4096xi32, #tpu.memory_space<hbm>> -> memref<128xi32, #tpu.memory_space<hbm>>
    tpu.wait_dma2 semaphore(%arg14 : memref<!tpu.dma_semaphore, #tpu.memory_space<semaphore_mem>>) src(%dma_wait3A_16 : memref<128xi32, #tpu.memory_space<hbm>>) dst(%arg12 : memref<128xi32, #tpu.memory_space<vmem>>)
    %dma_wait3A_17 = arith.constant 0 : i32
    %dma_wait3A_18 = tpu.memref_slice %arg2[%mul3A_2, %dma_wait3A_17] : memref<4096x768xf32, #tpu.memory_space<hbm>> -> memref<128x768xf32, #tpu.memory_space<hbm>>
    %dma_wait3A_19 = arith.constant 0 : i32
    %dma_wait3A_20 = tpu.memref_slice %arg2[%mul3A_2, %dma_wait3A_19] : memref<4096x768xf32, #tpu.memory_space<hbm>> -> memref<128x768xf32, #tpu.memory_space<hbm>>
    tpu.wait_dma2 semaphore(%arg15 : memref<!tpu.dma_semaphore, #tpu.memory_space<semaphore_mem>>) src(%dma_wait3A_20 : memref<128x768xf32, #tpu.memory_space<hbm>>) dst(%arg9 : memref<128x768xf32, #tpu.memory_space<vmem>>)
    %dma_start3A_21 = arith.constant 0 : i32
    %dma_start3A_22 = arith.constant 0 : i32
    %dma_start3A_23 = tpu.memref_slice %arg7[%dma_start3A_21, %dma_start3A_22] : memref<20736x768xf32, #tpu.memory_space<hbm>> -> memref<20736x768xf32, #tpu.memory_space<hbm>>
    tpu.enqueue_indirect_dma source(%arg9 : memref<128x768xf32, #tpu.memory_space<vmem>>) target(%dma_start3A_23 : memref<20736x768xf32, #tpu.memory_space<hbm>>) offsets(%arg11 : memref<128xi32, #tpu.memory_space<vmem>>) semaphore(%arg13 : memref<!tpu.dma_semaphore, #tpu.memory_space<semaphore_mem>>)
    %dma_start3A_24 = arith.constant 0 : i32
    %dma_start3A_25 = arith.constant 0 : i32
    %dma_start3A_26 = tpu.memref_slice %arg7[%dma_start3A_24, %dma_start3A_25] : memref<20736x768xf32, #tpu.memory_space<hbm>> -> memref<20736x768xf32, #tpu.memory_space<hbm>>
    tpu.enqueue_indirect_dma source(%arg9 : memref<128x768xf32, #tpu.memory_space<vmem>>) target(%dma_start3A_26 : memref<20736x768xf32, #tpu.memory_space<hbm>>) offsets(%arg12 : memref<128xi32, #tpu.memory_space<vmem>>) semaphore(%arg14 : memref<!tpu.dma_semaphore, #tpu.memory_space<semaphore_mem>>)
    %dma_wait3A_27 = arith.constant 0 : i32
    %dma_wait3A_28 = tpu.memref_slice %arg3[%mul3A_2, %dma_wait3A_27] : memref<4096x128xf32, #tpu.memory_space<hbm>> -> memref<128x128xf32, #tpu.memory_space<hbm>>
    %dma_wait3A_29 = arith.constant 0 : i32
    %dma_wait3A_30 = tpu.memref_slice %arg3[%mul3A_2, %dma_wait3A_29] : memref<4096x128xf32, #tpu.memory_space<hbm>> -> memref<128x128xf32, #tpu.memory_space<hbm>>
    tpu.wait_dma2 semaphore(%arg16 : memref<!tpu.dma_semaphore, #tpu.memory_space<semaphore_mem>>) src(%dma_wait3A_30 : memref<128x128xf32, #tpu.memory_space<hbm>>) dst(%arg10 : memref<128x128xf32, #tpu.memory_space<vmem>>)
    "tpu.region"() ({
      %run_scoped3A = tpu.sem_alloc : memref<!tpu.dma_semaphore, #tpu.memory_space<semaphore_mem>>
      %dma_start3A_37 = arith.constant 0 : i32
      %dma_start3A_38 = arith.constant 0 : i32
      %dma_start3A_39 = tpu.memref_slice %arg8[%dma_start3A_37, %dma_start3A_38] : memref<20736x128xf32, #tpu.memory_space<hbm>> -> memref<20736x128xf32, #tpu.memory_space<hbm>>
      tpu.enqueue_indirect_dma source(%arg10 : memref<128x128xf32, #tpu.memory_space<vmem>>) target(%dma_start3A_39 : memref<20736x128xf32, #tpu.memory_space<hbm>>) offsets(%arg11 : memref<128xi32, #tpu.memory_space<vmem>>) semaphore(%run_scoped3A : memref<!tpu.dma_semaphore, #tpu.memory_space<semaphore_mem>>)
      %dma_wait3A_40 = arith.constant 0 : i32
      %dma_wait3A_41 = arith.constant 0 : i32
      %dma_wait3A_42 = tpu.memref_slice %arg8[%dma_wait3A_40, %dma_wait3A_41] : memref<20736x128xf32, #tpu.memory_space<hbm>> -> memref<20736x128xf32, #tpu.memory_space<hbm>>
      tpu.wait_indirect_dma semaphore(%run_scoped3A : memref<!tpu.dma_semaphore, #tpu.memory_space<semaphore_mem>>) src(%arg10 : memref<128x128xf32, #tpu.memory_space<vmem>>) dst(%dma_wait3A_42 : memref<20736x128xf32, #tpu.memory_space<hbm>>)
      tpu.yield
    }) : () -> ()
    "tpu.region"() ({
      %run_scoped3A = tpu.sem_alloc : memref<!tpu.dma_semaphore, #tpu.memory_space<semaphore_mem>>
      %dma_start3A_37 = arith.constant 0 : i32
      %dma_start3A_38 = tpu.memref_slice %arg4[%mul3A_2, %dma_start3A_37] : memref<4096x128xf32, #tpu.memory_space<hbm>> -> memref<128x128xf32, #tpu.memory_space<hbm>>
      %dma_start3A_39 = arith.constant 0 : i32
      %dma_start3A_40 = tpu.memref_slice %arg4[%mul3A_2, %dma_start3A_39] : memref<4096x128xf32, #tpu.memory_space<hbm>> -> memref<128x128xf32, #tpu.memory_space<hbm>>
      tpu.enqueue_dma source(%dma_start3A_40 : memref<128x128xf32, #tpu.memory_space<hbm>>) target(%arg10 : memref<128x128xf32, #tpu.memory_space<vmem>>) target_semaphore(%run_scoped3A : memref<!tpu.dma_semaphore, #tpu.memory_space<semaphore_mem>>)
      %dma_wait3A_41 = arith.constant 0 : i32
      %dma_wait3A_42 = tpu.memref_slice %arg4[%mul3A_2, %dma_wait3A_41] : memref<4096x128xf32, #tpu.memory_space<hbm>> -> memref<128x128xf32, #tpu.memory_space<hbm>>
      %dma_wait3A_43 = arith.constant 0 : i32
      %dma_wait3A_44 = tpu.memref_slice %arg4[%mul3A_2, %dma_wait3A_43] : memref<4096x128xf32, #tpu.memory_space<hbm>> -> memref<128x128xf32, #tpu.memory_space<hbm>>
      tpu.wait_dma2 semaphore(%run_scoped3A : memref<!tpu.dma_semaphore, #tpu.memory_space<semaphore_mem>>) src(%dma_wait3A_44 : memref<128x128xf32, #tpu.memory_space<hbm>>) dst(%arg10 : memref<128x128xf32, #tpu.memory_space<vmem>>)
      tpu.yield
    }) : () -> ()
    "tpu.region"() ({
      %run_scoped3A = tpu.sem_alloc : memref<!tpu.dma_semaphore, #tpu.memory_space<semaphore_mem>>
      %dma_start3A_37 = arith.constant 0 : i32
      %dma_start3A_38 = arith.constant 0 : i32
      %dma_start3A_39 = tpu.memref_slice %arg8[%dma_start3A_37, %dma_start3A_38] : memref<20736x128xf32, #tpu.memory_space<hbm>> -> memref<20736x128xf32, #tpu.memory_space<hbm>>
      tpu.enqueue_indirect_dma source(%arg10 : memref<128x128xf32, #tpu.memory_space<vmem>>) target(%dma_start3A_39 : memref<20736x128xf32, #tpu.memory_space<hbm>>) offsets(%arg12 : memref<128xi32, #tpu.memory_space<vmem>>) semaphore(%run_scoped3A : memref<!tpu.dma_semaphore, #tpu.memory_space<semaphore_mem>>)
      %dma_wait3A_40 = arith.constant 0 : i32
      %dma_wait3A_41 = arith.constant 0 : i32
      %dma_wait3A_42 = tpu.memref_slice %arg8[%dma_wait3A_40, %dma_wait3A_41] : memref<20736x128xf32, #tpu.memory_space<hbm>> -> memref<20736x128xf32, #tpu.memory_space<hbm>>
      tpu.wait_indirect_dma semaphore(%run_scoped3A : memref<!tpu.dma_semaphore, #tpu.memory_space<semaphore_mem>>) src(%arg10 : memref<128x128xf32, #tpu.memory_space<vmem>>) dst(%dma_wait3A_42 : memref<20736x128xf32, #tpu.memory_space<hbm>>)
      tpu.yield
    }) : () -> ()
    %dma_wait3A_31 = arith.constant 0 : i32
    %dma_wait3A_32 = arith.constant 0 : i32
    %dma_wait3A_33 = tpu.memref_slice %arg7[%dma_wait3A_31, %dma_wait3A_32] : memref<20736x768xf32, #tpu.memory_space<hbm>> -> memref<20736x768xf32, #tpu.memory_space<hbm>>
    tpu.wait_indirect_dma semaphore(%arg13 : memref<!tpu.dma_semaphore, #tpu.memory_space<semaphore_mem>>) src(%arg9 : memref<128x768xf32, #tpu.memory_space<vmem>>) dst(%dma_wait3A_33 : memref<20736x768xf32, #tpu.memory_space<hbm>>)
    %dma_wait3A_34 = arith.constant 0 : i32
    %dma_wait3A_35 = arith.constant 0 : i32
    %dma_wait3A_36 = tpu.memref_slice %arg7[%dma_wait3A_34, %dma_wait3A_35] : memref<20736x768xf32, #tpu.memory_space<hbm>> -> memref<20736x768xf32, #tpu.memory_space<hbm>>
    tpu.wait_indirect_dma semaphore(%arg14 : memref<!tpu.dma_semaphore, #tpu.memory_space<semaphore_mem>>) src(%arg9 : memref<128x768xf32, #tpu.memory_space<vmem>>) dst(%dma_wait3A_36 : memref<20736x768xf32, #tpu.memory_space<hbm>>)
    return
  }
}

module attributes {stable_mosaic.version = 14 : i64} {
  func.func @_gating_kernel(%arg0: memref<4096x768xf32, #tpu.memory_space<vmem>>, %arg1: memref<768x16xf32, #tpu.memory_space<vmem>>, %arg2: memref<4096x1xi32, #tpu.memory_space<vmem>>, %arg3: memref<4096x1xi32, #tpu.memory_space<vmem>>, %arg4: memref<4096x128xf32, #tpu.memory_space<vmem>>, %arg5: memref<4096x128xf32, #tpu.memory_space<vmem>>, %arg6: memref<52x1xi32, #tpu.memory_space<vmem>>, %arg7: memref<1x1xf32, #tpu.memory_space<smem>>) attributes {dimension_semantics = [], scalar_prefetch = 0 : i64, scratch_operands = 0 : i64, tpu.core_type = #tpu.core_type<tc>} {
    %get3A = arith.constant 0 : index
    %get3A_0 = arith.constant 0 : index
    %get3A_1 = vector.load %arg0[%get3A, %get3A_0] : memref<4096x768xf32, #tpu.memory_space<vmem>>, vector<4096x768xf32>
    %get3A_2 = arith.constant 0 : index
    %get3A_3 = arith.constant 0 : index
    %get3A_4 = vector.load %arg1[%get3A_2, %get3A_3] : memref<768x16xf32, #tpu.memory_space<vmem>>, vector<768x16xf32>
    %dot_general3A = arith.constant dense<0.000000e+00> : vector<4096x16xf32>
    %dot_general3A_5 = tpu.matmul %get3A_1, %get3A_4, %dot_general3A {dimension_numbers = #tpu.dot_dimension_numbers<[1], [0], [0], [1], [0, 0, 1, 1], [], []>, transpose_lhs_hint = false} : vector<4096x768xf32>, vector<768x16xf32>, vector<4096x16xf32> -> vector<4096x16xf32>
    %iota3A = tpu.iota {dimensions = array<i32: 1>} : vector<4096x16xi32>
    %reduce_max3A = arith.constant dense<0xFF800000> : vector<4096xf32>
    %reduce_max3A_6 = vector.multi_reduction <maximumf>, %dot_general3A_5, %reduce_max3A [1] : vector<4096x16xf32> to vector<4096xf32>
    %broadcast_in_dim3A = vector.shape_cast %reduce_max3A_6 : vector<4096xf32> to vector<4096x1xf32>
    %eq3A = vector.broadcast %broadcast_in_dim3A : vector<4096x1xf32> to vector<4096x16xf32>
    %eq3A_7 = arith.cmpf oeq, %dot_general3A_5, %eq3A : vector<4096x16xf32>
    %jit3A = arith.constant 16 : i32
    %broadcast_in_dim3A_8 = vector.broadcast %jit3A : i32 to vector<4096x16xi32>
    %select_n3A = arith.select %eq3A_7, %iota3A, %broadcast_in_dim3A_8 : vector<4096x16xi1>, vector<4096x16xi32>
    %reduce_min3A = arith.constant dense<2147483647> : vector<4096xi32>
    %reduce_min3A_9 = vector.multi_reduction <minsi>, %select_n3A, %reduce_min3A [1] : vector<4096x16xi32> to vector<4096xi32>
    %broadcast_in_dim3A_10 = vector.shape_cast %reduce_min3A_9 : vector<4096xi32> to vector<4096x1xi32>
    %eq3A_11 = vector.broadcast %broadcast_in_dim3A_10 : vector<4096x1xi32> to vector<4096x16xi32>
    %eq3A_12 = arith.cmpi eq, %iota3A, %eq3A_11 : vector<4096x16xi32>
    %jit3A_13 = arith.constant 0xFF800000 : f32
    %broadcast_in_dim3A_14 = vector.broadcast %jit3A_13 : f32 to vector<4096x16xf32>
    %select_n3A_15 = arith.select %eq3A_12, %broadcast_in_dim3A_14, %dot_general3A_5 : vector<4096x16xi1>, vector<4096x16xf32>
    %reduce_max3A_16 = arith.constant dense<0xFF800000> : vector<4096xf32>
    %reduce_max3A_17 = vector.multi_reduction <maximumf>, %select_n3A_15, %reduce_max3A_16 [1] : vector<4096x16xf32> to vector<4096xf32>
    %broadcast_in_dim3A_18 = vector.shape_cast %reduce_max3A_17 : vector<4096xf32> to vector<4096x1xf32>
    %eq3A_19 = vector.broadcast %broadcast_in_dim3A_18 : vector<4096x1xf32> to vector<4096x16xf32>
    %eq3A_20 = arith.cmpf oeq, %select_n3A_15, %eq3A_19 : vector<4096x16xf32>
    %jit3A_21 = arith.constant 16 : i32
    %broadcast_in_dim3A_22 = vector.broadcast %jit3A_21 : i32 to vector<4096x16xi32>
    %select_n3A_23 = arith.select %eq3A_20, %iota3A, %broadcast_in_dim3A_22 : vector<4096x16xi1>, vector<4096x16xi32>
    %reduce_min3A_24 = arith.constant dense<2147483647> : vector<4096xi32>
    %reduce_min3A_25 = vector.multi_reduction <minsi>, %select_n3A_23, %reduce_min3A_24 [1] : vector<4096x16xi32> to vector<4096xi32>
    %broadcast_in_dim3A_26 = vector.shape_cast %reduce_min3A_25 : vector<4096xi32> to vector<4096x1xi32>
    %sub3A = arith.subf %broadcast_in_dim3A_18, %broadcast_in_dim3A : vector<4096x1xf32>
    %exp3A = math.exp %sub3A : vector<4096x1xf32>
    %add3A = arith.constant 1.000000e+00 : f32
    %add3A_27 = vector.broadcast %add3A : f32 to vector<4096x1xf32>
    %add3A_28 = arith.addf %add3A_27, %exp3A : vector<4096x1xf32>
    %div3A = arith.constant 1.000000e+00 : f32
    %div3A_29 = vector.broadcast %div3A : f32 to vector<4096x1xf32>
    %div3A_30 = arith.divf %div3A_29, %add3A_28 : vector<4096x1xf32>
    %div3A_31 = arith.divf %exp3A, %add3A_28 : vector<4096x1xf32>
    %eq3A_32 = vector.broadcast %broadcast_in_dim3A_10 : vector<4096x1xi32> to vector<4096x16xi32>
    %eq3A_33 = arith.cmpi eq, %iota3A, %eq3A_32 : vector<4096x16xi32>
    %convert_element_type3A = arith.extui %eq3A_33 : vector<4096x16xi1> to vector<4096x16xi32>
    %convert_element_type3A_34 = arith.sitofp %convert_element_type3A : vector<4096x16xi32> to vector<4096x16xf32>
    %eq3A_35 = vector.broadcast %broadcast_in_dim3A_26 : vector<4096x1xi32> to vector<4096x16xi32>
    %eq3A_36 = arith.cmpi eq, %iota3A, %eq3A_35 : vector<4096x16xi32>
    %convert_element_type3A_37 = arith.extui %eq3A_36 : vector<4096x16xi1> to vector<4096x16xi32>
    %convert_element_type3A_38 = arith.sitofp %convert_element_type3A_37 : vector<4096x16xi32> to vector<4096x16xf32>
    %iota3A_39 = tpu.iota {dimensions = array<i32: 0>} : vector<512x512xi32>
    %iota3A_40 = tpu.iota {dimensions = array<i32: 1>} : vector<512x512xi32>
    %lt3A = arith.cmpi slt, %iota3A_40, %iota3A_39 : vector<512x512xi32>
    %convert_element_type3A_41 = arith.extui %lt3A : vector<512x512xi1> to vector<512x512xi32>
    %convert_element_type3A_42 = arith.sitofp %convert_element_type3A_41 : vector<512x512xi32> to vector<512x512xf32>
    %broadcast_in_dim3A_43 = arith.constant 0.000000e+00 : f32
    %broadcast_in_dim3A_44 = vector.broadcast %broadcast_in_dim3A_43 : f32 to vector<1x16xf32>
    %broadcast_in_dim3A_45 = arith.constant 0.000000e+00 : f32
    %broadcast_in_dim3A_46 = vector.broadcast %broadcast_in_dim3A_45 : f32 to vector<1x16xf32>
    %slice3A = vector.extract_strided_slice %convert_element_type3A_34 {offsets = [0, 0], sizes = [512, 16], strides = [1, 1]} : vector<4096x16xf32> to vector<512x16xf32>
    %slice3A_47 = vector.extract_strided_slice %convert_element_type3A_38 {offsets = [0, 0], sizes = [512, 16], strides = [1, 1]} : vector<4096x16xf32> to vector<512x16xf32>
    %dot_general3A_48 = arith.constant dense<0.000000e+00> : vector<512x16xf32>
    %dot_general3A_49 = tpu.matmul %convert_element_type3A_42, %slice3A, %dot_general3A_48 {dimension_numbers = #tpu.dot_dimension_numbers<[1], [0], [0], [1], [0, 0, 1, 1], [], []>, transpose_lhs_hint = false} : vector<512x512xf32>, vector<512x16xf32>, vector<512x16xf32> -> vector<512x16xf32>
    %add3A_50 = vector.broadcast %broadcast_in_dim3A_44 : vector<1x16xf32> to vector<512x16xf32>
    %add3A_51 = arith.addf %dot_general3A_49, %add3A_50 : vector<512x16xf32>
    %dot_general3A_52 = arith.constant dense<0.000000e+00> : vector<512x16xf32>
    %dot_general3A_53 = tpu.matmul %convert_element_type3A_42, %slice3A_47, %dot_general3A_52 {dimension_numbers = #tpu.dot_dimension_numbers<[1], [0], [0], [1], [0, 0, 1, 1], [], []>, transpose_lhs_hint = false} : vector<512x512xf32>, vector<512x16xf32>, vector<512x16xf32> -> vector<512x16xf32>
    %add3A_54 = vector.broadcast %broadcast_in_dim3A_46 : vector<1x16xf32> to vector<512x16xf32>
    %add3A_55 = arith.addf %dot_general3A_53, %add3A_54 : vector<512x16xf32>
    %reduce_sum3A = arith.constant dense<0.000000e+00> : vector<16xf32>
    %reduce_sum3A_56 = vector.multi_reduction <add>, %slice3A, %reduce_sum3A [0] : vector<512x16xf32> to vector<16xf32>
    %broadcast_in_dim3A_57 = vector.shape_cast %reduce_sum3A_56 : vector<16xf32> to vector<1x16xf32>
    %add3A_58 = arith.addf %broadcast_in_dim3A_44, %broadcast_in_dim3A_57 : vector<1x16xf32>
    %reduce_sum3A_59 = arith.constant dense<0.000000e+00> : vector<16xf32>
    %reduce_sum3A_60 = vector.multi_reduction <add>, %slice3A_47, %reduce_sum3A_59 [0] : vector<512x16xf32> to vector<16xf32>
    %broadcast_in_dim3A_61 = vector.shape_cast %reduce_sum3A_60 : vector<16xf32> to vector<1x16xf32>
    %add3A_62 = arith.addf %broadcast_in_dim3A_46, %broadcast_in_dim3A_61 : vector<1x16xf32>
    %slice3A_63 = vector.extract_strided_slice %convert_element_type3A_34 {offsets = [512, 0], sizes = [512, 16], strides = [1, 1]} : vector<4096x16xf32> to vector<512x16xf32>
    %slice3A_64 = vector.extract_strided_slice %convert_element_type3A_38 {offsets = [512, 0], sizes = [512, 16], strides = [1, 1]} : vector<4096x16xf32> to vector<512x16xf32>
    %dot_general3A_65 = arith.constant dense<0.000000e+00> : vector<512x16xf32>
    %dot_general3A_66 = tpu.matmul %convert_element_type3A_42, %slice3A_63, %dot_general3A_65 {dimension_numbers = #tpu.dot_dimension_numbers<[1], [0], [0], [1], [0, 0, 1, 1], [], []>, transpose_lhs_hint = false} : vector<512x512xf32>, vector<512x16xf32>, vector<512x16xf32> -> vector<512x16xf32>
    %add3A_67 = vector.broadcast %add3A_58 : vector<1x16xf32> to vector<512x16xf32>
    %add3A_68 = arith.addf %dot_general3A_66, %add3A_67 : vector<512x16xf32>
    %dot_general3A_69 = arith.constant dense<0.000000e+00> : vector<512x16xf32>
    %dot_general3A_70 = tpu.matmul %convert_element_type3A_42, %slice3A_64, %dot_general3A_69 {dimension_numbers = #tpu.dot_dimension_numbers<[1], [0], [0], [1], [0, 0, 1, 1], [], []>, transpose_lhs_hint = false} : vector<512x512xf32>, vector<512x16xf32>, vector<512x16xf32> -> vector<512x16xf32>
    %add3A_71 = vector.broadcast %add3A_62 : vector<1x16xf32> to vector<512x16xf32>
    %add3A_72 = arith.addf %dot_general3A_70, %add3A_71 : vector<512x16xf32>
    %reduce_sum3A_73 = arith.constant dense<0.000000e+00> : vector<16xf32>
    %reduce_sum3A_74 = vector.multi_reduction <add>, %slice3A_63, %reduce_sum3A_73 [0] : vector<512x16xf32> to vector<16xf32>
    %broadcast_in_dim3A_75 = vector.shape_cast %reduce_sum3A_74 : vector<16xf32> to vector<1x16xf32>
    %add3A_76 = arith.addf %add3A_58, %broadcast_in_dim3A_75 : vector<1x16xf32>
    %reduce_sum3A_77 = arith.constant dense<0.000000e+00> : vector<16xf32>
    %reduce_sum3A_78 = vector.multi_reduction <add>, %slice3A_64, %reduce_sum3A_77 [0] : vector<512x16xf32> to vector<16xf32>
    %broadcast_in_dim3A_79 = vector.shape_cast %reduce_sum3A_78 : vector<16xf32> to vector<1x16xf32>
    %add3A_80 = arith.addf %add3A_62, %broadcast_in_dim3A_79 : vector<1x16xf32>
    %slice3A_81 = vector.extract_strided_slice %convert_element_type3A_34 {offsets = [1024, 0], sizes = [512, 16], strides = [1, 1]} : vector<4096x16xf32> to vector<512x16xf32>
    %slice3A_82 = vector.extract_strided_slice %convert_element_type3A_38 {offsets = [1024, 0], sizes = [512, 16], strides = [1, 1]} : vector<4096x16xf32> to vector<512x16xf32>
    %dot_general3A_83 = arith.constant dense<0.000000e+00> : vector<512x16xf32>
    %dot_general3A_84 = tpu.matmul %convert_element_type3A_42, %slice3A_81, %dot_general3A_83 {dimension_numbers = #tpu.dot_dimension_numbers<[1], [0], [0], [1], [0, 0, 1, 1], [], []>, transpose_lhs_hint = false} : vector<512x512xf32>, vector<512x16xf32>, vector<512x16xf32> -> vector<512x16xf32>
    %add3A_85 = vector.broadcast %add3A_76 : vector<1x16xf32> to vector<512x16xf32>
    %add3A_86 = arith.addf %dot_general3A_84, %add3A_85 : vector<512x16xf32>
    %dot_general3A_87 = arith.constant dense<0.000000e+00> : vector<512x16xf32>
    %dot_general3A_88 = tpu.matmul %convert_element_type3A_42, %slice3A_82, %dot_general3A_87 {dimension_numbers = #tpu.dot_dimension_numbers<[1], [0], [0], [1], [0, 0, 1, 1], [], []>, transpose_lhs_hint = false} : vector<512x512xf32>, vector<512x16xf32>, vector<512x16xf32> -> vector<512x16xf32>
    %add3A_89 = vector.broadcast %add3A_80 : vector<1x16xf32> to vector<512x16xf32>
    %add3A_90 = arith.addf %dot_general3A_88, %add3A_89 : vector<512x16xf32>
    %reduce_sum3A_91 = arith.constant dense<0.000000e+00> : vector<16xf32>
    %reduce_sum3A_92 = vector.multi_reduction <add>, %slice3A_81, %reduce_sum3A_91 [0] : vector<512x16xf32> to vector<16xf32>
    %broadcast_in_dim3A_93 = vector.shape_cast %reduce_sum3A_92 : vector<16xf32> to vector<1x16xf32>
    %add3A_94 = arith.addf %add3A_76, %broadcast_in_dim3A_93 : vector<1x16xf32>
    %reduce_sum3A_95 = arith.constant dense<0.000000e+00> : vector<16xf32>
    %reduce_sum3A_96 = vector.multi_reduction <add>, %slice3A_82, %reduce_sum3A_95 [0] : vector<512x16xf32> to vector<16xf32>
    %broadcast_in_dim3A_97 = vector.shape_cast %reduce_sum3A_96 : vector<16xf32> to vector<1x16xf32>
    %add3A_98 = arith.addf %add3A_80, %broadcast_in_dim3A_97 : vector<1x16xf32>
    %slice3A_99 = vector.extract_strided_slice %convert_element_type3A_34 {offsets = [1536, 0], sizes = [512, 16], strides = [1, 1]} : vector<4096x16xf32> to vector<512x16xf32>
    %slice3A_100 = vector.extract_strided_slice %convert_element_type3A_38 {offsets = [1536, 0], sizes = [512, 16], strides = [1, 1]} : vector<4096x16xf32> to vector<512x16xf32>
    %dot_general3A_101 = arith.constant dense<0.000000e+00> : vector<512x16xf32>
    %dot_general3A_102 = tpu.matmul %convert_element_type3A_42, %slice3A_99, %dot_general3A_101 {dimension_numbers = #tpu.dot_dimension_numbers<[1], [0], [0], [1], [0, 0, 1, 1], [], []>, transpose_lhs_hint = false} : vector<512x512xf32>, vector<512x16xf32>, vector<512x16xf32> -> vector<512x16xf32>
    %add3A_103 = vector.broadcast %add3A_94 : vector<1x16xf32> to vector<512x16xf32>
    %add3A_104 = arith.addf %dot_general3A_102, %add3A_103 : vector<512x16xf32>
    %dot_general3A_105 = arith.constant dense<0.000000e+00> : vector<512x16xf32>
    %dot_general3A_106 = tpu.matmul %convert_element_type3A_42, %slice3A_100, %dot_general3A_105 {dimension_numbers = #tpu.dot_dimension_numbers<[1], [0], [0], [1], [0, 0, 1, 1], [], []>, transpose_lhs_hint = false} : vector<512x512xf32>, vector<512x16xf32>, vector<512x16xf32> -> vector<512x16xf32>
    %add3A_107 = vector.broadcast %add3A_98 : vector<1x16xf32> to vector<512x16xf32>
    %add3A_108 = arith.addf %dot_general3A_106, %add3A_107 : vector<512x16xf32>
    %reduce_sum3A_109 = arith.constant dense<0.000000e+00> : vector<16xf32>
    %reduce_sum3A_110 = vector.multi_reduction <add>, %slice3A_99, %reduce_sum3A_109 [0] : vector<512x16xf32> to vector<16xf32>
    %broadcast_in_dim3A_111 = vector.shape_cast %reduce_sum3A_110 : vector<16xf32> to vector<1x16xf32>
    %add3A_112 = arith.addf %add3A_94, %broadcast_in_dim3A_111 : vector<1x16xf32>
    %reduce_sum3A_113 = arith.constant dense<0.000000e+00> : vector<16xf32>
    %reduce_sum3A_114 = vector.multi_reduction <add>, %slice3A_100, %reduce_sum3A_113 [0] : vector<512x16xf32> to vector<16xf32>
    %broadcast_in_dim3A_115 = vector.shape_cast %reduce_sum3A_114 : vector<16xf32> to vector<1x16xf32>
    %add3A_116 = arith.addf %add3A_98, %broadcast_in_dim3A_115 : vector<1x16xf32>
    %slice3A_117 = vector.extract_strided_slice %convert_element_type3A_34 {offsets = [2048, 0], sizes = [512, 16], strides = [1, 1]} : vector<4096x16xf32> to vector<512x16xf32>
    %slice3A_118 = vector.extract_strided_slice %convert_element_type3A_38 {offsets = [2048, 0], sizes = [512, 16], strides = [1, 1]} : vector<4096x16xf32> to vector<512x16xf32>
    %dot_general3A_119 = arith.constant dense<0.000000e+00> : vector<512x16xf32>
    %dot_general3A_120 = tpu.matmul %convert_element_type3A_42, %slice3A_117, %dot_general3A_119 {dimension_numbers = #tpu.dot_dimension_numbers<[1], [0], [0], [1], [0, 0, 1, 1], [], []>, transpose_lhs_hint = false} : vector<512x512xf32>, vector<512x16xf32>, vector<512x16xf32> -> vector<512x16xf32>
    %add3A_121 = vector.broadcast %add3A_112 : vector<1x16xf32> to vector<512x16xf32>
    %add3A_122 = arith.addf %dot_general3A_120, %add3A_121 : vector<512x16xf32>
    %dot_general3A_123 = arith.constant dense<0.000000e+00> : vector<512x16xf32>
    %dot_general3A_124 = tpu.matmul %convert_element_type3A_42, %slice3A_118, %dot_general3A_123 {dimension_numbers = #tpu.dot_dimension_numbers<[1], [0], [0], [1], [0, 0, 1, 1], [], []>, transpose_lhs_hint = false} : vector<512x512xf32>, vector<512x16xf32>, vector<512x16xf32> -> vector<512x16xf32>
    %add3A_125 = vector.broadcast %add3A_116 : vector<1x16xf32> to vector<512x16xf32>
    %add3A_126 = arith.addf %dot_general3A_124, %add3A_125 : vector<512x16xf32>
    %reduce_sum3A_127 = arith.constant dense<0.000000e+00> : vector<16xf32>
    %reduce_sum3A_128 = vector.multi_reduction <add>, %slice3A_117, %reduce_sum3A_127 [0] : vector<512x16xf32> to vector<16xf32>
    %broadcast_in_dim3A_129 = vector.shape_cast %reduce_sum3A_128 : vector<16xf32> to vector<1x16xf32>
    %add3A_130 = arith.addf %add3A_112, %broadcast_in_dim3A_129 : vector<1x16xf32>
    %reduce_sum3A_131 = arith.constant dense<0.000000e+00> : vector<16xf32>
    %reduce_sum3A_132 = vector.multi_reduction <add>, %slice3A_118, %reduce_sum3A_131 [0] : vector<512x16xf32> to vector<16xf32>
    %broadcast_in_dim3A_133 = vector.shape_cast %reduce_sum3A_132 : vector<16xf32> to vector<1x16xf32>
    %add3A_134 = arith.addf %add3A_116, %broadcast_in_dim3A_133 : vector<1x16xf32>
    %slice3A_135 = vector.extract_strided_slice %convert_element_type3A_34 {offsets = [2560, 0], sizes = [512, 16], strides = [1, 1]} : vector<4096x16xf32> to vector<512x16xf32>
    %slice3A_136 = vector.extract_strided_slice %convert_element_type3A_38 {offsets = [2560, 0], sizes = [512, 16], strides = [1, 1]} : vector<4096x16xf32> to vector<512x16xf32>
    %dot_general3A_137 = arith.constant dense<0.000000e+00> : vector<512x16xf32>
    %dot_general3A_138 = tpu.matmul %convert_element_type3A_42, %slice3A_135, %dot_general3A_137 {dimension_numbers = #tpu.dot_dimension_numbers<[1], [0], [0], [1], [0, 0, 1, 1], [], []>, transpose_lhs_hint = false} : vector<512x512xf32>, vector<512x16xf32>, vector<512x16xf32> -> vector<512x16xf32>
    %add3A_139 = vector.broadcast %add3A_130 : vector<1x16xf32> to vector<512x16xf32>
    %add3A_140 = arith.addf %dot_general3A_138, %add3A_139 : vector<512x16xf32>
    %dot_general3A_141 = arith.constant dense<0.000000e+00> : vector<512x16xf32>
    %dot_general3A_142 = tpu.matmul %convert_element_type3A_42, %slice3A_136, %dot_general3A_141 {dimension_numbers = #tpu.dot_dimension_numbers<[1], [0], [0], [1], [0, 0, 1, 1], [], []>, transpose_lhs_hint = false} : vector<512x512xf32>, vector<512x16xf32>, vector<512x16xf32> -> vector<512x16xf32>
    %add3A_143 = vector.broadcast %add3A_134 : vector<1x16xf32> to vector<512x16xf32>
    %add3A_144 = arith.addf %dot_general3A_142, %add3A_143 : vector<512x16xf32>
    %reduce_sum3A_145 = arith.constant dense<0.000000e+00> : vector<16xf32>
    %reduce_sum3A_146 = vector.multi_reduction <add>, %slice3A_135, %reduce_sum3A_145 [0] : vector<512x16xf32> to vector<16xf32>
    %broadcast_in_dim3A_147 = vector.shape_cast %reduce_sum3A_146 : vector<16xf32> to vector<1x16xf32>
    %add3A_148 = arith.addf %add3A_130, %broadcast_in_dim3A_147 : vector<1x16xf32>
    %reduce_sum3A_149 = arith.constant dense<0.000000e+00> : vector<16xf32>
    %reduce_sum3A_150 = vector.multi_reduction <add>, %slice3A_136, %reduce_sum3A_149 [0] : vector<512x16xf32> to vector<16xf32>
    %broadcast_in_dim3A_151 = vector.shape_cast %reduce_sum3A_150 : vector<16xf32> to vector<1x16xf32>
    %add3A_152 = arith.addf %add3A_134, %broadcast_in_dim3A_151 : vector<1x16xf32>
    %slice3A_153 = vector.extract_strided_slice %convert_element_type3A_34 {offsets = [3072, 0], sizes = [512, 16], strides = [1, 1]} : vector<4096x16xf32> to vector<512x16xf32>
    %slice3A_154 = vector.extract_strided_slice %convert_element_type3A_38 {offsets = [3072, 0], sizes = [512, 16], strides = [1, 1]} : vector<4096x16xf32> to vector<512x16xf32>
    %dot_general3A_155 = arith.constant dense<0.000000e+00> : vector<512x16xf32>
    %dot_general3A_156 = tpu.matmul %convert_element_type3A_42, %slice3A_153, %dot_general3A_155 {dimension_numbers = #tpu.dot_dimension_numbers<[1], [0], [0], [1], [0, 0, 1, 1], [], []>, transpose_lhs_hint = false} : vector<512x512xf32>, vector<512x16xf32>, vector<512x16xf32> -> vector<512x16xf32>
    %add3A_157 = vector.broadcast %add3A_148 : vector<1x16xf32> to vector<512x16xf32>
    %add3A_158 = arith.addf %dot_general3A_156, %add3A_157 : vector<512x16xf32>
    %dot_general3A_159 = arith.constant dense<0.000000e+00> : vector<512x16xf32>
    %dot_general3A_160 = tpu.matmul %convert_element_type3A_42, %slice3A_154, %dot_general3A_159 {dimension_numbers = #tpu.dot_dimension_numbers<[1], [0], [0], [1], [0, 0, 1, 1], [], []>, transpose_lhs_hint = false} : vector<512x512xf32>, vector<512x16xf32>, vector<512x16xf32> -> vector<512x16xf32>
    %add3A_161 = vector.broadcast %add3A_152 : vector<1x16xf32> to vector<512x16xf32>
    %add3A_162 = arith.addf %dot_general3A_160, %add3A_161 : vector<512x16xf32>
    %reduce_sum3A_163 = arith.constant dense<0.000000e+00> : vector<16xf32>
    %reduce_sum3A_164 = vector.multi_reduction <add>, %slice3A_153, %reduce_sum3A_163 [0] : vector<512x16xf32> to vector<16xf32>
    %broadcast_in_dim3A_165 = vector.shape_cast %reduce_sum3A_164 : vector<16xf32> to vector<1x16xf32>
    %add3A_166 = arith.addf %add3A_148, %broadcast_in_dim3A_165 : vector<1x16xf32>
    %reduce_sum3A_167 = arith.constant dense<0.000000e+00> : vector<16xf32>
    %reduce_sum3A_168 = vector.multi_reduction <add>, %slice3A_154, %reduce_sum3A_167 [0] : vector<512x16xf32> to vector<16xf32>
    %broadcast_in_dim3A_169 = vector.shape_cast %reduce_sum3A_168 : vector<16xf32> to vector<1x16xf32>
    %add3A_170 = arith.addf %add3A_152, %broadcast_in_dim3A_169 : vector<1x16xf32>
    %slice3A_171 = vector.extract_strided_slice %convert_element_type3A_34 {offsets = [3584, 0], sizes = [512, 16], strides = [1, 1]} : vector<4096x16xf32> to vector<512x16xf32>
    %slice3A_172 = vector.extract_strided_slice %convert_element_type3A_38 {offsets = [3584, 0], sizes = [512, 16], strides = [1, 1]} : vector<4096x16xf32> to vector<512x16xf32>
    %dot_general3A_173 = arith.constant dense<0.000000e+00> : vector<512x16xf32>
    %dot_general3A_174 = tpu.matmul %convert_element_type3A_42, %slice3A_171, %dot_general3A_173 {dimension_numbers = #tpu.dot_dimension_numbers<[1], [0], [0], [1], [0, 0, 1, 1], [], []>, transpose_lhs_hint = false} : vector<512x512xf32>, vector<512x16xf32>, vector<512x16xf32> -> vector<512x16xf32>
    %add3A_175 = vector.broadcast %add3A_166 : vector<1x16xf32> to vector<512x16xf32>
    %add3A_176 = arith.addf %dot_general3A_174, %add3A_175 : vector<512x16xf32>
    %dot_general3A_177 = arith.constant dense<0.000000e+00> : vector<512x16xf32>
    %dot_general3A_178 = tpu.matmul %convert_element_type3A_42, %slice3A_172, %dot_general3A_177 {dimension_numbers = #tpu.dot_dimension_numbers<[1], [0], [0], [1], [0, 0, 1, 1], [], []>, transpose_lhs_hint = false} : vector<512x512xf32>, vector<512x16xf32>, vector<512x16xf32> -> vector<512x16xf32>
    %add3A_179 = vector.broadcast %add3A_170 : vector<1x16xf32> to vector<512x16xf32>
    %add3A_180 = arith.addf %dot_general3A_178, %add3A_179 : vector<512x16xf32>
    %reduce_sum3A_181 = arith.constant dense<0.000000e+00> : vector<16xf32>
    %reduce_sum3A_182 = vector.multi_reduction <add>, %slice3A_171, %reduce_sum3A_181 [0] : vector<512x16xf32> to vector<16xf32>
    %broadcast_in_dim3A_183 = vector.shape_cast %reduce_sum3A_182 : vector<16xf32> to vector<1x16xf32>
    %add3A_184 = arith.addf %add3A_166, %broadcast_in_dim3A_183 : vector<1x16xf32>
    %reduce_sum3A_185 = arith.constant dense<0.000000e+00> : vector<16xf32>
    %reduce_sum3A_186 = vector.multi_reduction <add>, %slice3A_172, %reduce_sum3A_185 [0] : vector<512x16xf32> to vector<16xf32>
    %broadcast_in_dim3A_187 = vector.shape_cast %reduce_sum3A_186 : vector<16xf32> to vector<1x16xf32>
    %add3A_188 = arith.addf %add3A_170, %broadcast_in_dim3A_187 : vector<1x16xf32>
    %concatenate3A = tpu.concatenate %add3A_51, %add3A_68, %add3A_86, %add3A_104, %add3A_122, %add3A_140, %add3A_158, %add3A_176 in 0 : vector<512x16xf32>, vector<512x16xf32>, vector<512x16xf32>, vector<512x16xf32>, vector<512x16xf32>, vector<512x16xf32>, vector<512x16xf32>, vector<512x16xf32> -> vector<4096x16xf32>
    %concatenate3A_189 = tpu.concatenate %add3A_55, %add3A_72, %add3A_90, %add3A_108, %add3A_126, %add3A_144, %add3A_162, %add3A_180 in 0 : vector<512x16xf32>, vector<512x16xf32>, vector<512x16xf32>, vector<512x16xf32>, vector<512x16xf32>, vector<512x16xf32>, vector<512x16xf32>, vector<512x16xf32> -> vector<4096x16xf32>
    %add3A_190 = arith.addf %add3A_184, %add3A_188 : vector<1x16xf32>
    %convert_element_type3A_191 = arith.fptosi %add3A_190 : vector<1x16xf32> to vector<1x16xi32>
    %add3A_192 = arith.constant 767 : i32
    %add3A_193 = vector.broadcast %add3A_192 : i32 to vector<1x16xi32>
    %add3A_194 = arith.addi %convert_element_type3A_191, %add3A_193 : vector<1x16xi32>
    %jit3A_195 = arith.constant 768 : i32
    %div3A_196 = vector.broadcast %jit3A_195 : i32 to vector<1x16xi32>
    %div3A_197 = arith.divsi %add3A_194, %div3A_196 : vector<1x16xi32>
    %sign3A = arith.constant 0 : i32
    %sign3A_198 = vector.broadcast %sign3A : i32 to vector<1x16xi32>
    %sign3A_199 = arith.cmpi sgt, %add3A_194, %sign3A_198 : vector<1x16xi32>
    %sign3A_200 = arith.extui %sign3A_199 : vector<1x16xi1> to vector<1x16xi32>
    %sign3A_201 = arith.constant 0 : i32
    %sign3A_202 = vector.broadcast %sign3A_201 : i32 to vector<1x16xi32>
    %sign3A_203 = arith.cmpi slt, %add3A_194, %sign3A_202 : vector<1x16xi32>
    %sign3A_204 = arith.extui %sign3A_203 : vector<1x16xi1> to vector<1x16xi32>
    %sign3A_205 = arith.subi %sign3A_200, %sign3A_204 : vector<1x16xi32>
    %sign3A_206 = arith.constant 0 : i32
    %sign3A_207 = arith.cmpi sgt, %jit3A_195, %sign3A_206 : i32
    %sign3A_208 = arith.extui %sign3A_207 : i1 to i32
    %sign3A_209 = arith.constant 0 : i32
    %sign3A_210 = arith.cmpi slt, %jit3A_195, %sign3A_209 : i32
    %sign3A_211 = arith.extui %sign3A_210 : i1 to i32
    %sign3A_212 = arith.subi %sign3A_208, %sign3A_211 : i32
    %ne3A = vector.broadcast %sign3A_212 : i32 to vector<1x16xi32>
    %ne3A_213 = arith.cmpi ne, %sign3A_205, %ne3A : vector<1x16xi32>
    %rem3A = vector.broadcast %jit3A_195 : i32 to vector<1x16xi32>
    %rem3A_214 = arith.remsi %add3A_194, %rem3A : vector<1x16xi32>
    %ne3A_215 = arith.constant 0 : i32
    %ne3A_216 = vector.broadcast %ne3A_215 : i32 to vector<1x16xi32>
    %ne3A_217 = arith.cmpi ne, %rem3A_214, %ne3A_216 : vector<1x16xi32>
    %and3A = arith.andi %ne3A_213, %ne3A_217 : vector<1x16xi1>
    %sub3A_218 = arith.constant 1 : i32
    %sub3A_219 = vector.broadcast %sub3A_218 : i32 to vector<1x16xi32>
    %sub3A_220 = arith.subi %div3A_197, %sub3A_219 : vector<1x16xi32>
    %select_n3A_221 = arith.select %and3A, %sub3A_220, %div3A_197 : vector<1x16xi1>, vector<1x16xi32>
    %mul3A = arith.constant 768 : i32
    %mul3A_222 = vector.broadcast %mul3A : i32 to vector<1x16xi32>
    %mul3A_223 = arith.muli %select_n3A_221, %mul3A_222 : vector<1x16xi32>
    %convert_element_type3A_224 = arith.sitofp %mul3A_223 : vector<1x16xi32> to vector<1x16xf32>
    %iota3A_225 = tpu.iota {dimensions = array<i32: 0>} : vector<16x16xi32>
    %iota3A_226 = tpu.iota {dimensions = array<i32: 1>} : vector<16x16xi32>
    %lt3A_227 = arith.cmpi slt, %iota3A_225, %iota3A_226 : vector<16x16xi32>
    %convert_element_type3A_228 = arith.extui %lt3A_227 : vector<16x16xi1> to vector<16x16xi32>
    %convert_element_type3A_229 = arith.sitofp %convert_element_type3A_228 : vector<16x16xi32> to vector<16x16xf32>
    %dot_general3A_230 = arith.constant dense<0.000000e+00> : vector<1x16xf32>
    %dot_general3A_231 = tpu.matmul %convert_element_type3A_224, %convert_element_type3A_229, %dot_general3A_230 {dimension_numbers = #tpu.dot_dimension_numbers<[1], [0], [0], [1], [0, 0, 1, 1], [], []>, transpose_lhs_hint = false} : vector<1x16xf32>, vector<16x16xf32>, vector<1x16xf32> -> vector<1x16xf32>
    %add3A_232 = arith.addf %dot_general3A_231, %convert_element_type3A_224 : vector<1x16xf32>
    %eq3A_233 = vector.broadcast %broadcast_in_dim3A_10 : vector<4096x1xi32> to vector<4096x16xi32>
    %eq3A_234 = arith.cmpi eq, %iota3A, %eq3A_233 : vector<4096x16xi32>
    %add3A_235 = vector.broadcast %dot_general3A_231 : vector<1x16xf32> to vector<4096x16xf32>
    %add3A_236 = arith.addf %concatenate3A, %add3A_235 : vector<4096x16xf32>
    %jit3A_237 = arith.constant 0.000000e+00 : f32
    %broadcast_in_dim3A_238 = vector.broadcast %jit3A_237 : f32 to vector<4096x16xf32>
    %select_n3A_239 = arith.select %eq3A_234, %add3A_236, %broadcast_in_dim3A_238 : vector<4096x16xi1>, vector<4096x16xf32>
    %reduce_sum3A_240 = arith.constant dense<0.000000e+00> : vector<4096xf32>
    %reduce_sum3A_241 = vector.multi_reduction <add>, %select_n3A_239, %reduce_sum3A_240 [1] : vector<4096x16xf32> to vector<4096xf32>
    %broadcast_in_dim3A_242 = vector.shape_cast %reduce_sum3A_241 : vector<4096xf32> to vector<4096x1xf32>
    %convert_element_type3A_243 = arith.fptosi %broadcast_in_dim3A_242 : vector<4096x1xf32> to vector<4096x1xi32>
    %eq3A_244 = vector.broadcast %broadcast_in_dim3A_26 : vector<4096x1xi32> to vector<4096x16xi32>
    %eq3A_245 = arith.cmpi eq, %iota3A, %eq3A_244 : vector<4096x16xi32>
    %add3A_246 = vector.broadcast %add3A_184 : vector<1x16xf32> to vector<4096x16xf32>
    %add3A_247 = arith.addf %concatenate3A_189, %add3A_246 : vector<4096x16xf32>
    %add3A_248 = vector.broadcast %dot_general3A_231 : vector<1x16xf32> to vector<4096x16xf32>
    %add3A_249 = arith.addf %add3A_247, %add3A_248 : vector<4096x16xf32>
    %jit3A_250 = arith.constant 0.000000e+00 : f32
    %broadcast_in_dim3A_251 = vector.broadcast %jit3A_250 : f32 to vector<4096x16xf32>
    %select_n3A_252 = arith.select %eq3A_245, %add3A_249, %broadcast_in_dim3A_251 : vector<4096x16xi1>, vector<4096x16xf32>
    %reduce_sum3A_253 = arith.constant dense<0.000000e+00> : vector<4096xf32>
    %reduce_sum3A_254 = vector.multi_reduction <add>, %select_n3A_252, %reduce_sum3A_253 [1] : vector<4096x16xf32> to vector<4096xf32>
    %broadcast_in_dim3A_255 = vector.shape_cast %reduce_sum3A_254 : vector<4096xf32> to vector<4096x1xf32>
    %convert_element_type3A_256 = arith.fptosi %broadcast_in_dim3A_255 : vector<4096x1xf32> to vector<4096x1xi32>
    %swap3A = arith.constant 0 : index
    %swap3A_257 = arith.constant 0 : index
    %swap3A_258 = vector.load %arg2[%swap3A, %swap3A_257] : memref<4096x1xi32, #tpu.memory_space<vmem>>, vector<4096x1xi32>
    tpu.vector_store %arg2[%swap3A, %swap3A_257], %convert_element_type3A_243 {strides = array<i32>} : memref<4096x1xi32, #tpu.memory_space<vmem>>, vector<4096x1xi32>,
    %swap3A_259 = arith.constant 0 : index
    %swap3A_260 = arith.constant 0 : index
    %swap3A_261 = vector.load %arg3[%swap3A_259, %swap3A_260] : memref<4096x1xi32, #tpu.memory_space<vmem>>, vector<4096x1xi32>
    tpu.vector_store %arg3[%swap3A_259, %swap3A_260], %convert_element_type3A_256 {strides = array<i32>} : memref<4096x1xi32, #tpu.memory_space<vmem>>, vector<4096x1xi32>,
    %broadcast_in_dim3A_262 = arith.constant 0.000000e+00 : f32
    %broadcast_in_dim3A_263 = vector.broadcast %broadcast_in_dim3A_262 : f32 to vector<4096x128xf32>
    %add3A_264 = vector.broadcast %div3A_30 : vector<4096x1xf32> to vector<4096x128xf32>
    %add3A_265 = arith.addf %add3A_264, %broadcast_in_dim3A_263 : vector<4096x128xf32>
    %swap3A_266 = arith.constant 0 : index
    %swap3A_267 = arith.constant 0 : index
    %swap3A_268 = vector.load %arg4[%swap3A_266, %swap3A_267] : memref<4096x128xf32, #tpu.memory_space<vmem>>, vector<4096x128xf32>
    tpu.vector_store %arg4[%swap3A_266, %swap3A_267], %add3A_265 {strides = array<i32>} : memref<4096x128xf32, #tpu.memory_space<vmem>>, vector<4096x128xf32>,
    %broadcast_in_dim3A_269 = arith.constant 0.000000e+00 : f32
    %broadcast_in_dim3A_270 = vector.broadcast %broadcast_in_dim3A_269 : f32 to vector<4096x128xf32>
    %add3A_271 = vector.broadcast %div3A_31 : vector<4096x1xf32> to vector<4096x128xf32>
    %add3A_272 = arith.addf %add3A_271, %broadcast_in_dim3A_270 : vector<4096x128xf32>
    %swap3A_273 = arith.constant 0 : index
    %swap3A_274 = arith.constant 0 : index
    %swap3A_275 = vector.load %arg5[%swap3A_273, %swap3A_274] : memref<4096x128xf32, #tpu.memory_space<vmem>>, vector<4096x128xf32>
    tpu.vector_store %arg5[%swap3A_273, %swap3A_274], %add3A_272 {strides = array<i32>} : memref<4096x128xf32, #tpu.memory_space<vmem>>, vector<4096x128xf32>,
    %slice3A_276 = vector.extract_strided_slice %add3A_232 {offsets = [0, 15], sizes = [1, 1], strides = [1, 1]} : vector<1x16xf32> to vector<1x1xf32>
    %mul3A_277 = arith.constant 0.00130208337 : f32
    %mul3A_278 = vector.broadcast %mul3A_277 : f32 to vector<1x1xf32>
    %mul3A_279 = arith.mulf %slice3A_276, %mul3A_278 : vector<1x1xf32>
    %add3A_280 = arith.constant 1.000000e+00 : f32
    %add3A_281 = vector.broadcast %add3A_280 : f32 to vector<1x1xf32>
    %add3A_282 = arith.addf %mul3A_279, %add3A_281 : vector<1x1xf32>
    %mul3A_283 = arith.constant 5.000000e-01 : f32
    %mul3A_284 = vector.broadcast %mul3A_283 : f32 to vector<1x1xf32>
    %mul3A_285 = arith.mulf %add3A_282, %mul3A_284 : vector<1x1xf32>
    %floor3A = math.floor %mul3A_285 : vector<1x1xf32>
    %iota3A_286 = tpu.iota {dimensions = array<i32: 0>} : vector<26x1xi32>
    %ge3A = arith.constant 13 : i32
    %ge3A_287 = vector.broadcast %ge3A : i32 to vector<26x1xi32>
    %ge3A_288 = arith.cmpi sge, %iota3A_286, %ge3A_287 : vector<26x1xi32>
    %convert_element_type3A_289 = arith.extui %ge3A_288 : vector<26x1xi1> to vector<26x1xi32>
    %convert_element_type3A_290 = arith.sitofp %convert_element_type3A_289 : vector<26x1xi32> to vector<26x1xf32>
    %ge3A_291 = arith.constant 13 : i32
    %ge3A_292 = vector.broadcast %ge3A_291 : i32 to vector<26x1xi32>
    %ge3A_293 = arith.cmpi sge, %iota3A_286, %ge3A_292 : vector<26x1xi32>
    %convert_element_type3A_294 = arith.extui %ge3A_293 : vector<26x1xi1> to vector<26x1xi32>
    %mul3A_295 = arith.constant 13 : i32
    %mul3A_296 = vector.broadcast %mul3A_295 : i32 to vector<26x1xi32>
    %mul3A_297 = arith.muli %convert_element_type3A_294, %mul3A_296 : vector<26x1xi32>
    %sub3A_298 = arith.subi %iota3A_286, %mul3A_297 : vector<26x1xi32>
    %convert_element_type3A_299 = arith.sitofp %sub3A_298 : vector<26x1xi32> to vector<26x1xf32>
    %mul3A_300 = vector.broadcast %floor3A : vector<1x1xf32> to vector<26x1xf32>
    %mul3A_301 = arith.mulf %convert_element_type3A_290, %mul3A_300 : vector<26x1xf32>
    %sub3A_302 = arith.constant 1.000000e+00 : f32
    %sub3A_303 = vector.broadcast %sub3A_302 : f32 to vector<26x1xf32>
    %sub3A_304 = arith.subf %sub3A_303, %convert_element_type3A_290 : vector<26x1xf32>
    %mul3A_305 = vector.broadcast %floor3A : vector<1x1xf32> to vector<26x1xf32>
    %mul3A_306 = arith.mulf %mul3A_305, %sub3A_304 : vector<26x1xf32>
    %sub3A_307 = arith.subf %mul3A_279, %floor3A : vector<1x1xf32>
    %mul3A_308 = vector.broadcast %sub3A_307 : vector<1x1xf32> to vector<26x1xf32>
    %mul3A_309 = arith.mulf %mul3A_308, %convert_element_type3A_290 : vector<26x1xf32>
    %add3A_310 = arith.addf %mul3A_306, %mul3A_309 : vector<26x1xf32>
    %lt3A_311 = arith.cmpf olt, %convert_element_type3A_299, %add3A_310 : vector<26x1xf32>
    %add3A_312 = arith.addf %mul3A_301, %convert_element_type3A_299 : vector<26x1xf32>
    %jit3A_313 = arith.constant 2.600000e+01 : f32
    %broadcast_in_dim3A_314 = vector.broadcast %jit3A_313 : f32 to vector<26x1xf32>
    %select_n3A_315 = arith.select %lt3A_311, %add3A_312, %broadcast_in_dim3A_314 : vector<26x1xi1>, vector<26x1xf32>
    %convert_element_type3A_316 = arith.fptosi %select_n3A_315 : vector<26x1xf32> to vector<26x1xi32>
    %mul3A_317 = arith.constant 7.680000e+02 : f32
    %mul3A_318 = vector.broadcast %mul3A_317 : f32 to vector<26x1xf32>
    %mul3A_319 = arith.mulf %select_n3A_315, %mul3A_318 : vector<26x1xf32>
    %broadcast_in_dim3A_320 = vector.shape_cast %mul3A_319 : vector<26x1xf32> to vector<26x1xf32>
    %broadcast_in_dim3A_321 = vector.broadcast %broadcast_in_dim3A_320 : vector<26x1xf32> to vector<26x16xf32>
    %broadcast_in_dim3A_322 = vector.shape_cast %add3A_232 : vector<1x16xf32> to vector<1x16xf32>
    %broadcast_in_dim3A_323 = vector.broadcast %broadcast_in_dim3A_322 : vector<1x16xf32> to vector<26x16xf32>
    %le3A = arith.cmpf ole, %broadcast_in_dim3A_323, %broadcast_in_dim3A_321 : vector<26x16xf32>
    %convert_element_type3A_324 = arith.extui %le3A : vector<26x16xi1> to vector<26x16xi32>
    %reduce_sum3A_325 = arith.constant dense<0> : vector<26xi32>
    %reduce_sum3A_326 = vector.multi_reduction <add>, %convert_element_type3A_324, %reduce_sum3A_325 [1] : vector<26x16xi32> to vector<26xi32>
    %broadcast_in_dim3A_327 = vector.shape_cast %reduce_sum3A_326 : vector<26xi32> to vector<26x1xi32>
    %min3A = arith.constant 15 : i32
    %min3A_328 = vector.broadcast %min3A : i32 to vector<26x1xi32>
    %min3A_329 = arith.minsi %broadcast_in_dim3A_327, %min3A_328 : vector<26x1xi32>
    %concatenate3A_330 = tpu.concatenate %convert_element_type3A_316, %min3A_329 in 0 : vector<26x1xi32>, vector<26x1xi32> -> vector<52x1xi32>
    %swap3A_331 = arith.constant 0 : index
    %swap3A_332 = arith.constant 0 : index
    %swap3A_333 = vector.load %arg6[%swap3A_331, %swap3A_332] : memref<52x1xi32, #tpu.memory_space<vmem>>, vector<52x1xi32>
    tpu.vector_store %arg6[%swap3A_331, %swap3A_332], %concatenate3A_330 {strides = array<i32>} : memref<52x1xi32, #tpu.memory_space<vmem>>, vector<52x1xi32>,
    %eq3A_334 = vector.broadcast %broadcast_in_dim3A_10 : vector<4096x1xi32> to vector<4096x16xi32>
    %eq3A_335 = arith.cmpi eq, %iota3A, %eq3A_334 : vector<4096x16xi32>
    %jit3A_336 = arith.constant 0.000000e+00 : f32
    %broadcast_in_dim3A_337 = vector.shape_cast %div3A_30 : vector<4096x1xf32> to vector<4096x1xf32>
    %broadcast_in_dim3A_338 = vector.broadcast %broadcast_in_dim3A_337 : vector<4096x1xf32> to vector<4096x16xf32>
    %broadcast_in_dim3A_339 = vector.broadcast %jit3A_336 : f32 to vector<4096x16xf32>
    %select_n3A_340 = arith.select %eq3A_335, %broadcast_in_dim3A_338, %broadcast_in_dim3A_339 : vector<4096x16xi1>, vector<4096x16xf32>
    %eq3A_341 = vector.broadcast %broadcast_in_dim3A_26 : vector<4096x1xi32> to vector<4096x16xi32>
    %eq3A_342 = arith.cmpi eq, %iota3A, %eq3A_341 : vector<4096x16xi32>
    %jit3A_343 = arith.constant 0.000000e+00 : f32
    %broadcast_in_dim3A_344 = vector.shape_cast %div3A_31 : vector<4096x1xf32> to vector<4096x1xf32>
    %broadcast_in_dim3A_345 = vector.broadcast %broadcast_in_dim3A_344 : vector<4096x1xf32> to vector<4096x16xf32>
    %broadcast_in_dim3A_346 = vector.broadcast %jit3A_343 : f32 to vector<4096x16xf32>
    %select_n3A_347 = arith.select %eq3A_342, %broadcast_in_dim3A_345, %broadcast_in_dim3A_346 : vector<4096x16xi1>, vector<4096x16xf32>
    %add3A_348 = arith.addf %select_n3A_340, %select_n3A_347 : vector<4096x16xf32>
    %reduce_sum3A_349 = arith.constant dense<0.000000e+00> : vector<16xf32>
    %reduce_sum3A_350 = vector.multi_reduction <add>, %add3A_348, %reduce_sum3A_349 [0] : vector<4096x16xf32> to vector<16xf32>
    %broadcast_in_dim3A_351 = vector.shape_cast %reduce_sum3A_350 : vector<16xf32> to vector<1x16xf32>
    %gt3A = arith.constant 0.000000e+00 : f32
    %gt3A_352 = vector.broadcast %gt3A : f32 to vector<4096x16xf32>
    %gt3A_353 = arith.cmpf ogt, %add3A_348, %gt3A_352 : vector<4096x16xf32>
    %convert_element_type3A_354 = arith.extui %gt3A_353 : vector<4096x16xi1> to vector<4096x16xi32>
    %convert_element_type3A_355 = arith.sitofp %convert_element_type3A_354 : vector<4096x16xi32> to vector<4096x16xf32>
    %reduce_sum3A_356 = arith.constant dense<0.000000e+00> : vector<16xf32>
    %reduce_sum3A_357 = vector.multi_reduction <add>, %convert_element_type3A_355, %reduce_sum3A_356 [0] : vector<4096x16xf32> to vector<16xf32>
    %broadcast_in_dim3A_358 = vector.shape_cast %reduce_sum3A_357 : vector<16xf32> to vector<1x16xf32>
    %reduce_sum3A_359 = vector.shape_cast %broadcast_in_dim3A_351 : vector<1x16xf32> to vector<1x1x16xf32>
    %reduce_sum3A_360 = arith.constant dense<0.000000e+00> : vector<1xf32>
    %reduce_sum3A_361 = vector.multi_reduction <add>, %reduce_sum3A_359, %reduce_sum3A_360 [1, 2] : vector<1x1x16xf32> to vector<1xf32>
    %reduce_sum3A_362 = vector.shape_cast %reduce_sum3A_361 : vector<1xf32> to vector<1x1x1xf32>
    %reduce_sum3A_363 = vector.extract %reduce_sum3A_362[0, 0, 0] : f32 from vector<1x1x1xf32>
    %div3A_364 = arith.constant 1.600000e+01 : f32
    %div3A_365 = arith.divf %reduce_sum3A_363, %div3A_364 : f32
    %sub3A_366 = vector.broadcast %div3A_365 : f32 to vector<1x16xf32>
    %sub3A_367 = arith.subf %broadcast_in_dim3A_351, %sub3A_366 : vector<1x16xf32>
    %integer_pow3A = arith.mulf %sub3A_367, %sub3A_367 : vector<1x16xf32>
    %reduce_sum3A_368 = vector.shape_cast %integer_pow3A : vector<1x16xf32> to vector<1x1x16xf32>
    %reduce_sum3A_369 = arith.constant dense<0.000000e+00> : vector<1xf32>
    %reduce_sum3A_370 = vector.multi_reduction <add>, %reduce_sum3A_368, %reduce_sum3A_369 [1, 2] : vector<1x1x16xf32> to vector<1xf32>
    %reduce_sum3A_371 = vector.shape_cast %reduce_sum3A_370 : vector<1xf32> to vector<1x1x1xf32>
    %reduce_sum3A_372 = vector.extract %reduce_sum3A_371[0, 0, 0] : f32 from vector<1x1x1xf32>
    %div3A_373 = arith.constant 1.500000e+01 : f32
    %div3A_374 = arith.divf %reduce_sum3A_372, %div3A_373 : f32
    %mul3A_375 = arith.mulf %div3A_365, %div3A_365 : f32
    %add3A_376 = arith.constant 1.000000e-10 : f32
    %add3A_377 = arith.addf %mul3A_375, %add3A_376 : f32
    %div3A_378 = arith.divf %div3A_374, %add3A_377 : f32
    %reduce_sum3A_379 = vector.shape_cast %broadcast_in_dim3A_358 : vector<1x16xf32> to vector<1x1x16xf32>
    %reduce_sum3A_380 = arith.constant dense<0.000000e+00> : vector<1xf32>
    %reduce_sum3A_381 = vector.multi_reduction <add>, %reduce_sum3A_379, %reduce_sum3A_380 [1, 2] : vector<1x1x16xf32> to vector<1xf32>
    %reduce_sum3A_382 = vector.shape_cast %reduce_sum3A_381 : vector<1xf32> to vector<1x1x1xf32>
    %reduce_sum3A_383 = vector.extract %reduce_sum3A_382[0, 0, 0] : f32 from vector<1x1x1xf32>
    %div3A_384 = arith.constant 1.600000e+01 : f32
    %div3A_385 = arith.divf %reduce_sum3A_383, %div3A_384 : f32
    %sub3A_386 = vector.broadcast %div3A_385 : f32 to vector<1x16xf32>
    %sub3A_387 = arith.subf %broadcast_in_dim3A_358, %sub3A_386 : vector<1x16xf32>
    %integer_pow3A_388 = arith.mulf %sub3A_387, %sub3A_387 : vector<1x16xf32>
    %reduce_sum3A_389 = vector.shape_cast %integer_pow3A_388 : vector<1x16xf32> to vector<1x1x16xf32>
    %reduce_sum3A_390 = arith.constant dense<0.000000e+00> : vector<1xf32>
    %reduce_sum3A_391 = vector.multi_reduction <add>, %reduce_sum3A_389, %reduce_sum3A_390 [1, 2] : vector<1x1x16xf32> to vector<1xf32>
    %reduce_sum3A_392 = vector.shape_cast %reduce_sum3A_391 : vector<1xf32> to vector<1x1x1xf32>
    %reduce_sum3A_393 = vector.extract %reduce_sum3A_392[0, 0, 0] : f32 from vector<1x1x1xf32>
    %div3A_394 = arith.constant 1.500000e+01 : f32
    %div3A_395 = arith.divf %reduce_sum3A_393, %div3A_394 : f32
    %mul3A_396 = arith.mulf %div3A_385, %div3A_385 : f32
    %add3A_397 = arith.constant 1.000000e-10 : f32
    %add3A_398 = arith.addf %mul3A_396, %add3A_397 : f32
    %div3A_399 = arith.divf %div3A_395, %add3A_398 : f32
    %add3A_400 = arith.addf %div3A_378, %div3A_399 : f32
    %mul3A_401 = arith.constant 0.00999999977 : f32
    %mul3A_402 = arith.mulf %add3A_400, %mul3A_401 : f32
    %swap3A_403 = arith.constant 0 : index
    %swap3A_404 = arith.constant 0 : index
    %swap3A_405 = memref.load %arg7[%swap3A_403, %swap3A_404] : memref<1x1xf32, #tpu.memory_space<smem>>
    memref.store %mul3A_402, %arg7[%swap3A_403, %swap3A_404] : memref<1x1xf32, #tpu.memory_space<smem>>
    return
  }
}

module attributes {stable_mosaic.version = 14 : i64} {
  func.func @_ffn_grouped_kernel(%arg0: i32, %arg1: i32, %arg2: memref<52xi32, #tpu.memory_space<smem>>, %arg3: memref<768x768xf32, #tpu.memory_space<vmem>>, %arg4: memref<768x128xf32, #tpu.memory_space<vmem>>, %arg5: memref<1x768x768xf32, #tpu.memory_space<vmem>>, %arg6: memref<1x768x768xf32, #tpu.memory_space<vmem>>, %arg7: memref<1x768x768xf32, #tpu.memory_space<vmem>>, %arg8: memref<768x768xf32, #tpu.memory_space<vmem>>) attributes {dimension_semantics = [#tpu.dimension_semantics<parallel>, #tpu.dimension_semantics<arbitrary>], iteration_bounds = array<i64: 2, 13>, scalar_prefetch = 1 : i64, scratch_operands = 0 : i64, tpu.core_type = #tpu.core_type<tc>, window_params = [{transform_indices = @transform_0, window_bounds = array<i64: 768, 768>}, {transform_indices = @transform_1, window_bounds = array<i64: 768, 128>}, {transform_indices = @transform_2, window_bounds = array<i64: 1, 768, 768>}, {transform_indices = @transform_3, window_bounds = array<i64: 1, 768, 768>}, {transform_indices = @transform_4, window_bounds = array<i64: 1, 768, 768>}, {transform_indices = @transform_5, window_bounds = array<i64: 768, 768>}]} {
    %mul3A = arith.constant 13 : i32
    %mul3A_0 = arith.muli %arg0, %mul3A : i32
    %add3A = arith.addi %mul3A_0, %arg1 : i32
    %get3A = arith.index_cast %add3A : i32 to index
    %get3A_1 = memref.load %arg2[%get3A] : memref<52xi32, #tpu.memory_space<smem>>
    %lt3A = arith.constant 26 : i32
    %lt3A_2 = arith.cmpi slt, %get3A_1, %lt3A : i32
    %convert_element_type3A = arith.extui %lt3A_2 : i1 to i32
    %cond3A = arith.constant 0 : i32
    %cond3A_3 = arith.cmpi ne, %convert_element_type3A, %cond3A : i32
    scf.if %cond3A_3 {
      %get3A_4 = arith.constant 0 : index
      %get3A_5 = arith.constant 0 : index
      %get3A_6 = vector.load %arg3[%get3A_4, %get3A_5] : memref<768x768xf32, #tpu.memory_space<vmem>>, vector<768x768xf32>
      %get3A_7 = arith.constant 0 : index
      %get3A_8 = arith.constant 0 : index
      %get3A_9 = arith.constant 0 : index
      %get3A_10 = vector.load %arg5[%get3A_7, %get3A_8, %get3A_9] : memref<1x768x768xf32, #tpu.memory_space<vmem>>, vector<1x768x768xf32>
      %get3A_11 = vector.shape_cast %get3A_10 : vector<1x768x768xf32> to vector<768x768xf32>
      %dot_general3A = arith.constant dense<0.000000e+00> : vector<768x768xf32>
      %dot_general3A_12 = tpu.matmul %get3A_6, %get3A_11, %dot_general3A {dimension_numbers = #tpu.dot_dimension_numbers<[1], [0], [0], [1], [0, 0, 1, 1], [], []>, transpose_lhs_hint = false} : vector<768x768xf32>, vector<768x768xf32>, vector<768x768xf32> -> vector<768x768xf32>
      %get3A_13 = arith.constant 0 : index
      %get3A_14 = arith.constant 0 : index
      %get3A_15 = arith.constant 0 : index
      %get3A_16 = vector.load %arg7[%get3A_13, %get3A_14, %get3A_15] : memref<1x768x768xf32, #tpu.memory_space<vmem>>, vector<1x768x768xf32>
      %get3A_17 = vector.shape_cast %get3A_16 : vector<1x768x768xf32> to vector<768x768xf32>
      %dot_general3A_18 = arith.constant dense<0.000000e+00> : vector<768x768xf32>
      %dot_general3A_19 = tpu.matmul %get3A_6, %get3A_17, %dot_general3A_18 {dimension_numbers = #tpu.dot_dimension_numbers<[1], [0], [0], [1], [0, 0, 1, 1], [], []>, transpose_lhs_hint = false} : vector<768x768xf32>, vector<768x768xf32>, vector<768x768xf32> -> vector<768x768xf32>
      %mul3A_20 = arith.mulf %dot_general3A_12, %dot_general3A_19 : vector<768x768xf32>
      %logistic3A = arith.negf %mul3A_20 : vector<768x768xf32>
      %logistic3A_21 = math.exp %logistic3A : vector<768x768xf32>
      %logistic3A_22 = arith.constant 1.000000e+00 : f32
      %logistic3A_23 = vector.broadcast %logistic3A_22 : f32 to vector<768x768xf32>
      %logistic3A_24 = arith.addf %logistic3A_23, %logistic3A_21 : vector<768x768xf32>
      %logistic3A_25 = arith.divf %logistic3A_23, %logistic3A_24 : vector<768x768xf32>
      %mul3A_26 = arith.mulf %mul3A_20, %logistic3A_25 : vector<768x768xf32>
      %get3A_27 = arith.constant 0 : index
      %get3A_28 = arith.constant 0 : index
      %get3A_29 = arith.constant 0 : index
      %get3A_30 = vector.load %arg6[%get3A_27, %get3A_28, %get3A_29] : memref<1x768x768xf32, #tpu.memory_space<vmem>>, vector<1x768x768xf32>
      %get3A_31 = vector.shape_cast %get3A_30 : vector<1x768x768xf32> to vector<768x768xf32>
      %dot_general3A_32 = arith.constant dense<0.000000e+00> : vector<768x768xf32>
      %dot_general3A_33 = tpu.matmul %mul3A_26, %get3A_31, %dot_general3A_32 {dimension_numbers = #tpu.dot_dimension_numbers<[1], [0], [0], [1], [0, 0, 1, 1], [], []>, transpose_lhs_hint = false} : vector<768x768xf32>, vector<768x768xf32>, vector<768x768xf32> -> vector<768x768xf32>
      %get3A_34 = arith.constant 0 : index
      %get3A_35 = arith.constant 0 : index
      %get3A_36 = vector.load %arg4[%get3A_34, %get3A_35] : memref<768x128xf32, #tpu.memory_space<vmem>>, vector<768x128xf32>
      %slice3A = vector.extract_strided_slice %get3A_36 {offsets = [0, 0], sizes = [768, 1], strides = [1, 1]} : vector<768x128xf32> to vector<768x1xf32>
      %mul3A_37 = vector.broadcast %slice3A : vector<768x1xf32> to vector<768x768xf32>
      %mul3A_38 = arith.mulf %dot_general3A_33, %mul3A_37 : vector<768x768xf32>
      %swap3A = arith.constant 0 : index
      %swap3A_39 = arith.constant 0 : index
      %swap3A_40 = vector.load %arg8[%swap3A, %swap3A_39] : memref<768x768xf32, #tpu.memory_space<vmem>>, vector<768x768xf32>
      tpu.vector_store %arg8[%swap3A, %swap3A_39], %mul3A_38 {strides = array<i32>} : memref<768x768xf32, #tpu.memory_space<vmem>>, vector<768x768xf32>,
    } else {
    }
    return
  }
  func.func @transform_0(%arg0: i32, %arg1: i32, %arg2: memref<52xi32, #tpu.memory_space<smem>>) -> (i32, i32) {
    %mul3A = arith.constant 13 : i32
    %mul3A_0 = arith.muli %arg0, %mul3A : i32
    %add3A = arith.addi %mul3A_0, %arg1 : i32
    %get3A = arith.index_cast %add3A : i32 to index
    %get3A_1 = memref.load %arg2[%get3A] : memref<52xi32, #tpu.memory_space<smem>>
    %c0_i32 = arith.constant 0 : i32
    %c0_i32_2 = arith.constant 0 : i32
    return %get3A_1, %c0_i32 : i32, i32
  }
  func.func @transform_1(%arg0: i32, %arg1: i32, %arg2: memref<52xi32, #tpu.memory_space<smem>>) -> (i32, i32) {
    %mul3A = arith.constant 13 : i32
    %mul3A_0 = arith.muli %arg0, %mul3A : i32
    %add3A = arith.addi %mul3A_0, %arg1 : i32
    %get3A = arith.index_cast %add3A : i32 to index
    %get3A_1 = memref.load %arg2[%get3A] : memref<52xi32, #tpu.memory_space<smem>>
    %c0_i32 = arith.constant 0 : i32
    %c0_i32_2 = arith.constant 0 : i32
    return %get3A_1, %c0_i32 : i32, i32
  }
  func.func @transform_2(%arg0: i32, %arg1: i32, %arg2: memref<52xi32, #tpu.memory_space<smem>>) -> (i32, i32, i32) {
    %mul3A = arith.constant 13 : i32
    %mul3A_0 = arith.muli %arg0, %mul3A : i32
    %add3A = arith.constant 26 : i32
    %add3A_1 = arith.addi %add3A, %mul3A_0 : i32
    %add3A_2 = arith.addi %add3A_1, %arg1 : i32
    %get3A = arith.index_cast %add3A_2 : i32 to index
    %get3A_3 = memref.load %arg2[%get3A] : memref<52xi32, #tpu.memory_space<smem>>
    %c0_i32 = arith.constant 0 : i32
    %c0_i32_4 = arith.constant 0 : i32
    %c0_i32_5 = arith.constant 0 : i32
    return %get3A_3, %c0_i32, %c0_i32_4 : i32, i32, i32
  }
  func.func @transform_3(%arg0: i32, %arg1: i32, %arg2: memref<52xi32, #tpu.memory_space<smem>>) -> (i32, i32, i32) {
    %mul3A = arith.constant 13 : i32
    %mul3A_0 = arith.muli %arg0, %mul3A : i32
    %add3A = arith.constant 26 : i32
    %add3A_1 = arith.addi %add3A, %mul3A_0 : i32
    %add3A_2 = arith.addi %add3A_1, %arg1 : i32
    %get3A = arith.index_cast %add3A_2 : i32 to index
    %get3A_3 = memref.load %arg2[%get3A] : memref<52xi32, #tpu.memory_space<smem>>
    %c0_i32 = arith.constant 0 : i32
    %c0_i32_4 = arith.constant 0 : i32
    %c0_i32_5 = arith.constant 0 : i32
    return %get3A_3, %c0_i32, %c0_i32_4 : i32, i32, i32
  }
  func.func @transform_4(%arg0: i32, %arg1: i32, %arg2: memref<52xi32, #tpu.memory_space<smem>>) -> (i32, i32, i32) {
    %mul3A = arith.constant 13 : i32
    %mul3A_0 = arith.muli %arg0, %mul3A : i32
    %add3A = arith.constant 26 : i32
    %add3A_1 = arith.addi %add3A, %mul3A_0 : i32
    %add3A_2 = arith.addi %add3A_1, %arg1 : i32
    %get3A = arith.index_cast %add3A_2 : i32 to index
    %get3A_3 = memref.load %arg2[%get3A] : memref<52xi32, #tpu.memory_space<smem>>
    %c0_i32 = arith.constant 0 : i32
    %c0_i32_4 = arith.constant 0 : i32
    %c0_i32_5 = arith.constant 0 : i32
    return %get3A_3, %c0_i32, %c0_i32_4 : i32, i32, i32
  }
  func.func @transform_5(%arg0: i32, %arg1: i32, %arg2: memref<52xi32, #tpu.memory_space<smem>>) -> (i32, i32) {
    %mul3A = arith.constant 13 : i32
    %mul3A_0 = arith.muli %arg0, %mul3A : i32
    %add3A = arith.addi %mul3A_0, %arg1 : i32
    %get3A = arith.index_cast %add3A : i32 to index
    %get3A_1 = memref.load %arg2[%get3A] : memref<52xi32, #tpu.memory_space<smem>>
    %c0_i32 = arith.constant 0 : i32
    %c0_i32_2 = arith.constant 0 : i32
    return %get3A_1, %c0_i32 : i32, i32
  }
}

</mosaic_0001>

<sc_bundles>
// kernel: kernel.6.cloned.1.call-start
scs
__scs_entry_jumppad:
0x0: {  	(pc) =	sbr.rel $0x88, $3  }
0x1: {  	(tag) =	ssettag $0x0;
	lr =	simm.s32 $0x1  }
0x2: {  	[smem:$0x3F9C] =	sst lr;
	_ =	strace $0xD0000000  }
0x3: {  	_ = 	snop  }
0x4: {  	_ = 	snop  }
0x5: {  	_ = 	snop  }
0x6: {  	_ = 	snop  }
0x7: {  	_ = 	snop  }
__scs_overlays_trampoline_lowered:
0x8: {  	[smem:$0x3FAB] =	sst s0  }
0x9: {  	[smem:$0x3FAC] =	sst s1  }
0xa: {  	[smem:$0x3FAD] =	sst s2  }
0xb: {  	[smem:$0x3FAE] =	sst s3  }
0xc: {  	[smem:$0x3FAF] =	sst s4  }
0xd: {  	[smem:$0x3FB0] =	sst s5  }
0xe: {  	[smem:$0x3FB1] =	sst s6  }
0xf: {  	[smem:$0x3FB2] =	sst s7  }
0x10: {  	[smem:$0x3FB3] =	sst s8  }
0x11: {  	[smem:$0x3FB4] =	sst s9;
	s0 =	simm.s32 @!p0 $0x0  }
0x12: {  	s1 =	sld [smem:$0x3F9A];
	s0 =	simm.s32 @p0 $0x1  }
0x13: {  	[smem:$0x3FB5] =	sst s0;
	s0 =	simm.s32 @!p1 $0x0  }
0x14: {  	s2 =	sld [smem:$0x3F99];
	s0 =	simm.s32 @p1 $0x1  }
0x15: {  	[smem:$0x3FB6] =	sst s0;
	s0 =	simm.s32 @!p2 $0x0  }
0x16: {  	s3 =	sld [smem:$0x3FDB];
	s0 =	simm.s32 @p2 $0x1  }
0x17: {  	s4 =	simm.s32 $0x1BF5;
	[smem:$0x3FB8] =	sst s0  }
0x18: {  	s0 =	sld [smem:$0x3F9B];
	_ =	swait.ge [sflag:s4], $0x0  }
0x19: {  	s7 =	sld [smem:$0x3F9C]  }
0x1a: {  	s8 =	sadd.s32 $0xFFFFE003, lr  }
0x1b: {  	s9 =	sadd.s32 $0xFFFFFEF7, lr;
	s5 =	simm.s32 $0xFFFFFFFF;
	p2 =	slt.u32 s8, $0xFFFFF086  }
0x1c: {  	p1 =	slt.u32 s9, $0xF7A;
	s5 =	simm.s32 @!p2 $0x0  }
0x1d: {  	s5 =	simm.s32 @p1 $0x1;
	p0 =	seq.s32 s7, s2  }
0x1e: {  	s7 =	smul.u32 @!p0 $0xF7A, s2;
	p2 =	seq.s32 @!p0 s5, $0x0  }
0x1f: {  	s9 =	smul.u32 $0xF7A, s1;
	s8 =	simm.s32 @!p0 $0x1BF5;
	p2 =	por !p2, p0  }
0x20: {  	[sflag:s8] =	ssyncset.s32 @!p0 $0xFFFFF086;
	s6 =	sadd.s32 @!p0 s3, s7;
	s7 =	simm.s32 @!p0 $0x108  }
0x21: {  	s3 =	sadd.s32 s3, s9;
	s6 =	sadd.s32 @!p0 $0x88, s6;
	s7 =	simm.s32 @p2 $0x1082  }
0x22: {  	[simem:s7], [sflag:s8] =	dma.local @!p0 [hbm:s6], $0xF7A  }
0x23: {  	s9 =	sor.u32 $0xD0000000, s2;
	s6 =	simm.s32 $0x108;
	_ =	swait.ge @!p0 [sflag:s8], $0x0  }
0x24: {  	s3 =	sadd.s32 $0x88, s3;
	s6 =	simm.s32 @!p1 $0x1082;
	[sflag:s4] =	ssyncset.s32 $0xFFFFF086  }
0x25: {  	[simem:s6], [sflag:s4] =	dma.local [hbm:s3], $0xF7A  }
0x26: {  	[smem:$0x3F9C] =	sst s1;
	(tag) =	ssettag s2;
	_ =	strace s9  }
0x27: {  	s1 =	sld [smem:$0x3FAC]  }
0x28: {  	s2 =	sld [smem:$0x3FAD]  }
0x29: {  	s4 =	sld [smem:$0x3FAF]  }
0x2a: {  	p0 =	seq.s32 s5, $0x0;
	s5 =	sld [smem:$0x3FB0]  }
0x2b: {  	s6 =	sld [smem:$0x3FB1]  }
0x2c: {  	s7 =	sld [smem:$0x3FB2]  }
0x2d: {  	s3 =	simm.s32 $0x108;
	s8 =	sld [smem:$0x3FB3]  }
0x2e: {  	s3 =	simm.s32 @!p0 $0x1082;
	s9 =	sld [smem:$0x3FB4]  }
0x2f: {  	lr =	sadd.s32 s0, s3;
	s0 =	sld [smem:$0x3FAB]  }
0x30: {  	s3 =	sld [smem:$0x3FAE]  }
0x31: {  	[smem:$0x3FB7] =	sst s10  }
0x32: {  	s10 =	sld [smem:$0x3FB5];
	_ =	sdelay $0x3  }
0x33: {  	p0 =	seq.s32 s10, $0x1;
	s10 =	sld [smem:$0x3FB7];
	_ =	sdelay $0x3  }
0x34: {  	[smem:$0x3FB7] =	sst s10  }
0x35: {  	s10 =	sld [smem:$0x3FB6];
	_ =	sdelay $0x3  }
0x36: {  	p1 =	seq.s32 s10, $0x1;
	s10 =	sld [smem:$0x3FB7];
	_ =	sdelay $0x3  }
0x37: {  	[smem:$0x3FB7] =	sst s10  }
0x38: {  	s10 =	sld [smem:$0x3FB8]  }
0x39: {  	_ = 	snop;
	(pc) =	sbr.ind lr, $3  }
0x3a: {  	_ = 	snop  }
0x3b: {  	_ = 	snop  }
0x3c: {  	p2 =	seq.s32 s10, $0x1;
	s10 =	sld [smem:$0x3FB7]  }
0x3d: {  	_ =	shalt  }
0x3e: {  	_ =	shalt  }
0x3f: {  	_ =	shalt  }
0x40: {  	_ =	shalt  }
0x41: {  	_ =	shalt  }
0x42: {  	_ =	shalt  }
0x43: {  	_ =	shalt  }
0x44: {  	_ =	shalt  }
0x45: {  	_ =	shalt  }
0x46: {  	_ =	shalt  }
0x47: {  	_ =	shalt  }
0x48: {  	_ =	shalt  }
0x49: {  	_ =	shalt  }
0x4a: {  	_ =	shalt  }
0x4b: {  	_ =	shalt  }
0x4c: {  	_ =	shalt  }
0x4d: {  	_ =	shalt  }
0x4e: {  	_ =	shalt  }
0x4f: {  	_ =	shalt  }
0x50: {  	_ =	shalt  }
0x51: {  	_ =	shalt  }
0x52: {  	_ =	shalt  }
0x53: {  	_ =	shalt  }
0x54: {  	_ =	shalt  }
0x55: {  	_ =	shalt  }
0x56: {  	_ =	shalt  }
0x57: {  	_ =	shalt  }
0x58: {  	_ =	shalt  }
0x59: {  	_ =	shalt  }
0x5a: {  	_ =	shalt  }
0x5b: {  	_ =	shalt  }
0x5c: {  	_ =	shalt  }
0x5d: {  	_ =	shalt  }
0x5e: {  	_ =	shalt  }
0x5f: {  	_ =	shalt  }
0x60: {  	_ =	shalt  }
0x61: {  	_ =	shalt  }
0x62: {  	_ =	shalt  }
0x63: {  	_ =	shalt  }
0x64: {  	_ =	shalt  }
0x65: {  	_ =	shalt  }
0x66: {  	_ =	shalt  }
0x67: {  	_ =	shalt  }
0x68: {  	_ =	shalt  }
0x69: {  	_ =	shalt  }
0x6a: {  	_ =	shalt  }
0x6b: {  	_ =	shalt  }
0x6c: {  	_ =	shalt  }
0x6d: {  	_ =	shalt  }
0x6e: {  	_ =	shalt  }
0x6f: {  	_ =	shalt  }
0x70: {  	_ =	shalt  }
0x71: {  	_ =	shalt  }
0x72: {  	_ =	shalt  }
0x73: {  	_ =	shalt  }
0x74: {  	_ =	shalt  }
0x75: {  	_ =	shalt  }
0x76: {  	_ =	shalt  }
0x77: {  	_ =	shalt  }
0x78: {  	_ =	shalt  }
0x79: {  	_ =	shalt  }
0x7a: {  	_ =	shalt  }
0x7b: {  	_ =	shalt  }
0x7c: {  	_ =	shalt  }
0x7d: {  	_ =	shalt  }
0x7e: {  	_ =	shalt  }
0x7f: {  	_ =	shalt  }
0x80: {  	_ =	shalt  }
0x81: {  	_ =	shalt  }
0x82: {  	_ =	shalt  }
0x83: {  	_ =	shalt  }
0x84: {  	_ =	shalt  }
0x85: {  	_ =	shalt  }
0x86: {  	_ =	shalt  }
0x87: {  	_ =	shalt  }
.Lfunc_end0:
.L_simem_size_0:
called_computation_lowered:
.L_overlay_start_0:
0x88: {  	s2 =	sld [smem:$0x3FD9]  }
0x89: {  	s3 =	sld [smem:$0x3FFE];
	_ =	sdelay $0x1  }
0x8a: {  	s1 =	srdreg.scid  }
0x8b: {  	s0 =	sand.u32 $0x1, s1  }
0x8c: {  	s14 =	sshll.u32 s0, $0xA;
	s2 =	sadd.s32 s3, s2  }
0x8d: {  	s2 =	sadd.s32 s2, s14  }
0x8e: {  	[smem:$0x3FC3] =	sst s2  }
0x8f: {  	_ = 	snop  }
0x90: {  	s2 =	sld [smem:$0x3FD0];
	_ =	sdelay $0x2  }
0x91: {  	s4 =	simm.s32 $0xA;
	s5 =	simm.s32 $0x10;
	s15 =	sld [smem:$0x3FC9]  }
0x92: {  	[smem:s5], [sflag:s4] =	dma.local [hbm:s2], $0x1  }
0x93: {  	_ =	swait.eq [sflag:s4], $0x1  }
0x94: {  	[sflag:s4] =	ssyncset.done $0x0  }
0x95: {  	[sflag:s4] =	ssyncadd.s32 $0xFFFFFFFF  }
0x96: {  	s16 =	sld [smem:$0x10];
	(tm) =	ssettm $0x1  }
0x97: {  	s17 =	sld [smem:$0x3FFB];
	_ =	sdelay $0x3  }
0x98: {  	_ =	strace s17  }
0x99: {  	s4 =	sld [smem:$0x3FFC];
	_ =	sdelay $0x3  }
0x9a: {  	_ =	strace s4  }
0x9b: {  	s4 =	sld [smem:$0x3FFD];
	_ =	sdelay $0x3  }
0x9c: {  	_ =	strace s4  }
0x9d: {  	_ =	strace $0x8FFFFFFF  }
0x9e: {  	s18 =	sld [smem:$0x3FDB];
	_ =	sdelay $0x1  }
0x9f: {  	s19 =	simm.s32 $_scs_section_size  }
0xa0: {  	s6 =	simm.s32 $_size__tile_overlayer_lowered;
	s7 =	simm.s32 $_tile_overlayer_lowered  }
0xa1: {  	s22 =	simm.s32 $0x1BFF;
	s21 =	sshll.u32 s7, $0x1;
	s4 =	sadd.s32 s19, s18  }
0xa2: {  	s8 =	simm.s32 $0x0;
	s20 =	sshll.u32 s6, $0x1;
	s6 =	sadd.s32 s21, s4  }
0xa3: {  	[timem:s8], [sflag:s22] =	dma.local [hbm:s6], s20  }
0xa4: {  	_ =	swait.ge [sflag:s22], s20  }
0xa5: {  	s5 =	ssub.s32 $0x0, s20;
	[sflag:s22] =	ssyncset.done $0x0  }
0xa6: {  	[sflag:s22] =	ssyncadd.s32 s5;
	_ =	sdelay $0x1  }
0xa7: {  	s23 =	simm.s32 $0x1B8B  }
0xa8: {  	_ =	swait.ge [sflag:s23], $0x1  }
0xa9: {  	[sflag:s23] =	ssyncset.done $0x0  }
0xaa: {  	s25 =	simm.s32 $0x1B8E;
	s24 =	sld [smem:$0x3FFE];
	[sflag:s23] =	ssyncadd.s32 $0xFFFFFFFF  }
0xab: {  	s26 =	simm.s32 $execute0_lowered;
	[smem:$0x3FD2] =	sst s25  }
0xac: {  	s6 =	sshll.u32 s26, $0x1;
	_ =	strace $0x80000046;
	[dreg:$0x1] =	wrdreg $0xFFFFFFFF  }
0xad: {  	s28 =	simm.s32 $_size_execute0_lowered;
	s4 =	sadd.s32 s4, s6;
	[dreg:$0x0] =	wrdreg $0x0  }
0xae: {  	s6 =	sshll.u32 s28, $0x1;
	[dreg:$0x2] =	wrdreg s4  }
0xaf: {  	[dreg:$0x3] =	wrdreg s6  }
0xb0: {  	[dreg:$0x4] =	wrdreg $0xC0  }
0xb1: {  	_ =	task [dreg:s8], $0x5FFFF  }
0xb2: {  	[dreg:$0x1] =	wrdreg $0xFFFFFFFF  }
0xb3: {  	[dreg:$0x0] =	wrdreg $0x60  }
0xb4: {  	[dreg:$0x2] =	wrdreg s15  }
0xb5: {  	[dreg:$0x3] =	wrdreg s24  }
0xb6: {  	[dreg:$0x4] =	wrdreg s16  }
0xb7: {  	[dreg:$0x5] =	wrdreg $0x9  }
0xb8: {  	_ =	task.clear_ibuf [dreg:s8], $0x6FFFF;
	_ =	strace $0x90000046  }
0xb9: {  	s29 =	simm.s32 $0x9;
	_ =	strace $0x80000048  }
0xba: {  	_ =	swait.ge [sflag:s29], $0x1  }
0xbb: {  	[sflag:s29] =	ssyncadd.s32 $0xFFFFFFFF  }
0xbc: {  	_ =	strace $0x90000048  }
0xbd: {  	_ =	sfence  }
0xbe: {  	s30 =	sld [smem:$0x0];
	_ =	sdelay $0x2  }
0xbf: {  	s31 =	sshll.u32 s1, $0xD;
	s1 =	sshrl.u32 s1, $0x2  }
0xc0: {  	s3 =	sand.u32 $0x4000, s31;
	s1 =	sadd.s32 s1, s30  }
0xc1: {  	s0 =	sor.u32 s3, s0;
	s1 =	sshll.u32 s1, $0x11  }
0xc2: {  	s0 =	sor.u32 s1, s0  }
0xc3: {  	s0 =	sadd.s32 $0x8F2B, s0  }
0xc4: {  	[sflag:s0] =	ssyncadd.remote.s32 $0x1  }
0xc5: {  	_ =	sfence.sel $0xFFFF  }
0xc6: {  	[dreg:$0x0] =	wrdreg $0xFFFFFFFF;
	(pc) =	sbr.abs _section_cstart, $3  }
0xc7: {  	[dreg:$0x1] =	wrdreg $0xFFFFFFFF  }
0xc8: {  	_ =	task.clear_ibuf [dreg:s8], $0x2FFFF;
	_ =	strace $0x9FFFFFFF  }
0xc9: {  	(tm) =	ssettm $0x7FFFFFFF  }
tec
execute0_lowered:
.L_overlay_start_1:
0x0: {  	(tag) =	ssettag $0x1  }
0x1: {  	s0 =	rddreg [dreg:$0x0];
	s1 =	srdreg.scid  }
0x2: {  	s2 =	rddreg [dreg:$0x1];
	s3 =	stileid.u32;
	s19 =	simm.s32 $0x5  }
0x3: {  	s12 =	simm.s32 $0x1;
	s28 =	simm.s32 $0x3000;
	s29 =	simm.s32 $0x3800  }
0x4: {  	s30 =	simm.s32 $0x4000;
	s31 =	simm.s32 $0x4800;
	s9 =	simm.s32 $0x7000  }
0x5: {  	s14 =	simm.s32 $0x7800;
	s15 =	simm.s32 $0x8000;
	s16 =	simm.s32 $0x8800  }
0x6: {  	s18 =	simm.s32 $0x9000;
	s13 =	simm.s32 $0x9800;
	s17 =	simm.s32 $0xA000  }
0x7: {  	s10 =	simm.s32 $0xA800;
	s23 =	simm.s32 $0xB000;
	s22 =	simm.s32 $0xB800  }
0x8: {  	s1 =	sand.u32 $0x1, s1;
	s4 =	sshll.u32 s3, $0x8;
	s3 =	simm.s32 $0x0  }
0x9: {  	s5 =	sshll.u32 s1, $0x7;
	[smem:$0x7FF] =	sst s3;
	s1 =	ssub.s32 $0x2, s1  }
0xa: {  	s4 =	sor.u32 s5, s4;
	_ =	strace $0x80000047;
	s24 =	sshrl.u32 s1, $0x1  }
0xb: {  	s5 =	sshrl.u32 s4, $0x3;
	s4 =	sshll.u32 s4, $0x4;
	s1 =	ssub.s32 s1, s24  }
0xc: {  	s24 =	simm.s32 $0x1800;
	s6 =	sadd.s32 s5, s2;
	s7 =	sadd.s32 s4, s2  }
0xd: {  	s5 =	smul.u32 $0x300, s5;
	s4 =	sadd.s32 $0x20A00, s2;
	s8 =	sadd.s32 $0x20600, s6  }
0xe: {  	s6 =	sadd.s32 $0x20800, s6;
	s25 =	sadd.s32 $0x600, s7;
	[dreg:$0x4] =	wrdreg s8  }
0xf: {  	s26 =	sadd.s32 $0x10600, s7;
	s7 =	smax.u32 s1, $0x1;
	[dreg:$0x5] =	wrdreg s6  }
0x10: {  	v2 =	vlaneseq.u32;
	s1 =	simm.s32 $0x2;
	s0 =	sadd.s32 s0, s5;
	[dreg:$0x7] =	wrdreg s25  }
0x11: {  	vm0 =	vmmov $0xffff;
	v1 =	vshrl.u32 v2, $0x3;
	s5 =	sadd.s32 $0x20B00, s2;
	s6 =	sadd.s32 $0x20C00, s2;
	[dreg:$0x8] =	wrdreg s26  }
0x12: {  	v0 =	vand.u32 $0x7, v2;
	v2 =	vor.u32 $0x8, v2;
	v1 =	vmul.u32 $0x8, v1;
	s25 =	simm.s32 $0x2000;
	s26 =	simm.s32 $0x2800;
	[dreg:$0x6] =	wrdreg s0  }
.LBB2_1:
0x13: {  	s20 =	rddreg [dreg:$0x4];
	s0 =	simm.s32 $0x1C000  }
0x14: {  	[tilespmem:s0], [sflag:$0x1] =	stream.linear.gather [hbm4b:s20+s3], $0x80, $0x38;
	[tilespmem:$0x1C100] =	vst v63  }
0x15: {  	s21 =	rddreg [dreg:$0x5];
	s8 =	simm.s32 $0x1C080  }
0x16: {  	[tilespmem:s8], [sflag:$0x2] =	stream.linear.gather [hbm4b:s21+s3], $0x80, $0x38;
	[tilespmem:$0x1C100] =	vst v63  }
0x17: {  	s2 =	rddreg [dreg:$0x6]  }
0x18: {  	[tilespmem:s3], [sflag:$0x3] =	stream.linear.gather [hbm4b:s2+s3], $0x18000, $0x38;
	[tilespmem:$0x1C100] =	vst v63  }
0x19: {  	s11 =	rddreg [dreg:$0x7];
	s20 =	simm.s32 $0x18000  }
0x1a: {  	[tilespmem:s20], [sflag:$0x4] =	stream.linear.gather [hbm4b:s11+s3], $0x4000, $0x38;
	[tilespmem:$0x1C100] =	vst v63  }
0x1b: {  	_ =	swait.ge [sflag:s12], $0x80  }
0x1c: {  	[sflag:s12] =	ssyncset.done $0x0  }
0x1d: {  	[sflag:s12] =	ssyncadd.s32 $0xFFFFFF80  }
0x1e: {  	_ =	swait.ge [sflag:s1], $0x80  }
0x1f: {  	[sflag:s1] =	ssyncset.done $0x0  }
0x20: {  	s2 =	simm.s32 $0x3;
	[sflag:s1] =	ssyncadd.s32 $0xFFFFFF80  }
0x21: {  	_ =	swait.ge [sflag:s2], $0x18000  }
0x22: {  	[sflag:s2] =	ssyncset.done $0x0  }
0x23: {  	[sflag:s2] =	ssyncadd.s32 $0xFFFE8000  }
0x24: {  	v3 =	vld [tilespmem:$0x1C000];
	_ =	sdelay $0x4  }
0x25: {  	v4 =	vshrl.u32 v3, $0x3  }
0x26: {  	v4 =	vmul.u32 $0x30, v4  }
0x27: {  	v3 =	vand.u32 $0x7, v3  }
0x28: {  	v3 =	vor.u32 v3, v4  }
0x29: {  	v4 =	vperm.xlane v3, v0;
	_ =	sdelay $0x1  }
0x2a: {  	v4 =	vadd.s32 v1, v4;
	_ =	sdelay $0x3  }
0x2b: {  	v3 =	vperm.xlane v3, v2  }
0x2c: {  	[hbm4b:s4+s3] =	stream.indirect_vreg.scatter [tilespmem:s3], [sflag:$0x1], $0x80, v4, vm0, $0xb8;
	[tilespmem:$0x1C100] =	vst v63  }
0x2d: {  	s20 =	simm.s32 $0x800;
	v3 =	vadd.s32 v1, v3  }
0x2e: {  	[hbm4b:s5+s3] =	stream.indirect_vreg.scatter [tilespmem:s20], [sflag:$0x1], $0x80, v4, vm0, $0xb8;
	[tilespmem:$0x1C100] =	vst v63  }
0x2f: {  	s21 =	simm.s32 $0x1000  }
0x30: {  	[hbm4b:s6+s3] =	stream.indirect_vreg.scatter [tilespmem:s21], [sflag:$0x1], $0x80, v4, vm0, $0xb8;
	[tilespmem:$0x1C100] =	vst v63  }
0x31: {  	_ = 	snop  }
0x32: {  	[hbm4b:s4+s3] =	stream.indirect_vreg.scatter [tilespmem:s24], [sflag:$0x1], $0x80, v3, vm0, $0xb8;
	[tilespmem:$0x1C100] =	vst v63  }
0x33: {  	_ = 	snop  }
0x34: {  	[hbm4b:s5+s3] =	stream.indirect_vreg.scatter [tilespmem:s25], [sflag:$0x1], $0x80, v3, vm0, $0xb8;
	[tilespmem:$0x1C100] =	vst v63  }
0x35: {  	_ = 	snop  }
0x36: {  	[hbm4b:s6+s3] =	stream.indirect_vreg.scatter [tilespmem:s26], [sflag:$0x1], $0x80, v3, vm0, $0xb8;
	[tilespmem:$0x1C100] =	vst v63  }
0x37: {  	v3 =	vld [tilespmem:$0x1C010];
	_ =	sdelay $0x4  }
0x38: {  	v49 =	vshrl.u32 v3, $0x3  }
0x39: {  	v4 =	vmul.u32 $0x30, v49  }
0x3a: {  	v3 =	vand.u32 $0x7, v3  }
0x3b: {  	v3 =	vor.u32 v3, v4  }
0x3c: {  	v4 =	vperm.xlane v3, v0;
	_ =	sdelay $0x1  }
0x3d: {  	v4 =	vadd.s32 v1, v4;
	_ =	sdelay $0x3  }
0x3e: {  	v3 =	vperm.xlane v3, v2  }
0x3f: {  	[hbm4b:s4+s3] =	stream.indirect_vreg.scatter [tilespmem:s28], [sflag:$0x1], $0x80, v4, vm0, $0xb8;
	[tilespmem:$0x1C100] =	vst v63  }
0x40: {  	v3 =	vadd.s32 v1, v3  }
0x41: {  	[hbm4b:s5+s3] =	stream.indirect_vreg.scatter [tilespmem:s29], [sflag:$0x1], $0x80, v4, vm0, $0xb8;
	[tilespmem:$0x1C100] =	vst v63  }
0x42: {  	_ = 	snop  }
0x43: {  	[hbm4b:s6+s3] =	stream.indirect_vreg.scatter [tilespmem:s30], [sflag:$0x1], $0x80, v4, vm0, $0xb8;
	[tilespmem:$0x1C100] =	vst v63  }
0x44: {  	_ = 	snop  }
0x45: {  	[hbm4b:s4+s3] =	stream.indirect_vreg.scatter [tilespmem:s31], [sflag:$0x1], $0x80, v3, vm0, $0xb8;
	[tilespmem:$0x1C100] =	vst v63  }
0x46: {  	s11 =	simm.s32 $0x5000  }
0x47: {  	[hbm4b:s5+s3] =	stream.indirect_vreg.scatter [tilespmem:s11], [sflag:$0x1], $0x80, v3, vm0, $0xb8;
	[tilespmem:$0x1C100] =	vst v63  }
0x48: {  	s8 =	simm.s32 $0x5800  }
0x49: {  	[hbm4b:s6+s3] =	stream.indirect_vreg.scatter [tilespmem:s8], [sflag:$0x1], $0x80, v3, vm0, $0xb8;
	[tilespmem:$0x1C100] =	vst v63  }
0x4a: {  	v3 =	vld [tilespmem:$0x1C020];
	_ =	sdelay $0x4  }
0x4b: {  	v50 =	vshrl.u32 v3, $0x3  }
0x4c: {  	v4 =	vmul.u32 $0x30, v50  }
0x4d: {  	v3 =	vand.u32 $0x7, v3  }
0x4e: {  	v3 =	vor.u32 v3, v4  }
0x4f: {  	v4 =	vperm.xlane v3, v0;
	_ =	sdelay $0x1  }
0x50: {  	v4 =	vadd.s32 v1, v4;
	_ =	sdelay $0x3  }
0x51: {  	s2 =	simm.s32 $0x6000;
	v3 =	vperm.xlane v3, v2  }
0x52: {  	[hbm4b:s4+s3] =	stream.indirect_vreg.scatter [tilespmem:s2], [sflag:$0x1], $0x80, v4, vm0, $0xb8;
	[tilespmem:$0x1C100] =	vst v63  }
0x53: {  	s8 =	simm.s32 $0x6800;
	v3 =	vadd.s32 v1, v3  }
0x54: {  	[hbm4b:s5+s3] =	stream.indirect_vreg.scatter [tilespmem:s8], [sflag:$0x1], $0x80, v4, vm0, $0xb8;
	[tilespmem:$0x1C100] =	vst v63  }
0x55: {  	_ = 	snop  }
0x56: {  	[hbm4b:s6+s3] =	stream.indirect_vreg.scatter [tilespmem:s9], [sflag:$0x1], $0x80, v4, vm0, $0xb8;
	[tilespmem:$0x1C100] =	vst v63  }
0x57: {  	_ = 	snop  }
0x58: {  	[hbm4b:s4+s3] =	stream.indirect_vreg.scatter [tilespmem:s14], [sflag:$0x1], $0x80, v3, vm0, $0xb8;
	[tilespmem:$0x1C100] =	vst v63  }
0x59: {  	_ = 	snop  }
0x5a: {  	[hbm4b:s5+s3] =	stream.indirect_vreg.scatter [tilespmem:s15], [sflag:$0x1], $0x80, v3, vm0, $0xb8;
	[tilespmem:$0x1C100] =	vst v63  }
0x5b: {  	_ = 	snop  }
0x5c: {  	[hbm4b:s6+s3] =	stream.indirect_vreg.scatter [tilespmem:s16], [sflag:$0x1], $0x80, v3, vm0, $0xb8;
	[tilespmem:$0x1C100] =	vst v63  }
0x5d: {  	v3 =	vld [tilespmem:$0x1C030];
	_ =	sdelay $0x4  }
0x5e: {  	v51 =	vshrl.u32 v3, $0x3  }
0x5f: {  	v4 =	vmul.u32 $0x30, v51  }
0x60: {  	v3 =	vand.u32 $0x7, v3  }
0x61: {  	v3 =	vor.u32 v3, v4  }
0x62: {  	v4 =	vperm.xlane v3, v0;
	_ =	sdelay $0x1  }
0x63: {  	v4 =	vadd.s32 v1, v4;
	_ =	sdelay $0x3  }
0x64: {  	v3 =	vperm.xlane v3, v2  }
0x65: {  	[hbm4b:s4+s3] =	stream.indirect_vreg.scatter [tilespmem:s18], [sflag:$0x1], $0x80, v4, vm0, $0xb8;
	[tilespmem:$0x1C100] =	vst v63  }
0x66: {  	v3 =	vadd.s32 v1, v3  }
0x67: {  	[hbm4b:s5+s3] =	stream.indirect_vreg.scatter [tilespmem:s13], [sflag:$0x1], $0x80, v4, vm0, $0xb8;
	[tilespmem:$0x1C100] =	vst v63  }
0x68: {  	_ = 	snop  }
0x69: {  	[hbm4b:s6+s3] =	stream.indirect_vreg.scatter [tilespmem:s17], [sflag:$0x1], $0x80, v4, vm0, $0xb8;
	[tilespmem:$0x1C100] =	vst v63  }
0x6a: {  	_ = 	snop  }
0x6b: {  	[hbm4b:s4+s3] =	stream.indirect_vreg.scatter [tilespmem:s10], [sflag:$0x1], $0x80, v3, vm0, $0xb8;
	[tilespmem:$0x1C100] =	vst v63  }
0x6c: {  	_ = 	snop  }
0x6d: {  	[hbm4b:s5+s3] =	stream.indirect_vreg.scatter [tilespmem:s23], [sflag:$0x1], $0x80, v3, vm0, $0xb8;
	[tilespmem:$0x1C100] =	vst v63  }
0x6e: {  	_ = 	snop  }
0x6f: {  	[hbm4b:s6+s3] =	stream.indirect_vreg.scatter [tilespmem:s22], [sflag:$0x1], $0x80, v3, vm0, $0xb8;
	[tilespmem:$0x1C100] =	vst v63  }
0x70: {  	v3 =	vld [tilespmem:$0x1C040];
	_ =	sdelay $0x4  }
0x71: {  	v52 =	vshrl.u32 v3, $0x3  }
0x72: {  	v4 =	vmul.u32 $0x30, v52  }
0x73: {  	v3 =	vand.u32 $0x7, v3  }
0x74: {  	v3 =	vor.u32 v3, v4  }
0x75: {  	v4 =	vperm.xlane v3, v0;
	_ =	sdelay $0x1  }
0x76: {  	v4 =	vadd.s32 v1, v4;
	_ =	sdelay $0x3  }
0x77: {  	s0 =	simm.s32 $0xC000;
	v3 =	vperm.xlane v3, v2  }
0x78: {  	[hbm4b:s4+s3] =	stream.indirect_vreg.scatter [tilespmem:s0], [sflag:$0x1], $0x80, v4, vm0, $0xb8;
	[tilespmem:$0x1C100] =	vst v63  }
0x79: {  	v3 =	vadd.s32 v1, v3;
	s0 =	simm.s32 $0xC800  }
0x7a: {  	[hbm4b:s5+s3] =	stream.indirect_vreg.scatter [tilespmem:s0], [sflag:$0x1], $0x80, v4, vm0, $0xb8;
	[tilespmem:$0x1C100] =	vst v63  }
0x7b: {  	s0 =	simm.s32 $0xD000  }
0x7c: {  	[hbm4b:s6+s3] =	stream.indirect_vreg.scatter [tilespmem:s0], [sflag:$0x1], $0x80, v4, vm0, $0xb8;
	[tilespmem:$0x1C100] =	vst v63  }
0x7d: {  	s0 =	simm.s32 $0xD800  }
0x7e: {  	[hbm4b:s4+s3] =	stream.indirect_vreg.scatter [tilespmem:s0], [sflag:$0x1], $0x80, v3, vm0, $0xb8;
	[tilespmem:$0x1C100] =	vst v63  }
0x7f: {  	s0 =	simm.s32 $0xE000  }
0x80: {  	[hbm4b:s5+s3] =	stream.indirect_vreg.scatter [tilespmem:s0], [sflag:$0x1], $0x80, v3, vm0, $0xb8;
	[tilespmem:$0x1C100] =	vst v63  }
0x81: {  	s0 =	simm.s32 $0xE800  }
0x82: {  	[hbm4b:s6+s3] =	stream.indirect_vreg.scatter [tilespmem:s0], [sflag:$0x1], $0x80, v3, vm0, $0xb8;
	[tilespmem:$0x1C100] =	vst v63  }
0x83: {  	v3 =	vld [tilespmem:$0x1C050];
	_ =	sdelay $0x4  }
0x84: {  	v53 =	vshrl.u32 v3, $0x3  }
0x85: {  	v4 =	vmul.u32 $0x30, v53  }
0x86: {  	v3 =	vand.u32 $0x7, v3  }
0x87: {  	v3 =	vor.u32 v3, v4  }
0x88: {  	v4 =	vperm.xlane v3, v0;
	_ =	sdelay $0x1  }
0x89: {  	v4 =	vadd.s32 v1, v4;
	_ =	sdelay $0x3  }
0x8a: {  	s0 =	simm.s32 $0xF000;
	v3 =	vperm.xlane v3, v2  }
0x8b: {  	[hbm4b:s4+s3] =	stream.indirect_vreg.scatter [tilespmem:s0], [sflag:$0x1], $0x80, v4, vm0, $0xb8;
	[tilespmem:$0x1C100] =	vst v63  }
0x8c: {  	v3 =	vadd.s32 v1, v3;
	s0 =	simm.s32 $0xF800  }
0x8d: {  	[hbm4b:s5+s3] =	stream.indirect_vreg.scatter [tilespmem:s0], [sflag:$0x1], $0x80, v4, vm0, $0xb8;
	[tilespmem:$0x1C100] =	vst v63  }
0x8e: {  	s0 =	simm.s32 $0x10000  }
0x8f: {  	[hbm4b:s6+s3] =	stream.indirect_vreg.scatter [tilespmem:s0], [sflag:$0x1], $0x80, v4, vm0, $0xb8;
	[tilespmem:$0x1C100] =	vst v63  }
0x90: {  	s0 =	simm.s32 $0x10800  }
0x91: {  	[hbm4b:s4+s3] =	stream.indirect_vreg.scatter [tilespmem:s0], [sflag:$0x1], $0x80, v3, vm0, $0xb8;
	[tilespmem:$0x1C100] =	vst v63  }
0x92: {  	s0 =	simm.s32 $0x11000  }
0x93: {  	[hbm4b:s5+s3] =	stream.indirect_vreg.scatter [tilespmem:s0], [sflag:$0x1], $0x80, v3, vm0, $0xb8;
	[tilespmem:$0x1C100] =	vst v63  }
0x94: {  	s0 =	simm.s32 $0x11800  }
0x95: {  	[hbm4b:s6+s3] =	stream.indirect_vreg.scatter [tilespmem:s0], [sflag:$0x1], $0x80, v3, vm0, $0xb8;
	[tilespmem:$0x1C100] =	vst v63  }
0x96: {  	v3 =	vld [tilespmem:$0x1C060];
	_ =	sdelay $0x4  }
0x97: {  	v54 =	vshrl.u32 v3, $0x3  }
0x98: {  	v4 =	vmul.u32 $0x30, v54  }
0x99: {  	v3 =	vand.u32 $0x7, v3  }
0x9a: {  	v3 =	vor.u32 v3, v4  }
0x9b: {  	v4 =	vperm.xlane v3, v0;
	_ =	sdelay $0x1  }
0x9c: {  	v4 =	vadd.s32 v1, v4;
	_ =	sdelay $0x3  }
0x9d: {  	s0 =	simm.s32 $0x12000;
	v3 =	vperm.xlane v3, v2  }
0x9e: {  	[hbm4b:s4+s3] =	stream.indirect_vreg.scatter [tilespmem:s0], [sflag:$0x1], $0x80, v4, vm0, $0xb8;
	[tilespmem:$0x1C100] =	vst v63  }
0x9f: {  	v3 =	vadd.s32 v1, v3;
	s0 =	simm.s32 $0x12800  }
0xa0: {  	[hbm4b:s5+s3] =	stream.indirect_vreg.scatter [tilespmem:s0], [sflag:$0x1], $0x80, v4, vm0, $0xb8;
	[tilespmem:$0x1C100] =	vst v63  }
0xa1: {  	s0 =	simm.s32 $0x13000  }
0xa2: {  	[hbm4b:s6+s3] =	stream.indirect_vreg.scatter [tilespmem:s0], [sflag:$0x1], $0x80, v4, vm0, $0xb8;
	[tilespmem:$0x1C100] =	vst v63  }
0xa3: {  	s0 =	simm.s32 $0x13800  }
0xa4: {  	[hbm4b:s4+s3] =	stream.indirect_vreg.scatter [tilespmem:s0], [sflag:$0x1], $0x80, v3, vm0, $0xb8;
	[tilespmem:$0x1C100] =	vst v63  }
0xa5: {  	s0 =	simm.s32 $0x14000  }
0xa6: {  	[hbm4b:s5+s3] =	stream.indirect_vreg.scatter [tilespmem:s0], [sflag:$0x1], $0x80, v3, vm0, $0xb8;
	[tilespmem:$0x1C100] =	vst v63  }
0xa7: {  	s0 =	simm.s32 $0x14800  }
0xa8: {  	[hbm4b:s6+s3] =	stream.indirect_vreg.scatter [tilespmem:s0], [sflag:$0x1], $0x80, v3, vm0, $0xb8;
	[tilespmem:$0x1C100] =	vst v63  }
0xa9: {  	v3 =	vld [tilespmem:$0x1C070];
	_ =	sdelay $0x4  }
0xaa: {  	v55 =	vshrl.u32 v3, $0x3  }
0xab: {  	v4 =	vmul.u32 $0x30, v55  }
0xac: {  	v3 =	vand.u32 $0x7, v3  }
0xad: {  	v3 =	vor.u32 v3, v4  }
0xae: {  	v4 =	vperm.xlane v3, v0;
	_ =	sdelay $0x1  }
0xaf: {  	v4 =	vadd.s32 v1, v4;
	_ =	sdelay $0x3  }
0xb0: {  	s0 =	simm.s32 $0x15000;
	v3 =	vperm.xlane v3, v2  }
0xb1: {  	[hbm4b:s4+s3] =	stream.indirect_vreg.scatter [tilespmem:s0], [sflag:$0x1], $0x80, v4, vm0, $0xb8;
	[tilespmem:$0x1C100] =	vst v63  }
0xb2: {  	v3 =	vadd.s32 v1, v3;
	s0 =	simm.s32 $0x15800  }
0xb3: {  	[hbm4b:s5+s3] =	stream.indirect_vreg.scatter [tilespmem:s0], [sflag:$0x1], $0x80, v4, vm0, $0xb8;
	[tilespmem:$0x1C100] =	vst v63  }
0xb4: {  	s0 =	simm.s32 $0x16000  }
0xb5: {  	[hbm4b:s6+s3] =	stream.indirect_vreg.scatter [tilespmem:s0], [sflag:$0x1], $0x80, v4, vm0, $0xb8;
	[tilespmem:$0x1C100] =	vst v63  }
0xb6: {  	s0 =	simm.s32 $0x16800  }
0xb7: {  	[hbm4b:s4+s3] =	stream.indirect_vreg.scatter [tilespmem:s0], [sflag:$0x1], $0x80, v3, vm0, $0xb8;
	[tilespmem:$0x1C100] =	vst v63  }
0xb8: {  	s0 =	simm.s32 $0x17000  }
0xb9: {  	[hbm4b:s5+s3] =	stream.indirect_vreg.scatter [tilespmem:s0], [sflag:$0x1], $0x80, v3, vm0, $0xb8;
	[tilespmem:$0x1C100] =	vst v63  }
0xba: {  	s0 =	simm.s32 $0x17800  }
0xbb: {  	[hbm4b:s6+s3] =	stream.indirect_vreg.scatter [tilespmem:s0], [sflag:$0x1], $0x80, v3, vm0, $0xb8;
	[tilespmem:$0x1C100] =	vst v63  }
0xbc: {  	v3 =	vld [tilespmem:$0x1C080];
	_ =	sdelay $0x4  }
0xbd: {  	v56 =	vshrl.u32 v3, $0x3  }
0xbe: {  	v4 =	vmul.u32 $0x30, v56  }
0xbf: {  	v3 =	vand.u32 $0x7, v3  }
0xc0: {  	v3 =	vor.u32 v3, v4  }
0xc1: {  	v4 =	vperm.xlane v3, v0;
	_ =	sdelay $0x1  }
0xc2: {  	v4 =	vadd.s32 v1, v4;
	_ =	sdelay $0x3  }
0xc3: {  	v3 =	vperm.xlane v3, v2  }
0xc4: {  	[hbm4b:s4+s3] =	stream.indirect_vreg.scatter [tilespmem:s3], [sflag:$0x2], $0x80, v4, vm0, $0xb8;
	[tilespmem:$0x1C100] =	vst v63  }
0xc5: {  	v3 =	vadd.s32 v1, v3  }
0xc6: {  	[hbm4b:s5+s3] =	stream.indirect_vreg.scatter [tilespmem:s20], [sflag:$0x2], $0x80, v4, vm0, $0xb8;
	[tilespmem:$0x1C100] =	vst v63  }
0xc7: {  	_ = 	snop  }
0xc8: {  	[hbm4b:s6+s3] =	stream.indirect_vreg.scatter [tilespmem:s21], [sflag:$0x2], $0x80, v4, vm0, $0xb8;
	[tilespmem:$0x1C100] =	vst v63  }
0xc9: {  	_ = 	snop  }
0xca: {  	[hbm4b:s4+s3] =	stream.indirect_vreg.scatter [tilespmem:s24], [sflag:$0x2], $0x80, v3, vm0, $0xb8;
	[tilespmem:$0x1C100] =	vst v63  }
0xcb: {  	_ = 	snop  }
0xcc: {  	[hbm4b:s5+s3] =	stream.indirect_vreg.scatter [tilespmem:s25], [sflag:$0x2], $0x80, v3, vm0, $0xb8;
	[tilespmem:$0x1C100] =	vst v63  }
0xcd: {  	_ = 	snop  }
0xce: {  	[hbm4b:s6+s3] =	stream.indirect_vreg.scatter [tilespmem:s26], [sflag:$0x2], $0x80, v3, vm0, $0xb8;
	[tilespmem:$0x1C100] =	vst v63  }
0xcf: {  	v3 =	vld [tilespmem:$0x1C090];
	_ =	sdelay $0x4  }
0xd0: {  	v57 =	vshrl.u32 v3, $0x3  }
0xd1: {  	v4 =	vmul.u32 $0x30, v57  }
0xd2: {  	v3 =	vand.u32 $0x7, v3  }
0xd3: {  	v3 =	vor.u32 v3, v4  }
0xd4: {  	v4 =	vperm.xlane v3, v0;
	_ =	sdelay $0x1  }
0xd5: {  	v4 =	vadd.s32 v1, v4;
	_ =	sdelay $0x3  }
0xd6: {  	v3 =	vperm.xlane v3, v2  }
0xd7: {  	[hbm4b:s4+s3] =	stream.indirect_vreg.scatter [tilespmem:s28], [sflag:$0x2], $0x80, v4, vm0, $0xb8;
	[tilespmem:$0x1C100] =	vst v63  }
0xd8: {  	v3 =	vadd.s32 v1, v3  }
0xd9: {  	[hbm4b:s5+s3] =	stream.indirect_vreg.scatter [tilespmem:s29], [sflag:$0x2], $0x80, v4, vm0, $0xb8;
	[tilespmem:$0x1C100] =	vst v63  }
0xda: {  	_ = 	snop  }
0xdb: {  	[hbm4b:s6+s3] =	stream.indirect_vreg.scatter [tilespmem:s30], [sflag:$0x2], $0x80, v4, vm0, $0xb8;
	[tilespmem:$0x1C100] =	vst v63  }
0xdc: {  	_ = 	snop  }
0xdd: {  	[hbm4b:s4+s3] =	stream.indirect_vreg.scatter [tilespmem:s31], [sflag:$0x2], $0x80, v3, vm0, $0xb8;
	[tilespmem:$0x1C100] =	vst v63  }
0xde: {  	_ = 	snop  }
0xdf: {  	[hbm4b:s5+s3] =	stream.indirect_vreg.scatter [tilespmem:s11], [sflag:$0x2], $0x80, v3, vm0, $0xb8;
	[tilespmem:$0x1C100] =	vst v63  }
0xe0: {  	s21 =	simm.s32 $0x5800  }
0xe1: {  	[hbm4b:s6+s3] =	stream.indirect_vreg.scatter [tilespmem:s21], [sflag:$0x2], $0x80, v3, vm0, $0xb8;
	[tilespmem:$0x1C100] =	vst v63  }
0xe2: {  	v3 =	vld [tilespmem:$0x1C0A0];
	_ =	sdelay $0x4  }
0xe3: {  	v58 =	vshrl.u32 v3, $0x3  }
0xe4: {  	v4 =	vmul.u32 $0x30, v58  }
0xe5: {  	v3 =	vand.u32 $0x7, v3  }
0xe6: {  	v3 =	vor.u32 v3, v4  }
0xe7: {  	v4 =	vperm.xlane v3, v0;
	_ =	sdelay $0x1  }
0xe8: {  	v4 =	vadd.s32 v1, v4;
	_ =	sdelay $0x3  }
0xe9: {  	v3 =	vperm.xlane v3, v2  }
0xea: {  	[hbm4b:s4+s3] =	stream.indirect_vreg.scatter [tilespmem:s2], [sflag:$0x2], $0x80, v4, vm0, $0xb8;
	[tilespmem:$0x1C100] =	vst v63  }
0xeb: {  	v3 =	vadd.s32 v1, v3  }
0xec: {  	[hbm4b:s5+s3] =	stream.indirect_vreg.scatter [tilespmem:s8], [sflag:$0x2], $0x80, v4, vm0, $0xb8;
	[tilespmem:$0x1C100] =	vst v63  }
0xed: {  	_ = 	snop  }
0xee: {  	[hbm4b:s6+s3] =	stream.indirect_vreg.scatter [tilespmem:s9], [sflag:$0x2], $0x80, v4, vm0, $0xb8;
	[tilespmem:$0x1C100] =	vst v63  }
0xef: {  	_ = 	snop  }
0xf0: {  	[hbm4b:s4+s3] =	stream.indirect_vreg.scatter [tilespmem:s14], [sflag:$0x2], $0x80, v3, vm0, $0xb8;
	[tilespmem:$0x1C100] =	vst v63  }
0xf1: {  	_ = 	snop  }
0xf2: {  	[hbm4b:s5+s3] =	stream.indirect_vreg.scatter [tilespmem:s15], [sflag:$0x2], $0x80, v3, vm0, $0xb8;
	[tilespmem:$0x1C100] =	vst v63  }
0xf3: {  	_ = 	snop  }
0xf4: {  	[hbm4b:s6+s3] =	stream.indirect_vreg.scatter [tilespmem:s16], [sflag:$0x2], $0x80, v3, vm0, $0xb8;
	[tilespmem:$0x1C100] =	vst v63  }
0xf5: {  	v3 =	vld [tilespmem:$0x1C0B0];
	_ =	sdelay $0x4  }
0xf6: {  	v59 =	vshrl.u32 v3, $0x3  }
0xf7: {  	v4 =	vmul.u32 $0x30, v59  }
0xf8: {  	v3 =	vand.u32 $0x7, v3  }
0xf9: {  	v3 =	vor.u32 v3, v4  }
0xfa: {  	v4 =	vperm.xlane v3, v0;
	_ =	sdelay $0x1  }
0xfb: {  	v4 =	vadd.s32 v1, v4;
	_ =	sdelay $0x3  }
0xfc: {  	v3 =	vperm.xlane v3, v2  }
0xfd: {  	[hbm4b:s4+s3] =	stream.indirect_vreg.scatter [tilespmem:s18], [sflag:$0x2], $0x80, v4, vm0, $0xb8;
	[tilespmem:$0x1C100] =	vst v63  }
0xfe: {  	v3 =	vadd.s32 v1, v3  }
0xff: {  	[hbm4b:s5+s3] =	stream.indirect_vreg.scatter [tilespmem:s13], [sflag:$0x2], $0x80, v4, vm0, $0xb8;
	[tilespmem:$0x1C100] =	vst v63  }
0x100: {  	_ = 	snop  }
0x101: {  	[hbm4b:s6+s3] =	stream.indirect_vreg.scatter [tilespmem:s17], [sflag:$0x2], $0x80, v4, vm0, $0xb8;
	[tilespmem:$0x1C100] =	vst v63  }
0x102: {  	_ = 	snop  }
0x103: {  	[hbm4b:s4+s3] =	stream.indirect_vreg.scatter [tilespmem:s10], [sflag:$0x2], $0x80, v3, vm0, $0xb8;
	[tilespmem:$0x1C100] =	vst v63  }
0x104: {  	_ = 	snop  }
0x105: {  	[hbm4b:s5+s3] =	stream.indirect_vreg.scatter [tilespmem:s23], [sflag:$0x2], $0x80, v3, vm0, $0xb8;
	[tilespmem:$0x1C100] =	vst v63  }
0x106: {  	_ = 	snop  }
0x107: {  	[hbm4b:s6+s3] =	stream.indirect_vreg.scatter [tilespmem:s22], [sflag:$0x2], $0x80, v3, vm0, $0xb8;
	[tilespmem:$0x1C100] =	vst v63  }
0x108: {  	v3 =	vld [tilespmem:$0x1C0C0];
	_ =	sdelay $0x4  }
0x109: {  	v60 =	vshrl.u32 v3, $0x3  }
0x10a: {  	v4 =	vmul.u32 $0x30, v60  }
0x10b: {  	v3 =	vand.u32 $0x7, v3  }
0x10c: {  	v3 =	vor.u32 v3, v4  }
0x10d: {  	v4 =	vperm.xlane v3, v0;
	_ =	sdelay $0x1  }
0x10e: {  	v4 =	vadd.s32 v1, v4;
	_ =	sdelay $0x3  }
0x10f: {  	s11 =	simm.s32 $0xC000;
	v3 =	vperm.xlane v3, v2  }
0x110: {  	[hbm4b:s4+s3] =	stream.indirect_vreg.scatter [tilespmem:s11], [sflag:$0x2], $0x80, v4, vm0, $0xb8;
	[tilespmem:$0x1C100] =	vst v63  }
0x111: {  	s20 =	simm.s32 $0xC800;
	v3 =	vadd.s32 v1, v3  }
0x112: {  	[hbm4b:s5+s3] =	stream.indirect_vreg.scatter [tilespmem:s20], [sflag:$0x2], $0x80, v4, vm0, $0xb8;
	[tilespmem:$0x1C100] =	vst v63  }
0x113: {  	s21 =	simm.s32 $0xD000  }
0x114: {  	[hbm4b:s6+s3] =	stream.indirect_vreg.scatter [tilespmem:s21], [sflag:$0x2], $0x80, v4, vm0, $0xb8;
	[tilespmem:$0x1C100] =	vst v63  }
0x115: {  	s8 =	simm.s32 $0xD800  }
0x116: {  	[hbm4b:s4+s3] =	stream.indirect_vreg.scatter [tilespmem:s8], [sflag:$0x2], $0x80, v3, vm0, $0xb8;
	[tilespmem:$0x1C100] =	vst v63  }
0x117: {  	s11 =	simm.s32 $0xE000  }
0x118: {  	[hbm4b:s5+s3] =	stream.indirect_vreg.scatter [tilespmem:s11], [sflag:$0x2], $0x80, v3, vm0, $0xb8;
	[tilespmem:$0x1C100] =	vst v63  }
0x119: {  	s20 =	simm.s32 $0xE800  }
0x11a: {  	[hbm4b:s6+s3] =	stream.indirect_vreg.scatter [tilespmem:s20], [sflag:$0x2], $0x80, v3, vm0, $0xb8;
	[tilespmem:$0x1C100] =	vst v63  }
0x11b: {  	v3 =	vld [tilespmem:$0x1C0D0];
	_ =	sdelay $0x4  }
0x11c: {  	v61 =	vshrl.u32 v3, $0x3  }
0x11d: {  	v4 =	vmul.u32 $0x30, v61  }
0x11e: {  	v3 =	vand.u32 $0x7, v3  }
0x11f: {  	v3 =	vor.u32 v3, v4  }
0x120: {  	v4 =	vperm.xlane v3, v0;
	_ =	sdelay $0x1  }
0x121: {  	v4 =	vadd.s32 v1, v4;
	_ =	sdelay $0x3  }
0x122: {  	s21 =	simm.s32 $0xF000;
	v3 =	vperm.xlane v3, v2  }
0x123: {  	[hbm4b:s4+s3] =	stream.indirect_vreg.scatter [tilespmem:s21], [sflag:$0x2], $0x80, v4, vm0, $0xb8;
	[tilespmem:$0x1C100] =	vst v63  }
0x124: {  	s8 =	simm.s32 $0xF800;
	v3 =	vadd.s32 v1, v3  }
0x125: {  	[hbm4b:s5+s3] =	stream.indirect_vreg.scatter [tilespmem:s8], [sflag:$0x2], $0x80, v4, vm0, $0xb8;
	[tilespmem:$0x1C100] =	vst v63  }
0x126: {  	s11 =	simm.s32 $0x10000  }
0x127: {  	[hbm4b:s6+s3] =	stream.indirect_vreg.scatter [tilespmem:s11], [sflag:$0x2], $0x80, v4, vm0, $0xb8;
	[tilespmem:$0x1C100] =	vst v63  }
0x128: {  	s20 =	simm.s32 $0x10800  }
0x129: {  	[hbm4b:s4+s3] =	stream.indirect_vreg.scatter [tilespmem:s20], [sflag:$0x2], $0x80, v3, vm0, $0xb8;
	[tilespmem:$0x1C100] =	vst v63  }
0x12a: {  	s21 =	simm.s32 $0x11000  }
0x12b: {  	[hbm4b:s5+s3] =	stream.indirect_vreg.scatter [tilespmem:s21], [sflag:$0x2], $0x80, v3, vm0, $0xb8;
	[tilespmem:$0x1C100] =	vst v63  }
0x12c: {  	s8 =	simm.s32 $0x11800  }
0x12d: {  	[hbm4b:s6+s3] =	stream.indirect_vreg.scatter [tilespmem:s8], [sflag:$0x2], $0x80, v3, vm0, $0xb8;
	[tilespmem:$0x1C100] =	vst v63  }
0x12e: {  	v3 =	vld [tilespmem:$0x1C0E0];
	_ =	sdelay $0x4  }
0x12f: {  	v62 =	vshrl.u32 v3, $0x3  }
0x130: {  	v4 =	vmul.u32 $0x30, v62  }
0x131: {  	v3 =	vand.u32 $0x7, v3  }
0x132: {  	v3 =	vor.u32 v3, v4  }
0x133: {  	v4 =	vperm.xlane v3, v0;
	_ =	sdelay $0x1  }
0x134: {  	v4 =	vadd.s32 v1, v4;
	_ =	sdelay $0x3  }
0x135: {  	s11 =	simm.s32 $0x12000;
	v3 =	vperm.xlane v3, v2  }
0x136: {  	[hbm4b:s4+s3] =	stream.indirect_vreg.scatter [tilespmem:s11], [sflag:$0x2], $0x80, v4, vm0, $0xb8;
	[tilespmem:$0x1C100] =	vst v63  }
0x137: {  	s20 =	simm.s32 $0x12800;
	v3 =	vadd.s32 v1, v3  }
0x138: {  	[hbm4b:s5+s3] =	stream.indirect_vreg.scatter [tilespmem:s20], [sflag:$0x2], $0x80, v4, vm0, $0xb8;
	[tilespmem:$0x1C100] =	vst v63  }
0x139: {  	s21 =	simm.s32 $0x13000  }
0x13a: {  	[hbm4b:s6+s3] =	stream.indirect_vreg.scatter [tilespmem:s21], [sflag:$0x2], $0x80, v4, vm0, $0xb8;
	[tilespmem:$0x1C100] =	vst v63  }
0x13b: {  	s8 =	simm.s32 $0x13800  }
0x13c: {  	[hbm4b:s4+s3] =	stream.indirect_vreg.scatter [tilespmem:s8], [sflag:$0x2], $0x80, v3, vm0, $0xb8;
	[tilespmem:$0x1C100] =	vst v63  }
0x13d: {  	s11 =	simm.s32 $0x14000  }
0x13e: {  	[hbm4b:s5+s3] =	stream.indirect_vreg.scatter [tilespmem:s11], [sflag:$0x2], $0x80, v3, vm0, $0xb8;
	[tilespmem:$0x1C100] =	vst v63  }
0x13f: {  	s20 =	simm.s32 $0x14800  }
0x140: {  	[hbm4b:s6+s3] =	stream.indirect_vreg.scatter [tilespmem:s20], [sflag:$0x2], $0x80, v3, vm0, $0xb8;
	[tilespmem:$0x1C100] =	vst v63  }
0x141: {  	v3 =	vld [tilespmem:$0x1C0F0];
	_ =	sdelay $0x4  }
0x142: {  	v63 =	vshrl.u32 v3, $0x3  }
0x143: {  	v4 =	vmul.u32 $0x30, v63  }
0x144: {  	v3 =	vand.u32 $0x7, v3  }
0x145: {  	v3 =	vor.u32 v3, v4  }
0x146: {  	v4 =	vperm.xlane v3, v0;
	_ =	sdelay $0x1  }
0x147: {  	v4 =	vadd.s32 v1, v4;
	_ =	sdelay $0x3  }
0x148: {  	s21 =	simm.s32 $0x15000;
	v3 =	vperm.xlane v3, v2  }
0x149: {  	[hbm4b:s4+s3] =	stream.indirect_vreg.scatter [tilespmem:s21], [sflag:$0x2], $0x80, v4, vm0, $0xb8;
	[tilespmem:$0x1C100] =	vst v63  }
0x14a: {  	s8 =	simm.s32 $0x15800;
	v3 =	vadd.s32 v1, v3  }
0x14b: {  	[hbm4b:s5+s3] =	stream.indirect_vreg.scatter [tilespmem:s8], [sflag:$0x2], $0x80, v4, vm0, $0xb8;
	[tilespmem:$0x1C100] =	vst v63  }
0x14c: {  	s11 =	simm.s32 $0x16000  }
0x14d: {  	[hbm4b:s6+s3] =	stream.indirect_vreg.scatter [tilespmem:s11], [sflag:$0x2], $0x80, v4, vm0, $0xb8;
	[tilespmem:$0x1C100] =	vst v63  }
0x14e: {  	s20 =	simm.s32 $0x16800  }
0x14f: {  	[hbm4b:s4+s3] =	stream.indirect_vreg.scatter [tilespmem:s20], [sflag:$0x2], $0x80, v3, vm0, $0xb8;
	[tilespmem:$0x1C100] =	vst v63  }
0x150: {  	s21 =	simm.s32 $0x17000  }
0x151: {  	[hbm4b:s5+s3] =	stream.indirect_vreg.scatter [tilespmem:s21], [sflag:$0x2], $0x80, v3, vm0, $0xb8;
	[tilespmem:$0x1C100] =	vst v63  }
0x152: {  	s8 =	simm.s32 $0x4  }
0x153: {  	[hbm4b:s6+s3] =	stream.indirect_vreg.scatter [tilespmem:s0], [sflag:$0x2], $0x80, v3, vm0, $0xb8;
	[tilespmem:$0x1C100] =	vst v63  }
0x154: {  	_ =	swait.ge [sflag:s8], $0x4000  }
0x155: {  	[sflag:s8] =	ssyncset.done $0x0  }
0x156: {  	s11 =	simm.s32 $0x18000;
	[sflag:s8] =	ssyncadd.s32 $0xFFFFC000  }
0x157: {  	s20 =	simm.s32 $0x1C000;
	s0 =	simm.s32 $0x80;
	s21 =	rddreg [dreg:$0x2]  }
0x158: {  	[hbm4b:s21+s0] =	stream.indirect.scatter [tilespmem:s11], [sflag:$0x5], $0x80, s20, s0, $0xb8;
	[tilespmem:$0x1C100] =	vst v63  }
0x159: {  	_ =	swait.ge [sflag:s19], $0x4000  }
0x15a: {  	[sflag:s19] =	ssyncset.done $0x0  }
0x15b: {  	s8 =	rddreg [dreg:$0x8];
	[sflag:s19] =	ssyncadd.s32 $0xFFFFC000  }
0x15c: {  	[tilespmem:s11], [sflag:$0x5] =	stream.linear.gather [hbm4b:s8+s3], $0x4000, $0x38;
	[tilespmem:$0x1C100] =	vst v63  }
0x15d: {  	_ =	swait.ge [sflag:s19], $0x4000  }
0x15e: {  	[sflag:s19] =	ssyncset.done $0x0  }
0x15f: {  	s20 =	simm.s32 $0x1C080;
	s11 =	simm.s32 $0x18000;
	[sflag:s19] =	ssyncadd.s32 $0xFFFFC000  }
0x160: {  	[hbm4b:s21+s0] =	stream.indirect.scatter [tilespmem:s11], [sflag:$0x5], $0x80, s20, s0, $0xb8;
	[tilespmem:$0x1C100] =	vst v63  }
0x161: {  	_ =	swait.ge [sflag:s19], $0x4000  }
0x162: {  	[sflag:s19] =	ssyncset.done $0x0  }
0x163: {  	[sflag:s19] =	ssyncadd.s32 $0xFFFFC000  }
0x164: {  	p0 =	sne.s32 s7, $0x1;
	_ =	swait.ge [sflag:s12], $0x18000  }
.Ltmp0:
0x165: {  	[sflag:s12] =	ssyncset.done $0x0;
	(pc) =	sbr.rel @p0 .LBB2_1-.Ltmp0, $4  }
0x166: {  	[sflag:s12] =	ssyncadd.s32 $0xFFFE8000  }
0x167: {  	_ =	swait.ge [sflag:s1], $0x18000  }
0x168: {  	[sflag:s1] =	ssyncset.done $0x0  }
0x169: {  	s7 =	sadd.s32 $0xFFFFFFFF, s7;
	[sflag:s1] =	ssyncadd.s32 $0xFFFE8000  }
0x16a: {  	_ =	sfence.sel $0x180000  }
0x16b: {  	[bflag:$0x0] =	sbarrier.arrive $0xFFFF  }
0x16c: {  	_ =	strace $0x90000047  }
0x16d: {  	s0 =	stileid.u32;
	[bflag:$0x2] =	sbarrier.arrive $0xFFFF  }
0x16e: {  	p0 =	sne.s32 s0, $0x0;
	s0 =	rddreg [dreg:$0x3]  }
0x16f: {  	s0 =	sadd.s32 @!p0 $0x100000, s0  }
0x170: {  	[sflag:s0] =	ssyncadd.tile.s32 @!p0 $0x1;
	_ =	shalt  }
.Lfunc_end2:
_tile_overlayer_lowered:
.L_overlay_start_2:
0x171: {  	(tag) =	ssettag $0x2  }
0x172: {  	s0 =	rddreg [dreg:$0x0];
	s2 =	stileid.u32  }
0x173: {  	s1 =	rddreg [dreg:$0x1];
	p0 =	sne.s32 s2, $0x0  }
0x174: {  	s3 =	rddreg [dreg:$0x2];
	[bflag:$0x3] =	sbarrier.arrive $0xFFFF;
	s2 =	simm.s32 @!p0 $0x1C05  }
0x175: {  	[timem:s3], [sflag:s2] =	dma.local @!p0 [hbm:s0], s1  }
0x176: {  	s0 =	simm.s32 @!p0 $0x5  }
0x177: {  	_ =	swait.ge @!p0 [sflag:s0], s1  }
0x178: {  	s1 =	ssub.s32 @!p0 $0x0, s1;
	[sflag:s0] =	ssyncset.done @!p0 $0x0  }
0x179: {  	[sflag:s0] =	ssyncadd.s32 @!p0 s1  }
0x17a: {  	[bflag:$0x3] =	sbarrier.arrive $0xFFFF  }
0x17b: {  	_ =	shalt  }

// kernel: kernel.9.cloned.1.call-start
scs
__scs_entry_jumppad:
0x0: {  	(pc) =	sbr.rel $0x88, $3  }
0x1: {  	(tag) =	ssettag $0x0;
	lr =	simm.s32 $0x1  }
0x2: {  	[smem:$0x3F9C] =	sst lr;
	_ =	strace $0xD0000000  }
0x3: {  	_ = 	snop  }
0x4: {  	_ = 	snop  }
0x5: {  	_ = 	snop  }
0x6: {  	_ = 	snop  }
0x7: {  	_ = 	snop  }
__scs_overlays_trampoline_lowered:
0x8: {  	[smem:$0x3FAB] =	sst s0  }
0x9: {  	[smem:$0x3FAC] =	sst s1  }
0xa: {  	[smem:$0x3FAD] =	sst s2  }
0xb: {  	[smem:$0x3FAE] =	sst s3  }
0xc: {  	[smem:$0x3FAF] =	sst s4  }
0xd: {  	[smem:$0x3FB0] =	sst s5  }
0xe: {  	[smem:$0x3FB1] =	sst s6  }
0xf: {  	[smem:$0x3FB2] =	sst s7  }
0x10: {  	[smem:$0x3FB3] =	sst s8  }
0x11: {  	[smem:$0x3FB4] =	sst s9;
	s0 =	simm.s32 @!p0 $0x0  }
0x12: {  	s1 =	sld [smem:$0x3F9A];
	s0 =	simm.s32 @p0 $0x1  }
0x13: {  	[smem:$0x3FB5] =	sst s0;
	s0 =	simm.s32 @!p1 $0x0  }
0x14: {  	s2 =	sld [smem:$0x3F99];
	s0 =	simm.s32 @p1 $0x1  }
0x15: {  	[smem:$0x3FB6] =	sst s0;
	s0 =	simm.s32 @!p2 $0x0  }
0x16: {  	s3 =	sld [smem:$0x3FDB];
	s0 =	simm.s32 @p2 $0x1  }
0x17: {  	s4 =	simm.s32 $0x1BF5;
	[smem:$0x3FB8] =	sst s0  }
0x18: {  	s0 =	sld [smem:$0x3F9B];
	_ =	swait.ge [sflag:s4], $0x0  }
0x19: {  	s7 =	sld [smem:$0x3F9C]  }
0x1a: {  	s8 =	sadd.s32 $0xFFFFE003, lr  }
0x1b: {  	s9 =	sadd.s32 $0xFFFFFEF7, lr;
	s5 =	simm.s32 $0xFFFFFFFF;
	p2 =	slt.u32 s8, $0xFFFFF086  }
0x1c: {  	p1 =	slt.u32 s9, $0xF7A;
	s5 =	simm.s32 @!p2 $0x0  }
0x1d: {  	s5 =	simm.s32 @p1 $0x1;
	p0 =	seq.s32 s7, s2  }
0x1e: {  	s7 =	smul.u32 @!p0 $0xF7A, s2;
	p2 =	seq.s32 @!p0 s5, $0x0  }
0x1f: {  	s9 =	smul.u32 $0xF7A, s1;
	s8 =	simm.s32 @!p0 $0x1BF5;
	p2 =	por !p2, p0  }
0x20: {  	[sflag:s8] =	ssyncset.s32 @!p0 $0xFFFFF086;
	s6 =	sadd.s32 @!p0 s3, s7;
	s7 =	simm.s32 @!p0 $0x108  }
0x21: {  	s3 =	sadd.s32 s3, s9;
	s6 =	sadd.s32 @!p0 $0x88, s6;
	s7 =	simm.s32 @p2 $0x1082  }
0x22: {  	[simem:s7], [sflag:s8] =	dma.local @!p0 [hbm:s6], $0xF7A  }
0x23: {  	s9 =	sor.u32 $0xD0000000, s2;
	s6 =	simm.s32 $0x108;
	_ =	swait.ge @!p0 [sflag:s8], $0x0  }
0x24: {  	s3 =	sadd.s32 $0x88, s3;
	s6 =	simm.s32 @!p1 $0x1082;
	[sflag:s4] =	ssyncset.s32 $0xFFFFF086  }
0x25: {  	[simem:s6], [sflag:s4] =	dma.local [hbm:s3], $0xF7A  }
0x26: {  	[smem:$0x3F9C] =	sst s1;
	(tag) =	ssettag s2;
	_ =	strace s9  }
0x27: {  	s1 =	sld [smem:$0x3FAC]  }
0x28: {  	s2 =	sld [smem:$0x3FAD]  }
0x29: {  	s4 =	sld [smem:$0x3FAF]  }
0x2a: {  	p0 =	seq.s32 s5, $0x0;
	s5 =	sld [smem:$0x3FB0]  }
0x2b: {  	s6 =	sld [smem:$0x3FB1]  }
0x2c: {  	s7 =	sld [smem:$0x3FB2]  }
0x2d: {  	s3 =	simm.s32 $0x108;
	s8 =	sld [smem:$0x3FB3]  }
0x2e: {  	s3 =	simm.s32 @!p0 $0x1082;
	s9 =	sld [smem:$0x3FB4]  }
0x2f: {  	lr =	sadd.s32 s0, s3;
	s0 =	sld [smem:$0x3FAB]  }
0x30: {  	s3 =	sld [smem:$0x3FAE]  }
0x31: {  	[smem:$0x3FB7] =	sst s10  }
0x32: {  	s10 =	sld [smem:$0x3FB5];
	_ =	sdelay $0x3  }
0x33: {  	p0 =	seq.s32 s10, $0x1;
	s10 =	sld [smem:$0x3FB7];
	_ =	sdelay $0x3  }
0x34: {  	[smem:$0x3FB7] =	sst s10  }
0x35: {  	s10 =	sld [smem:$0x3FB6];
	_ =	sdelay $0x3  }
0x36: {  	p1 =	seq.s32 s10, $0x1;
	s10 =	sld [smem:$0x3FB7];
	_ =	sdelay $0x3  }
0x37: {  	[smem:$0x3FB7] =	sst s10  }
0x38: {  	s10 =	sld [smem:$0x3FB8]  }
0x39: {  	_ = 	snop;
	(pc) =	sbr.ind lr, $3  }
0x3a: {  	_ = 	snop  }
0x3b: {  	_ = 	snop  }
0x3c: {  	p2 =	seq.s32 s10, $0x1;
	s10 =	sld [smem:$0x3FB7]  }
0x3d: {  	_ =	shalt  }
0x3e: {  	_ =	shalt  }
0x3f: {  	_ =	shalt  }
0x40: {  	_ =	shalt  }
0x41: {  	_ =	shalt  }
0x42: {  	_ =	shalt  }
0x43: {  	_ =	shalt  }
0x44: {  	_ =	shalt  }
0x45: {  	_ =	shalt  }
0x46: {  	_ =	shalt  }
0x47: {  	_ =	shalt  }
0x48: {  	_ =	shalt  }
0x49: {  	_ =	shalt  }
0x4a: {  	_ =	shalt  }
0x4b: {  	_ =	shalt  }
0x4c: {  	_ =	shalt  }
0x4d: {  	_ =	shalt  }
0x4e: {  	_ =	shalt  }
0x4f: {  	_ =	shalt  }
0x50: {  	_ =	shalt  }
0x51: {  	_ =	shalt  }
0x52: {  	_ =	shalt  }
0x53: {  	_ =	shalt  }
0x54: {  	_ =	shalt  }
0x55: {  	_ =	shalt  }
0x56: {  	_ =	shalt  }
0x57: {  	_ =	shalt  }
0x58: {  	_ =	shalt  }
0x59: {  	_ =	shalt  }
0x5a: {  	_ =	shalt  }
0x5b: {  	_ =	shalt  }
0x5c: {  	_ =	shalt  }
0x5d: {  	_ =	shalt  }
0x5e: {  	_ =	shalt  }
0x5f: {  	_ =	shalt  }
0x60: {  	_ =	shalt  }
0x61: {  	_ =	shalt  }
0x62: {  	_ =	shalt  }
0x63: {  	_ =	shalt  }
0x64: {  	_ =	shalt  }
0x65: {  	_ =	shalt  }
0x66: {  	_ =	shalt  }
0x67: {  	_ =	shalt  }
0x68: {  	_ =	shalt  }
0x69: {  	_ =	shalt  }
0x6a: {  	_ =	shalt  }
0x6b: {  	_ =	shalt  }
0x6c: {  	_ =	shalt  }
0x6d: {  	_ =	shalt  }
0x6e: {  	_ =	shalt  }
0x6f: {  	_ =	shalt  }
0x70: {  	_ =	shalt  }
0x71: {  	_ =	shalt  }
0x72: {  	_ =	shalt  }
0x73: {  	_ =	shalt  }
0x74: {  	_ =	shalt  }
0x75: {  	_ =	shalt  }
0x76: {  	_ =	shalt  }
0x77: {  	_ =	shalt  }
0x78: {  	_ =	shalt  }
0x79: {  	_ =	shalt  }
0x7a: {  	_ =	shalt  }
0x7b: {  	_ =	shalt  }
0x7c: {  	_ =	shalt  }
0x7d: {  	_ =	shalt  }
0x7e: {  	_ =	shalt  }
0x7f: {  	_ =	shalt  }
0x80: {  	_ =	shalt  }
0x81: {  	_ =	shalt  }
0x82: {  	_ =	shalt  }
0x83: {  	_ =	shalt  }
0x84: {  	_ =	shalt  }
0x85: {  	_ =	shalt  }
0x86: {  	_ =	shalt  }
0x87: {  	_ =	shalt  }
.Lfunc_end0:
.L_simem_size_0:
called_computation.1_lowered:
.L_overlay_start_0:
0x88: {  	s2 =	sld [smem:$0x3FD9]  }
0x89: {  	s3 =	sld [smem:$0x3FFE];
	_ =	sdelay $0x1  }
0x8a: {  	s1 =	srdreg.scid  }
0x8b: {  	s0 =	sand.u32 $0x1, s1  }
0x8c: {  	s14 =	sshll.u32 s0, $0xA;
	s2 =	sadd.s32 s3, s2  }
0x8d: {  	s2 =	sadd.s32 s2, s14  }
0x8e: {  	[smem:$0x3FC3] =	sst s2  }
0x8f: {  	_ = 	snop  }
0x90: {  	s2 =	sld [smem:$0x3FD0];
	_ =	sdelay $0x2  }
0x91: {  	s15 =	simm.s32 $0xA;
	s4 =	simm.s32 $0x10  }
0x92: {  	[smem:s4], [sflag:s15] =	dma.local [hbm:s2], $0x1  }
0x93: {  	_ =	swait.eq [sflag:s15], $0x1  }
0x94: {  	[sflag:s15] =	ssyncset.done $0x0  }
0x95: {  	[sflag:s15] =	ssyncadd.s32 $0xFFFFFFFF  }
0x96: {  	s16 =	sld [smem:$0x10];
	(tm) =	ssettm $0x1  }
0x97: {  	s17 =	sld [smem:$0x3FFB];
	_ =	sdelay $0x3  }
0x98: {  	_ =	strace s17  }
0x99: {  	s3 =	sld [smem:$0x3FFC];
	_ =	sdelay $0x3  }
0x9a: {  	_ =	strace s3  }
0x9b: {  	s3 =	sld [smem:$0x3FFD];
	_ =	sdelay $0x3  }
0x9c: {  	_ =	strace s3  }
0x9d: {  	_ =	strace $0x8FFFFFFF  }
0x9e: {  	s18 =	sld [smem:$0x3FDB];
	_ =	sdelay $0x1  }
0x9f: {  	s19 =	simm.s32 $_scs_section_size  }
0xa0: {  	s5 =	simm.s32 $_size__tile_overlayer_lowered;
	s6 =	simm.s32 $_tile_overlayer_lowered  }
0xa1: {  	s22 =	simm.s32 $0x1BFF;
	s21 =	sshll.u32 s6, $0x1;
	s3 =	sadd.s32 s19, s18  }
0xa2: {  	s7 =	simm.s32 $0x0;
	s20 =	sshll.u32 s5, $0x1;
	s5 =	sadd.s32 s21, s3  }
0xa3: {  	[timem:s7], [sflag:s22] =	dma.local [hbm:s5], s20  }
0xa4: {  	_ =	swait.ge [sflag:s22], s20  }
0xa5: {  	s4 =	ssub.s32 $0x0, s20;
	[sflag:s22] =	ssyncset.done $0x0  }
0xa6: {  	[sflag:s22] =	ssyncadd.s32 s4;
	_ =	sdelay $0x1  }
0xa7: {  	s23 =	simm.s32 $0x1B8B  }
0xa8: {  	_ =	swait.ge [sflag:s23], $0x1  }
0xa9: {  	[sflag:s23] =	ssyncset.done $0x0  }
0xaa: {  	s25 =	simm.s32 $0x1B8E;
	s24 =	sld [smem:$0x3FFE];
	[sflag:s23] =	ssyncadd.s32 $0xFFFFFFFF  }
0xab: {  	s26 =	simm.s32 $execute0_lowered;
	[smem:$0x3FD2] =	sst s25  }
0xac: {  	s5 =	sshll.u32 s26, $0x1;
	_ =	strace $0x80000049;
	[dreg:$0x1] =	wrdreg $0xFFFFFFFF  }
0xad: {  	s28 =	simm.s32 $_size_execute0_lowered;
	s3 =	sadd.s32 s3, s5;
	[dreg:$0x0] =	wrdreg $0x0  }
0xae: {  	s5 =	sshll.u32 s28, $0x1;
	[dreg:$0x2] =	wrdreg s3  }
0xaf: {  	[dreg:$0x3] =	wrdreg s5  }
0xb0: {  	[dreg:$0x4] =	wrdreg $0xC0  }
0xb1: {  	_ =	task [dreg:s7], $0x5FFFF  }
0xb2: {  	[dreg:$0x1] =	wrdreg $0xFFFFFFFF  }
0xb3: {  	[dreg:$0x0] =	wrdreg $0x60  }
0xb4: {  	[dreg:$0x2] =	wrdreg s24  }
0xb5: {  	[dreg:$0x3] =	wrdreg s16  }
0xb6: {  	[dreg:$0x4] =	wrdreg $0x9  }
0xb7: {  	_ =	task.clear_ibuf [dreg:s7], $0x5FFFF;
	_ =	strace $0x90000049  }
0xb8: {  	s29 =	simm.s32 $0x9;
	_ =	strace $0x8000004B  }
0xb9: {  	_ =	swait.ge [sflag:s29], $0x1  }
0xba: {  	[sflag:s29] =	ssyncadd.s32 $0xFFFFFFFF  }
0xbb: {  	_ =	strace $0x9000004B  }
0xbc: {  	_ =	sfence  }
0xbd: {  	s30 =	sld [smem:$0x0];
	_ =	sdelay $0x2  }
0xbe: {  	s31 =	sshll.u32 s1, $0xD;
	s1 =	sshrl.u32 s1, $0x2  }
0xbf: {  	s3 =	sand.u32 $0x4000, s31;
	s1 =	sadd.s32 s1, s30  }
0xc0: {  	s0 =	sor.u32 s3, s0;
	s1 =	sshll.u32 s1, $0x11  }
0xc1: {  	s0 =	sor.u32 s1, s0  }
0xc2: {  	s0 =	sadd.s32 $0x8F2B, s0  }
0xc3: {  	[sflag:s0] =	ssyncadd.remote.s32 $0x1  }
0xc4: {  	_ =	sfence.sel $0xFFFF  }
0xc5: {  	[dreg:$0x0] =	wrdreg $0xFFFFFFFF;
	(pc) =	sbr.abs _section_cstart, $3  }
0xc6: {  	[dreg:$0x1] =	wrdreg $0xFFFFFFFF  }
0xc7: {  	_ =	task.clear_ibuf [dreg:s7], $0x2FFFF;
	_ =	strace $0x9FFFFFFF  }
0xc8: {  	(tm) =	ssettm $0x7FFFFFFF  }
0xc9: {  	_ =	shalt  }
tec
execute0_lowered:
.L_overlay_start_1:
0x0: {  	(tag) =	ssettag $0x1  }
0x1: {  	s0 =	rddreg [dreg:$0x0]  }
0x2: {  	s2 =	rddreg [dreg:$0x1];
	s1 =	simm.s32 $0x0;
	s3 =	srdreg.scid  }
0x3: {  	s7 =	stileid.u32;
	s14 =	simm.s32 $0x1;
	s15 =	simm.s32 $0x2  }
0x4: {  	s16 =	simm.s32 $0x100;
	s29 =	simm.s32 $0xF900;
	s30 =	simm.s32 $0x10900  }
0x5: {  	s31 =	simm.s32 $0x11900;
	s12 =	simm.s32 $0x14100;
	s13 =	simm.s32 $0x14900  }
0x6: {  	s17 =	simm.s32 $0x15100;
	s18 =	simm.s32 $0x15900;
	[smem:$0x7FF] =	sst s1  }
0x7: {  	s4 =	sadd.s32 $0x20600, s0;
	s5 =	sadd.s32 $0x20800, s0;
	s3 =	sand.u32 $0x1, s3  }
0x8: {  	s7 =	sshll.u32 s7, $0x5;
	_ =	strace $0x8000004A;
	s6 =	ssub.s32 $0x2, s3  }
0x9: {  	s8 =	sshll.u32 s3, $0x4;
	s3 =	sadd.s32 $0x206A00, s0;
	s9 =	sshrl.u32 s6, $0x1  }
0xa: {  	s7 =	sor.u32 s8, s7;
	s8 =	simm.s32 $0x10100;
	s19 =	ssub.s32 s6, s9  }
0xb: {  	s20 =	smul.u32 $0x300, s7;
	s10 =	sor.u32 $0x8, s7;
	s21 =	sadd.s32 s4, s7  }
0xc: {  	s22 =	sadd.s32 s5, s7;
	s6 =	sadd.s32 $0x206B00, s0;
	s7 =	sadd.s32 $0x206C00, s0  }
0xd: {  	s9 =	simm.s32 $0x11100;
	s0 =	simm.s32 $0x12900;
	[dreg:$0x3] =	wrdreg s21  }
0xe: {  	[dreg:$0x4] =	wrdreg s22;
	s11 =	smul.u32 $0x300, s10;
	s24 =	sadd.s32 s4, s10  }
0xf: {  	s25 =	sadd.s32 s5, s10;
	s28 =	smax.u32 s19, $0x1;
	s10 =	simm.s32 $0x12100  }
0x10: {  	s19 =	simm.s32 $0x16100;
	s21 =	simm.s32 $0x17100;
	[dreg:$0x6] =	wrdreg s24  }
0x11: {  	s22 =	simm.s32 $0x17900;
	s4 =	simm.s32 $0x0;
	[dreg:$0x7] =	wrdreg s25  }
0x12: {  	v2 =	vlaneseq.u32;
	s23 =	sadd.s32 s2, s20;
	[dreg:$0x9] =	wrdreg s28;
	s20 =	simm.s32 $0x16900  }
0x13: {  	vm0 =	vmmov $0xffff;
	v1 =	vshrl.u32 v2, $0x3;
	[dreg:$0x5] =	wrdreg s23;
	s26 =	sadd.s32 s2, s11;
	s11 =	simm.s32 $0x13100  }
0x14: {  	v0 =	vand.u32 $0x7, v2;
	v2 =	vor.u32 $0x8, v2;
	v1 =	vmul.u32 $0x8, v1;
	s2 =	simm.s32 $0x13900;
	s23 =	simm.s32 $0x3;
	[dreg:$0x8] =	wrdreg s26  }
.LBB2_1:
0x15: {  	s5 =	rddreg [dreg:$0x3]  }
0x16: {  	[tilespmem:s1], [sflag:$0x1] =	stream.linear.gather [hbm4b:s5+s1], $0x40, $0x38;
	[tilespmem:$0x18100] =	vst v63  }
0x17: {  	s28 =	rddreg [dreg:$0x4];
	s24 =	simm.s32 $0x80  }
0x18: {  	[tilespmem:s24], [sflag:$0x2] =	stream.linear.gather [hbm4b:s28+s1], $0x40, $0x38;
	[tilespmem:$0x18100] =	vst v63  }
0x19: {  	_ =	swait.ge [sflag:s14], $0x40  }
0x1a: {  	[sflag:s14] =	ssyncset.done $0x0  }
0x1b: {  	[sflag:s14] =	ssyncadd.s32 $0xFFFFFFC0  }
0x1c: {  	_ =	swait.ge [sflag:s15], $0x40  }
0x1d: {  	[sflag:s15] =	ssyncset.done $0x0  }
0x1e: {  	[sflag:s15] =	ssyncadd.s32 $0xFFFFFFC0  }
0x1f: {  	v3 =	vld [tilespmem:$0x0];
	_ =	sdelay $0x4  }
0x20: {  	v4 =	vshrl.u32 v3, $0x3  }
0x21: {  	v4 =	vmul.u32 $0x30, v4  }
0x22: {  	v3 =	vand.u32 $0x7, v3  }
0x23: {  	v3 =	vor.u32 v3, v4  }
0x24: {  	v4 =	vperm.xlane v3, v0;
	_ =	sdelay $0x1  }
0x25: {  	v4 =	vadd.s32 v1, v4;
	_ =	sdelay $0x3  }
0x26: {  	v3 =	vperm.xlane v3, v2  }
0x27: {  	[tilespmem:s16], [sflag:$0x1] =	stream.indirect_vreg.gather [hbm4b:s3+s1], $0x80, v4, vm0, $0xb8;
	[tilespmem:$0x18100] =	vst v63  }
0x28: {  	s24 =	simm.s32 $0x900;
	v3 =	vadd.s32 v1, v3  }
0x29: {  	[tilespmem:s24], [sflag:$0x1] =	stream.indirect_vreg.gather [hbm4b:s6+s1], $0x80, v4, vm0, $0xb8;
	[tilespmem:$0x18100] =	vst v63  }
0x2a: {  	s25 =	simm.s32 $0x1100  }
0x2b: {  	[tilespmem:s25], [sflag:$0x1] =	stream.indirect_vreg.gather [hbm4b:s7+s1], $0x80, v4, vm0, $0xb8;
	[tilespmem:$0x18100] =	vst v63  }
0x2c: {  	s26 =	simm.s32 $0x1900  }
0x2d: {  	[tilespmem:s26], [sflag:$0x1] =	stream.indirect_vreg.gather [hbm4b:s3+s1], $0x80, v3, vm0, $0xb8;
	[tilespmem:$0x18100] =	vst v63  }
0x2e: {  	s28 =	simm.s32 $0x2100  }
0x2f: {  	[tilespmem:s28], [sflag:$0x1] =	stream.indirect_vreg.gather [hbm4b:s6+s1], $0x80, v3, vm0, $0xb8;
	[tilespmem:$0x18100] =	vst v63  }
0x30: {  	s24 =	simm.s32 $0x2900  }
0x31: {  	[tilespmem:s24], [sflag:$0x1] =	stream.indirect_vreg.gather [hbm4b:s7+s1], $0x80, v3, vm0, $0xb8;
	[tilespmem:$0x18100] =	vst v63  }
0x32: {  	v3 =	vld [tilespmem:$0x10];
	_ =	sdelay $0x4  }
0x33: {  	v4 =	vshrl.u32 v3, $0x3  }
0x34: {  	v4 =	vmul.u32 $0x30, v4  }
0x35: {  	v3 =	vand.u32 $0x7, v3  }
0x36: {  	v3 =	vor.u32 v3, v4  }
0x37: {  	v4 =	vperm.xlane v3, v0;
	_ =	sdelay $0x1  }
0x38: {  	v4 =	vadd.s32 v1, v4;
	_ =	sdelay $0x3  }
0x39: {  	s25 =	simm.s32 $0x3100;
	v3 =	vperm.xlane v3, v2  }
0x3a: {  	[tilespmem:s25], [sflag:$0x1] =	stream.indirect_vreg.gather [hbm4b:s3+s1], $0x80, v4, vm0, $0xb8;
	[tilespmem:$0x18100] =	vst v63  }
0x3b: {  	s26 =	simm.s32 $0x3900;
	v3 =	vadd.s32 v1, v3  }
0x3c: {  	[tilespmem:s26], [sflag:$0x1] =	stream.indirect_vreg.gather [hbm4b:s6+s1], $0x80, v4, vm0, $0xb8;
	[tilespmem:$0x18100] =	vst v63  }
0x3d: {  	s28 =	simm.s32 $0x4100  }
0x3e: {  	[tilespmem:s28], [sflag:$0x1] =	stream.indirect_vreg.gather [hbm4b:s7+s1], $0x80, v4, vm0, $0xb8;
	[tilespmem:$0x18100] =	vst v63  }
0x3f: {  	s24 =	simm.s32 $0x4900  }
0x40: {  	[tilespmem:s24], [sflag:$0x1] =	stream.indirect_vreg.gather [hbm4b:s3+s1], $0x80, v3, vm0, $0xb8;
	[tilespmem:$0x18100] =	vst v63  }
0x41: {  	s25 =	simm.s32 $0x5100  }
0x42: {  	[tilespmem:s25], [sflag:$0x1] =	stream.indirect_vreg.gather [hbm4b:s6+s1], $0x80, v3, vm0, $0xb8;
	[tilespmem:$0x18100] =	vst v63  }
0x43: {  	s26 =	simm.s32 $0x5900  }
0x44: {  	[tilespmem:s26], [sflag:$0x1] =	stream.indirect_vreg.gather [hbm4b:s7+s1], $0x80, v3, vm0, $0xb8;
	[tilespmem:$0x18100] =	vst v63  }
0x45: {  	v3 =	vld [tilespmem:$0x20];
	_ =	sdelay $0x4  }
0x46: {  	v4 =	vshrl.u32 v3, $0x3  }
0x47: {  	v4 =	vmul.u32 $0x30, v4  }
0x48: {  	v3 =	vand.u32 $0x7, v3  }
0x49: {  	v3 =	vor.u32 v3, v4  }
0x4a: {  	v4 =	vperm.xlane v3, v0;
	_ =	sdelay $0x1  }
0x4b: {  	v4 =	vadd.s32 v1, v4;
	_ =	sdelay $0x3  }
0x4c: {  	s28 =	simm.s32 $0x6100;
	v3 =	vperm.xlane v3, v2  }
0x4d: {  	[tilespmem:s28], [sflag:$0x1] =	stream.indirect_vreg.gather [hbm4b:s3+s1], $0x80, v4, vm0, $0xb8;
	[tilespmem:$0x18100] =	vst v63  }
0x4e: {  	s24 =	simm.s32 $0x6900;
	v3 =	vadd.s32 v1, v3  }
0x4f: {  	[tilespmem:s24], [sflag:$0x1] =	stream.indirect_vreg.gather [hbm4b:s6+s1], $0x80, v4, vm0, $0xb8;
	[tilespmem:$0x18100] =	vst v63  }
0x50: {  	s25 =	simm.s32 $0x7100  }
0x51: {  	[tilespmem:s25], [sflag:$0x1] =	stream.indirect_vreg.gather [hbm4b:s7+s1], $0x80, v4, vm0, $0xb8;
	[tilespmem:$0x18100] =	vst v63  }
0x52: {  	s26 =	simm.s32 $0x7900  }
0x53: {  	[tilespmem:s26], [sflag:$0x1] =	stream.indirect_vreg.gather [hbm4b:s3+s1], $0x80, v3, vm0, $0xb8;
	[tilespmem:$0x18100] =	vst v63  }
0x54: {  	s28 =	simm.s32 $0x8100  }
0x55: {  	[tilespmem:s28], [sflag:$0x1] =	stream.indirect_vreg.gather [hbm4b:s6+s1], $0x80, v3, vm0, $0xb8;
	[tilespmem:$0x18100] =	vst v63  }
0x56: {  	s24 =	simm.s32 $0x8900  }
0x57: {  	[tilespmem:s24], [sflag:$0x1] =	stream.indirect_vreg.gather [hbm4b:s7+s1], $0x80, v3, vm0, $0xb8;
	[tilespmem:$0x18100] =	vst v63  }
0x58: {  	v3 =	vld [tilespmem:$0x30];
	_ =	sdelay $0x4  }
0x59: {  	v4 =	vshrl.u32 v3, $0x3  }
0x5a: {  	v4 =	vmul.u32 $0x30, v4  }
0x5b: {  	v3 =	vand.u32 $0x7, v3  }
0x5c: {  	v3 =	vor.u32 v3, v4  }
0x5d: {  	v4 =	vperm.xlane v3, v0;
	_ =	sdelay $0x1  }
0x5e: {  	v4 =	vadd.s32 v1, v4;
	_ =	sdelay $0x3  }
0x5f: {  	s25 =	simm.s32 $0x9100;
	v3 =	vperm.xlane v3, v2  }
0x60: {  	[tilespmem:s25], [sflag:$0x1] =	stream.indirect_vreg.gather [hbm4b:s3+s1], $0x80, v4, vm0, $0xb8;
	[tilespmem:$0x18100] =	vst v63  }
0x61: {  	s26 =	simm.s32 $0x9900;
	v3 =	vadd.s32 v1, v3  }
0x62: {  	[tilespmem:s26], [sflag:$0x1] =	stream.indirect_vreg.gather [hbm4b:s6+s1], $0x80, v4, vm0, $0xb8;
	[tilespmem:$0x18100] =	vst v63  }
0x63: {  	s28 =	simm.s32 $0xA100  }
0x64: {  	[tilespmem:s28], [sflag:$0x1] =	stream.indirect_vreg.gather [hbm4b:s7+s1], $0x80, v4, vm0, $0xb8;
	[tilespmem:$0x18100] =	vst v63  }
0x65: {  	s24 =	simm.s32 $0xA900  }
0x66: {  	[tilespmem:s24], [sflag:$0x1] =	stream.indirect_vreg.gather [hbm4b:s3+s1], $0x80, v3, vm0, $0xb8;
	[tilespmem:$0x18100] =	vst v63  }
0x67: {  	s25 =	simm.s32 $0xB100  }
0x68: {  	[tilespmem:s25], [sflag:$0x1] =	stream.indirect_vreg.gather [hbm4b:s6+s1], $0x80, v3, vm0, $0xb8;
	[tilespmem:$0x18100] =	vst v63  }
0x69: {  	s26 =	simm.s32 $0xB900  }
0x6a: {  	[tilespmem:s26], [sflag:$0x1] =	stream.indirect_vreg.gather [hbm4b:s7+s1], $0x80, v3, vm0, $0xb8;
	[tilespmem:$0x18100] =	vst v63  }
0x6b: {  	v3 =	vld [tilespmem:$0x80];
	_ =	sdelay $0x4  }
0x6c: {  	v4 =	vshrl.u32 v3, $0x3  }
0x6d: {  	v4 =	vmul.u32 $0x30, v4  }
0x6e: {  	v3 =	vand.u32 $0x7, v3  }
0x6f: {  	v3 =	vor.u32 v3, v4  }
0x70: {  	v4 =	vperm.xlane v3, v0;
	_ =	sdelay $0x1  }
0x71: {  	v4 =	vadd.s32 v1, v4;
	_ =	sdelay $0x3  }
0x72: {  	s28 =	simm.s32 $0xC100;
	v3 =	vperm.xlane v3, v2  }
0x73: {  	[tilespmem:s28], [sflag:$0x2] =	stream.indirect_vreg.gather [hbm4b:s3+s1], $0x80, v4, vm0, $0xb8;
	[tilespmem:$0x18100] =	vst v63  }
0x74: {  	s24 =	simm.s32 $0xC900;
	v3 =	vadd.s32 v1, v3  }
0x75: {  	[tilespmem:s24], [sflag:$0x2] =	stream.indirect_vreg.gather [hbm4b:s6+s1], $0x80, v4, vm0, $0xb8;
	[tilespmem:$0x18100] =	vst v63  }
0x76: {  	s25 =	simm.s32 $0xD100  }
0x77: {  	[tilespmem:s25], [sflag:$0x2] =	stream.indirect_vreg.gather [hbm4b:s7+s1], $0x80, v4, vm0, $0xb8;
	[tilespmem:$0x18100] =	vst v63  }
0x78: {  	s26 =	simm.s32 $0xD900  }
0x79: {  	[tilespmem:s26], [sflag:$0x2] =	stream.indirect_vreg.gather [hbm4b:s3+s1], $0x80, v3, vm0, $0xb8;
	[tilespmem:$0x18100] =	vst v63  }
0x7a: {  	s28 =	simm.s32 $0xE100  }
0x7b: {  	[tilespmem:s28], [sflag:$0x2] =	stream.indirect_vreg.gather [hbm4b:s6+s1], $0x80, v3, vm0, $0xb8;
	[tilespmem:$0x18100] =	vst v63  }
0x7c: {  	s24 =	simm.s32 $0xE900  }
0x7d: {  	[tilespmem:s24], [sflag:$0x2] =	stream.indirect_vreg.gather [hbm4b:s7+s1], $0x80, v3, vm0, $0xb8;
	[tilespmem:$0x18100] =	vst v63  }
0x7e: {  	v3 =	vld [tilespmem:$0x90];
	_ =	sdelay $0x4  }
0x7f: {  	v4 =	vshrl.u32 v3, $0x3  }
0x80: {  	v4 =	vmul.u32 $0x30, v4  }
0x81: {  	v3 =	vand.u32 $0x7, v3  }
0x82: {  	v3 =	vor.u32 v3, v4  }
0x83: {  	v4 =	vperm.xlane v3, v0;
	_ =	sdelay $0x1  }
0x84: {  	v4 =	vadd.s32 v1, v4;
	_ =	sdelay $0x3  }
0x85: {  	s25 =	simm.s32 $0xF100;
	v3 =	vperm.xlane v3, v2  }
0x86: {  	[tilespmem:s25], [sflag:$0x2] =	stream.indirect_vreg.gather [hbm4b:s3+s1], $0x80, v4, vm0, $0xb8;
	[tilespmem:$0x18100] =	vst v63  }
0x87: {  	v3 =	vadd.s32 v1, v3  }
0x88: {  	[tilespmem:s29], [sflag:$0x2] =	stream.indirect_vreg.gather [hbm4b:s6+s1], $0x80, v4, vm0, $0xb8;
	[tilespmem:$0x18100] =	vst v63  }
0x89: {  	_ = 	snop  }
0x8a: {  	[tilespmem:s8], [sflag:$0x2] =	stream.indirect_vreg.gather [hbm4b:s7+s1], $0x80, v4, vm0, $0xb8;
	[tilespmem:$0x18100] =	vst v63  }
0x8b: {  	_ = 	snop  }
0x8c: {  	[tilespmem:s30], [sflag:$0x2] =	stream.indirect_vreg.gather [hbm4b:s3+s1], $0x80, v3, vm0, $0xb8;
	[tilespmem:$0x18100] =	vst v63  }
0x8d: {  	_ = 	snop  }
0x8e: {  	[tilespmem:s9], [sflag:$0x2] =	stream.indirect_vreg.gather [hbm4b:s6+s1], $0x80, v3, vm0, $0xb8;
	[tilespmem:$0x18100] =	vst v63  }
0x8f: {  	_ = 	snop  }
0x90: {  	[tilespmem:s31], [sflag:$0x2] =	stream.indirect_vreg.gather [hbm4b:s7+s1], $0x80, v3, vm0, $0xb8;
	[tilespmem:$0x18100] =	vst v63  }
0x91: {  	v3 =	vld [tilespmem:$0xA0];
	_ =	sdelay $0x4  }
0x92: {  	v4 =	vshrl.u32 v3, $0x3  }
0x93: {  	v4 =	vmul.u32 $0x30, v4  }
0x94: {  	v3 =	vand.u32 $0x7, v3  }
0x95: {  	v3 =	vor.u32 v3, v4  }
0x96: {  	v4 =	vperm.xlane v3, v0;
	_ =	sdelay $0x1  }
0x97: {  	v4 =	vadd.s32 v1, v4;
	_ =	sdelay $0x3  }
0x98: {  	v3 =	vperm.xlane v3, v2  }
0x99: {  	[tilespmem:s10], [sflag:$0x2] =	stream.indirect_vreg.gather [hbm4b:s3+s1], $0x80, v4, vm0, $0xb8;
	[tilespmem:$0x18100] =	vst v63  }
0x9a: {  	v3 =	vadd.s32 v1, v3  }
0x9b: {  	[tilespmem:s0], [sflag:$0x2] =	stream.indirect_vreg.gather [hbm4b:s6+s1], $0x80, v4, vm0, $0xb8;
	[tilespmem:$0x18100] =	vst v63  }
0x9c: {  	_ = 	snop  }
0x9d: {  	[tilespmem:s11], [sflag:$0x2] =	stream.indirect_vreg.gather [hbm4b:s7+s1], $0x80, v4, vm0, $0xb8;
	[tilespmem:$0x18100] =	vst v63  }
0x9e: {  	_ = 	snop  }
0x9f: {  	[tilespmem:s2], [sflag:$0x2] =	stream.indirect_vreg.gather [hbm4b:s3+s1], $0x80, v3, vm0, $0xb8;
	[tilespmem:$0x18100] =	vst v63  }
0xa0: {  	_ = 	snop  }
0xa1: {  	[tilespmem:s12], [sflag:$0x2] =	stream.indirect_vreg.gather [hbm4b:s6+s1], $0x80, v3, vm0, $0xb8;
	[tilespmem:$0x18100] =	vst v63  }
0xa2: {  	_ = 	snop  }
0xa3: {  	[tilespmem:s13], [sflag:$0x2] =	stream.indirect_vreg.gather [hbm4b:s7+s1], $0x80, v3, vm0, $0xb8;
	[tilespmem:$0x18100] =	vst v63  }
0xa4: {  	v3 =	vld [tilespmem:$0xB0];
	_ =	sdelay $0x4  }
0xa5: {  	v4 =	vshrl.u32 v3, $0x3  }
0xa6: {  	v4 =	vmul.u32 $0x30, v4  }
0xa7: {  	v3 =	vand.u32 $0x7, v3  }
0xa8: {  	v3 =	vor.u32 v3, v4  }
0xa9: {  	v4 =	vperm.xlane v3, v0;
	_ =	sdelay $0x1  }
0xaa: {  	v4 =	vadd.s32 v1, v4;
	_ =	sdelay $0x3  }
0xab: {  	v3 =	vperm.xlane v3, v2  }
0xac: {  	[tilespmem:s17], [sflag:$0x2] =	stream.indirect_vreg.gather [hbm4b:s3+s1], $0x80, v4, vm0, $0xb8;
	[tilespmem:$0x18100] =	vst v63  }
0xad: {  	v3 =	vadd.s32 v1, v3  }
0xae: {  	[tilespmem:s18], [sflag:$0x2] =	stream.indirect_vreg.gather [hbm4b:s6+s1], $0x80, v4, vm0, $0xb8;
	[tilespmem:$0x18100] =	vst v63  }
0xaf: {  	_ = 	snop  }
0xb0: {  	[tilespmem:s19], [sflag:$0x2] =	stream.indirect_vreg.gather [hbm4b:s7+s1], $0x80, v4, vm0, $0xb8;
	[tilespmem:$0x18100] =	vst v63  }
0xb1: {  	_ = 	snop  }
0xb2: {  	[tilespmem:s20], [sflag:$0x2] =	stream.indirect_vreg.gather [hbm4b:s3+s1], $0x80, v3, vm0, $0xb8;
	[tilespmem:$0x18100] =	vst v63  }
0xb3: {  	_ = 	snop  }
0xb4: {  	[tilespmem:s21], [sflag:$0x2] =	stream.indirect_vreg.gather [hbm4b:s6+s1], $0x80, v3, vm0, $0xb8;
	[tilespmem:$0x18100] =	vst v63  }
0xb5: {  	_ = 	snop  }
0xb6: {  	[tilespmem:s22], [sflag:$0x2] =	stream.indirect_vreg.gather [hbm4b:s7+s1], $0x80, v3, vm0, $0xb8;
	[tilespmem:$0x18100] =	vst v63  }
0xb7: {  	_ =	swait.ge [sflag:s14], $0xC000  }
0xb8: {  	[sflag:s14] =	ssyncset.done $0x0  }
0xb9: {  	s26 =	simm.s32 $0x0;
	[sflag:s14] =	ssyncadd.s32 $0xFFFF4000  }
0xba: {  	s5 =	smul.u32 $0x1800, s26;
	_ =	swait.ge [sflag:s15], $0xC000  }
0xbb: {  	s28 =	sand.u32 $0x380, s1;
	[sflag:s15] =	ssyncset.done $0x0  }
0xbc: {  	s24 =	sor.u32 s28, s5;
	[sflag:s15] =	ssyncadd.s32 $0xFFFF4000  }
0xbd: {  	v12 =	vld [tilespmem:s24+$0xC100]  }
0xbe: {  	v13 =	vld [tilespmem:s24+$0xC110]  }
0xbf: {  	v14 =	vld [tilespmem:s24+$0xC120]  }
0xc0: {  	v15 =	vld [tilespmem:s24+$0xC130]  }
0xc1: {  	v16 =	vld [tilespmem:s24+$0xC140]  }
0xc2: {  	v17 =	vld [tilespmem:s24+$0xC150]  }
0xc3: {  	v18 =	vld [tilespmem:s24+$0xC160]  }
0xc4: {  	v19 =	vld [tilespmem:s24+$0xC170]  }
0xc5: {  	v20 =	vld [tilespmem:s24+$0xC500]  }
0xc6: {  	v21 =	vld [tilespmem:s24+$0xC510]  }
0xc7: {  	v22 =	vld [tilespmem:s24+$0xC520]  }
0xc8: {  	v23 =	vld [tilespmem:s24+$0xC530]  }
0xc9: {  	v24 =	vld [tilespmem:s24+$0xC540]  }
0xca: {  	v25 =	vld [tilespmem:s24+$0xC550]  }
0xcb: {  	v26 =	vld [tilespmem:s24+$0xC560]  }
0xcc: {  	v27 =	vld [tilespmem:s24+$0xC570]  }
0xcd: {  	v28 =	vld [tilespmem:s24+$0xC900]  }
0xce: {  	v29 =	vld [tilespmem:s24+$0xC910]  }
0xcf: {  	v30 =	vld [tilespmem:s24+$0xC920]  }
0xd0: {  	v31 =	vld [tilespmem:s24+$0xC930]  }
0xd1: {  	v32 =	vld [tilespmem:s24+$0xC940]  }
0xd2: {  	v33 =	vld [tilespmem:s24+$0xC950]  }
0xd3: {  	v34 =	vld [tilespmem:s24+$0xC960]  }
0xd4: {  	v35 =	vld [tilespmem:s24+$0xC970]  }
0xd5: {  	v36 =	vld [tilespmem:s24+$0xCD00]  }
0xd6: {  	v37 =	vld [tilespmem:s24+$0xCD10]  }
0xd7: {  	v38 =	vld [tilespmem:s24+$0xCD20]  }
0xd8: {  	v39 =	vld [tilespmem:s24+$0xCD30]  }
0xd9: {  	v40 =	vld [tilespmem:s24+$0xCD40]  }
0xda: {  	v41 =	vld [tilespmem:s24+$0xCD50]  }
0xdb: {  	v42 =	vld [tilespmem:s24+$0xCD60]  }
0xdc: {  	v43 =	vld [tilespmem:s24+$0xCD70]  }
0xdd: {  	v44 =	vld [tilespmem:s24+$0xD100]  }
0xde: {  	v45 =	vld [tilespmem:s24+$0xD110]  }
0xdf: {  	v46 =	vld [tilespmem:s24+$0xD120]  }
0xe0: {  	v47 =	vld [tilespmem:s24+$0xD130]  }
0xe1: {  	v48 =	vld [tilespmem:s24+$0xD140]  }
0xe2: {  	v49 =	vld [tilespmem:s24+$0xD150]  }
0xe3: {  	v50 =	vld [tilespmem:s24+$0xD160]  }
0xe4: {  	v11 =	vld [tilespmem:s24+$0xD170]  }
0xe5: {  	v10 =	vld [tilespmem:s24+$0xD500]  }
0xe6: {  	v9 =	vld [tilespmem:s24+$0xD510]  }
0xe7: {  	v8 =	vld [tilespmem:s24+$0xD520]  }
0xe8: {  	v7 =	vld [tilespmem:s24+$0xD530]  }
0xe9: {  	v6 =	vld [tilespmem:s24+$0xD540]  }
0xea: {  	v51 =	vld [tilespmem:s24+$0x100]  }
0xeb: {  	v52 =	vld [tilespmem:s24+$0x110]  }
0xec: {  	v53 =	vld [tilespmem:s24+$0x120]  }
0xed: {  	v54 =	vld [tilespmem:s24+$0x130]  }
0xee: {  	v55 =	vld [tilespmem:s24+$0x140]  }
0xef: {  	v62 =	vld [tilespmem:s24+$0x150];
	v12 =	vadd.f32 v12, v51  }
0xf0: {  	v63 =	vld [tilespmem:s24+$0x160];
	v13 =	vadd.f32 v13, v52  }
0xf1: {  	[tilespmem:s24+$0x100] =	vst v12;
	v12 =	vadd.f32 v14, v53;
	v14 =	vld [tilespmem:s24+$0x170]  }
0xf2: {  	[tilespmem:s24+$0x110] =	vst v13;
	v13 =	vadd.f32 v15, v54;
	v15 =	vld [tilespmem:s24+$0x500]  }
0xf3: {  	[tilespmem:s24+$0x120] =	vst v12;
	v12 =	vadd.f32 v16, v55;
	v16 =	vld [tilespmem:s24+$0x510]  }
0xf4: {  	[tilespmem:s24+$0x130] =	vst v13;
	v13 =	vadd.f32 v17, v62;
	v17 =	vld [tilespmem:s24+$0x520]  }
0xf5: {  	v5 =	vld [tilespmem:s24+$0xD550]  }
0xf6: {  	[tilespmem:s24+$0x140] =	vst v12;
	v12 =	vadd.f32 v18, v63;
	v18 =	vld [tilespmem:s24+$0x570]  }
0xf7: {  	[tilespmem:s24+$0x150] =	vst v13;
	v13 =	vadd.f32 v19, v14;
	v14 =	vld [tilespmem:s24+$0x530]  }
0xf8: {  	[tilespmem:s24+$0x160] =	vst v12;
	v12 =	vadd.f32 v20, v15;
	v15 =	vld [tilespmem:s24+$0x540]  }
0xf9: {  	[tilespmem:s24+$0x170] =	vst v13;
	v13 =	vadd.f32 v21, v16;
	v16 =	vadd.f32 v22, v17;
	v17 =	vld [tilespmem:s24+$0x560]  }
0xfa: {  	[tilespmem:s24+$0x500] =	vst v12;
	v12 =	vld [tilespmem:s24+$0x550]  }
0xfb: {  	[tilespmem:s24+$0x510] =	vst v13;
	v13 =	vld [tilespmem:s24+$0x900];
	v18 =	vadd.f32 v27, v18  }
0xfc: {  	[tilespmem:s24+$0x520] =	vst v16;
	v16 =	vld [tilespmem:s24+$0x910];
	v14 =	vadd.f32 v23, v14  }
0xfd: {  	v4 =	vld [tilespmem:s24+$0xD560];
	v15 =	vadd.f32 v24, v15;
	[tilespmem:s24+$0x570] =	vst v18  }
0xfe: {  	[tilespmem:s24+$0x530] =	vst v14;
	v14 =	vld [tilespmem:s24+$0x920];
	v17 =	vadd.f32 v26, v17  }
0xff: {  	v12 =	vadd.f32 v25, v12;
	[tilespmem:s24+$0x540] =	vst v15;
	v15 =	vld [tilespmem:s24+$0x930]  }
0x100: {  	v18 =	vld [tilespmem:s24+$0x970];
	[tilespmem:s24+$0x560] =	vst v17;
	v13 =	vadd.f32 v28, v13  }
0x101: {  	v16 =	vadd.f32 v29, v16;
	[tilespmem:s24+$0x550] =	vst v12;
	v12 =	vld [tilespmem:s24+$0x940]  }
0x102: {  	v17 =	vld [tilespmem:s24+$0x950];
	[tilespmem:s24+$0x900] =	vst v13  }
0x103: {  	[tilespmem:s24+$0x910] =	vst v16;
	v16 =	vld [tilespmem:s24+$0x960];
	v13 =	vadd.f32 v30, v14  }
0x104: {  	v14 =	vld [tilespmem:s24+$0xD00];
	v15 =	vadd.f32 v31, v15  }
0x105: {  	[tilespmem:s24+$0x920] =	vst v13;
	v13 =	vld [tilespmem:s24+$0xD10]  }
0x106: {  	v12 =	vadd.f32 v32, v12;
	[tilespmem:s24+$0x930] =	vst v15;
	v15 =	vld [tilespmem:s24+$0xD20]  }
0x107: {  	v3 =	vld [tilespmem:s24+$0xD570];
	v17 =	vadd.f32 v33, v17  }
0x108: {  	v16 =	vadd.f32 v34, v16;
	[tilespmem:s24+$0x940] =	vst v12;
	v12 =	vld [tilespmem:s24+$0xD30]  }
0x109: {  	[tilespmem:s24+$0x950] =	vst v17;
	v17 =	vld [tilespmem:s24+$0xD40];
	v14 =	vadd.f32 v36, v14  }
0x10a: {  	v18 =	vadd.f32 v35, v18;
	[tilespmem:s24+$0x960] =	vst v16;
	v16 =	vld [tilespmem:s24+$0xD50]  }
0x10b: {  	v13 =	vadd.f32 v37, v13;
	[tilespmem:s24+$0xD00] =	vst v14;
	v14 =	vadd.f32 v38, v15;
	v15 =	vld [tilespmem:s24+$0xD60]  }
0x10c: {  	[tilespmem:s24+$0x970] =	vst v18;
	v18 =	vld [tilespmem:s24+$0xD70]  }
0x10d: {  	[tilespmem:s24+$0xD10] =	vst v13;
	v13 =	vld [tilespmem:s24+$0x1100];
	v12 =	vadd.f32 v39, v12  }
0x10e: {  	v17 =	vadd.f32 v40, v17;
	[tilespmem:s24+$0xD20] =	vst v14;
	v14 =	vld [tilespmem:s24+$0x1110]  }
0x10f: {  	v16 =	vadd.f32 v41, v16;
	[tilespmem:s24+$0xD30] =	vst v12;
	v12 =	vld [tilespmem:s24+$0x1120]  }
0x110: {  	[tilespmem:s24+$0xD40] =	vst v17;
	v17 =	vld [tilespmem:s24+$0x1130];
	v15 =	vadd.f32 v42, v15  }
0x111: {  	v19 =	vld [tilespmem:s24+$0x1140];
	[tilespmem:s24+$0xD50] =	vst v16;
	v16 =	vadd.f32 v43, v18  }
0x112: {  	v18 =	vld [tilespmem:s24+$0x1150];
	v13 =	vadd.f32 v44, v13;
	[tilespmem:s24+$0xD60] =	vst v15  }
0x113: {  	v20 =	vld [tilespmem:s24+$0x1160];
	[tilespmem:s24+$0xD70] =	vst v16;
	v14 =	vadd.f32 v45, v14  }
0x114: {  	v16 =	vld [tilespmem:s24+$0x1170];
	[tilespmem:s24+$0x1100] =	vst v13;
	v12 =	vadd.f32 v46, v12  }
0x115: {  	v15 =	vld [tilespmem:s24+$0x1500];
	v13 =	vadd.f32 v47, v17;
	[tilespmem:s24+$0x1110] =	vst v14  }
0x116: {  	v14 =	vld [tilespmem:s24+$0x1510];
	[tilespmem:s24+$0x1120] =	vst v12;
	v12 =	vadd.f32 v48, v19  }
0x117: {  	[tilespmem:s24+$0x1130] =	vst v13;
	v13 =	vld [tilespmem:s24+$0x1520];
	v18 =	vadd.f32 v49, v18  }
0x118: {  	s5 =	simm.s32 $0x1;
	s25 =	simm.s32 $0x0;
	v17 =	vadd.f32 v50, v20;
	[tilespmem:s24+$0x1140] =	vst v12;
	v12 =	vld [tilespmem:s24+$0x1530]  }
.LBB2_2:
0x119: {  	s26 =	sshrl.u32 s5, $0x3;
	p0 =	sne.s32 s5, $0x3F;
	[tilespmem:s24+$0x1150] =	vst v18;
	v11 =	vadd.f32 v11, v16;
	v16 =	vld [tilespmem:s24+$0x1540]  }
0x11a: {  	s25 =	sadd.s32 $0x80, s25;
	s26 =	smul.u32 $0x1800, s26;
	[tilespmem:s24+$0x1160] =	vst v17;
	v10 =	vadd.f32 v10, v15;
	v15 =	vld [tilespmem:s24+$0x1550]  }
0x11b: {  	s28 =	sand.u32 $0x380, s25;
	[tilespmem:s24+$0x1170] =	vst v11;
	v9 =	vadd.f32 v9, v14;
	v11 =	vld [tilespmem:s24+$0x1560]  }
0x11c: {  	s26 =	sor.u32 s28, s26;
	[tilespmem:s24+$0x1500] =	vst v10;
	v8 =	vadd.f32 v8, v13;
	v10 =	vld [tilespmem:s24+$0x1570]  }
0x11d: {  	v39 =	vld [tilespmem:s26+$0xC100];
	[tilespmem:s24+$0x1510] =	vst v9;
	v7 =	vadd.f32 v7, v12  }
0x11e: {  	v40 =	vld [tilespmem:s26+$0xC110];
	[tilespmem:s24+$0x1520] =	vst v8;
	v6 =	vadd.f32 v6, v16  }
0x11f: {  	v41 =	vld [tilespmem:s26+$0xC120];
	[tilespmem:s24+$0x1530] =	vst v7;
	v5 =	vadd.f32 v5, v15  }
0x120: {  	v42 =	vld [tilespmem:s26+$0xC130];
	[tilespmem:s24+$0x1540] =	vst v6;
	v4 =	vadd.f32 v4, v11  }
0x121: {  	v43 =	vld [tilespmem:s26+$0xC140];
	[tilespmem:s24+$0x1550] =	vst v5;
	v3 =	vadd.f32 v3, v10  }
0x122: {  	v44 =	vld [tilespmem:s26+$0xC150];
	[tilespmem:s24+$0x1560] =	vst v4  }
0x123: {  	v45 =	vld [tilespmem:s26+$0xC160];
	[tilespmem:s24+$0x1570] =	vst v3;
	s24 =	smov.u32 s26  }
0x124: {  	v46 =	vld [tilespmem:s24+$0xC170]  }
0x125: {  	v47 =	vld [tilespmem:s24+$0xC500]  }
0x126: {  	v48 =	vld [tilespmem:s24+$0xC510]  }
0x127: {  	v49 =	vld [tilespmem:s24+$0xC520]  }
0x128: {  	v50 =	vld [tilespmem:s24+$0xC530]  }
0x129: {  	v38 =	vld [tilespmem:s24+$0xC540]  }
0x12a: {  	v37 =	vld [tilespmem:s24+$0xC550]  }
0x12b: {  	v36 =	vld [tilespmem:s24+$0xC560]  }
0x12c: {  	v35 =	vld [tilespmem:s24+$0xC570]  }
0x12d: {  	v34 =	vld [tilespmem:s24+$0xC900]  }
0x12e: {  	v33 =	vld [tilespmem:s24+$0xC910]  }
0x12f: {  	v32 =	vld [tilespmem:s24+$0xC920]  }
0x130: {  	v31 =	vld [tilespmem:s24+$0xC930]  }
0x131: {  	v30 =	vld [tilespmem:s24+$0xC940]  }
0x132: {  	v29 =	vld [tilespmem:s24+$0xC950]  }
0x133: {  	v28 =	vld [tilespmem:s24+$0xC960]  }
0x134: {  	v27 =	vld [tilespmem:s24+$0xC970]  }
0x135: {  	v26 =	vld [tilespmem:s24+$0xCD00]  }
0x136: {  	v25 =	vld [tilespmem:s24+$0xCD10]  }
0x137: {  	v24 =	vld [tilespmem:s24+$0xCD20]  }
0x138: {  	v23 =	vld [tilespmem:s24+$0xCD30]  }
0x139: {  	v22 =	vld [tilespmem:s24+$0xCD40]  }
0x13a: {  	v21 =	vld [tilespmem:s24+$0xCD50]  }
0x13b: {  	v20 =	vld [tilespmem:s24+$0xCD60]  }
0x13c: {  	v19 =	vld [tilespmem:s24+$0xCD70]  }
0x13d: {  	v18 =	vld [tilespmem:s24+$0xD100]  }
0x13e: {  	v17 =	vld [tilespmem:s24+$0xD110]  }
0x13f: {  	v16 =	vld [tilespmem:s24+$0xD120]  }
0x140: {  	v15 =	vld [tilespmem:s24+$0xD130]  }
0x141: {  	v14 =	vld [tilespmem:s24+$0xD140]  }
0x142: {  	v13 =	vld [tilespmem:s24+$0xD150]  }
0x143: {  	v12 =	vld [tilespmem:s24+$0xD160]  }
0x144: {  	v11 =	vld [tilespmem:s24+$0xD170]  }
0x145: {  	v10 =	vld [tilespmem:s24+$0xD500]  }
0x146: {  	v9 =	vld [tilespmem:s24+$0xD510]  }
0x147: {  	v8 =	vld [tilespmem:s24+$0xD520]  }
0x148: {  	v7 =	vld [tilespmem:s24+$0xD530]  }
0x149: {  	v6 =	vld [tilespmem:s24+$0xD540]  }
0x14a: {  	v5 =	vld [tilespmem:s24+$0xD550]  }
0x14b: {  	v4 =	vld [tilespmem:s24+$0xD560]  }
0x14c: {  	v3 =	vld [tilespmem:s24+$0xD570]  }
0x14d: {  	v51 =	vld [tilespmem:s24+$0x100]  }
0x14e: {  	v52 =	vld [tilespmem:s24+$0x110]  }
0x14f: {  	v53 =	vld [tilespmem:s24+$0x120]  }
0x150: {  	v54 =	vld [tilespmem:s24+$0x130]  }
0x151: {  	v55 =	vld [tilespmem:s24+$0x140]  }
0x152: {  	v39 =	vadd.f32 v39, v51;
	v51 =	vld [tilespmem:s24+$0x150]  }
0x153: {  	v40 =	vadd.f32 v40, v52;
	v52 =	vld [tilespmem:s24+$0x160]  }
0x154: {  	[tilespmem:s24+$0x100] =	vst v39;
	v39 =	vadd.f32 v41, v53;
	v41 =	vld [tilespmem:s24+$0x170]  }
0x155: {  	[tilespmem:s24+$0x110] =	vst v40;
	v40 =	vadd.f32 v42, v54;
	v42 =	vld [tilespmem:s24+$0x500]  }
0x156: {  	[tilespmem:s24+$0x120] =	vst v39;
	v39 =	vadd.f32 v43, v55;
	v43 =	vld [tilespmem:s24+$0x510]  }
0x157: {  	[tilespmem:s24+$0x130] =	vst v40;
	v40 =	vadd.f32 v44, v51;
	v44 =	vld [tilespmem:s24+$0x520]  }
0x158: {  	[tilespmem:s24+$0x140] =	vst v39;
	v39 =	vadd.f32 v45, v52;
	v45 =	vld [tilespmem:s24+$0x530]  }
0x159: {  	[tilespmem:s24+$0x150] =	vst v40;
	v40 =	vadd.f32 v46, v41;
	v41 =	vld [tilespmem:s24+$0x540]  }
0x15a: {  	[tilespmem:s24+$0x160] =	vst v39;
	v39 =	vadd.f32 v47, v42;
	v42 =	vld [tilespmem:s24+$0x550]  }
0x15b: {  	[tilespmem:s24+$0x170] =	vst v40;
	v40 =	vadd.f32 v48, v43;
	v43 =	vld [tilespmem:s24+$0x560]  }
0x15c: {  	[tilespmem:s24+$0x500] =	vst v39;
	v39 =	vadd.f32 v49, v44;
	v44 =	vld [tilespmem:s24+$0x570]  }
0x15d: {  	[tilespmem:s24+$0x510] =	vst v40;
	v40 =	vadd.f32 v50, v45;
	v45 =	vld [tilespmem:s24+$0x900]  }
0x15e: {  	[tilespmem:s24+$0x520] =	vst v39;
	v38 =	vadd.f32 v38, v41;
	v39 =	vld [tilespmem:s24+$0x910]  }
0x15f: {  	[tilespmem:s24+$0x530] =	vst v40;
	v37 =	vadd.f32 v37, v42;
	v40 =	vld [tilespmem:s24+$0x920]  }
0x160: {  	[tilespmem:s24+$0x540] =	vst v38;
	v36 =	vadd.f32 v36, v43;
	v38 =	vld [tilespmem:s24+$0x930]  }
0x161: {  	[tilespmem:s24+$0x550] =	vst v37;
	v35 =	vadd.f32 v35, v44;
	v37 =	vld [tilespmem:s24+$0x940]  }
0x162: {  	[tilespmem:s24+$0x560] =	vst v36;
	v34 =	vadd.f32 v34, v45;
	v36 =	vld [tilespmem:s24+$0x950]  }
0x163: {  	[tilespmem:s24+$0x570] =	vst v35;
	v33 =	vadd.f32 v33, v39;
	v35 =	vld [tilespmem:s24+$0x960]  }
0x164: {  	[tilespmem:s24+$0x900] =	vst v34;
	v32 =	vadd.f32 v32, v40;
	v34 =	vld [tilespmem:s24+$0x970]  }
0x165: {  	[tilespmem:s24+$0x910] =	vst v33;
	v31 =	vadd.f32 v31, v38;
	v33 =	vld [tilespmem:s24+$0xD00]  }
0x166: {  	[tilespmem:s24+$0x920] =	vst v32;
	v30 =	vadd.f32 v30, v37;
	v32 =	vld [tilespmem:s24+$0xD10]  }
0x167: {  	[tilespmem:s24+$0x930] =	vst v31;
	v29 =	vadd.f32 v29, v36;
	v31 =	vld [tilespmem:s24+$0xD20]  }
0x168: {  	[tilespmem:s24+$0x940] =	vst v30;
	v28 =	vadd.f32 v28, v35;
	v30 =	vld [tilespmem:s24+$0xD30]  }
0x169: {  	[tilespmem:s24+$0x950] =	vst v29;
	v27 =	vadd.f32 v27, v34;
	v29 =	vld [tilespmem:s24+$0xD40]  }
0x16a: {  	[tilespmem:s24+$0x960] =	vst v28;
	v26 =	vadd.f32 v26, v33;
	v28 =	vld [tilespmem:s24+$0xD50]  }
0x16b: {  	[tilespmem:s24+$0x970] =	vst v27;
	v25 =	vadd.f32 v25, v32;
	v27 =	vld [tilespmem:s24+$0xD60]  }
0x16c: {  	[tilespmem:s24+$0xD00] =	vst v26;
	v24 =	vadd.f32 v24, v31;
	v26 =	vld [tilespmem:s24+$0xD70]  }
0x16d: {  	[tilespmem:s24+$0xD10] =	vst v25;
	v23 =	vadd.f32 v23, v30;
	v25 =	vld [tilespmem:s24+$0x1100]  }
0x16e: {  	[tilespmem:s24+$0xD20] =	vst v24;
	v22 =	vadd.f32 v22, v29;
	v24 =	vld [tilespmem:s24+$0x1110]  }
0x16f: {  	[tilespmem:s24+$0xD30] =	vst v23;
	v21 =	vadd.f32 v21, v28;
	v23 =	vld [tilespmem:s24+$0x1120]  }
0x170: {  	[tilespmem:s24+$0xD40] =	vst v22;
	v20 =	vadd.f32 v20, v27;
	v22 =	vld [tilespmem:s24+$0x1130]  }
0x171: {  	[tilespmem:s24+$0xD50] =	vst v21;
	v19 =	vadd.f32 v19, v26;
	v21 =	vld [tilespmem:s24+$0x1140]  }
0x172: {  	[tilespmem:s24+$0xD60] =	vst v20;
	v18 =	vadd.f32 v18, v25;
	v20 =	vld [tilespmem:s24+$0x1150]  }
0x173: {  	[tilespmem:s24+$0xD70] =	vst v19;
	v17 =	vadd.f32 v17, v24;
	v19 =	vld [tilespmem:s24+$0x1160]  }
.Ltmp0:
0x174: {  	[tilespmem:s24+$0x1100] =	vst v18;
	v18 =	vadd.f32 v16, v23;
	v16 =	vld [tilespmem:s24+$0x1170];
	(pc) =	sbr.rel @p0 .LBB2_2-.Ltmp0, $4  }
0x175: {  	[tilespmem:s24+$0x1110] =	vst v17;
	v17 =	vadd.f32 v15, v22;
	v15 =	vld [tilespmem:s24+$0x1500]  }
0x176: {  	[tilespmem:s24+$0x1120] =	vst v18;
	v21 =	vadd.f32 v14, v21;
	v14 =	vld [tilespmem:s24+$0x1510]  }
0x177: {  	[tilespmem:s24+$0x1130] =	vst v17;
	v18 =	vadd.f32 v13, v20;
	v13 =	vld [tilespmem:s24+$0x1520]  }
0x178: {  	s5 =	sadd.s32 $0x1, s5;
	[tilespmem:s24+$0x1140] =	vst v21;
	v17 =	vadd.f32 v12, v19;
	v12 =	vld [tilespmem:s24+$0x1530]  }
0x179: {  	[tilespmem:s24+$0x1150] =	vst v18;
	v18 =	vld [tilespmem:s24+$0x1540];
	v11 =	vadd.f32 v11, v16  }
0x17a: {  	v16 =	vld [tilespmem:s24+$0x1550];
	[tilespmem:s24+$0x1160] =	vst v17;
	v10 =	vadd.f32 v10, v15  }
0x17b: {  	[tilespmem:s24+$0x1170] =	vst v11;
	v9 =	vadd.f32 v9, v14;
	v11 =	vld [tilespmem:s24+$0x1560]  }
0x17c: {  	[tilespmem:s24+$0x1500] =	vst v10;
	v8 =	vadd.f32 v8, v13;
	v10 =	vld [tilespmem:s24+$0x1570]  }
0x17d: {  	[tilespmem:s24+$0x1510] =	vst v9;
	v7 =	vadd.f32 v7, v12  }
0x17e: {  	[tilespmem:s24+$0x1520] =	vst v8;
	v6 =	vadd.f32 v6, v18  }
0x17f: {  	v5 =	vadd.f32 v5, v16;
	[tilespmem:s24+$0x1530] =	vst v7  }
0x180: {  	[tilespmem:s24+$0x1540] =	vst v6;
	v4 =	vadd.f32 v4, v11  }
0x181: {  	[tilespmem:s24+$0x1550] =	vst v5;
	v3 =	vadd.f32 v3, v10  }
0x182: {  	[tilespmem:s24+$0x1560] =	vst v4  }
0x183: {  	s5 =	rddreg [dreg:$0x5];
	[tilespmem:s24+$0x1570] =	vst v3;
	s24 =	simm.s32 $0x0  }
0x184: {  	[hbm4b:s5+s24] =	stream.linear.scatter [tilespmem:s16], [sflag:$0x3], $0xC000, $0x38;
	[tilespmem:$0x18100] =	vst v63  }
0x185: {  	_ =	swait.ge [sflag:s23], $0xC000  }
0x186: {  	[sflag:s23] =	ssyncset.done $0x0  }
0x187: {  	s26 =	rddreg [dreg:$0x6];
	[sflag:s23] =	ssyncadd.s32 $0xFFFF4000  }
0x188: {  	[tilespmem:s24], [sflag:$0x1] =	stream.linear.gather [hbm4b:s26+s24], $0x40, $0x38;
	[tilespmem:$0x18100] =	vst v63  }
0x189: {  	s25 =	simm.s32 $0x80;
	s28 =	rddreg [dreg:$0x7]  }
0x18a: {  	[tilespmem:s25], [sflag:$0x2] =	stream.linear.gather [hbm4b:s28+s24], $0x40, $0x38;
	[tilespmem:$0x18100] =	vst v63  }
0x18b: {  	_ =	swait.ge [sflag:s14], $0x40  }
0x18c: {  	[sflag:s14] =	ssyncset.done $0x0  }
0x18d: {  	[sflag:s14] =	ssyncadd.s32 $0xFFFFFFC0  }
0x18e: {  	_ =	swait.ge [sflag:s15], $0x40  }
0x18f: {  	[sflag:s15] =	ssyncset.done $0x0  }
0x190: {  	[sflag:s15] =	ssyncadd.s32 $0xFFFFFFC0  }
0x191: {  	v3 =	vld [tilespmem:$0x0];
	_ =	sdelay $0x4  }
0x192: {  	v4 =	vshrl.u32 v3, $0x3  }
0x193: {  	v4 =	vmul.u32 $0x30, v4  }
0x194: {  	v3 =	vand.u32 $0x7, v3  }
0x195: {  	v3 =	vor.u32 v3, v4  }
0x196: {  	v4 =	vperm.xlane v3, v0;
	_ =	sdelay $0x1  }
0x197: {  	v4 =	vadd.s32 v1, v4;
	_ =	sdelay $0x3  }
0x198: {  	v3 =	vperm.xlane v3, v2  }
0x199: {  	[tilespmem:s16], [sflag:$0x1] =	stream.indirect_vreg.gather [hbm4b:s3+s24], $0x80, v4, vm0, $0xb8;
	[tilespmem:$0x18100] =	vst v63  }
0x19a: {  	s26 =	simm.s32 $0x900;
	v3 =	vadd.s32 v1, v3  }
0x19b: {  	[tilespmem:s26], [sflag:$0x1] =	stream.indirect_vreg.gather [hbm4b:s6+s24], $0x80, v4, vm0, $0xb8;
	[tilespmem:$0x18100] =	vst v63  }
0x19c: {  	s28 =	simm.s32 $0x1100  }
0x19d: {  	[tilespmem:s28], [sflag:$0x1] =	stream.indirect_vreg.gather [hbm4b:s7+s24], $0x80, v4, vm0, $0xb8;
	[tilespmem:$0x18100] =	vst v63  }
0x19e: {  	s25 =	simm.s32 $0x1900  }
0x19f: {  	[tilespmem:s25], [sflag:$0x1] =	stream.indirect_vreg.gather [hbm4b:s3+s24], $0x80, v3, vm0, $0xb8;
	[tilespmem:$0x18100] =	vst v63  }
0x1a0: {  	s26 =	simm.s32 $0x2100  }
0x1a1: {  	[tilespmem:s26], [sflag:$0x1] =	stream.indirect_vreg.gather [hbm4b:s6+s24], $0x80, v3, vm0, $0xb8;
	[tilespmem:$0x18100] =	vst v63  }
0x1a2: {  	s28 =	simm.s32 $0x2900  }
0x1a3: {  	[tilespmem:s28], [sflag:$0x1] =	stream.indirect_vreg.gather [hbm4b:s7+s24], $0x80, v3, vm0, $0xb8;
	[tilespmem:$0x18100] =	vst v63  }
0x1a4: {  	v3 =	vld [tilespmem:$0x10];
	_ =	sdelay $0x4  }
0x1a5: {  	v4 =	vshrl.u32 v3, $0x3  }
0x1a6: {  	v4 =	vmul.u32 $0x30, v4  }
0x1a7: {  	v3 =	vand.u32 $0x7, v3  }
0x1a8: {  	v3 =	vor.u32 v3, v4  }
0x1a9: {  	v4 =	vperm.xlane v3, v0;
	_ =	sdelay $0x1  }
0x1aa: {  	v4 =	vadd.s32 v1, v4;
	_ =	sdelay $0x3  }
0x1ab: {  	s25 =	simm.s32 $0x3100;
	v3 =	vperm.xlane v3, v2  }
0x1ac: {  	[tilespmem:s25], [sflag:$0x1] =	stream.indirect_vreg.gather [hbm4b:s3+s24], $0x80, v4, vm0, $0xb8;
	[tilespmem:$0x18100] =	vst v63  }
0x1ad: {  	s26 =	simm.s32 $0x3900;
	v3 =	vadd.s32 v1, v3  }
0x1ae: {  	[tilespmem:s26], [sflag:$0x1] =	stream.indirect_vreg.gather [hbm4b:s6+s24], $0x80, v4, vm0, $0xb8;
	[tilespmem:$0x18100] =	vst v63  }
0x1af: {  	s28 =	simm.s32 $0x4100  }
0x1b0: {  	[tilespmem:s28], [sflag:$0x1] =	stream.indirect_vreg.gather [hbm4b:s7+s24], $0x80, v4, vm0, $0xb8;
	[tilespmem:$0x18100] =	vst v63  }
0x1b1: {  	s25 =	simm.s32 $0x4900  }
0x1b2: {  	[tilespmem:s25], [sflag:$0x1] =	stream.indirect_vreg.gather [hbm4b:s3+s24], $0x80, v3, vm0, $0xb8;
	[tilespmem:$0x18100] =	vst v63  }
0x1b3: {  	s26 =	simm.s32 $0x5100  }
0x1b4: {  	[tilespmem:s26], [sflag:$0x1] =	stream.indirect_vreg.gather [hbm4b:s6+s24], $0x80, v3, vm0, $0xb8;
	[tilespmem:$0x18100] =	vst v63  }
0x1b5: {  	s28 =	simm.s32 $0x5900  }
0x1b6: {  	[tilespmem:s28], [sflag:$0x1] =	stream.indirect_vreg.gather [hbm4b:s7+s24], $0x80, v3, vm0, $0xb8;
	[tilespmem:$0x18100] =	vst v63  }
0x1b7: {  	v3 =	vld [tilespmem:$0x20];
	_ =	sdelay $0x4  }
0x1b8: {  	v4 =	vshrl.u32 v3, $0x3  }
0x1b9: {  	v4 =	vmul.u32 $0x30, v4  }
0x1ba: {  	v3 =	vand.u32 $0x7, v3  }
0x1bb: {  	v3 =	vor.u32 v3, v4  }
0x1bc: {  	v4 =	vperm.xlane v3, v0;
	_ =	sdelay $0x1  }
0x1bd: {  	v4 =	vadd.s32 v1, v4;
	_ =	sdelay $0x3  }
0x1be: {  	s25 =	simm.s32 $0x6100;
	v3 =	vperm.xlane v3, v2  }
0x1bf: {  	[tilespmem:s25], [sflag:$0x1] =	stream.indirect_vreg.gather [hbm4b:s3+s24], $0x80, v4, vm0, $0xb8;
	[tilespmem:$0x18100] =	vst v63  }
0x1c0: {  	s26 =	simm.s32 $0x6900;
	v3 =	vadd.s32 v1, v3  }
0x1c1: {  	[tilespmem:s26], [sflag:$0x1] =	stream.indirect_vreg.gather [hbm4b:s6+s24], $0x80, v4, vm0, $0xb8;
	[tilespmem:$0x18100] =	vst v63  }
0x1c2: {  	s28 =	simm.s32 $0x7100  }
0x1c3: {  	[tilespmem:s28], [sflag:$0x1] =	stream.indirect_vreg.gather [hbm4b:s7+s24], $0x80, v4, vm0, $0xb8;
	[tilespmem:$0x18100] =	vst v63  }
0x1c4: {  	s25 =	simm.s32 $0x7900  }
0x1c5: {  	[tilespmem:s25], [sflag:$0x1] =	stream.indirect_vreg.gather [hbm4b:s3+s24], $0x80, v3, vm0, $0xb8;
	[tilespmem:$0x18100] =	vst v63  }
0x1c6: {  	s26 =	simm.s32 $0x8100  }
0x1c7: {  	[tilespmem:s26], [sflag:$0x1] =	stream.indirect_vreg.gather [hbm4b:s6+s24], $0x80, v3, vm0, $0xb8;
	[tilespmem:$0x18100] =	vst v63  }
0x1c8: {  	s28 =	simm.s32 $0x8900  }
0x1c9: {  	[tilespmem:s28], [sflag:$0x1] =	stream.indirect_vreg.gather [hbm4b:s7+s24], $0x80, v3, vm0, $0xb8;
	[tilespmem:$0x18100] =	vst v63  }
0x1ca: {  	v3 =	vld [tilespmem:$0x30];
	_ =	sdelay $0x4  }
0x1cb: {  	v4 =	vshrl.u32 v3, $0x3  }
0x1cc: {  	v4 =	vmul.u32 $0x30, v4  }
0x1cd: {  	v3 =	vand.u32 $0x7, v3  }
0x1ce: {  	v3 =	vor.u32 v3, v4  }
0x1cf: {  	v4 =	vperm.xlane v3, v0;
	_ =	sdelay $0x1  }
0x1d0: {  	v4 =	vadd.s32 v1, v4;
	_ =	sdelay $0x3  }
0x1d1: {  	s25 =	simm.s32 $0x9100;
	v3 =	vperm.xlane v3, v2  }
0x1d2: {  	[tilespmem:s25], [sflag:$0x1] =	stream.indirect_vreg.gather [hbm4b:s3+s24], $0x80, v4, vm0, $0xb8;
	[tilespmem:$0x18100] =	vst v63  }
0x1d3: {  	s26 =	simm.s32 $0x9900;
	v3 =	vadd.s32 v1, v3  }
0x1d4: {  	[tilespmem:s26], [sflag:$0x1] =	stream.indirect_vreg.gather [hbm4b:s6+s24], $0x80, v4, vm0, $0xb8;
	[tilespmem:$0x18100] =	vst v63  }
0x1d5: {  	s28 =	simm.s32 $0xA100  }
0x1d6: {  	[tilespmem:s28], [sflag:$0x1] =	stream.indirect_vreg.gather [hbm4b:s7+s24], $0x80, v4, vm0, $0xb8;
	[tilespmem:$0x18100] =	vst v63  }
0x1d7: {  	s25 =	simm.s32 $0xA900  }
0x1d8: {  	[tilespmem:s25], [sflag:$0x1] =	stream.indirect_vreg.gather [hbm4b:s3+s24], $0x80, v3, vm0, $0xb8;
	[tilespmem:$0x18100] =	vst v63  }
0x1d9: {  	s26 =	simm.s32 $0xB100  }
0x1da: {  	[tilespmem:s26], [sflag:$0x1] =	stream.indirect_vreg.gather [hbm4b:s6+s24], $0x80, v3, vm0, $0xb8;
	[tilespmem:$0x18100] =	vst v63  }
0x1db: {  	s28 =	simm.s32 $0xB900  }
0x1dc: {  	[tilespmem:s28], [sflag:$0x1] =	stream.indirect_vreg.gather [hbm4b:s7+s24], $0x80, v3, vm0, $0xb8;
	[tilespmem:$0x18100] =	vst v63  }
0x1dd: {  	v3 =	vld [tilespmem:$0x80];
	_ =	sdelay $0x4  }
0x1de: {  	v4 =	vshrl.u32 v3, $0x3  }
0x1df: {  	v4 =	vmul.u32 $0x30, v4  }
0x1e0: {  	v3 =	vand.u32 $0x7, v3  }
0x1e1: {  	v3 =	vor.u32 v3, v4  }
0x1e2: {  	v4 =	vperm.xlane v3, v0;
	_ =	sdelay $0x1  }
0x1e3: {  	v4 =	vadd.s32 v1, v4;
	_ =	sdelay $0x3  }
0x1e4: {  	s25 =	simm.s32 $0xC100;
	v3 =	vperm.xlane v3, v2  }
0x1e5: {  	[tilespmem:s25], [sflag:$0x2] =	stream.indirect_vreg.gather [hbm4b:s3+s24], $0x80, v4, vm0, $0xb8;
	[tilespmem:$0x18100] =	vst v63  }
0x1e6: {  	s26 =	simm.s32 $0xC900;
	v3 =	vadd.s32 v1, v3  }
0x1e7: {  	[tilespmem:s26], [sflag:$0x2] =	stream.indirect_vreg.gather [hbm4b:s6+s24], $0x80, v4, vm0, $0xb8;
	[tilespmem:$0x18100] =	vst v63  }
0x1e8: {  	s28 =	simm.s32 $0xD100  }
0x1e9: {  	[tilespmem:s28], [sflag:$0x2] =	stream.indirect_vreg.gather [hbm4b:s7+s24], $0x80, v4, vm0, $0xb8;
	[tilespmem:$0x18100] =	vst v63  }
0x1ea: {  	s25 =	simm.s32 $0xD900  }
0x1eb: {  	[tilespmem:s25], [sflag:$0x2] =	stream.indirect_vreg.gather [hbm4b:s3+s24], $0x80, v3, vm0, $0xb8;
	[tilespmem:$0x18100] =	vst v63  }
0x1ec: {  	s26 =	simm.s32 $0xE100  }
0x1ed: {  	[tilespmem:s26], [sflag:$0x2] =	stream.indirect_vreg.gather [hbm4b:s6+s24], $0x80, v3, vm0, $0xb8;
	[tilespmem:$0x18100] =	vst v63  }
0x1ee: {  	s28 =	simm.s32 $0xE900  }
0x1ef: {  	[tilespmem:s28], [sflag:$0x2] =	stream.indirect_vreg.gather [hbm4b:s7+s24], $0x80, v3, vm0, $0xb8;
	[tilespmem:$0x18100] =	vst v63  }
0x1f0: {  	v3 =	vld [tilespmem:$0x90];
	_ =	sdelay $0x4  }
0x1f1: {  	v4 =	vshrl.u32 v3, $0x3  }
0x1f2: {  	v4 =	vmul.u32 $0x30, v4  }
0x1f3: {  	v3 =	vand.u32 $0x7, v3  }
0x1f4: {  	v3 =	vor.u32 v3, v4  }
0x1f5: {  	v4 =	vperm.xlane v3, v0;
	_ =	sdelay $0x1  }
0x1f6: {  	v4 =	vadd.s32 v1, v4;
	_ =	sdelay $0x3  }
0x1f7: {  	s25 =	simm.s32 $0xF100;
	v3 =	vperm.xlane v3, v2  }
0x1f8: {  	[tilespmem:s25], [sflag:$0x2] =	stream.indirect_vreg.gather [hbm4b:s3+s24], $0x80, v4, vm0, $0xb8;
	[tilespmem:$0x18100] =	vst v63  }
0x1f9: {  	v3 =	vadd.s32 v1, v3  }
0x1fa: {  	[tilespmem:s29], [sflag:$0x2] =	stream.indirect_vreg.gather [hbm4b:s6+s24], $0x80, v4, vm0, $0xb8;
	[tilespmem:$0x18100] =	vst v63  }
0x1fb: {  	_ = 	snop  }
0x1fc: {  	[tilespmem:s8], [sflag:$0x2] =	stream.indirect_vreg.gather [hbm4b:s7+s24], $0x80, v4, vm0, $0xb8;
	[tilespmem:$0x18100] =	vst v63  }
0x1fd: {  	_ = 	snop  }
0x1fe: {  	[tilespmem:s30], [sflag:$0x2] =	stream.indirect_vreg.gather [hbm4b:s3+s24], $0x80, v3, vm0, $0xb8;
	[tilespmem:$0x18100] =	vst v63  }
0x1ff: {  	_ = 	snop  }
0x200: {  	[tilespmem:s9], [sflag:$0x2] =	stream.indirect_vreg.gather [hbm4b:s6+s24], $0x80, v3, vm0, $0xb8;
	[tilespmem:$0x18100] =	vst v63  }
0x201: {  	_ = 	snop  }
0x202: {  	[tilespmem:s31], [sflag:$0x2] =	stream.indirect_vreg.gather [hbm4b:s7+s24], $0x80, v3, vm0, $0xb8;
	[tilespmem:$0x18100] =	vst v63  }
0x203: {  	v3 =	vld [tilespmem:$0xA0];
	_ =	sdelay $0x4  }
0x204: {  	v4 =	vshrl.u32 v3, $0x3  }
0x205: {  	v4 =	vmul.u32 $0x30, v4  }
0x206: {  	v3 =	vand.u32 $0x7, v3  }
0x207: {  	v3 =	vor.u32 v3, v4  }
0x208: {  	v4 =	vperm.xlane v3, v0;
	_ =	sdelay $0x1  }
0x209: {  	v4 =	vadd.s32 v1, v4;
	_ =	sdelay $0x3  }
0x20a: {  	v3 =	vperm.xlane v3, v2  }
0x20b: {  	[tilespmem:s10], [sflag:$0x2] =	stream.indirect_vreg.gather [hbm4b:s3+s24], $0x80, v4, vm0, $0xb8;
	[tilespmem:$0x18100] =	vst v63  }
0x20c: {  	v3 =	vadd.s32 v1, v3  }
0x20d: {  	[tilespmem:s0], [sflag:$0x2] =	stream.indirect_vreg.gather [hbm4b:s6+s24], $0x80, v4, vm0, $0xb8;
	[tilespmem:$0x18100] =	vst v63  }
0x20e: {  	_ = 	snop  }
0x20f: {  	[tilespmem:s11], [sflag:$0x2] =	stream.indirect_vreg.gather [hbm4b:s7+s24], $0x80, v4, vm0, $0xb8;
	[tilespmem:$0x18100] =	vst v63  }
0x210: {  	_ = 	snop  }
0x211: {  	[tilespmem:s2], [sflag:$0x2] =	stream.indirect_vreg.gather [hbm4b:s3+s24], $0x80, v3, vm0, $0xb8;
	[tilespmem:$0x18100] =	vst v63  }
0x212: {  	_ = 	snop  }
0x213: {  	[tilespmem:s12], [sflag:$0x2] =	stream.indirect_vreg.gather [hbm4b:s6+s24], $0x80, v3, vm0, $0xb8;
	[tilespmem:$0x18100] =	vst v63  }
0x214: {  	_ = 	snop  }
0x215: {  	[tilespmem:s13], [sflag:$0x2] =	stream.indirect_vreg.gather [hbm4b:s7+s24], $0x80, v3, vm0, $0xb8;
	[tilespmem:$0x18100] =	vst v63  }
0x216: {  	v3 =	vld [tilespmem:$0xB0];
	_ =	sdelay $0x4  }
0x217: {  	v4 =	vshrl.u32 v3, $0x3  }
0x218: {  	v4 =	vmul.u32 $0x30, v4  }
0x219: {  	v3 =	vand.u32 $0x7, v3  }
0x21a: {  	v3 =	vor.u32 v3, v4  }
0x21b: {  	v4 =	vperm.xlane v3, v0;
	_ =	sdelay $0x1  }
0x21c: {  	v4 =	vadd.s32 v1, v4;
	_ =	sdelay $0x3  }
0x21d: {  	v3 =	vperm.xlane v3, v2  }
0x21e: {  	[tilespmem:s17], [sflag:$0x2] =	stream.indirect_vreg.gather [hbm4b:s3+s24], $0x80, v4, vm0, $0xb8;
	[tilespmem:$0x18100] =	vst v63  }
0x21f: {  	v3 =	vadd.s32 v1, v3  }
0x220: {  	[tilespmem:s18], [sflag:$0x2] =	stream.indirect_vreg.gather [hbm4b:s6+s24], $0x80, v4, vm0, $0xb8;
	[tilespmem:$0x18100] =	vst v63  }
0x221: {  	_ = 	snop  }
0x222: {  	[tilespmem:s19], [sflag:$0x2] =	stream.indirect_vreg.gather [hbm4b:s7+s24], $0x80, v4, vm0, $0xb8;
	[tilespmem:$0x18100] =	vst v63  }
0x223: {  	_ = 	snop  }
0x224: {  	[tilespmem:s20], [sflag:$0x2] =	stream.indirect_vreg.gather [hbm4b:s3+s24], $0x80, v3, vm0, $0xb8;
	[tilespmem:$0x18100] =	vst v63  }
0x225: {  	_ = 	snop  }
0x226: {  	[tilespmem:s21], [sflag:$0x2] =	stream.indirect_vreg.gather [hbm4b:s6+s24], $0x80, v3, vm0, $0xb8;
	[tilespmem:$0x18100] =	vst v63  }
0x227: {  	_ = 	snop  }
0x228: {  	[tilespmem:s22], [sflag:$0x2] =	stream.indirect_vreg.gather [hbm4b:s7+s24], $0x80, v3, vm0, $0xb8;
	[tilespmem:$0x18100] =	vst v63  }
0x229: {  	_ =	swait.ge [sflag:s14], $0xC000  }
0x22a: {  	[sflag:s14] =	ssyncset.done $0x0  }
0x22b: {  	s26 =	simm.s32 $0x0;
	[sflag:s14] =	ssyncadd.s32 $0xFFFF4000  }
0x22c: {  	s5 =	smul.u32 $0x1800, s26;
	_ =	swait.ge [sflag:s15], $0xC000  }
0x22d: {  	s28 =	sand.u32 $0x380, s24;
	[sflag:s15] =	ssyncset.done $0x0  }
0x22e: {  	s5 =	sor.u32 s28, s5;
	[sflag:s15] =	ssyncadd.s32 $0xFFFF4000  }
0x22f: {  	v12 =	vld [tilespmem:s5+$0xC100]  }
0x230: {  	v13 =	vld [tilespmem:s5+$0xC110]  }
0x231: {  	v14 =	vld [tilespmem:s5+$0xC120]  }
0x232: {  	v15 =	vld [tilespmem:s5+$0xC130]  }
0x233: {  	v16 =	vld [tilespmem:s5+$0xC140]  }
0x234: {  	v17 =	vld [tilespmem:s5+$0xC150]  }
0x235: {  	v18 =	vld [tilespmem:s5+$0xC160]  }
0x236: {  	v19 =	vld [tilespmem:s5+$0xC170]  }
0x237: {  	v20 =	vld [tilespmem:s5+$0xC500]  }
0x238: {  	v21 =	vld [tilespmem:s5+$0xC510]  }
0x239: {  	v22 =	vld [tilespmem:s5+$0xC520]  }
0x23a: {  	v23 =	vld [tilespmem:s5+$0xC530]  }
0x23b: {  	v24 =	vld [tilespmem:s5+$0xC540]  }
0x23c: {  	v25 =	vld [tilespmem:s5+$0xC550]  }
0x23d: {  	v26 =	vld [tilespmem:s5+$0xC560]  }
0x23e: {  	v27 =	vld [tilespmem:s5+$0xC570]  }
0x23f: {  	v28 =	vld [tilespmem:s5+$0xC900]  }
0x240: {  	v29 =	vld [tilespmem:s5+$0xC910]  }
0x241: {  	v30 =	vld [tilespmem:s5+$0xC920]  }
0x242: {  	v31 =	vld [tilespmem:s5+$0xC930]  }
0x243: {  	v32 =	vld [tilespmem:s5+$0xC940]  }
0x244: {  	v33 =	vld [tilespmem:s5+$0xC950]  }
0x245: {  	v34 =	vld [tilespmem:s5+$0xC960]  }
0x246: {  	v35 =	vld [tilespmem:s5+$0xC970]  }
0x247: {  	v36 =	vld [tilespmem:s5+$0xCD00]  }
0x248: {  	v37 =	vld [tilespmem:s5+$0xCD10]  }
0x249: {  	v38 =	vld [tilespmem:s5+$0xCD20]  }
0x24a: {  	v39 =	vld [tilespmem:s5+$0xCD30]  }
0x24b: {  	v40 =	vld [tilespmem:s5+$0xCD40]  }
0x24c: {  	v41 =	vld [tilespmem:s5+$0xCD50]  }
0x24d: {  	v42 =	vld [tilespmem:s5+$0xCD60]  }
0x24e: {  	v43 =	vld [tilespmem:s5+$0xCD70]  }
0x24f: {  	v44 =	vld [tilespmem:s5+$0xD100]  }
0x250: {  	v45 =	vld [tilespmem:s5+$0xD110]  }
0x251: {  	v46 =	vld [tilespmem:s5+$0xD120]  }
0x252: {  	v47 =	vld [tilespmem:s5+$0xD130]  }
0x253: {  	v48 =	vld [tilespmem:s5+$0xD140]  }
0x254: {  	v49 =	vld [tilespmem:s5+$0xD150]  }
0x255: {  	v50 =	vld [tilespmem:s5+$0xD160]  }
0x256: {  	v11 =	vld [tilespmem:s5+$0xD170]  }
0x257: {  	v10 =	vld [tilespmem:s5+$0xD500]  }
0x258: {  	v9 =	vld [tilespmem:s5+$0xD510]  }
0x259: {  	v8 =	vld [tilespmem:s5+$0xD520]  }
0x25a: {  	v7 =	vld [tilespmem:s5+$0xD530]  }
0x25b: {  	v6 =	vld [tilespmem:s5+$0xD540]  }
0x25c: {  	v51 =	vld [tilespmem:s5+$0x100]  }
0x25d: {  	v52 =	vld [tilespmem:s5+$0x110]  }
0x25e: {  	v53 =	vld [tilespmem:s5+$0x120]  }
0x25f: {  	v54 =	vld [tilespmem:s5+$0x130]  }
0x260: {  	v55 =	vld [tilespmem:s5+$0x140]  }
0x261: {  	v62 =	vld [tilespmem:s5+$0x150];
	v12 =	vadd.f32 v12, v51  }
0x262: {  	v63 =	vld [tilespmem:s5+$0x160];
	v13 =	vadd.f32 v13, v52  }
0x263: {  	[tilespmem:s5+$0x100] =	vst v12;
	v12 =	vadd.f32 v14, v53;
	v14 =	vld [tilespmem:s5+$0x170]  }
0x264: {  	[tilespmem:s5+$0x110] =	vst v13;
	v13 =	vadd.f32 v15, v54;
	v15 =	vld [tilespmem:s5+$0x500]  }
0x265: {  	[tilespmem:s5+$0x120] =	vst v12;
	v12 =	vadd.f32 v16, v55;
	v16 =	vld [tilespmem:s5+$0x510]  }
0x266: {  	[tilespmem:s5+$0x130] =	vst v13;
	v13 =	vadd.f32 v17, v62;
	v17 =	vld [tilespmem:s5+$0x520]  }
0x267: {  	v5 =	vld [tilespmem:s5+$0xD550]  }
0x268: {  	[tilespmem:s5+$0x140] =	vst v12;
	v12 =	vadd.f32 v18, v63;
	v18 =	vld [tilespmem:s5+$0x570]  }
0x269: {  	[tilespmem:s5+$0x150] =	vst v13;
	v13 =	vadd.f32 v19, v14;
	v14 =	vld [tilespmem:s5+$0x530]  }
0x26a: {  	[tilespmem:s5+$0x160] =	vst v12;
	v12 =	vadd.f32 v20, v15;
	v15 =	vld [tilespmem:s5+$0x540]  }
0x26b: {  	[tilespmem:s5+$0x170] =	vst v13;
	v13 =	vadd.f32 v21, v16;
	v16 =	vadd.f32 v22, v17;
	v17 =	vld [tilespmem:s5+$0x560]  }
0x26c: {  	[tilespmem:s5+$0x500] =	vst v12;
	v12 =	vld [tilespmem:s5+$0x550]  }
0x26d: {  	[tilespmem:s5+$0x510] =	vst v13;
	v13 =	vld [tilespmem:s5+$0x900];
	v18 =	vadd.f32 v27, v18  }
0x26e: {  	[tilespmem:s5+$0x520] =	vst v16;
	v16 =	vld [tilespmem:s5+$0x910];
	v14 =	vadd.f32 v23, v14  }
0x26f: {  	v4 =	vld [tilespmem:s5+$0xD560];
	v15 =	vadd.f32 v24, v15;
	[tilespmem:s5+$0x570] =	vst v18  }
0x270: {  	[tilespmem:s5+$0x530] =	vst v14;
	v14 =	vld [tilespmem:s5+$0x920];
	v17 =	vadd.f32 v26, v17  }
0x271: {  	v12 =	vadd.f32 v25, v12;
	[tilespmem:s5+$0x540] =	vst v15;
	v15 =	vld [tilespmem:s5+$0x930]  }
0x272: {  	v18 =	vld [tilespmem:s5+$0x970];
	[tilespmem:s5+$0x560] =	vst v17;
	v13 =	vadd.f32 v28, v13  }
0x273: {  	v16 =	vadd.f32 v29, v16;
	[tilespmem:s5+$0x550] =	vst v12;
	v12 =	vld [tilespmem:s5+$0x940]  }
0x274: {  	v17 =	vld [tilespmem:s5+$0x950];
	[tilespmem:s5+$0x900] =	vst v13  }
0x275: {  	[tilespmem:s5+$0x910] =	vst v16;
	v16 =	vld [tilespmem:s5+$0x960];
	v13 =	vadd.f32 v30, v14  }
0x276: {  	v14 =	vld [tilespmem:s5+$0xD00];
	v15 =	vadd.f32 v31, v15  }
0x277: {  	[tilespmem:s5+$0x920] =	vst v13;
	v13 =	vld [tilespmem:s5+$0xD10]  }
0x278: {  	v12 =	vadd.f32 v32, v12;
	[tilespmem:s5+$0x930] =	vst v15;
	v15 =	vld [tilespmem:s5+$0xD20]  }
0x279: {  	v3 =	vld [tilespmem:s5+$0xD570];
	v17 =	vadd.f32 v33, v17  }
0x27a: {  	v16 =	vadd.f32 v34, v16;
	[tilespmem:s5+$0x940] =	vst v12;
	v12 =	vld [tilespmem:s5+$0xD30]  }
0x27b: {  	[tilespmem:s5+$0x950] =	vst v17;
	v17 =	vld [tilespmem:s5+$0xD40];
	v14 =	vadd.f32 v36, v14  }
0x27c: {  	v18 =	vadd.f32 v35, v18;
	[tilespmem:s5+$0x960] =	vst v16;
	v16 =	vld [tilespmem:s5+$0xD50]  }
0x27d: {  	v13 =	vadd.f32 v37, v13;
	[tilespmem:s5+$0xD00] =	vst v14;
	v14 =	vadd.f32 v38, v15;
	v15 =	vld [tilespmem:s5+$0xD60]  }
0x27e: {  	[tilespmem:s5+$0x970] =	vst v18;
	v18 =	vld [tilespmem:s5+$0xD70]  }
0x27f: {  	[tilespmem:s5+$0xD10] =	vst v13;
	v13 =	vld [tilespmem:s5+$0x1100];
	v12 =	vadd.f32 v39, v12  }
0x280: {  	v17 =	vadd.f32 v40, v17;
	[tilespmem:s5+$0xD20] =	vst v14;
	v14 =	vld [tilespmem:s5+$0x1110]  }
0x281: {  	v16 =	vadd.f32 v41, v16;
	[tilespmem:s5+$0xD30] =	vst v12;
	v12 =	vld [tilespmem:s5+$0x1120]  }
0x282: {  	[tilespmem:s5+$0xD40] =	vst v17;
	v17 =	vld [tilespmem:s5+$0x1130];
	v15 =	vadd.f32 v42, v15  }
0x283: {  	v19 =	vld [tilespmem:s5+$0x1140];
	[tilespmem:s5+$0xD50] =	vst v16;
	v16 =	vadd.f32 v43, v18  }
0x284: {  	v18 =	vld [tilespmem:s5+$0x1150];
	v13 =	vadd.f32 v44, v13;
	[tilespmem:s5+$0xD60] =	vst v15  }
0x285: {  	v20 =	vld [tilespmem:s5+$0x1160];
	[tilespmem:s5+$0xD70] =	vst v16;
	v14 =	vadd.f32 v45, v14  }
0x286: {  	v16 =	vld [tilespmem:s5+$0x1170];
	[tilespmem:s5+$0x1100] =	vst v13;
	v12 =	vadd.f32 v46, v12  }
0x287: {  	v15 =	vld [tilespmem:s5+$0x1500];
	v13 =	vadd.f32 v47, v17;
	[tilespmem:s5+$0x1110] =	vst v14  }
0x288: {  	v14 =	vld [tilespmem:s5+$0x1510];
	[tilespmem:s5+$0x1120] =	vst v12;
	v12 =	vadd.f32 v48, v19  }
0x289: {  	[tilespmem:s5+$0x1130] =	vst v13;
	v13 =	vld [tilespmem:s5+$0x1520];
	v18 =	vadd.f32 v49, v18  }
0x28a: {  	s25 =	simm.s32 $0x1;
	v17 =	vadd.f32 v50, v20;
	[tilespmem:s5+$0x1140] =	vst v12;
	v12 =	vld [tilespmem:s5+$0x1530]  }
.LBB2_4:
0x28b: {  	s26 =	sshrl.u32 s25, $0x3;
	p0 =	sne.s32 s25, $0x3F;
	[tilespmem:s5+$0x1150] =	vst v18;
	v11 =	vadd.f32 v11, v16;
	v16 =	vld [tilespmem:s5+$0x1540]  }
0x28c: {  	s24 =	sadd.s32 $0x80, s24;
	s26 =	smul.u32 $0x1800, s26;
	[tilespmem:s5+$0x1160] =	vst v17;
	v10 =	vadd.f32 v10, v15;
	v15 =	vld [tilespmem:s5+$0x1550]  }
0x28d: {  	s28 =	sand.u32 $0x380, s24;
	[tilespmem:s5+$0x1170] =	vst v11;
	v9 =	vadd.f32 v9, v14;
	v11 =	vld [tilespmem:s5+$0x1560]  }
0x28e: {  	s26 =	sor.u32 s28, s26;
	[tilespmem:s5+$0x1500] =	vst v10;
	v8 =	vadd.f32 v8, v13;
	v10 =	vld [tilespmem:s5+$0x1570]  }
0x28f: {  	v39 =	vld [tilespmem:s26+$0xC100];
	[tilespmem:s5+$0x1510] =	vst v9;
	v7 =	vadd.f32 v7, v12  }
0x290: {  	v40 =	vld [tilespmem:s26+$0xC110];
	[tilespmem:s5+$0x1520] =	vst v8;
	v6 =	vadd.f32 v6, v16  }
0x291: {  	v41 =	vld [tilespmem:s26+$0xC120];
	[tilespmem:s5+$0x1530] =	vst v7;
	v5 =	vadd.f32 v5, v15  }
0x292: {  	v42 =	vld [tilespmem:s26+$0xC130];
	[tilespmem:s5+$0x1540] =	vst v6;
	v4 =	vadd.f32 v4, v11  }
0x293: {  	v43 =	vld [tilespmem:s26+$0xC140];
	[tilespmem:s5+$0x1550] =	vst v5;
	v3 =	vadd.f32 v3, v10  }
0x294: {  	v44 =	vld [tilespmem:s26+$0xC150];
	[tilespmem:s5+$0x1560] =	vst v4  }
0x295: {  	v45 =	vld [tilespmem:s26+$0xC160];
	[tilespmem:s5+$0x1570] =	vst v3;
	s5 =	smov.u32 s26  }
0x296: {  	v46 =	vld [tilespmem:s5+$0xC170]  }
0x297: {  	v47 =	vld [tilespmem:s5+$0xC500]  }
0x298: {  	v48 =	vld [tilespmem:s5+$0xC510]  }
0x299: {  	v49 =	vld [tilespmem:s5+$0xC520]  }
0x29a: {  	v50 =	vld [tilespmem:s5+$0xC530]  }
0x29b: {  	v38 =	vld [tilespmem:s5+$0xC540]  }
0x29c: {  	v37 =	vld [tilespmem:s5+$0xC550]  }
0x29d: {  	v36 =	vld [tilespmem:s5+$0xC560]  }
0x29e: {  	v35 =	vld [tilespmem:s5+$0xC570]  }
0x29f: {  	v34 =	vld [tilespmem:s5+$0xC900]  }
0x2a0: {  	v33 =	vld [tilespmem:s5+$0xC910]  }
0x2a1: {  	v32 =	vld [tilespmem:s5+$0xC920]  }
0x2a2: {  	v31 =	vld [tilespmem:s5+$0xC930]  }
0x2a3: {  	v30 =	vld [tilespmem:s5+$0xC940]  }
0x2a4: {  	v29 =	vld [tilespmem:s5+$0xC950]  }
0x2a5: {  	v28 =	vld [tilespmem:s5+$0xC960]  }
0x2a6: {  	v27 =	vld [tilespmem:s5+$0xC970]  }
0x2a7: {  	v26 =	vld [tilespmem:s5+$0xCD00]  }
0x2a8: {  	v25 =	vld [tilespmem:s5+$0xCD10]  }
0x2a9: {  	v24 =	vld [tilespmem:s5+$0xCD20]  }
0x2aa: {  	v23 =	vld [tilespmem:s5+$0xCD30]  }
0x2ab: {  	v22 =	vld [tilespmem:s5+$0xCD40]  }
0x2ac: {  	v21 =	vld [tilespmem:s5+$0xCD50]  }
0x2ad: {  	v20 =	vld [tilespmem:s5+$0xCD60]  }
0x2ae: {  	v19 =	vld [tilespmem:s5+$0xCD70]  }
0x2af: {  	v18 =	vld [tilespmem:s5+$0xD100]  }
0x2b0: {  	v17 =	vld [tilespmem:s5+$0xD110]  }
0x2b1: {  	v16 =	vld [tilespmem:s5+$0xD120]  }
0x2b2: {  	v15 =	vld [tilespmem:s5+$0xD130]  }
0x2b3: {  	v14 =	vld [tilespmem:s5+$0xD140]  }
0x2b4: {  	v13 =	vld [tilespmem:s5+$0xD150]  }
0x2b5: {  	v12 =	vld [tilespmem:s5+$0xD160]  }
0x2b6: {  	v11 =	vld [tilespmem:s5+$0xD170]  }
0x2b7: {  	v10 =	vld [tilespmem:s5+$0xD500]  }
0x2b8: {  	v9 =	vld [tilespmem:s5+$0xD510]  }
0x2b9: {  	v8 =	vld [tilespmem:s5+$0xD520]  }
0x2ba: {  	v7 =	vld [tilespmem:s5+$0xD530]  }
0x2bb: {  	v6 =	vld [tilespmem:s5+$0xD540]  }
0x2bc: {  	v5 =	vld [tilespmem:s5+$0xD550]  }
0x2bd: {  	v4 =	vld [tilespmem:s5+$0xD560]  }
0x2be: {  	v3 =	vld [tilespmem:s5+$0xD570]  }
0x2bf: {  	v51 =	vld [tilespmem:s5+$0x100]  }
0x2c0: {  	v52 =	vld [tilespmem:s5+$0x110]  }
0x2c1: {  	v53 =	vld [tilespmem:s5+$0x120]  }
0x2c2: {  	v54 =	vld [tilespmem:s5+$0x130]  }
0x2c3: {  	v55 =	vld [tilespmem:s5+$0x140]  }
0x2c4: {  	v39 =	vadd.f32 v39, v51;
	v51 =	vld [tilespmem:s5+$0x150]  }
0x2c5: {  	v40 =	vadd.f32 v40, v52;
	v52 =	vld [tilespmem:s5+$0x160]  }
0x2c6: {  	[tilespmem:s5+$0x100] =	vst v39;
	v39 =	vadd.f32 v41, v53;
	v41 =	vld [tilespmem:s5+$0x170]  }
0x2c7: {  	[tilespmem:s5+$0x110] =	vst v40;
	v40 =	vadd.f32 v42, v54;
	v42 =	vld [tilespmem:s5+$0x500]  }
0x2c8: {  	[tilespmem:s5+$0x120] =	vst v39;
	v39 =	vadd.f32 v43, v55;
	v43 =	vld [tilespmem:s5+$0x510]  }
0x2c9: {  	[tilespmem:s5+$0x130] =	vst v40;
	v40 =	vadd.f32 v44, v51;
	v44 =	vld [tilespmem:s5+$0x520]  }
0x2ca: {  	[tilespmem:s5+$0x140] =	vst v39;
	v39 =	vadd.f32 v45, v52;
	v45 =	vld [tilespmem:s5+$0x530]  }
0x2cb: {  	[tilespmem:s5+$0x150] =	vst v40;
	v40 =	vadd.f32 v46, v41;
	v41 =	vld [tilespmem:s5+$0x540]  }
0x2cc: {  	[tilespmem:s5+$0x160] =	vst v39;
	v39 =	vadd.f32 v47, v42;
	v42 =	vld [tilespmem:s5+$0x550]  }
0x2cd: {  	[tilespmem:s5+$0x170] =	vst v40;
	v40 =	vadd.f32 v48, v43;
	v43 =	vld [tilespmem:s5+$0x560]  }
0x2ce: {  	[tilespmem:s5+$0x500] =	vst v39;
	v39 =	vadd.f32 v49, v44;
	v44 =	vld [tilespmem:s5+$0x570]  }
0x2cf: {  	[tilespmem:s5+$0x510] =	vst v40;
	v40 =	vadd.f32 v50, v45;
	v45 =	vld [tilespmem:s5+$0x900]  }
0x2d0: {  	[tilespmem:s5+$0x520] =	vst v39;
	v38 =	vadd.f32 v38, v41;
	v39 =	vld [tilespmem:s5+$0x910]  }
0x2d1: {  	[tilespmem:s5+$0x530] =	vst v40;
	v37 =	vadd.f32 v37, v42;
	v40 =	vld [tilespmem:s5+$0x920]  }
0x2d2: {  	[tilespmem:s5+$0x540] =	vst v38;
	v36 =	vadd.f32 v36, v43;
	v38 =	vld [tilespmem:s5+$0x930]  }
0x2d3: {  	[tilespmem:s5+$0x550] =	vst v37;
	v35 =	vadd.f32 v35, v44;
	v37 =	vld [tilespmem:s5+$0x940]  }
0x2d4: {  	[tilespmem:s5+$0x560] =	vst v36;
	v34 =	vadd.f32 v34, v45;
	v36 =	vld [tilespmem:s5+$0x950]  }
0x2d5: {  	[tilespmem:s5+$0x570] =	vst v35;
	v33 =	vadd.f32 v33, v39;
	v35 =	vld [tilespmem:s5+$0x960]  }
0x2d6: {  	[tilespmem:s5+$0x900] =	vst v34;
	v32 =	vadd.f32 v32, v40;
	v34 =	vld [tilespmem:s5+$0x970]  }
0x2d7: {  	[tilespmem:s5+$0x910] =	vst v33;
	v31 =	vadd.f32 v31, v38;
	v33 =	vld [tilespmem:s5+$0xD00]  }
0x2d8: {  	[tilespmem:s5+$0x920] =	vst v32;
	v30 =	vadd.f32 v30, v37;
	v32 =	vld [tilespmem:s5+$0xD10]  }
0x2d9: {  	[tilespmem:s5+$0x930] =	vst v31;
	v29 =	vadd.f32 v29, v36;
	v31 =	vld [tilespmem:s5+$0xD20]  }
0x2da: {  	[tilespmem:s5+$0x940] =	vst v30;
	v28 =	vadd.f32 v28, v35;
	v30 =	vld [tilespmem:s5+$0xD30]  }
0x2db: {  	[tilespmem:s5+$0x950] =	vst v29;
	v27 =	vadd.f32 v27, v34;
	v29 =	vld [tilespmem:s5+$0xD40]  }
0x2dc: {  	[tilespmem:s5+$0x960] =	vst v28;
	v26 =	vadd.f32 v26, v33;
	v28 =	vld [tilespmem:s5+$0xD50]  }
0x2dd: {  	[tilespmem:s5+$0x970] =	vst v27;
	v25 =	vadd.f32 v25, v32;
	v27 =	vld [tilespmem:s5+$0xD60]  }
0x2de: {  	[tilespmem:s5+$0xD00] =	vst v26;
	v24 =	vadd.f32 v24, v31;
	v26 =	vld [tilespmem:s5+$0xD70]  }
0x2df: {  	[tilespmem:s5+$0xD10] =	vst v25;
	v23 =	vadd.f32 v23, v30;
	v25 =	vld [tilespmem:s5+$0x1100]  }
0x2e0: {  	[tilespmem:s5+$0xD20] =	vst v24;
	v22 =	vadd.f32 v22, v29;
	v24 =	vld [tilespmem:s5+$0x1110]  }
0x2e1: {  	[tilespmem:s5+$0xD30] =	vst v23;
	v21 =	vadd.f32 v21, v28;
	v23 =	vld [tilespmem:s5+$0x1120]  }
0x2e2: {  	[tilespmem:s5+$0xD40] =	vst v22;
	v20 =	vadd.f32 v20, v27;
	v22 =	vld [tilespmem:s5+$0x1130]  }
0x2e3: {  	[tilespmem:s5+$0xD50] =	vst v21;
	v19 =	vadd.f32 v19, v26;
	v21 =	vld [tilespmem:s5+$0x1140]  }
0x2e4: {  	[tilespmem:s5+$0xD60] =	vst v20;
	v18 =	vadd.f32 v18, v25;
	v20 =	vld [tilespmem:s5+$0x1150]  }
0x2e5: {  	[tilespmem:s5+$0xD70] =	vst v19;
	v17 =	vadd.f32 v17, v24;
	v19 =	vld [tilespmem:s5+$0x1160]  }
.Ltmp1:
0x2e6: {  	[tilespmem:s5+$0x1100] =	vst v18;
	v18 =	vadd.f32 v16, v23;
	v16 =	vld [tilespmem:s5+$0x1170];
	(pc) =	sbr.rel @p0 .LBB2_4-.Ltmp1, $4  }
0x2e7: {  	[tilespmem:s5+$0x1110] =	vst v17;
	v17 =	vadd.f32 v15, v22;
	v15 =	vld [tilespmem:s5+$0x1500]  }
0x2e8: {  	[tilespmem:s5+$0x1120] =	vst v18;
	v21 =	vadd.f32 v14, v21;
	v14 =	vld [tilespmem:s5+$0x1510]  }
0x2e9: {  	[tilespmem:s5+$0x1130] =	vst v17;
	v18 =	vadd.f32 v13, v20;
	v13 =	vld [tilespmem:s5+$0x1520]  }
0x2ea: {  	s25 =	sadd.s32 $0x1, s25;
	[tilespmem:s5+$0x1140] =	vst v21;
	v17 =	vadd.f32 v12, v19;
	v12 =	vld [tilespmem:s5+$0x1530]  }
0x2eb: {  	[tilespmem:s5+$0x1150] =	vst v18;
	v60 =	vld [tilespmem:s5+$0x1540];
	v11 =	vadd.f32 v11, v16  }
0x2ec: {  	v61 =	vld [tilespmem:s5+$0x1550];
	[tilespmem:s5+$0x1160] =	vst v17;
	v10 =	vadd.f32 v10, v15  }
0x2ed: {  	v62 =	vld [tilespmem:s5+$0x1560];
	[tilespmem:s5+$0x1170] =	vst v11;
	v9 =	vadd.f32 v9, v14  }
0x2ee: {  	v63 =	vld [tilespmem:s5+$0x1570];
	[tilespmem:s5+$0x1500] =	vst v10;
	v8 =	vadd.f32 v8, v13  }
0x2ef: {  	[tilespmem:s5+$0x1510] =	vst v9;
	v7 =	vadd.f32 v7, v12  }
0x2f0: {  	[tilespmem:s5+$0x1520] =	vst v8;
	v6 =	vadd.f32 v6, v60  }
0x2f1: {  	v5 =	vadd.f32 v5, v61;
	[tilespmem:s5+$0x1530] =	vst v7  }
0x2f2: {  	v4 =	vadd.f32 v4, v62;
	[tilespmem:s5+$0x1540] =	vst v6  }
0x2f3: {  	v3 =	vadd.f32 v3, v63;
	[tilespmem:s5+$0x1550] =	vst v5  }
0x2f4: {  	[tilespmem:s5+$0x1560] =	vst v4  }
0x2f5: {  	s26 =	rddreg [dreg:$0x8];
	[tilespmem:s5+$0x1570] =	vst v3  }
0x2f6: {  	[hbm4b:s26+s1] =	stream.linear.scatter [tilespmem:s16], [sflag:$0x3], $0xC000, $0x38;
	[tilespmem:$0x18100] =	vst v63  }
0x2f7: {  	_ =	swait.ge [sflag:s23], $0xC000  }
0x2f8: {  	s4 =	sadd.s32 $0x1, s4;
	s28 =	rddreg [dreg:$0x9]  }
0x2f9: {  	p0 =	sne.s32 s4, s28  }
.Ltmp2:
0x2fa: {  	_ = 	snop;
	(pc) =	sbr.rel @p0 .LBB2_1-.Ltmp2, $3  }
0x2fb: {  	_ =	sdelay $0x1  }
0x2fc: {  	[sflag:s23] =	ssyncset.done $0x0  }
0x2fd: {  	[sflag:s23] =	ssyncadd.s32 $0xFFFF4000  }
0x2fe: {  	_ =	sfence.sel $0x180000  }
0x2ff: {  	[bflag:$0x0] =	sbarrier.arrive $0xFFFF  }
0x300: {  	_ =	strace $0x9000004A  }
0x301: {  	s0 =	stileid.u32;
	[bflag:$0x2] =	sbarrier.arrive $0xFFFF  }
0x302: {  	p0 =	sne.s32 s0, $0x0;
	s0 =	rddreg [dreg:$0x2]  }
0x303: {  	s0 =	sadd.s32 @!p0 $0x100000, s0  }
0x304: {  	[sflag:s0] =	ssyncadd.tile.s32 @!p0 $0x1;
	_ =	shalt  }
.Lfunc_end2:
_tile_overlayer_lowered:
.L_overlay_start_2:
0x305: {  	(tag) =	ssettag $0x2  }
0x306: {  	s0 =	rddreg [dreg:$0x0];
	s2 =	stileid.u32  }
0x307: {  	s1 =	rddreg [dreg:$0x1];
	p0 =	sne.s32 s2, $0x0  }
0x308: {  	s3 =	rddreg [dreg:$0x2];
	[bflag:$0x3] =	sbarrier.arrive $0xFFFF;
	s2 =	simm.s32 @!p0 $0x1C03  }
0x309: {  	[timem:s3], [sflag:s2] =	dma.local @!p0 [hbm:s0], s1  }
0x30a: {  	s0 =	simm.s32 @!p0 $0x3  }
0x30b: {  	_ =	swait.ge @!p0 [sflag:s0], s1  }
0x30c: {  	s1 =	ssub.s32 @!p0 $0x0, s1;
	[sflag:s0] =	ssyncset.done @!p0 $0x0  }
0x30d: {  	[sflag:s0] =	ssyncadd.s32 @!p0 s1  }
0x30e: {  	[bflag:$0x3] =	sbarrier.arrive $0xFFFF  }
0x30f: {  	_ =	shalt  }

</sc_bundles>
